<compile_context>
chip_gen: v7x
topology: tpu7x:2x2x1
jax: 0.10.2.dev20260603
libtpu: 0.0.44.dev20260713+nightly
codegen_flags: <defaults>
</compile_context>

<pallas_src>
import jax
import jax.numpy as jnp
from jax import lax
from jax.experimental import pallas as pl
from jax.experimental.pallas import tpu as pltpu
from jax.experimental.pallas import tpu_sc as plsc

N = 10000
H = 128
E = 320000
NC = 2
NS = 16
NW = NC * NS
EPT = E // NW
CH = 80
NFULL = EPT // CH
RPT = 632
RPT_LAST = N - (NS - 1) * RPT
DW = 16

_mesh = plsc.VectorSubcoreMesh(core_axis_name="c", subcore_axis_name="s")


def _each_row_chunk(sid, fn):
    @pl.when(sid < NS - 1)
    def _():
        fn(sid * RPT, RPT)

    @pl.when(sid == NS - 1)
    def _():
        fn((NS - 1) * RPT, RPT_LAST)


def _agg_body(x_hbm, srcc_hbm, dstm_hbm, zero_hbm, out_hbm, accum, didx,
              sx0, sx1, sx2, rb0, rb1, rb2,
              sg0, sg1, sg2, ss0, ss1, ss2, si0, si1, si2):
    rb = (rb0, rb1, rb2)
    sx = (sx0, sx1, sx2)
    semg = (sg0, sg1, sg2)
    sems = (ss0, ss1, ss2)
    semi = (si0, si1, si2)
    cid = lax.axis_index("c")
    sid = lax.axis_index("s")
    wid = cid * NS + sid

    def gwait(s):
        pltpu.make_async_copy(x_hbm.at[sx[s].at[0]], rb[s], semg[s]).wait()

    def swait(s, k):
        pltpu.make_async_copy(rb[s], accum.at[didx.at[k]], sems[s]).wait()

    def iwait(s):
        pltpu.make_async_copy(srcc_hbm.at[0, wid], sx[s], semi[s]).wait()

    def emit(k, s, do_swait=True, do_is=True, do_tail=True):
        s2 = (s + 2) % 3
        gwait(s)
        pltpu.async_copy(rb[s], accum.at[didx.at[k]], sems[s], add=True)
        if do_is:
            pltpu.async_copy(srcc_hbm.at[k + 3, wid], sx[s], semi[s])
        if do_tail:
            iwait(s2)
            if do_swait:
                swait(s2, k - 1)
            pltpu.async_copy(x_hbm.at[sx[s2].at[0]], rb[s2], semg[s2])

    pltpu.async_copy(srcc_hbm.at[0, wid], sx0, si0)
    pltpu.async_copy(srcc_hbm.at[1, wid], sx1, si1)
    pltpu.async_copy(srcc_hbm.at[2, wid], sx2, si2)
    pltpu.sync_copy(dstm_hbm.at[wid], didx)
    iwait(0)
    pltpu.async_copy(x_hbm.at[sx0.at[0]], rb0, sg0)
    iwait(1)
    pltpu.async_copy(x_hbm.at[sx1.at[0]], rb1, sg1)
    _each_row_chunk(sid, lambda s, n: pltpu.sync_copy(
        zero_hbm.at[pl.ds(s, n)], accum.at[pl.ds(s, n)]))
    plsc.subcore_barrier()

    emit(0, 0, do_swait=False)

    @pl.loop(0, (NFULL - 5) // 3)
    def _(j):
        k = 3 * j + 1
        emit(k, 1)
        emit(k + 1, 2)
        emit(k + 2, 0)

    emit(NFULL - 4, 1)
    emit(NFULL - 3, 2, do_is=False)
    emit(NFULL - 2, 0, do_is=False, do_tail=False)
    emit(NFULL - 1, 1, do_is=False, do_tail=False)
    swait(2, NFULL - 3)
    swait(0, NFULL - 2)
    swait(1, NFULL - 1)

    plsc.subcore_barrier()
    _each_row_chunk(sid, lambda s, n: pltpu.sync_copy(
        accum.at[pl.ds(s, n)], out_hbm.at[cid, pl.ds(s, n)]))


def _sc_aggregate(x, srcc, dstm, zeros_nh):
    kern = pl.kernel(
        _agg_body,
        out_type=jax.ShapeDtypeStruct((NC, N, H), jnp.float32),
        mesh=_mesh,
        scratch_types=[
            pltpu.VMEM_SHARED((N, H), jnp.float32),
            pltpu.VMEM((NFULL, CH), jnp.int32),
            pltpu.VMEM((1, CH), jnp.int32),
            pltpu.VMEM((1, CH), jnp.int32),
            pltpu.VMEM((1, CH), jnp.int32),
            pltpu.VMEM((CH, H), jnp.float32),
            pltpu.VMEM((CH, H), jnp.float32),
            pltpu.VMEM((CH, H), jnp.float32),
        ] + [pltpu.SemaphoreType.DMA] * 9,
    )
    return kern(x, srcc, dstm, zeros_nh)


def _deg_body(dstm_hbm, ones_hbm, zero_hbm, out_hbm, accum, didx, ones_v,
              sa0, sa1):
    sems = (sa0, sa1)
    cid = lax.axis_index("c")
    sid = lax.axis_index("s")
    wid = cid * NS + sid
    _each_row_chunk(sid, lambda s, n: pltpu.sync_copy(
        zero_hbm.at[pl.ds(s, n)], accum.at[pl.ds(s, n)]))
    pltpu.sync_copy(dstm_hbm.at[wid], didx)
    pltpu.sync_copy(ones_hbm, ones_v)
    plsc.subcore_barrier()

    def swait(s, k):
        pltpu.make_async_copy(ones_v, accum.at[didx.at[k]], sems[s]).wait()

    def issue(s, k):
        pltpu.async_copy(ones_v, accum.at[didx.at[k]], sems[s], add=True)

    issue(0, 0)
    issue(1, 1)

    @pl.loop(0, (NFULL - 3) // 2)
    def _(j):
        k = 2 * j + 2
        swait(0, k - 2)
        issue(0, k)
        swait(1, k - 1)
        issue(1, k + 1)

    swait(0, NFULL - 3)
    issue(0, NFULL - 1)
    swait(1, NFULL - 2)
    swait(0, NFULL - 1)

    plsc.subcore_barrier()
    _each_row_chunk(sid, lambda s, n: pltpu.sync_copy(
        accum.at[pl.ds(s, n)], out_hbm.at[cid, pl.ds(s, n)]))


def _sc_degree(dstm, ones_ch, zeros_nh):
    kern = pl.kernel(
        _deg_body,
        out_type=jax.ShapeDtypeStruct((NC, N, H), jnp.float32),
        mesh=_mesh,
        scratch_types=[
            pltpu.VMEM_SHARED((N, H), jnp.float32),
            pltpu.VMEM((NFULL, CH), jnp.int32),
            pltpu.VMEM((CH, H), jnp.float32),
            pltpu.SemaphoreType.DMA,
            pltpu.SemaphoreType.DMA,
        ],
    )
    return kern(dstm, ones_ch, zeros_nh)


BR = 1000


def _tc_layer_body(p_ref, c_ref, w_ref, b_ref, o_ref):
    cnt = c_ref[0, :, 0:1] + c_ref[1, :, 0:1]
    deg = jnp.maximum(cnt, 1.0)
    mask = (cnt > 0.0).astype(jnp.float32)
    m = (p_ref[0] + p_ref[1]) / deg
    h = jnp.dot(m, w_ref[...], preferred_element_type=jnp.float32)
    o_ref[...] = jnp.maximum(h + mask * b_ref[...], 0.0)


def _tc_layer(g, cnt, W, b):
    return pl.pallas_call(
        _tc_layer_body,
        out_shape=jax.ShapeDtypeStruct((N, H), jnp.float32),
        grid=(N // BR,),
        in_specs=[
            pl.BlockSpec((NC, BR, H), lambda i: (0, i, 0)),
            pl.BlockSpec((NC, BR, DW), lambda i: (0, i, 0)),
            pl.BlockSpec((H, H), lambda i: (0, 0)),
            pl.BlockSpec((1, H), lambda i: (0, 0)),
        ],
        out_specs=pl.BlockSpec((BR, H), lambda i: (i, 0)),
    )(g, cnt, W, b.reshape(1, H))


def _tc_layer_proj_body(p_ref, c_ref, w_ref, b_ref, wp_ref, bp_ref, o_ref):
    cnt = c_ref[0, :, 0:1] + c_ref[1, :, 0:1]
    deg = jnp.maximum(cnt, 1.0)
    mask = (cnt > 0.0).astype(jnp.float32)
    m = (p_ref[0] + p_ref[1]) / deg
    h = jnp.dot(m, w_ref[...], preferred_element_type=jnp.float32)
    h = jnp.maximum(h + mask * b_ref[...], 0.0)
    o_ref[...] = (jnp.dot(h, wp_ref[...], preferred_element_type=jnp.float32)
                  + bp_ref[...])


def _tc_layer_proj(g, cnt, W, b, Wp, bp):
    return pl.pallas_call(
        _tc_layer_proj_body,
        out_shape=jax.ShapeDtypeStruct((N, H), jnp.float32),
        grid=(N // BR,),
        in_specs=[
            pl.BlockSpec((NC, BR, H), lambda i: (0, i, 0)),
            pl.BlockSpec((NC, BR, DW), lambda i: (0, i, 0)),
            pl.BlockSpec((H, H), lambda i: (0, 0)),
            pl.BlockSpec((1, H), lambda i: (0, 0)),
            pl.BlockSpec((H, H), lambda i: (0, 0)),
            pl.BlockSpec((1, H), lambda i: (0, 0)),
        ],
        out_specs=pl.BlockSpec((BR, H), lambda i: (i, 0)),
    )(g, cnt, W, b.reshape(1, H), Wp, bp.reshape(1, H))


def kernel(nodes, edges, emb, W1, b1, W2, b2, W3, b3, Wp, bp):
    del nodes
    srcm = edges[0].reshape(NW, NFULL, CH)
    srcc = srcm.transpose(1, 0, 2).reshape(NFULL, NW, 1, CH)
    dstm = edges[1].reshape(NW, NFULL, CH)
    zeros_nh = jnp.zeros((N, H), jnp.float32)
    ones_ch = jnp.ones((CH, H), jnp.float32)

    cnt = _sc_degree(dstm, ones_ch, zeros_nh)[:, :, :DW]
    g = _sc_aggregate(emb, srcc, dstm, zeros_nh)
    h = _tc_layer(g, cnt, W1, b1)
    g = _sc_aggregate(h, srcc, dstm, zeros_nh)
    h = _tc_layer(g, cnt, W2, b2)
    g = _sc_aggregate(h, srcc, dstm, zeros_nh)
    return _tc_layer_proj(g, cnt, W3, b3, Wp, bp)

# --- scband reference (transcript-rebuilt; emitter-appended) ---
"""Pipeline reference for scband-market-correlation-gnn-32736240730498 (READ-ONLY COPY).

The authoritative reference and input builder live on the scoring server;
editing this copy changes nothing except your own understanding.
"""

import jax, jax.numpy as jnp
import numpy as np

N_ASSETS = 10000
HIDDEN = 128
N_EDGES = 320000


def setup_inputs(seed: int = 0) -> dict:
    key = jax.random.key(seed)
    ks = jax.random.split(key, 12)
    nodes = jnp.arange(N_ASSETS, dtype=jnp.int32)
    edges = jax.random.randint(ks[0], (2, N_EDGES), 0, N_ASSETS, dtype=jnp.int32)
    # learned parameters
    emb = jax.random.normal(ks[1], (N_ASSETS, HIDDEN), dtype=jnp.float32) * 0.02
    W1 = jax.random.normal(ks[2], (HIDDEN, HIDDEN), dtype=jnp.float32) * 0.05
    b1 = jnp.zeros((HIDDEN,), dtype=jnp.float32)
    W2 = jax.random.normal(ks[3], (HIDDEN, HIDDEN), dtype=jnp.float32) * 0.05
    b2 = jnp.zeros((HIDDEN,), dtype=jnp.float32)
    W3 = jax.random.normal(ks[4], (HIDDEN, HIDDEN), dtype=jnp.float32) * 0.05
    b3 = jnp.zeros((HIDDEN,), dtype=jnp.float32)
    Wp = jax.random.normal(ks[5], (HIDDEN, HIDDEN), dtype=jnp.float32) * 0.05
    bp = jnp.zeros((HIDDEN,), dtype=jnp.float32)
    return {"nodes": nodes, "edges": edges, "emb": emb,
            "W1": W1, "b1": b1, "W2": W2, "b2": b2, "W3": W3, "b3": b3,
            "Wp": Wp, "bp": bp}


def _graph_conv(x, src, dst, W, b, deg):
    # GraphConvolution: linear transform, gather-by-src, scatter-add to dst,
    # mean-normalize by in-degree, relu
    support = x @ W + b
    msgs = jnp.take(support, src, axis=0)
    agg = jax.ops.segment_sum(msgs, dst, num_segments=x.shape[0])
    return jax.nn.relu(agg / deg[:, None])


def reference(nodes, edges, emb, W1, b1, W2, b2, W3, b3, Wp, bp):
    # x = self.asset_embedding(asset_graph.nodes)
    x = jnp.take(emb, nodes, axis=0)
    src = edges[0]
    dst = edges[1]
    deg = jnp.maximum(
        jax.ops.segment_sum(jnp.ones_like(dst, dtype=x.dtype), dst, num_segments=x.shape[0]),
        1.0)
    # 3 stacked GraphConvolution layers
    x = _graph_conv(x, src, dst, W1, b1, deg)
    x = _graph_conv(x, src, dst, W2, b2, deg)
    x = _graph_conv(x, src, dst, W3, b3, deg)
    # correlations = self.correlation_predictor(x)
    correlations = x @ Wp + bp
    return correlations

if __name__ == "__main__":
    import jax
    _d = setup_inputs()
    print(jax.jit(kernel)(*tuple(_d.values())))

</pallas_src>

<mosaic_0001>
#map = affine_map<(d0, d1) -> (0, 0, 0)>
#map1 = affine_map<(d0, d1) -> (0, 0)>
module attributes {stable_mosaic.version = 14 : i64} {
  func.func @_deg_body(%arg0: i32, %arg1: i32, %arg2: memref<32x125x80xi32, #tpu.memory_space<hbm>>, %arg3: memref<80x128xf32, #tpu.memory_space<hbm>>, %arg4: memref<10000x128xf32, #tpu.memory_space<hbm>>, %arg5: memref<2x10000x128xf32, #tpu.memory_space<hbm>>, %arg6: memref<10000x128xf32, #tpu.memory_space<vmem_shared>>, %arg7: memref<125x80xi32, #tpu.memory_space<vmem>>, %arg8: memref<80x128xf32, #tpu.memory_space<vmem>>, %arg9: memref<!tpu.dma_semaphore, #tpu.memory_space<semaphore_mem>>, %arg10: memref<!tpu.dma_semaphore, #tpu.memory_space<semaphore_mem>>) attributes {dimension_semantics = [#tpu.dimension_semantics<core_parallel>, #tpu.dimension_semantics<subcore_parallel>], iteration_bounds = array<i64: 2, 16>, scalar_prefetch = 0 : i64, scratch_operands = 5 : i64, tpu.core_type = #tpu.core_type<sc_vector_subcore>, window_params = [{transform_indices = #map}, {transform_indices = #map1}, {transform_indices = #map1}, {transform_indices = #map}]} {
    %mul3A = arith.constant 16 : i32
    %mul3A_0 = arith.muli %arg0, %mul3A : i32
    %add3A = arith.addi %mul3A_0, %arg1 : i32
    %lt3A = arith.constant 15 : i32
    %lt3A_1 = arith.cmpi slt, %arg1, %lt3A : i32
    %convert_element_type3A = arith.extui %lt3A_1 : i1 to i32
    %cond3A = arith.constant 0 : i32
    %cond3A_2 = arith.cmpi ne, %convert_element_type3A, %cond3A : i32
    scf.if %cond3A_2 {
      %mul3A_62 = arith.constant 632 : i32
      %mul3A_63 = arith.muli %arg1, %mul3A_62 : i32
      "tpu.region"() ({
        %run_scoped3A = tpu.sem_alloc : memref<!tpu.dma_semaphore, #tpu.memory_space<semaphore_mem>>
        %dma_start3A_64 = arith.constant 0 : i32
        %dma_start3A_65 = tpu.memref_slice %arg6[%mul3A_63, %dma_start3A_64] : memref<10000x128xf32, #tpu.memory_space<vmem_shared>> -> memref<632x128xf32, #tpu.memory_space<vmem_shared>>
        %dma_start3A_66 = arith.constant 0 : i32
        %dma_start3A_67 = tpu.memref_slice %arg4[%mul3A_63, %dma_start3A_66] : memref<10000x128xf32, #tpu.memory_space<hbm>> -> memref<632x128xf32, #tpu.memory_space<hbm>>
        tpu.enqueue_dma source(%dma_start3A_67 : memref<632x128xf32, #tpu.memory_space<hbm>>) target(%dma_start3A_65 : memref<632x128xf32, #tpu.memory_space<vmem_shared>>) target_semaphore(%run_scoped3A : memref<!tpu.dma_semaphore, #tpu.memory_space<semaphore_mem>>)
        %dma_wait3A_68 = arith.constant 0 : i32
        %dma_wait3A_69 = tpu.memref_slice %arg6[%mul3A_63, %dma_wait3A_68] : memref<10000x128xf32, #tpu.memory_space<vmem_shared>> -> memref<632x128xf32, #tpu.memory_space<vmem_shared>>
        %dma_wait3A_70 = arith.constant 0 : i32
        %dma_wait3A_71 = tpu.memref_slice %arg4[%mul3A_63, %dma_wait3A_70] : memref<10000x128xf32, #tpu.memory_space<hbm>> -> memref<632x128xf32, #tpu.memory_space<hbm>>
        tpu.wait_dma2 semaphore(%run_scoped3A : memref<!tpu.dma_semaphore, #tpu.memory_space<semaphore_mem>>) src(%dma_wait3A_71 : memref<632x128xf32, #tpu.memory_space<hbm>>) dst(%dma_wait3A_69 : memref<632x128xf32, #tpu.memory_space<vmem_shared>>)
        tpu.yield
      }) : () -> ()
    } else {
    }
    %eq3A = arith.constant 15 : i32
    %eq3A_3 = arith.cmpi eq, %arg1, %eq3A : i32
    %convert_element_type3A_4 = arith.extui %eq3A_3 : i1 to i32
    %cond3A_5 = arith.constant 0 : i32
    %cond3A_6 = arith.cmpi ne, %convert_element_type3A_4, %cond3A_5 : i32
    scf.if %cond3A_6 {
      "tpu.region"() ({
        %run_scoped3A = tpu.sem_alloc : memref<!tpu.dma_semaphore, #tpu.memory_space<semaphore_mem>>
        %dma_start3A_62 = arith.constant 9480 : i32
        %dma_start3A_63 = arith.constant 0 : i32
        %dma_start3A_64 = tpu.memref_slice %arg6[%dma_start3A_62, %dma_start3A_63] : memref<10000x128xf32, #tpu.memory_space<vmem_shared>> -> memref<520x128xf32, #tpu.memory_space<vmem_shared>>
        %dma_start3A_65 = arith.constant 9480 : i32
        %dma_start3A_66 = arith.constant 0 : i32
        %dma_start3A_67 = tpu.memref_slice %arg4[%dma_start3A_65, %dma_start3A_66] : memref<10000x128xf32, #tpu.memory_space<hbm>> -> memref<520x128xf32, #tpu.memory_space<hbm>>
        tpu.enqueue_dma source(%dma_start3A_67 : memref<520x128xf32, #tpu.memory_space<hbm>>) target(%dma_start3A_64 : memref<520x128xf32, #tpu.memory_space<vmem_shared>>) target_semaphore(%run_scoped3A : memref<!tpu.dma_semaphore, #tpu.memory_space<semaphore_mem>>)
        %dma_wait3A_68 = arith.constant 9480 : i32
        %dma_wait3A_69 = arith.constant 0 : i32
        %dma_wait3A_70 = tpu.memref_slice %arg6[%dma_wait3A_68, %dma_wait3A_69] : memref<10000x128xf32, #tpu.memory_space<vmem_shared>> -> memref<520x128xf32, #tpu.memory_space<vmem_shared>>
        %dma_wait3A_71 = arith.constant 9480 : i32
        %dma_wait3A_72 = arith.constant 0 : i32
        %dma_wait3A_73 = tpu.memref_slice %arg4[%dma_wait3A_71, %dma_wait3A_72] : memref<10000x128xf32, #tpu.memory_space<hbm>> -> memref<520x128xf32, #tpu.memory_space<hbm>>
        tpu.wait_dma2 semaphore(%run_scoped3A : memref<!tpu.dma_semaphore, #tpu.memory_space<semaphore_mem>>) src(%dma_wait3A_73 : memref<520x128xf32, #tpu.memory_space<hbm>>) dst(%dma_wait3A_70 : memref<520x128xf32, #tpu.memory_space<vmem_shared>>)
        tpu.yield
      }) : () -> ()
    } else {
    }
    "tpu.region"() ({
      %run_scoped3A = tpu.sem_alloc : memref<!tpu.dma_semaphore, #tpu.memory_space<semaphore_mem>>
      %dma_start3A_62 = arith.constant 0 : i32
      %dma_start3A_63 = arith.constant 0 : i32
      %dma_start3A_64 = tpu.memref_slice %arg2[%add3A, %dma_start3A_62, %dma_start3A_63] : memref<32x125x80xi32, #tpu.memory_space<hbm>> -> memref<1x125x80xi32, #tpu.memory_space<hbm>>
      %dma_start3A_65 = tpu.memref_squeeze %dma_start3A_64 : memref<1x125x80xi32, #tpu.memory_space<hbm>> -> memref<125x80xi32, #tpu.memory_space<hbm>>
      %dma_start3A_66 = arith.constant 0 : i32
      %dma_start3A_67 = arith.constant 0 : i32
      %dma_start3A_68 = tpu.memref_slice %arg2[%add3A, %dma_start3A_66, %dma_start3A_67] : memref<32x125x80xi32, #tpu.memory_space<hbm>> -> memref<1x125x80xi32, #tpu.memory_space<hbm>>
      %dma_start3A_69 = tpu.memref_squeeze %dma_start3A_68 : memref<1x125x80xi32, #tpu.memory_space<hbm>> -> memref<125x80xi32, #tpu.memory_space<hbm>>
      tpu.enqueue_dma source(%dma_start3A_69 : memref<125x80xi32, #tpu.memory_space<hbm>>) target(%arg7 : memref<125x80xi32, #tpu.memory_space<vmem>>) target_semaphore(%run_scoped3A : memref<!tpu.dma_semaphore, #tpu.memory_space<semaphore_mem>>)
      %dma_wait3A_70 = arith.constant 0 : i32
      %dma_wait3A_71 = arith.constant 0 : i32
      %dma_wait3A_72 = tpu.memref_slice %arg2[%add3A, %dma_wait3A_70, %dma_wait3A_71] : memref<32x125x80xi32, #tpu.memory_space<hbm>> -> memref<1x125x80xi32, #tpu.memory_space<hbm>>
      %dma_wait3A_73 = tpu.memref_squeeze %dma_wait3A_72 : memref<1x125x80xi32, #tpu.memory_space<hbm>> -> memref<125x80xi32, #tpu.memory_space<hbm>>
      %dma_wait3A_74 = arith.constant 0 : i32
      %dma_wait3A_75 = arith.constant 0 : i32
      %dma_wait3A_76 = tpu.memref_slice %arg2[%add3A, %dma_wait3A_74, %dma_wait3A_75] : memref<32x125x80xi32, #tpu.memory_space<hbm>> -> memref<1x125x80xi32, #tpu.memory_space<hbm>>
      %dma_wait3A_77 = tpu.memref_squeeze %dma_wait3A_76 : memref<1x125x80xi32, #tpu.memory_space<hbm>> -> memref<125x80xi32, #tpu.memory_space<hbm>>
      tpu.wait_dma2 semaphore(%run_scoped3A : memref<!tpu.dma_semaphore, #tpu.memory_space<semaphore_mem>>) src(%dma_wait3A_77 : memref<125x80xi32, #tpu.memory_space<hbm>>) dst(%arg7 : memref<125x80xi32, #tpu.memory_space<vmem>>)
      tpu.yield
    }) : () -> ()
    "tpu.region"() ({
      %run_scoped3A = tpu.sem_alloc : memref<!tpu.dma_semaphore, #tpu.memory_space<semaphore_mem>>
      tpu.enqueue_dma source(%arg3 : memref<80x128xf32, #tpu.memory_space<hbm>>) target(%arg8 : memref<80x128xf32, #tpu.memory_space<vmem>>) target_semaphore(%run_scoped3A : memref<!tpu.dma_semaphore, #tpu.memory_space<semaphore_mem>>)
      tpu.wait_dma2 semaphore(%run_scoped3A : memref<!tpu.dma_semaphore, #tpu.memory_space<semaphore_mem>>) src(%arg3 : memref<80x128xf32, #tpu.memory_space<hbm>>) dst(%arg8 : memref<80x128xf32, #tpu.memory_space<vmem>>)
      tpu.yield
    }) : () -> ()
    %barrier3A = arith.constant 0 : index
    tpu.barrier barrier_id(%barrier3A)
    %dma_start3A = arith.constant 0 : i32
    %dma_start3A_7 = arith.constant 0 : i32
    %dma_start3A_8 = tpu.memref_slice %arg7[%dma_start3A, %dma_start3A_7] : memref<125x80xi32, #tpu.memory_space<vmem>> -> memref<1x80xi32, #tpu.memory_space<vmem>>
    %dma_start3A_9 = tpu.memref_squeeze %dma_start3A_8 : memref<1x80xi32, #tpu.memory_space<vmem>> -> memref<80xi32, #tpu.memory_space<vmem>>
    %dma_start3A_10 = arith.constant 0 : i32
    %dma_start3A_11 = arith.constant 0 : i32
    %dma_start3A_12 = tpu.memref_slice %arg6[%dma_start3A_10, %dma_start3A_11] : memref<10000x128xf32, #tpu.memory_space<vmem_shared>> -> memref<10000x128xf32, #tpu.memory_space<vmem_shared>>
    tpu.enqueue_indirect_dma source(%arg8 : memref<80x128xf32, #tpu.memory_space<vmem>>) target(%dma_start3A_12 : memref<10000x128xf32, #tpu.memory_space<vmem_shared>>) offsets(%dma_start3A_9 : memref<80xi32, #tpu.memory_space<vmem>>) semaphore(%arg9 : memref<!tpu.dma_semaphore, #tpu.memory_space<semaphore_mem>>) {add = true}
    %dma_start3A_13 = arith.constant 1 : i32
    %dma_start3A_14 = arith.constant 0 : i32
    %dma_start3A_15 = tpu.memref_slice %arg7[%dma_start3A_13, %dma_start3A_14] : memref<125x80xi32, #tpu.memory_space<vmem>> -> memref<1x80xi32, #tpu.memory_space<vmem>>
    %dma_start3A_16 = tpu.memref_squeeze %dma_start3A_15 : memref<1x80xi32, #tpu.memory_space<vmem>> -> memref<80xi32, #tpu.memory_space<vmem>>
    %dma_start3A_17 = arith.constant 0 : i32
    %dma_start3A_18 = arith.constant 0 : i32
    %dma_start3A_19 = tpu.memref_slice %arg6[%dma_start3A_17, %dma_start3A_18] : memref<10000x128xf32, #tpu.memory_space<vmem_shared>> -> memref<10000x128xf32, #tpu.memory_space<vmem_shared>>
    tpu.enqueue_indirect_dma source(%arg8 : memref<80x128xf32, #tpu.memory_space<vmem>>) target(%dma_start3A_19 : memref<10000x128xf32, #tpu.memory_space<vmem_shared>>) offsets(%dma_start3A_16 : memref<80xi32, #tpu.memory_space<vmem>>) semaphore(%arg10 : memref<!tpu.dma_semaphore, #tpu.memory_space<semaphore_mem>>) {add = true}
    %scan3A = arith.constant 0 : i32
    %scan3A_20 = arith.constant 61 : i32
    %scan3A_21 = arith.addi %scan3A, %scan3A_20 : i32
    %scan3A_22 = arith.constant 1 : i32
    scf.for %scan3A_62 = %scan3A to %scan3A_21 step %scan3A_22  : i32 {
      %mul3A_63 = arith.constant 1 : i32
      %mul3A_64 = arith.muli %scan3A_62, %mul3A_63 : i32
      %add3A_65 = arith.constant 0 : i32
      %add3A_66 = arith.addi %add3A_65, %mul3A_64 : i32
      %mul3A_67 = arith.constant 2 : i32
      %mul3A_68 = arith.muli %mul3A_67, %add3A_66 : i32
      %add3A_69 = arith.constant 2 : i32
      %add3A_70 = arith.addi %mul3A_68, %add3A_69 : i32
      %sub3A = arith.constant 2 : i32
      %sub3A_71 = arith.subi %add3A_70, %sub3A : i32
      %dma_wait3A_72 = arith.constant 0 : i32
      %dma_wait3A_73 = tpu.memref_slice %arg7[%sub3A_71, %dma_wait3A_72] : memref<125x80xi32, #tpu.memory_space<vmem>> -> memref<1x80xi32, #tpu.memory_space<vmem>>
      %dma_wait3A_74 = tpu.memref_squeeze %dma_wait3A_73 : memref<1x80xi32, #tpu.memory_space<vmem>> -> memref<80xi32, #tpu.memory_space<vmem>>
      %dma_wait3A_75 = arith.constant 0 : i32
      %dma_wait3A_76 = arith.constant 0 : i32
      %dma_wait3A_77 = tpu.memref_slice %arg6[%dma_wait3A_75, %dma_wait3A_76] : memref<10000x128xf32, #tpu.memory_space<vmem_shared>> -> memref<10000x128xf32, #tpu.memory_space<vmem_shared>>
      tpu.wait_indirect_dma semaphore(%arg9 : memref<!tpu.dma_semaphore, #tpu.memory_space<semaphore_mem>>) src(%arg8 : memref<80x128xf32, #tpu.memory_space<vmem>>) dst(%dma_wait3A_77 : memref<10000x128xf32, #tpu.memory_space<vmem_shared>>)
      %dma_start3A_78 = arith.constant 0 : i32
      %dma_start3A_79 = tpu.memref_slice %arg7[%add3A_70, %dma_start3A_78] : memref<125x80xi32, #tpu.memory_space<vmem>> -> memref<1x80xi32, #tpu.memory_space<vmem>>
      %dma_start3A_80 = tpu.memref_squeeze %dma_start3A_79 : memref<1x80xi32, #tpu.memory_space<vmem>> -> memref<80xi32, #tpu.memory_space<vmem>>
      %dma_start3A_81 = arith.constant 0 : i32
      %dma_start3A_82 = arith.constant 0 : i32
      %dma_start3A_83 = tpu.memref_slice %arg6[%dma_start3A_81, %dma_start3A_82] : memref<10000x128xf32, #tpu.memory_space<vmem_shared>> -> memref<10000x128xf32, #tpu.memory_space<vmem_shared>>
      tpu.enqueue_indirect_dma source(%arg8 : memref<80x128xf32, #tpu.memory_space<vmem>>) target(%dma_start3A_83 : memref<10000x128xf32, #tpu.memory_space<vmem_shared>>) offsets(%dma_start3A_80 : memref<80xi32, #tpu.memory_space<vmem>>) semaphore(%arg9 : memref<!tpu.dma_semaphore, #tpu.memory_space<semaphore_mem>>) {add = true}
      %sub3A_84 = arith.constant 1 : i32
      %sub3A_85 = arith.subi %add3A_70, %sub3A_84 : i32
      %dma_wait3A_86 = arith.constant 0 : i32
      %dma_wait3A_87 = tpu.memref_slice %arg7[%sub3A_85, %dma_wait3A_86] : memref<125x80xi32, #tpu.memory_space<vmem>> -> memref<1x80xi32, #tpu.memory_space<vmem>>
      %dma_wait3A_88 = tpu.memref_squeeze %dma_wait3A_87 : memref<1x80xi32, #tpu.memory_space<vmem>> -> memref<80xi32, #tpu.memory_space<vmem>>
      %dma_wait3A_89 = arith.constant 0 : i32
      %dma_wait3A_90 = arith.constant 0 : i32
      %dma_wait3A_91 = tpu.memref_slice %arg6[%dma_wait3A_89, %dma_wait3A_90] : memref<10000x128xf32, #tpu.memory_space<vmem_shared>> -> memref<10000x128xf32, #tpu.memory_space<vmem_shared>>
      tpu.wait_indirect_dma semaphore(%arg10 : memref<!tpu.dma_semaphore, #tpu.memory_space<semaphore_mem>>) src(%arg8 : memref<80x128xf32, #tpu.memory_space<vmem>>) dst(%dma_wait3A_91 : memref<10000x128xf32, #tpu.memory_space<vmem_shared>>)
      %add3A_92 = arith.constant 1 : i32
      %add3A_93 = arith.addi %add3A_70, %add3A_92 : i32
      %dma_start3A_94 = arith.constant 0 : i32
      %dma_start3A_95 = tpu.memref_slice %arg7[%add3A_93, %dma_start3A_94] : memref<125x80xi32, #tpu.memory_space<vmem>> -> memref<1x80xi32, #tpu.memory_space<vmem>>
      %dma_start3A_96 = tpu.memref_squeeze %dma_start3A_95 : memref<1x80xi32, #tpu.memory_space<vmem>> -> memref<80xi32, #tpu.memory_space<vmem>>
      %dma_start3A_97 = arith.constant 0 : i32
      %dma_start3A_98 = arith.constant 0 : i32
      %dma_start3A_99 = tpu.memref_slice %arg6[%dma_start3A_97, %dma_start3A_98] : memref<10000x128xf32, #tpu.memory_space<vmem_shared>> -> memref<10000x128xf32, #tpu.memory_space<vmem_shared>>
      tpu.enqueue_indirect_dma source(%arg8 : memref<80x128xf32, #tpu.memory_space<vmem>>) target(%dma_start3A_99 : memref<10000x128xf32, #tpu.memory_space<vmem_shared>>) offsets(%dma_start3A_96 : memref<80xi32, #tpu.memory_space<vmem>>) semaphore(%arg10 : memref<!tpu.dma_semaphore, #tpu.memory_space<semaphore_mem>>) {add = true}
    }
    %scan3A_23 = arith.constant 61 : i32
    %dma_wait3A = arith.constant 122 : i32
    %dma_wait3A_24 = arith.constant 0 : i32
    %dma_wait3A_25 = tpu.memref_slice %arg7[%dma_wait3A, %dma_wait3A_24] : memref<125x80xi32, #tpu.memory_space<vmem>> -> memref<1x80xi32, #tpu.memory_space<vmem>>
    %dma_wait3A_26 = tpu.memref_squeeze %dma_wait3A_25 : memref<1x80xi32, #tpu.memory_space<vmem>> -> memref<80xi32, #tpu.memory_space<vmem>>
    %dma_wait3A_27 = arith.constant 0 : i32
    %dma_wait3A_28 = arith.constant 0 : i32
    %dma_wait3A_29 = tpu.memref_slice %arg6[%dma_wait3A_27, %dma_wait3A_28] : memref<10000x128xf32, #tpu.memory_space<vmem_shared>> -> memref<10000x128xf32, #tpu.memory_space<vmem_shared>>
    tpu.wait_indirect_dma semaphore(%arg9 : memref<!tpu.dma_semaphore, #tpu.memory_space<semaphore_mem>>) src(%arg8 : memref<80x128xf32, #tpu.memory_space<vmem>>) dst(%dma_wait3A_29 : memref<10000x128xf32, #tpu.memory_space<vmem_shared>>)
    %dma_start3A_30 = arith.constant 124 : i32
    %dma_start3A_31 = arith.constant 0 : i32
    %dma_start3A_32 = tpu.memref_slice %arg7[%dma_start3A_30, %dma_start3A_31] : memref<125x80xi32, #tpu.memory_space<vmem>> -> memref<1x80xi32, #tpu.memory_space<vmem>>
    %dma_start3A_33 = tpu.memref_squeeze %dma_start3A_32 : memref<1x80xi32, #tpu.memory_space<vmem>> -> memref<80xi32, #tpu.memory_space<vmem>>
    %dma_start3A_34 = arith.constant 0 : i32
    %dma_start3A_35 = arith.constant 0 : i32
    %dma_start3A_36 = tpu.memref_slice %arg6[%dma_start3A_34, %dma_start3A_35] : memref<10000x128xf32, #tpu.memory_space<vmem_shared>> -> memref<10000x128xf32, #tpu.memory_space<vmem_shared>>
    tpu.enqueue_indirect_dma source(%arg8 : memref<80x128xf32, #tpu.memory_space<vmem>>) target(%dma_start3A_36 : memref<10000x128xf32, #tpu.memory_space<vmem_shared>>) offsets(%dma_start3A_33 : memref<80xi32, #tpu.memory_space<vmem>>) semaphore(%arg9 : memref<!tpu.dma_semaphore, #tpu.memory_space<semaphore_mem>>) {add = true}
    %dma_wait3A_37 = arith.constant 123 : i32
    %dma_wait3A_38 = arith.constant 0 : i32
    %dma_wait3A_39 = tpu.memref_slice %arg7[%dma_wait3A_37, %dma_wait3A_38] : memref<125x80xi32, #tpu.memory_space<vmem>> -> memref<1x80xi32, #tpu.memory_space<vmem>>
    %dma_wait3A_40 = tpu.memref_squeeze %dma_wait3A_39 : memref<1x80xi32, #tpu.memory_space<vmem>> -> memref<80xi32, #tpu.memory_space<vmem>>
    %dma_wait3A_41 = arith.constant 0 : i32
    %dma_wait3A_42 = arith.constant 0 : i32
    %dma_wait3A_43 = tpu.memref_slice %arg6[%dma_wait3A_41, %dma_wait3A_42] : memref<10000x128xf32, #tpu.memory_space<vmem_shared>> -> memref<10000x128xf32, #tpu.memory_space<vmem_shared>>
    tpu.wait_indirect_dma semaphore(%arg10 : memref<!tpu.dma_semaphore, #tpu.memory_space<semaphore_mem>>) src(%arg8 : memref<80x128xf32, #tpu.memory_space<vmem>>) dst(%dma_wait3A_43 : memref<10000x128xf32, #tpu.memory_space<vmem_shared>>)
    %dma_wait3A_44 = arith.constant 124 : i32
    %dma_wait3A_45 = arith.constant 0 : i32
    %dma_wait3A_46 = tpu.memref_slice %arg7[%dma_wait3A_44, %dma_wait3A_45] : memref<125x80xi32, #tpu.memory_space<vmem>> -> memref<1x80xi32, #tpu.memory_space<vmem>>
    %dma_wait3A_47 = tpu.memref_squeeze %dma_wait3A_46 : memref<1x80xi32, #tpu.memory_space<vmem>> -> memref<80xi32, #tpu.memory_space<vmem>>
    %dma_wait3A_48 = arith.constant 0 : i32
    %dma_wait3A_49 = arith.constant 0 : i32
    %dma_wait3A_50 = tpu.memref_slice %arg6[%dma_wait3A_48, %dma_wait3A_49] : memref<10000x128xf32, #tpu.memory_space<vmem_shared>> -> memref<10000x128xf32, #tpu.memory_space<vmem_shared>>
    tpu.wait_indirect_dma semaphore(%arg9 : memref<!tpu.dma_semaphore, #tpu.memory_space<semaphore_mem>>) src(%arg8 : memref<80x128xf32, #tpu.memory_space<vmem>>) dst(%dma_wait3A_50 : memref<10000x128xf32, #tpu.memory_space<vmem_shared>>)
    %barrier3A_51 = arith.constant 0 : index
    tpu.barrier barrier_id(%barrier3A_51)
    %lt3A_52 = arith.constant 15 : i32
    %lt3A_53 = arith.cmpi slt, %arg1, %lt3A_52 : i32
    %convert_element_type3A_54 = arith.extui %lt3A_53 : i1 to i32
    %cond3A_55 = arith.constant 0 : i32
    %cond3A_56 = arith.cmpi ne, %convert_element_type3A_54, %cond3A_55 : i32
    scf.if %cond3A_56 {
      %mul3A_62 = arith.constant 632 : i32
      %mul3A_63 = arith.muli %arg1, %mul3A_62 : i32
      "tpu.region"() ({
        %run_scoped3A = tpu.sem_alloc : memref<!tpu.dma_semaphore, #tpu.memory_space<semaphore_mem>>
        %dma_start3A_64 = arith.constant 0 : i32
        %dma_start3A_65 = tpu.memref_slice %arg5[%arg0, %mul3A_63, %dma_start3A_64] : memref<2x10000x128xf32, #tpu.memory_space<hbm>> -> memref<1x632x128xf32, #tpu.memory_space<hbm>>
        %dma_start3A_66 = tpu.memref_squeeze %dma_start3A_65 : memref<1x632x128xf32, #tpu.memory_space<hbm>> -> memref<632x128xf32, #tpu.memory_space<hbm>>
        %dma_start3A_67 = arith.constant 0 : i32
        %dma_start3A_68 = tpu.memref_slice %arg6[%mul3A_63, %dma_start3A_67] : memref<10000x128xf32, #tpu.memory_space<vmem_shared>> -> memref<632x128xf32, #tpu.memory_space<vmem_shared>>
        tpu.enqueue_dma source(%dma_start3A_68 : memref<632x128xf32, #tpu.memory_space<vmem_shared>>) target(%dma_start3A_66 : memref<632x128xf32, #tpu.memory_space<hbm>>) target_semaphore(%run_scoped3A : memref<!tpu.dma_semaphore, #tpu.memory_space<semaphore_mem>>)
        %dma_wait3A_69 = arith.constant 0 : i32
        %dma_wait3A_70 = tpu.memref_slice %arg5[%arg0, %mul3A_63, %dma_wait3A_69] : memref<2x10000x128xf32, #tpu.memory_space<hbm>> -> memref<1x632x128xf32, #tpu.memory_space<hbm>>
        %dma_wait3A_71 = tpu.memref_squeeze %dma_wait3A_70 : memref<1x632x128xf32, #tpu.memory_space<hbm>> -> memref<632x128xf32, #tpu.memory_space<hbm>>
        %dma_wait3A_72 = arith.constant 0 : i32
        %dma_wait3A_73 = tpu.memref_slice %arg6[%mul3A_63, %dma_wait3A_72] : memref<10000x128xf32, #tpu.memory_space<vmem_shared>> -> memref<632x128xf32, #tpu.memory_space<vmem_shared>>
        tpu.wait_dma2 semaphore(%run_scoped3A : memref<!tpu.dma_semaphore, #tpu.memory_space<semaphore_mem>>) src(%dma_wait3A_73 : memref<632x128xf32, #tpu.memory_space<vmem_shared>>) dst(%dma_wait3A_71 : memref<632x128xf32, #tpu.memory_space<hbm>>)
        tpu.yield
      }) : () -> ()
    } else {
    }
    %eq3A_57 = arith.constant 15 : i32
    %eq3A_58 = arith.cmpi eq, %arg1, %eq3A_57 : i32
    %convert_element_type3A_59 = arith.extui %eq3A_58 : i1 to i32
    %cond3A_60 = arith.constant 0 : i32
    %cond3A_61 = arith.cmpi ne, %convert_element_type3A_59, %cond3A_60 : i32
    scf.if %cond3A_61 {
      "tpu.region"() ({
        %run_scoped3A = tpu.sem_alloc : memref<!tpu.dma_semaphore, #tpu.memory_space<semaphore_mem>>
        %dma_start3A_62 = arith.constant 9480 : i32
        %dma_start3A_63 = arith.constant 0 : i32
        %dma_start3A_64 = tpu.memref_slice %arg5[%arg0, %dma_start3A_62, %dma_start3A_63] : memref<2x10000x128xf32, #tpu.memory_space<hbm>> -> memref<1x520x128xf32, #tpu.memory_space<hbm>>
        %dma_start3A_65 = tpu.memref_squeeze %dma_start3A_64 : memref<1x520x128xf32, #tpu.memory_space<hbm>> -> memref<520x128xf32, #tpu.memory_space<hbm>>
        %dma_start3A_66 = arith.constant 9480 : i32
        %dma_start3A_67 = arith.constant 0 : i32
        %dma_start3A_68 = tpu.memref_slice %arg6[%dma_start3A_66, %dma_start3A_67] : memref<10000x128xf32, #tpu.memory_space<vmem_shared>> -> memref<520x128xf32, #tpu.memory_space<vmem_shared>>
        tpu.enqueue_dma source(%dma_start3A_68 : memref<520x128xf32, #tpu.memory_space<vmem_shared>>) target(%dma_start3A_65 : memref<520x128xf32, #tpu.memory_space<hbm>>) target_semaphore(%run_scoped3A : memref<!tpu.dma_semaphore, #tpu.memory_space<semaphore_mem>>)
        %dma_wait3A_69 = arith.constant 9480 : i32
        %dma_wait3A_70 = arith.constant 0 : i32
        %dma_wait3A_71 = tpu.memref_slice %arg5[%arg0, %dma_wait3A_69, %dma_wait3A_70] : memref<2x10000x128xf32, #tpu.memory_space<hbm>> -> memref<1x520x128xf32, #tpu.memory_space<hbm>>
        %dma_wait3A_72 = tpu.memref_squeeze %dma_wait3A_71 : memref<1x520x128xf32, #tpu.memory_space<hbm>> -> memref<520x128xf32, #tpu.memory_space<hbm>>
        %dma_wait3A_73 = arith.constant 9480 : i32
        %dma_wait3A_74 = arith.constant 0 : i32
        %dma_wait3A_75 = tpu.memref_slice %arg6[%dma_wait3A_73, %dma_wait3A_74] : memref<10000x128xf32, #tpu.memory_space<vmem_shared>> -> memref<520x128xf32, #tpu.memory_space<vmem_shared>>
        tpu.wait_dma2 semaphore(%run_scoped3A : memref<!tpu.dma_semaphore, #tpu.memory_space<semaphore_mem>>) src(%dma_wait3A_75 : memref<520x128xf32, #tpu.memory_space<vmem_shared>>) dst(%dma_wait3A_72 : memref<520x128xf32, #tpu.memory_space<hbm>>)
        tpu.yield
      }) : () -> ()
    } else {
    }
    return
  }
}

#map = affine_map<(d0, d1) -> (0, 0)>
#map1 = affine_map<(d0, d1) -> (0, 0, 0, 0)>
#map2 = affine_map<(d0, d1) -> (0, 0, 0)>
module attributes {stable_mosaic.version = 14 : i64} {
  func.func @_agg_body(%arg0: i32, %arg1: i32, %arg2: memref<10000x128xf32, #tpu.memory_space<hbm>>, %arg3: memref<125x32x1x80xi32, #tpu.memory_space<hbm>>, %arg4: memref<32x125x80xi32, #tpu.memory_space<hbm>>, %arg5: memref<10000x128xf32, #tpu.memory_space<hbm>>, %arg6: memref<2x10000x128xf32, #tpu.memory_space<hbm>>, %arg7: memref<10000x128xf32, #tpu.memory_space<vmem_shared>>, %arg8: memref<125x80xi32, #tpu.memory_space<vmem>>, %arg9: memref<1x80xi32, #tpu.memory_space<vmem>>, %arg10: memref<1x80xi32, #tpu.memory_space<vmem>>, %arg11: memref<1x80xi32, #tpu.memory_space<vmem>>, %arg12: memref<80x128xf32, #tpu.memory_space<vmem>>, %arg13: memref<80x128xf32, #tpu.memory_space<vmem>>, %arg14: memref<80x128xf32, #tpu.memory_space<vmem>>, %arg15: memref<!tpu.dma_semaphore, #tpu.memory_space<semaphore_mem>>, %arg16: memref<!tpu.dma_semaphore, #tpu.memory_space<semaphore_mem>>, %arg17: memref<!tpu.dma_semaphore, #tpu.memory_space<semaphore_mem>>, %arg18: memref<!tpu.dma_semaphore, #tpu.memory_space<semaphore_mem>>, %arg19: memref<!tpu.dma_semaphore, #tpu.memory_space<semaphore_mem>>, %arg20: memref<!tpu.dma_semaphore, #tpu.memory_space<semaphore_mem>>, %arg21: memref<!tpu.dma_semaphore, #tpu.memory_space<semaphore_mem>>, %arg22: memref<!tpu.dma_semaphore, #tpu.memory_space<semaphore_mem>>, %arg23: memref<!tpu.dma_semaphore, #tpu.memory_space<semaphore_mem>>) attributes {dimension_semantics = [#tpu.dimension_semantics<core_parallel>, #tpu.dimension_semantics<subcore_parallel>], iteration_bounds = array<i64: 2, 16>, scalar_prefetch = 0 : i64, scratch_operands = 17 : i64, tpu.core_type = #tpu.core_type<sc_vector_subcore>, window_params = [{transform_indices = #map}, {transform_indices = #map1}, {transform_indices = #map2}, {transform_indices = #map}, {transform_indices = #map2}]} {
    %mul3A = arith.constant 16 : i32
    %mul3A_0 = arith.muli %arg0, %mul3A : i32
    %add3A = arith.addi %mul3A_0, %arg1 : i32
    %dma_start3A = arith.constant 0 : i32
    %dma_start3A_1 = arith.constant 0 : i32
    %dma_start3A_2 = arith.constant 0 : i32
    %dma_start3A_3 = tpu.memref_slice %arg3[%dma_start3A, %add3A, %dma_start3A_1, %dma_start3A_2] : memref<125x32x1x80xi32, #tpu.memory_space<hbm>> -> memref<1x1x1x80xi32, #tpu.memory_space<hbm>>
    %dma_start3A_4 = tpu.memref_squeeze %dma_start3A_3 : memref<1x1x1x80xi32, #tpu.memory_space<hbm>> -> memref<1x80xi32, #tpu.memory_space<hbm>>
    %dma_start3A_5 = arith.constant 0 : i32
    %dma_start3A_6 = arith.constant 0 : i32
    %dma_start3A_7 = tpu.memref_slice %arg3[%dma_start3A, %add3A, %dma_start3A_5, %dma_start3A_6] : memref<125x32x1x80xi32, #tpu.memory_space<hbm>> -> memref<1x1x1x80xi32, #tpu.memory_space<hbm>>
    %dma_start3A_8 = tpu.memref_squeeze %dma_start3A_7 : memref<1x1x1x80xi32, #tpu.memory_space<hbm>> -> memref<1x80xi32, #tpu.memory_space<hbm>>
    tpu.enqueue_dma source(%dma_start3A_8 : memref<1x80xi32, #tpu.memory_space<hbm>>) target(%arg9 : memref<1x80xi32, #tpu.memory_space<vmem>>) target_semaphore(%arg21 : memref<!tpu.dma_semaphore, #tpu.memory_space<semaphore_mem>>)
    %dma_start3A_9 = arith.constant 1 : i32
    %dma_start3A_10 = arith.constant 0 : i32
    %dma_start3A_11 = arith.constant 0 : i32
    %dma_start3A_12 = tpu.memref_slice %arg3[%dma_start3A_9, %add3A, %dma_start3A_10, %dma_start3A_11] : memref<125x32x1x80xi32, #tpu.memory_space<hbm>> -> memref<1x1x1x80xi32, #tpu.memory_space<hbm>>
    %dma_start3A_13 = tpu.memref_squeeze %dma_start3A_12 : memref<1x1x1x80xi32, #tpu.memory_space<hbm>> -> memref<1x80xi32, #tpu.memory_space<hbm>>
    %dma_start3A_14 = arith.constant 0 : i32
    %dma_start3A_15 = arith.constant 0 : i32
    %dma_start3A_16 = tpu.memref_slice %arg3[%dma_start3A_9, %add3A, %dma_start3A_14, %dma_start3A_15] : memref<125x32x1x80xi32, #tpu.memory_space<hbm>> -> memref<1x1x1x80xi32, #tpu.memory_space<hbm>>
    %dma_start3A_17 = tpu.memref_squeeze %dma_start3A_16 : memref<1x1x1x80xi32, #tpu.memory_space<hbm>> -> memref<1x80xi32, #tpu.memory_space<hbm>>
    tpu.enqueue_dma source(%dma_start3A_17 : memref<1x80xi32, #tpu.memory_space<hbm>>) target(%arg10 : memref<1x80xi32, #tpu.memory_space<vmem>>) target_semaphore(%arg22 : memref<!tpu.dma_semaphore, #tpu.memory_space<semaphore_mem>>)
    %dma_start3A_18 = arith.constant 2 : i32
    %dma_start3A_19 = arith.constant 0 : i32
    %dma_start3A_20 = arith.constant 0 : i32
    %dma_start3A_21 = tpu.memref_slice %arg3[%dma_start3A_18, %add3A, %dma_start3A_19, %dma_start3A_20] : memref<125x32x1x80xi32, #tpu.memory_space<hbm>> -> memref<1x1x1x80xi32, #tpu.memory_space<hbm>>
    %dma_start3A_22 = tpu.memref_squeeze %dma_start3A_21 : memref<1x1x1x80xi32, #tpu.memory_space<hbm>> -> memref<1x80xi32, #tpu.memory_space<hbm>>
    %dma_start3A_23 = arith.constant 0 : i32
    %dma_start3A_24 = arith.constant 0 : i32
    %dma_start3A_25 = tpu.memref_slice %arg3[%dma_start3A_18, %add3A, %dma_start3A_23, %dma_start3A_24] : memref<125x32x1x80xi32, #tpu.memory_space<hbm>> -> memref<1x1x1x80xi32, #tpu.memory_space<hbm>>
    %dma_start3A_26 = tpu.memref_squeeze %dma_start3A_25 : memref<1x1x1x80xi32, #tpu.memory_space<hbm>> -> memref<1x80xi32, #tpu.memory_space<hbm>>
    tpu.enqueue_dma source(%dma_start3A_26 : memref<1x80xi32, #tpu.memory_space<hbm>>) target(%arg11 : memref<1x80xi32, #tpu.memory_space<vmem>>) target_semaphore(%arg23 : memref<!tpu.dma_semaphore, #tpu.memory_space<semaphore_mem>>)
    "tpu.region"() ({
      %run_scoped3A = tpu.sem_alloc : memref<!tpu.dma_semaphore, #tpu.memory_space<semaphore_mem>>
      %dma_start3A_250 = arith.constant 0 : i32
      %dma_start3A_251 = arith.constant 0 : i32
      %dma_start3A_252 = tpu.memref_slice %arg4[%add3A, %dma_start3A_250, %dma_start3A_251] : memref<32x125x80xi32, #tpu.memory_space<hbm>> -> memref<1x125x80xi32, #tpu.memory_space<hbm>>
      %dma_start3A_253 = tpu.memref_squeeze %dma_start3A_252 : memref<1x125x80xi32, #tpu.memory_space<hbm>> -> memref<125x80xi32, #tpu.memory_space<hbm>>
      %dma_start3A_254 = arith.constant 0 : i32
      %dma_start3A_255 = arith.constant 0 : i32
      %dma_start3A_256 = tpu.memref_slice %arg4[%add3A, %dma_start3A_254, %dma_start3A_255] : memref<32x125x80xi32, #tpu.memory_space<hbm>> -> memref<1x125x80xi32, #tpu.memory_space<hbm>>
      %dma_start3A_257 = tpu.memref_squeeze %dma_start3A_256 : memref<1x125x80xi32, #tpu.memory_space<hbm>> -> memref<125x80xi32, #tpu.memory_space<hbm>>
      tpu.enqueue_dma source(%dma_start3A_257 : memref<125x80xi32, #tpu.memory_space<hbm>>) target(%arg8 : memref<125x80xi32, #tpu.memory_space<vmem>>) target_semaphore(%run_scoped3A : memref<!tpu.dma_semaphore, #tpu.memory_space<semaphore_mem>>)
      %dma_wait3A_258 = arith.constant 0 : i32
      %dma_wait3A_259 = arith.constant 0 : i32
      %dma_wait3A_260 = tpu.memref_slice %arg4[%add3A, %dma_wait3A_258, %dma_wait3A_259] : memref<32x125x80xi32, #tpu.memory_space<hbm>> -> memref<1x125x80xi32, #tpu.memory_space<hbm>>
      %dma_wait3A_261 = tpu.memref_squeeze %dma_wait3A_260 : memref<1x125x80xi32, #tpu.memory_space<hbm>> -> memref<125x80xi32, #tpu.memory_space<hbm>>
      %dma_wait3A_262 = arith.constant 0 : i32
      %dma_wait3A_263 = arith.constant 0 : i32
      %dma_wait3A_264 = tpu.memref_slice %arg4[%add3A, %dma_wait3A_262, %dma_wait3A_263] : memref<32x125x80xi32, #tpu.memory_space<hbm>> -> memref<1x125x80xi32, #tpu.memory_space<hbm>>
      %dma_wait3A_265 = tpu.memref_squeeze %dma_wait3A_264 : memref<1x125x80xi32, #tpu.memory_space<hbm>> -> memref<125x80xi32, #tpu.memory_space<hbm>>
      tpu.wait_dma2 semaphore(%run_scoped3A : memref<!tpu.dma_semaphore, #tpu.memory_space<semaphore_mem>>) src(%dma_wait3A_265 : memref<125x80xi32, #tpu.memory_space<hbm>>) dst(%arg8 : memref<125x80xi32, #tpu.memory_space<vmem>>)
      tpu.yield
    }) : () -> ()
    %dma_wait3A = arith.constant 0 : i32
    %dma_wait3A_27 = arith.constant 0 : i32
    %dma_wait3A_28 = arith.constant 0 : i32
    %dma_wait3A_29 = tpu.memref_slice %arg3[%dma_wait3A, %add3A, %dma_wait3A_27, %dma_wait3A_28] : memref<125x32x1x80xi32, #tpu.memory_space<hbm>> -> memref<1x1x1x80xi32, #tpu.memory_space<hbm>>
    %dma_wait3A_30 = tpu.memref_squeeze %dma_wait3A_29 : memref<1x1x1x80xi32, #tpu.memory_space<hbm>> -> memref<1x80xi32, #tpu.memory_space<hbm>>
    %dma_wait3A_31 = arith.constant 0 : i32
    %dma_wait3A_32 = arith.constant 0 : i32
    %dma_wait3A_33 = tpu.memref_slice %arg3[%dma_wait3A, %add3A, %dma_wait3A_31, %dma_wait3A_32] : memref<125x32x1x80xi32, #tpu.memory_space<hbm>> -> memref<1x1x1x80xi32, #tpu.memory_space<hbm>>
    %dma_wait3A_34 = tpu.memref_squeeze %dma_wait3A_33 : memref<1x1x1x80xi32, #tpu.memory_space<hbm>> -> memref<1x80xi32, #tpu.memory_space<hbm>>
    tpu.wait_dma2 semaphore(%arg21 : memref<!tpu.dma_semaphore, #tpu.memory_space<semaphore_mem>>) src(%dma_wait3A_34 : memref<1x80xi32, #tpu.memory_space<hbm>>) dst(%arg9 : memref<1x80xi32, #tpu.memory_space<vmem>>)
    %dma_start3A_35 = arith.constant 0 : i32
    %dma_start3A_36 = arith.constant 0 : i32
    %dma_start3A_37 = tpu.memref_slice %arg9[%dma_start3A_35, %dma_start3A_36] : memref<1x80xi32, #tpu.memory_space<vmem>> -> memref<1x80xi32, #tpu.memory_space<vmem>>
    %dma_start3A_38 = tpu.memref_squeeze %dma_start3A_37 : memref<1x80xi32, #tpu.memory_space<vmem>> -> memref<80xi32, #tpu.memory_space<vmem>>
    %dma_start3A_39 = arith.constant 0 : i32
    %dma_start3A_40 = arith.constant 0 : i32
    %dma_start3A_41 = tpu.memref_slice %arg2[%dma_start3A_39, %dma_start3A_40] : memref<10000x128xf32, #tpu.memory_space<hbm>> -> memref<10000x128xf32, #tpu.memory_space<hbm>>
    tpu.enqueue_indirect_dma source(%dma_start3A_41 : memref<10000x128xf32, #tpu.memory_space<hbm>>) target(%arg12 : memref<80x128xf32, #tpu.memory_space<vmem>>) offsets(%dma_start3A_38 : memref<80xi32, #tpu.memory_space<vmem>>) semaphore(%arg15 : memref<!tpu.dma_semaphore, #tpu.memory_space<semaphore_mem>>)
    %dma_wait3A_42 = arith.constant 0 : i32
    %dma_wait3A_43 = arith.constant 0 : i32
    %dma_wait3A_44 = arith.constant 0 : i32
    %dma_wait3A_45 = tpu.memref_slice %arg3[%dma_wait3A_42, %add3A, %dma_wait3A_43, %dma_wait3A_44] : memref<125x32x1x80xi32, #tpu.memory_space<hbm>> -> memref<1x1x1x80xi32, #tpu.memory_space<hbm>>
    %dma_wait3A_46 = tpu.memref_squeeze %dma_wait3A_45 : memref<1x1x1x80xi32, #tpu.memory_space<hbm>> -> memref<1x80xi32, #tpu.memory_space<hbm>>
    %dma_wait3A_47 = arith.constant 0 : i32
    %dma_wait3A_48 = arith.constant 0 : i32
    %dma_wait3A_49 = tpu.memref_slice %arg3[%dma_wait3A_42, %add3A, %dma_wait3A_47, %dma_wait3A_48] : memref<125x32x1x80xi32, #tpu.memory_space<hbm>> -> memref<1x1x1x80xi32, #tpu.memory_space<hbm>>
    %dma_wait3A_50 = tpu.memref_squeeze %dma_wait3A_49 : memref<1x1x1x80xi32, #tpu.memory_space<hbm>> -> memref<1x80xi32, #tpu.memory_space<hbm>>
    tpu.wait_dma2 semaphore(%arg22 : memref<!tpu.dma_semaphore, #tpu.memory_space<semaphore_mem>>) src(%dma_wait3A_50 : memref<1x80xi32, #tpu.memory_space<hbm>>) dst(%arg10 : memref<1x80xi32, #tpu.memory_space<vmem>>)
    %dma_start3A_51 = arith.constant 0 : i32
    %dma_start3A_52 = arith.constant 0 : i32
    %dma_start3A_53 = tpu.memref_slice %arg10[%dma_start3A_51, %dma_start3A_52] : memref<1x80xi32, #tpu.memory_space<vmem>> -> memref<1x80xi32, #tpu.memory_space<vmem>>
    %dma_start3A_54 = tpu.memref_squeeze %dma_start3A_53 : memref<1x80xi32, #tpu.memory_space<vmem>> -> memref<80xi32, #tpu.memory_space<vmem>>
    %dma_start3A_55 = arith.constant 0 : i32
    %dma_start3A_56 = arith.constant 0 : i32
    %dma_start3A_57 = tpu.memref_slice %arg2[%dma_start3A_55, %dma_start3A_56] : memref<10000x128xf32, #tpu.memory_space<hbm>> -> memref<10000x128xf32, #tpu.memory_space<hbm>>
    tpu.enqueue_indirect_dma source(%dma_start3A_57 : memref<10000x128xf32, #tpu.memory_space<hbm>>) target(%arg13 : memref<80x128xf32, #tpu.memory_space<vmem>>) offsets(%dma_start3A_54 : memref<80xi32, #tpu.memory_space<vmem>>) semaphore(%arg16 : memref<!tpu.dma_semaphore, #tpu.memory_space<semaphore_mem>>)
    %lt3A = arith.constant 15 : i32
    %lt3A_58 = arith.cmpi slt, %arg1, %lt3A : i32
    %convert_element_type3A = arith.extui %lt3A_58 : i1 to i32
    %cond3A = arith.constant 0 : i32
    %cond3A_59 = arith.cmpi ne, %convert_element_type3A, %cond3A : i32
    scf.if %cond3A_59 {
      %mul3A_250 = arith.constant 632 : i32
      %mul3A_251 = arith.muli %arg1, %mul3A_250 : i32
      "tpu.region"() ({
        %run_scoped3A = tpu.sem_alloc : memref<!tpu.dma_semaphore, #tpu.memory_space<semaphore_mem>>
        %dma_start3A_252 = arith.constant 0 : i32
        %dma_start3A_253 = tpu.memref_slice %arg7[%mul3A_251, %dma_start3A_252] : memref<10000x128xf32, #tpu.memory_space<vmem_shared>> -> memref<632x128xf32, #tpu.memory_space<vmem_shared>>
        %dma_start3A_254 = arith.constant 0 : i32
        %dma_start3A_255 = tpu.memref_slice %arg5[%mul3A_251, %dma_start3A_254] : memref<10000x128xf32, #tpu.memory_space<hbm>> -> memref<632x128xf32, #tpu.memory_space<hbm>>
        tpu.enqueue_dma source(%dma_start3A_255 : memref<632x128xf32, #tpu.memory_space<hbm>>) target(%dma_start3A_253 : memref<632x128xf32, #tpu.memory_space<vmem_shared>>) target_semaphore(%run_scoped3A : memref<!tpu.dma_semaphore, #tpu.memory_space<semaphore_mem>>)
        %dma_wait3A_256 = arith.constant 0 : i32
        %dma_wait3A_257 = tpu.memref_slice %arg7[%mul3A_251, %dma_wait3A_256] : memref<10000x128xf32, #tpu.memory_space<vmem_shared>> -> memref<632x128xf32, #tpu.memory_space<vmem_shared>>
        %dma_wait3A_258 = arith.constant 0 : i32
        %dma_wait3A_259 = tpu.memref_slice %arg5[%mul3A_251, %dma_wait3A_258] : memref<10000x128xf32, #tpu.memory_space<hbm>> -> memref<632x128xf32, #tpu.memory_space<hbm>>
        tpu.wait_dma2 semaphore(%run_scoped3A : memref<!tpu.dma_semaphore, #tpu.memory_space<semaphore_mem>>) src(%dma_wait3A_259 : memref<632x128xf32, #tpu.memory_space<hbm>>) dst(%dma_wait3A_257 : memref<632x128xf32, #tpu.memory_space<vmem_shared>>)
        tpu.yield
      }) : () -> ()
    } else {
    }
    %eq3A = arith.constant 15 : i32
    %eq3A_60 = arith.cmpi eq, %arg1, %eq3A : i32
    %convert_element_type3A_61 = arith.extui %eq3A_60 : i1 to i32
    %cond3A_62 = arith.constant 0 : i32
    %cond3A_63 = arith.cmpi ne, %convert_element_type3A_61, %cond3A_62 : i32
    scf.if %cond3A_63 {
      "tpu.region"() ({
        %run_scoped3A = tpu.sem_alloc : memref<!tpu.dma_semaphore, #tpu.memory_space<semaphore_mem>>
        %dma_start3A_250 = arith.constant 9480 : i32
        %dma_start3A_251 = arith.constant 0 : i32
        %dma_start3A_252 = tpu.memref_slice %arg7[%dma_start3A_250, %dma_start3A_251] : memref<10000x128xf32, #tpu.memory_space<vmem_shared>> -> memref<520x128xf32, #tpu.memory_space<vmem_shared>>
        %dma_start3A_253 = arith.constant 9480 : i32
        %dma_start3A_254 = arith.constant 0 : i32
        %dma_start3A_255 = tpu.memref_slice %arg5[%dma_start3A_253, %dma_start3A_254] : memref<10000x128xf32, #tpu.memory_space<hbm>> -> memref<520x128xf32, #tpu.memory_space<hbm>>
        tpu.enqueue_dma source(%dma_start3A_255 : memref<520x128xf32, #tpu.memory_space<hbm>>) target(%dma_start3A_252 : memref<520x128xf32, #tpu.memory_space<vmem_shared>>) target_semaphore(%run_scoped3A : memref<!tpu.dma_semaphore, #tpu.memory_space<semaphore_mem>>)
        %dma_wait3A_256 = arith.constant 9480 : i32
        %dma_wait3A_257 = arith.constant 0 : i32
        %dma_wait3A_258 = tpu.memref_slice %arg7[%dma_wait3A_256, %dma_wait3A_257] : memref<10000x128xf32, #tpu.memory_space<vmem_shared>> -> memref<520x128xf32, #tpu.memory_space<vmem_shared>>
        %dma_wait3A_259 = arith.constant 9480 : i32
        %dma_wait3A_260 = arith.constant 0 : i32
        %dma_wait3A_261 = tpu.memref_slice %arg5[%dma_wait3A_259, %dma_wait3A_260] : memref<10000x128xf32, #tpu.memory_space<hbm>> -> memref<520x128xf32, #tpu.memory_space<hbm>>
        tpu.wait_dma2 semaphore(%run_scoped3A : memref<!tpu.dma_semaphore, #tpu.memory_space<semaphore_mem>>) src(%dma_wait3A_261 : memref<520x128xf32, #tpu.memory_space<hbm>>) dst(%dma_wait3A_258 : memref<520x128xf32, #tpu.memory_space<vmem_shared>>)
        tpu.yield
      }) : () -> ()
    } else {
    }
    %barrier3A = arith.constant 0 : index
    tpu.barrier barrier_id(%barrier3A)
    %dma_wait3A_64 = arith.constant 0 : i32
    %dma_wait3A_65 = arith.constant 0 : i32
    %dma_wait3A_66 = tpu.memref_slice %arg9[%dma_wait3A_64, %dma_wait3A_65] : memref<1x80xi32, #tpu.memory_space<vmem>> -> memref<1x80xi32, #tpu.memory_space<vmem>>
    %dma_wait3A_67 = tpu.memref_squeeze %dma_wait3A_66 : memref<1x80xi32, #tpu.memory_space<vmem>> -> memref<80xi32, #tpu.memory_space<vmem>>
    %dma_wait3A_68 = arith.constant 0 : i32
    %dma_wait3A_69 = arith.constant 0 : i32
    %dma_wait3A_70 = tpu.memref_slice %arg2[%dma_wait3A_68, %dma_wait3A_69] : memref<10000x128xf32, #tpu.memory_space<hbm>> -> memref<10000x128xf32, #tpu.memory_space<hbm>>
    tpu.wait_indirect_dma semaphore(%arg15 : memref<!tpu.dma_semaphore, #tpu.memory_space<semaphore_mem>>) src(%dma_wait3A_70 : memref<10000x128xf32, #tpu.memory_space<hbm>>) dst(%arg12 : memref<80x128xf32, #tpu.memory_space<vmem>>)
    %dma_start3A_71 = arith.constant 0 : i32
    %dma_start3A_72 = arith.constant 0 : i32
    %dma_start3A_73 = tpu.memref_slice %arg8[%dma_start3A_71, %dma_start3A_72] : memref<125x80xi32, #tpu.memory_space<vmem>> -> memref<1x80xi32, #tpu.memory_space<vmem>>
    %dma_start3A_74 = tpu.memref_squeeze %dma_start3A_73 : memref<1x80xi32, #tpu.memory_space<vmem>> -> memref<80xi32, #tpu.memory_space<vmem>>
    %dma_start3A_75 = arith.constant 0 : i32
    %dma_start3A_76 = arith.constant 0 : i32
    %dma_start3A_77 = tpu.memref_slice %arg7[%dma_start3A_75, %dma_start3A_76] : memref<10000x128xf32, #tpu.memory_space<vmem_shared>> -> memref<10000x128xf32, #tpu.memory_space<vmem_shared>>
    tpu.enqueue_indirect_dma source(%arg12 : memref<80x128xf32, #tpu.memory_space<vmem>>) target(%dma_start3A_77 : memref<10000x128xf32, #tpu.memory_space<vmem_shared>>) offsets(%dma_start3A_74 : memref<80xi32, #tpu.memory_space<vmem>>) semaphore(%arg18 : memref<!tpu.dma_semaphore, #tpu.memory_space<semaphore_mem>>) {add = true}
    %dma_start3A_78 = arith.constant 3 : i32
    %dma_start3A_79 = arith.constant 0 : i32
    %dma_start3A_80 = arith.constant 0 : i32
    %dma_start3A_81 = tpu.memref_slice %arg3[%dma_start3A_78, %add3A, %dma_start3A_79, %dma_start3A_80] : memref<125x32x1x80xi32, #tpu.memory_space<hbm>> -> memref<1x1x1x80xi32, #tpu.memory_space<hbm>>
    %dma_start3A_82 = tpu.memref_squeeze %dma_start3A_81 : memref<1x1x1x80xi32, #tpu.memory_space<hbm>> -> memref<1x80xi32, #tpu.memory_space<hbm>>
    %dma_start3A_83 = arith.constant 0 : i32
    %dma_start3A_84 = arith.constant 0 : i32
    %dma_start3A_85 = tpu.memref_slice %arg3[%dma_start3A_78, %add3A, %dma_start3A_83, %dma_start3A_84] : memref<125x32x1x80xi32, #tpu.memory_space<hbm>> -> memref<1x1x1x80xi32, #tpu.memory_space<hbm>>
    %dma_start3A_86 = tpu.memref_squeeze %dma_start3A_85 : memref<1x1x1x80xi32, #tpu.memory_space<hbm>> -> memref<1x80xi32, #tpu.memory_space<hbm>>
    tpu.enqueue_dma source(%dma_start3A_86 : memref<1x80xi32, #tpu.memory_space<hbm>>) target(%arg9 : memref<1x80xi32, #tpu.memory_space<vmem>>) target_semaphore(%arg21 : memref<!tpu.dma_semaphore, #tpu.memory_space<semaphore_mem>>)
    %dma_wait3A_87 = arith.constant 0 : i32
    %dma_wait3A_88 = arith.constant 0 : i32
    %dma_wait3A_89 = arith.constant 0 : i32
    %dma_wait3A_90 = tpu.memref_slice %arg3[%dma_wait3A_87, %add3A, %dma_wait3A_88, %dma_wait3A_89] : memref<125x32x1x80xi32, #tpu.memory_space<hbm>> -> memref<1x1x1x80xi32, #tpu.memory_space<hbm>>
    %dma_wait3A_91 = tpu.memref_squeeze %dma_wait3A_90 : memref<1x1x1x80xi32, #tpu.memory_space<hbm>> -> memref<1x80xi32, #tpu.memory_space<hbm>>
    %dma_wait3A_92 = arith.constant 0 : i32
    %dma_wait3A_93 = arith.constant 0 : i32
    %dma_wait3A_94 = tpu.memref_slice %arg3[%dma_wait3A_87, %add3A, %dma_wait3A_92, %dma_wait3A_93] : memref<125x32x1x80xi32, #tpu.memory_space<hbm>> -> memref<1x1x1x80xi32, #tpu.memory_space<hbm>>
    %dma_wait3A_95 = tpu.memref_squeeze %dma_wait3A_94 : memref<1x1x1x80xi32, #tpu.memory_space<hbm>> -> memref<1x80xi32, #tpu.memory_space<hbm>>
    tpu.wait_dma2 semaphore(%arg23 : memref<!tpu.dma_semaphore, #tpu.memory_space<semaphore_mem>>) src(%dma_wait3A_95 : memref<1x80xi32, #tpu.memory_space<hbm>>) dst(%arg11 : memref<1x80xi32, #tpu.memory_space<vmem>>)
    %dma_start3A_96 = arith.constant 0 : i32
    %dma_start3A_97 = arith.constant 0 : i32
    %dma_start3A_98 = tpu.memref_slice %arg11[%dma_start3A_96, %dma_start3A_97] : memref<1x80xi32, #tpu.memory_space<vmem>> -> memref<1x80xi32, #tpu.memory_space<vmem>>
    %dma_start3A_99 = tpu.memref_squeeze %dma_start3A_98 : memref<1x80xi32, #tpu.memory_space<vmem>> -> memref<80xi32, #tpu.memory_space<vmem>>
    %dma_start3A_100 = arith.constant 0 : i32
    %dma_start3A_101 = arith.constant 0 : i32
    %dma_start3A_102 = tpu.memref_slice %arg2[%dma_start3A_100, %dma_start3A_101] : memref<10000x128xf32, #tpu.memory_space<hbm>> -> memref<10000x128xf32, #tpu.memory_space<hbm>>
    tpu.enqueue_indirect_dma source(%dma_start3A_102 : memref<10000x128xf32, #tpu.memory_space<hbm>>) target(%arg14 : memref<80x128xf32, #tpu.memory_space<vmem>>) offsets(%dma_start3A_99 : memref<80xi32, #tpu.memory_space<vmem>>) semaphore(%arg17 : memref<!tpu.dma_semaphore, #tpu.memory_space<semaphore_mem>>)
    %scan3A = arith.constant 0 : i32
    %scan3A_103 = arith.constant 40 : i32
    %scan3A_104 = arith.addi %scan3A, %scan3A_103 : i32
    %scan3A_105 = arith.constant 1 : i32
    scf.for %scan3A_250 = %scan3A to %scan3A_104 step %scan3A_105  : i32 {
      %mul3A_251 = arith.constant 1 : i32
      %mul3A_252 = arith.muli %scan3A_250, %mul3A_251 : i32
      %add3A_253 = arith.constant 0 : i32
      %add3A_254 = arith.addi %add3A_253, %mul3A_252 : i32
      %mul3A_255 = arith.constant 3 : i32
      %mul3A_256 = arith.muli %mul3A_255, %add3A_254 : i32
      %add3A_257 = arith.constant 1 : i32
      %add3A_258 = arith.addi %mul3A_256, %add3A_257 : i32
      %dma_wait3A_259 = arith.constant 0 : i32
      %dma_wait3A_260 = arith.constant 0 : i32
      %dma_wait3A_261 = tpu.memref_slice %arg10[%dma_wait3A_259, %dma_wait3A_260] : memref<1x80xi32, #tpu.memory_space<vmem>> -> memref<1x80xi32, #tpu.memory_space<vmem>>
      %dma_wait3A_262 = tpu.memref_squeeze %dma_wait3A_261 : memref<1x80xi32, #tpu.memory_space<vmem>> -> memref<80xi32, #tpu.memory_space<vmem>>
      %dma_wait3A_263 = arith.constant 0 : i32
      %dma_wait3A_264 = arith.constant 0 : i32
      %dma_wait3A_265 = tpu.memref_slice %arg2[%dma_wait3A_263, %dma_wait3A_264] : memref<10000x128xf32, #tpu.memory_space<hbm>> -> memref<10000x128xf32, #tpu.memory_space<hbm>>
      tpu.wait_indirect_dma semaphore(%arg16 : memref<!tpu.dma_semaphore, #tpu.memory_space<semaphore_mem>>) src(%dma_wait3A_265 : memref<10000x128xf32, #tpu.memory_space<hbm>>) dst(%arg13 : memref<80x128xf32, #tpu.memory_space<vmem>>)
      %dma_start3A_266 = arith.constant 0 : i32
      %dma_start3A_267 = tpu.memref_slice %arg8[%add3A_258, %dma_start3A_266] : memref<125x80xi32, #tpu.memory_space<vmem>> -> memref<1x80xi32, #tpu.memory_space<vmem>>
      %dma_start3A_268 = tpu.memref_squeeze %dma_start3A_267 : memref<1x80xi32, #tpu.memory_space<vmem>> -> memref<80xi32, #tpu.memory_space<vmem>>
      %dma_start3A_269 = arith.constant 0 : i32
      %dma_start3A_270 = arith.constant 0 : i32
      %dma_start3A_271 = tpu.memref_slice %arg7[%dma_start3A_269, %dma_start3A_270] : memref<10000x128xf32, #tpu.memory_space<vmem_shared>> -> memref<10000x128xf32, #tpu.memory_space<vmem_shared>>
      tpu.enqueue_indirect_dma source(%arg13 : memref<80x128xf32, #tpu.memory_space<vmem>>) target(%dma_start3A_271 : memref<10000x128xf32, #tpu.memory_space<vmem_shared>>) offsets(%dma_start3A_268 : memref<80xi32, #tpu.memory_space<vmem>>) semaphore(%arg19 : memref<!tpu.dma_semaphore, #tpu.memory_space<semaphore_mem>>) {add = true}
      %add3A_272 = arith.constant 3 : i32
      %add3A_273 = arith.addi %add3A_258, %add3A_272 : i32
      %dma_start3A_274 = arith.constant 0 : i32
      %dma_start3A_275 = arith.constant 0 : i32
      %dma_start3A_276 = tpu.memref_slice %arg3[%add3A_273, %add3A, %dma_start3A_274, %dma_start3A_275] : memref<125x32x1x80xi32, #tpu.memory_space<hbm>> -> memref<1x1x1x80xi32, #tpu.memory_space<hbm>>
      %dma_start3A_277 = tpu.memref_squeeze %dma_start3A_276 : memref<1x1x1x80xi32, #tpu.memory_space<hbm>> -> memref<1x80xi32, #tpu.memory_space<hbm>>
      %dma_start3A_278 = arith.constant 0 : i32
      %dma_start3A_279 = arith.constant 0 : i32
      %dma_start3A_280 = tpu.memref_slice %arg3[%add3A_273, %add3A, %dma_start3A_278, %dma_start3A_279] : memref<125x32x1x80xi32, #tpu.memory_space<hbm>> -> memref<1x1x1x80xi32, #tpu.memory_space<hbm>>
      %dma_start3A_281 = tpu.memref_squeeze %dma_start3A_280 : memref<1x1x1x80xi32, #tpu.memory_space<hbm>> -> memref<1x80xi32, #tpu.memory_space<hbm>>
      tpu.enqueue_dma source(%dma_start3A_281 : memref<1x80xi32, #tpu.memory_space<hbm>>) target(%arg10 : memref<1x80xi32, #tpu.memory_space<vmem>>) target_semaphore(%arg22 : memref<!tpu.dma_semaphore, #tpu.memory_space<semaphore_mem>>)
      %dma_wait3A_282 = arith.constant 0 : i32
      %dma_wait3A_283 = arith.constant 0 : i32
      %dma_wait3A_284 = arith.constant 0 : i32
      %dma_wait3A_285 = tpu.memref_slice %arg3[%dma_wait3A_282, %add3A, %dma_wait3A_283, %dma_wait3A_284] : memref<125x32x1x80xi32, #tpu.memory_space<hbm>> -> memref<1x1x1x80xi32, #tpu.memory_space<hbm>>
      %dma_wait3A_286 = tpu.memref_squeeze %dma_wait3A_285 : memref<1x1x1x80xi32, #tpu.memory_space<hbm>> -> memref<1x80xi32, #tpu.memory_space<hbm>>
      %dma_wait3A_287 = arith.constant 0 : i32
      %dma_wait3A_288 = arith.constant 0 : i32
      %dma_wait3A_289 = tpu.memref_slice %arg3[%dma_wait3A_282, %add3A, %dma_wait3A_287, %dma_wait3A_288] : memref<125x32x1x80xi32, #tpu.memory_space<hbm>> -> memref<1x1x1x80xi32, #tpu.memory_space<hbm>>
      %dma_wait3A_290 = tpu.memref_squeeze %dma_wait3A_289 : memref<1x1x1x80xi32, #tpu.memory_space<hbm>> -> memref<1x80xi32, #tpu.memory_space<hbm>>
      tpu.wait_dma2 semaphore(%arg21 : memref<!tpu.dma_semaphore, #tpu.memory_space<semaphore_mem>>) src(%dma_wait3A_290 : memref<1x80xi32, #tpu.memory_space<hbm>>) dst(%arg9 : memref<1x80xi32, #tpu.memory_space<vmem>>)
      %sub3A = arith.constant 1 : i32
      %sub3A_291 = arith.subi %add3A_258, %sub3A : i32
      %dma_wait3A_292 = arith.constant 0 : i32
      %dma_wait3A_293 = tpu.memref_slice %arg8[%sub3A_291, %dma_wait3A_292] : memref<125x80xi32, #tpu.memory_space<vmem>> -> memref<1x80xi32, #tpu.memory_space<vmem>>
      %dma_wait3A_294 = tpu.memref_squeeze %dma_wait3A_293 : memref<1x80xi32, #tpu.memory_space<vmem>> -> memref<80xi32, #tpu.memory_space<vmem>>
      %dma_wait3A_295 = arith.constant 0 : i32
      %dma_wait3A_296 = arith.constant 0 : i32
      %dma_wait3A_297 = tpu.memref_slice %arg7[%dma_wait3A_295, %dma_wait3A_296] : memref<10000x128xf32, #tpu.memory_space<vmem_shared>> -> memref<10000x128xf32, #tpu.memory_space<vmem_shared>>
      tpu.wait_indirect_dma semaphore(%arg18 : memref<!tpu.dma_semaphore, #tpu.memory_space<semaphore_mem>>) src(%arg12 : memref<80x128xf32, #tpu.memory_space<vmem>>) dst(%dma_wait3A_297 : memref<10000x128xf32, #tpu.memory_space<vmem_shared>>)
      %dma_start3A_298 = arith.constant 0 : i32
      %dma_start3A_299 = arith.constant 0 : i32
      %dma_start3A_300 = tpu.memref_slice %arg9[%dma_start3A_298, %dma_start3A_299] : memref<1x80xi32, #tpu.memory_space<vmem>> -> memref<1x80xi32, #tpu.memory_space<vmem>>
      %dma_start3A_301 = tpu.memref_squeeze %dma_start3A_300 : memref<1x80xi32, #tpu.memory_space<vmem>> -> memref<80xi32, #tpu.memory_space<vmem>>
      %dma_start3A_302 = arith.constant 0 : i32
      %dma_start3A_303 = arith.constant 0 : i32
      %dma_start3A_304 = tpu.memref_slice %arg2[%dma_start3A_302, %dma_start3A_303] : memref<10000x128xf32, #tpu.memory_space<hbm>> -> memref<10000x128xf32, #tpu.memory_space<hbm>>
      tpu.enqueue_indirect_dma source(%dma_start3A_304 : memref<10000x128xf32, #tpu.memory_space<hbm>>) target(%arg12 : memref<80x128xf32, #tpu.memory_space<vmem>>) offsets(%dma_start3A_301 : memref<80xi32, #tpu.memory_space<vmem>>) semaphore(%arg15 : memref<!tpu.dma_semaphore, #tpu.memory_space<semaphore_mem>>)
      %add3A_305 = arith.constant 1 : i32
      %add3A_306 = arith.addi %add3A_258, %add3A_305 : i32
      %dma_wait3A_307 = arith.constant 0 : i32
      %dma_wait3A_308 = arith.constant 0 : i32
      %dma_wait3A_309 = tpu.memref_slice %arg11[%dma_wait3A_307, %dma_wait3A_308] : memref<1x80xi32, #tpu.memory_space<vmem>> -> memref<1x80xi32, #tpu.memory_space<vmem>>
      %dma_wait3A_310 = tpu.memref_squeeze %dma_wait3A_309 : memref<1x80xi32, #tpu.memory_space<vmem>> -> memref<80xi32, #tpu.memory_space<vmem>>
      %dma_wait3A_311 = arith.constant 0 : i32
      %dma_wait3A_312 = arith.constant 0 : i32
      %dma_wait3A_313 = tpu.memref_slice %arg2[%dma_wait3A_311, %dma_wait3A_312] : memref<10000x128xf32, #tpu.memory_space<hbm>> -> memref<10000x128xf32, #tpu.memory_space<hbm>>
      tpu.wait_indirect_dma semaphore(%arg17 : memref<!tpu.dma_semaphore, #tpu.memory_space<semaphore_mem>>) src(%dma_wait3A_313 : memref<10000x128xf32, #tpu.memory_space<hbm>>) dst(%arg14 : memref<80x128xf32, #tpu.memory_space<vmem>>)
      %dma_start3A_314 = arith.constant 0 : i32
      %dma_start3A_315 = tpu.memref_slice %arg8[%add3A_306, %dma_start3A_314] : memref<125x80xi32, #tpu.memory_space<vmem>> -> memref<1x80xi32, #tpu.memory_space<vmem>>
      %dma_start3A_316 = tpu.memref_squeeze %dma_start3A_315 : memref<1x80xi32, #tpu.memory_space<vmem>> -> memref<80xi32, #tpu.memory_space<vmem>>
      %dma_start3A_317 = arith.constant 0 : i32
      %dma_start3A_318 = arith.constant 0 : i32
      %dma_start3A_319 = tpu.memref_slice %arg7[%dma_start3A_317, %dma_start3A_318] : memref<10000x128xf32, #tpu.memory_space<vmem_shared>> -> memref<10000x128xf32, #tpu.memory_space<vmem_shared>>
      tpu.enqueue_indirect_dma source(%arg14 : memref<80x128xf32, #tpu.memory_space<vmem>>) target(%dma_start3A_319 : memref<10000x128xf32, #tpu.memory_space<vmem_shared>>) offsets(%dma_start3A_316 : memref<80xi32, #tpu.memory_space<vmem>>) semaphore(%arg20 : memref<!tpu.dma_semaphore, #tpu.memory_space<semaphore_mem>>) {add = true}
      %add3A_320 = arith.constant 3 : i32
      %add3A_321 = arith.addi %add3A_306, %add3A_320 : i32
      %dma_start3A_322 = arith.constant 0 : i32
      %dma_start3A_323 = arith.constant 0 : i32
      %dma_start3A_324 = tpu.memref_slice %arg3[%add3A_321, %add3A, %dma_start3A_322, %dma_start3A_323] : memref<125x32x1x80xi32, #tpu.memory_space<hbm>> -> memref<1x1x1x80xi32, #tpu.memory_space<hbm>>
      %dma_start3A_325 = tpu.memref_squeeze %dma_start3A_324 : memref<1x1x1x80xi32, #tpu.memory_space<hbm>> -> memref<1x80xi32, #tpu.memory_space<hbm>>
      %dma_start3A_326 = arith.constant 0 : i32
      %dma_start3A_327 = arith.constant 0 : i32
      %dma_start3A_328 = tpu.memref_slice %arg3[%add3A_321, %add3A, %dma_start3A_326, %dma_start3A_327] : memref<125x32x1x80xi32, #tpu.memory_space<hbm>> -> memref<1x1x1x80xi32, #tpu.memory_space<hbm>>
      %dma_start3A_329 = tpu.memref_squeeze %dma_start3A_328 : memref<1x1x1x80xi32, #tpu.memory_space<hbm>> -> memref<1x80xi32, #tpu.memory_space<hbm>>
      tpu.enqueue_dma source(%dma_start3A_329 : memref<1x80xi32, #tpu.memory_space<hbm>>) target(%arg11 : memref<1x80xi32, #tpu.memory_space<vmem>>) target_semaphore(%arg23 : memref<!tpu.dma_semaphore, #tpu.memory_space<semaphore_mem>>)
      %dma_wait3A_330 = arith.constant 0 : i32
      %dma_wait3A_331 = arith.constant 0 : i32
      %dma_wait3A_332 = arith.constant 0 : i32
      %dma_wait3A_333 = tpu.memref_slice %arg3[%dma_wait3A_330, %add3A, %dma_wait3A_331, %dma_wait3A_332] : memref<125x32x1x80xi32, #tpu.memory_space<hbm>> -> memref<1x1x1x80xi32, #tpu.memory_space<hbm>>
      %dma_wait3A_334 = tpu.memref_squeeze %dma_wait3A_333 : memref<1x1x1x80xi32, #tpu.memory_space<hbm>> -> memref<1x80xi32, #tpu.memory_space<hbm>>
      %dma_wait3A_335 = arith.constant 0 : i32
      %dma_wait3A_336 = arith.constant 0 : i32
      %dma_wait3A_337 = tpu.memref_slice %arg3[%dma_wait3A_330, %add3A, %dma_wait3A_335, %dma_wait3A_336] : memref<125x32x1x80xi32, #tpu.memory_space<hbm>> -> memref<1x1x1x80xi32, #tpu.memory_space<hbm>>
      %dma_wait3A_338 = tpu.memref_squeeze %dma_wait3A_337 : memref<1x1x1x80xi32, #tpu.memory_space<hbm>> -> memref<1x80xi32, #tpu.memory_space<hbm>>
      tpu.wait_dma2 semaphore(%arg22 : memref<!tpu.dma_semaphore, #tpu.memory_space<semaphore_mem>>) src(%dma_wait3A_338 : memref<1x80xi32, #tpu.memory_space<hbm>>) dst(%arg10 : memref<1x80xi32, #tpu.memory_space<vmem>>)
      %sub3A_339 = arith.constant 1 : i32
      %sub3A_340 = arith.subi %add3A_306, %sub3A_339 : i32
      %dma_wait3A_341 = arith.constant 0 : i32
      %dma_wait3A_342 = tpu.memref_slice %arg8[%sub3A_340, %dma_wait3A_341] : memref<125x80xi32, #tpu.memory_space<vmem>> -> memref<1x80xi32, #tpu.memory_space<vmem>>
      %dma_wait3A_343 = tpu.memref_squeeze %dma_wait3A_342 : memref<1x80xi32, #tpu.memory_space<vmem>> -> memref<80xi32, #tpu.memory_space<vmem>>
      %dma_wait3A_344 = arith.constant 0 : i32
      %dma_wait3A_345 = arith.constant 0 : i32
      %dma_wait3A_346 = tpu.memref_slice %arg7[%dma_wait3A_344, %dma_wait3A_345] : memref<10000x128xf32, #tpu.memory_space<vmem_shared>> -> memref<10000x128xf32, #tpu.memory_space<vmem_shared>>
      tpu.wait_indirect_dma semaphore(%arg19 : memref<!tpu.dma_semaphore, #tpu.memory_space<semaphore_mem>>) src(%arg13 : memref<80x128xf32, #tpu.memory_space<vmem>>) dst(%dma_wait3A_346 : memref<10000x128xf32, #tpu.memory_space<vmem_shared>>)
      %dma_start3A_347 = arith.constant 0 : i32
      %dma_start3A_348 = arith.constant 0 : i32
      %dma_start3A_349 = tpu.memref_slice %arg10[%dma_start3A_347, %dma_start3A_348] : memref<1x80xi32, #tpu.memory_space<vmem>> -> memref<1x80xi32, #tpu.memory_space<vmem>>
      %dma_start3A_350 = tpu.memref_squeeze %dma_start3A_349 : memref<1x80xi32, #tpu.memory_space<vmem>> -> memref<80xi32, #tpu.memory_space<vmem>>
      %dma_start3A_351 = arith.constant 0 : i32
      %dma_start3A_352 = arith.constant 0 : i32
      %dma_start3A_353 = tpu.memref_slice %arg2[%dma_start3A_351, %dma_start3A_352] : memref<10000x128xf32, #tpu.memory_space<hbm>> -> memref<10000x128xf32, #tpu.memory_space<hbm>>
      tpu.enqueue_indirect_dma source(%dma_start3A_353 : memref<10000x128xf32, #tpu.memory_space<hbm>>) target(%arg13 : memref<80x128xf32, #tpu.memory_space<vmem>>) offsets(%dma_start3A_350 : memref<80xi32, #tpu.memory_space<vmem>>) semaphore(%arg16 : memref<!tpu.dma_semaphore, #tpu.memory_space<semaphore_mem>>)
      %add3A_354 = arith.constant 2 : i32
      %add3A_355 = arith.addi %add3A_258, %add3A_354 : i32
      %dma_wait3A_356 = arith.constant 0 : i32
      %dma_wait3A_357 = arith.constant 0 : i32
      %dma_wait3A_358 = tpu.memref_slice %arg9[%dma_wait3A_356, %dma_wait3A_357] : memref<1x80xi32, #tpu.memory_space<vmem>> -> memref<1x80xi32, #tpu.memory_space<vmem>>
      %dma_wait3A_359 = tpu.memref_squeeze %dma_wait3A_358 : memref<1x80xi32, #tpu.memory_space<vmem>> -> memref<80xi32, #tpu.memory_space<vmem>>
      %dma_wait3A_360 = arith.constant 0 : i32
      %dma_wait3A_361 = arith.constant 0 : i32
      %dma_wait3A_362 = tpu.memref_slice %arg2[%dma_wait3A_360, %dma_wait3A_361] : memref<10000x128xf32, #tpu.memory_space<hbm>> -> memref<10000x128xf32, #tpu.memory_space<hbm>>
      tpu.wait_indirect_dma semaphore(%arg15 : memref<!tpu.dma_semaphore, #tpu.memory_space<semaphore_mem>>) src(%dma_wait3A_362 : memref<10000x128xf32, #tpu.memory_space<hbm>>) dst(%arg12 : memref<80x128xf32, #tpu.memory_space<vmem>>)
      %dma_start3A_363 = arith.constant 0 : i32
      %dma_start3A_364 = tpu.memref_slice %arg8[%add3A_355, %dma_start3A_363] : memref<125x80xi32, #tpu.memory_space<vmem>> -> memref<1x80xi32, #tpu.memory_space<vmem>>
      %dma_start3A_365 = tpu.memref_squeeze %dma_start3A_364 : memref<1x80xi32, #tpu.memory_space<vmem>> -> memref<80xi32, #tpu.memory_space<vmem>>
      %dma_start3A_366 = arith.constant 0 : i32
      %dma_start3A_367 = arith.constant 0 : i32
      %dma_start3A_368 = tpu.memref_slice %arg7[%dma_start3A_366, %dma_start3A_367] : memref<10000x128xf32, #tpu.memory_space<vmem_shared>> -> memref<10000x128xf32, #tpu.memory_space<vmem_shared>>
      tpu.enqueue_indirect_dma source(%arg12 : memref<80x128xf32, #tpu.memory_space<vmem>>) target(%dma_start3A_368 : memref<10000x128xf32, #tpu.memory_space<vmem_shared>>) offsets(%dma_start3A_365 : memref<80xi32, #tpu.memory_space<vmem>>) semaphore(%arg18 : memref<!tpu.dma_semaphore, #tpu.memory_space<semaphore_mem>>) {add = true}
      %add3A_369 = arith.constant 3 : i32
      %add3A_370 = arith.addi %add3A_355, %add3A_369 : i32
      %dma_start3A_371 = arith.constant 0 : i32
      %dma_start3A_372 = arith.constant 0 : i32
      %dma_start3A_373 = tpu.memref_slice %arg3[%add3A_370, %add3A, %dma_start3A_371, %dma_start3A_372] : memref<125x32x1x80xi32, #tpu.memory_space<hbm>> -> memref<1x1x1x80xi32, #tpu.memory_space<hbm>>
      %dma_start3A_374 = tpu.memref_squeeze %dma_start3A_373 : memref<1x1x1x80xi32, #tpu.memory_space<hbm>> -> memref<1x80xi32, #tpu.memory_space<hbm>>
      %dma_start3A_375 = arith.constant 0 : i32
      %dma_start3A_376 = arith.constant 0 : i32
      %dma_start3A_377 = tpu.memref_slice %arg3[%add3A_370, %add3A, %dma_start3A_375, %dma_start3A_376] : memref<125x32x1x80xi32, #tpu.memory_space<hbm>> -> memref<1x1x1x80xi32, #tpu.memory_space<hbm>>
      %dma_start3A_378 = tpu.memref_squeeze %dma_start3A_377 : memref<1x1x1x80xi32, #tpu.memory_space<hbm>> -> memref<1x80xi32, #tpu.memory_space<hbm>>
      tpu.enqueue_dma source(%dma_start3A_378 : memref<1x80xi32, #tpu.memory_space<hbm>>) target(%arg9 : memref<1x80xi32, #tpu.memory_space<vmem>>) target_semaphore(%arg21 : memref<!tpu.dma_semaphore, #tpu.memory_space<semaphore_mem>>)
      %dma_wait3A_379 = arith.constant 0 : i32
      %dma_wait3A_380 = arith.constant 0 : i32
      %dma_wait3A_381 = arith.constant 0 : i32
      %dma_wait3A_382 = tpu.memref_slice %arg3[%dma_wait3A_379, %add3A, %dma_wait3A_380, %dma_wait3A_381] : memref<125x32x1x80xi32, #tpu.memory_space<hbm>> -> memref<1x1x1x80xi32, #tpu.memory_space<hbm>>
      %dma_wait3A_383 = tpu.memref_squeeze %dma_wait3A_382 : memref<1x1x1x80xi32, #tpu.memory_space<hbm>> -> memref<1x80xi32, #tpu.memory_space<hbm>>
      %dma_wait3A_384 = arith.constant 0 : i32
      %dma_wait3A_385 = arith.constant 0 : i32
      %dma_wait3A_386 = tpu.memref_slice %arg3[%dma_wait3A_379, %add3A, %dma_wait3A_384, %dma_wait3A_385] : memref<125x32x1x80xi32, #tpu.memory_space<hbm>> -> memref<1x1x1x80xi32, #tpu.memory_space<hbm>>
      %dma_wait3A_387 = tpu.memref_squeeze %dma_wait3A_386 : memref<1x1x1x80xi32, #tpu.memory_space<hbm>> -> memref<1x80xi32, #tpu.memory_space<hbm>>
      tpu.wait_dma2 semaphore(%arg23 : memref<!tpu.dma_semaphore, #tpu.memory_space<semaphore_mem>>) src(%dma_wait3A_387 : memref<1x80xi32, #tpu.memory_space<hbm>>) dst(%arg11 : memref<1x80xi32, #tpu.memory_space<vmem>>)
      %sub3A_388 = arith.constant 1 : i32
      %sub3A_389 = arith.subi %add3A_355, %sub3A_388 : i32
      %dma_wait3A_390 = arith.constant 0 : i32
      %dma_wait3A_391 = tpu.memref_slice %arg8[%sub3A_389, %dma_wait3A_390] : memref<125x80xi32, #tpu.memory_space<vmem>> -> memref<1x80xi32, #tpu.memory_space<vmem>>
      %dma_wait3A_392 = tpu.memref_squeeze %dma_wait3A_391 : memref<1x80xi32, #tpu.memory_space<vmem>> -> memref<80xi32, #tpu.memory_space<vmem>>
      %dma_wait3A_393 = arith.constant 0 : i32
      %dma_wait3A_394 = arith.constant 0 : i32
      %dma_wait3A_395 = tpu.memref_slice %arg7[%dma_wait3A_393, %dma_wait3A_394] : memref<10000x128xf32, #tpu.memory_space<vmem_shared>> -> memref<10000x128xf32, #tpu.memory_space<vmem_shared>>
      tpu.wait_indirect_dma semaphore(%arg20 : memref<!tpu.dma_semaphore, #tpu.memory_space<semaphore_mem>>) src(%arg14 : memref<80x128xf32, #tpu.memory_space<vmem>>) dst(%dma_wait3A_395 : memref<10000x128xf32, #tpu.memory_space<vmem_shared>>)
      %dma_start3A_396 = arith.constant 0 : i32
      %dma_start3A_397 = arith.constant 0 : i32
      %dma_start3A_398 = tpu.memref_slice %arg11[%dma_start3A_396, %dma_start3A_397] : memref<1x80xi32, #tpu.memory_space<vmem>> -> memref<1x80xi32, #tpu.memory_space<vmem>>
      %dma_start3A_399 = tpu.memref_squeeze %dma_start3A_398 : memref<1x80xi32, #tpu.memory_space<vmem>> -> memref<80xi32, #tpu.memory_space<vmem>>
      %dma_start3A_400 = arith.constant 0 : i32
      %dma_start3A_401 = arith.constant 0 : i32
      %dma_start3A_402 = tpu.memref_slice %arg2[%dma_start3A_400, %dma_start3A_401] : memref<10000x128xf32, #tpu.memory_space<hbm>> -> memref<10000x128xf32, #tpu.memory_space<hbm>>
      tpu.enqueue_indirect_dma source(%dma_start3A_402 : memref<10000x128xf32, #tpu.memory_space<hbm>>) target(%arg14 : memref<80x128xf32, #tpu.memory_space<vmem>>) offsets(%dma_start3A_399 : memref<80xi32, #tpu.memory_space<vmem>>) semaphore(%arg17 : memref<!tpu.dma_semaphore, #tpu.memory_space<semaphore_mem>>)
    }
    %scan3A_106 = arith.constant 40 : i32
    %dma_wait3A_107 = arith.constant 0 : i32
    %dma_wait3A_108 = arith.constant 0 : i32
    %dma_wait3A_109 = tpu.memref_slice %arg10[%dma_wait3A_107, %dma_wait3A_108] : memref<1x80xi32, #tpu.memory_space<vmem>> -> memref<1x80xi32, #tpu.memory_space<vmem>>
    %dma_wait3A_110 = tpu.memref_squeeze %dma_wait3A_109 : memref<1x80xi32, #tpu.memory_space<vmem>> -> memref<80xi32, #tpu.memory_space<vmem>>
    %dma_wait3A_111 = arith.constant 0 : i32
    %dma_wait3A_112 = arith.constant 0 : i32
    %dma_wait3A_113 = tpu.memref_slice %arg2[%dma_wait3A_111, %dma_wait3A_112] : memref<10000x128xf32, #tpu.memory_space<hbm>> -> memref<10000x128xf32, #tpu.memory_space<hbm>>
    tpu.wait_indirect_dma semaphore(%arg16 : memref<!tpu.dma_semaphore, #tpu.memory_space<semaphore_mem>>) src(%dma_wait3A_113 : memref<10000x128xf32, #tpu.memory_space<hbm>>) dst(%arg13 : memref<80x128xf32, #tpu.memory_space<vmem>>)
    %dma_start3A_114 = arith.constant 121 : i32
    %dma_start3A_115 = arith.constant 0 : i32
    %dma_start3A_116 = tpu.memref_slice %arg8[%dma_start3A_114, %dma_start3A_115] : memref<125x80xi32, #tpu.memory_space<vmem>> -> memref<1x80xi32, #tpu.memory_space<vmem>>
    %dma_start3A_117 = tpu.memref_squeeze %dma_start3A_116 : memref<1x80xi32, #tpu.memory_space<vmem>> -> memref<80xi32, #tpu.memory_space<vmem>>
    %dma_start3A_118 = arith.constant 0 : i32
    %dma_start3A_119 = arith.constant 0 : i32
    %dma_start3A_120 = tpu.memref_slice %arg7[%dma_start3A_118, %dma_start3A_119] : memref<10000x128xf32, #tpu.memory_space<vmem_shared>> -> memref<10000x128xf32, #tpu.memory_space<vmem_shared>>
    tpu.enqueue_indirect_dma source(%arg13 : memref<80x128xf32, #tpu.memory_space<vmem>>) target(%dma_start3A_120 : memref<10000x128xf32, #tpu.memory_space<vmem_shared>>) offsets(%dma_start3A_117 : memref<80xi32, #tpu.memory_space<vmem>>) semaphore(%arg19 : memref<!tpu.dma_semaphore, #tpu.memory_space<semaphore_mem>>) {add = true}
    %dma_start3A_121 = arith.constant 124 : i32
    %dma_start3A_122 = arith.constant 0 : i32
    %dma_start3A_123 = arith.constant 0 : i32
    %dma_start3A_124 = tpu.memref_slice %arg3[%dma_start3A_121, %add3A, %dma_start3A_122, %dma_start3A_123] : memref<125x32x1x80xi32, #tpu.memory_space<hbm>> -> memref<1x1x1x80xi32, #tpu.memory_space<hbm>>
    %dma_start3A_125 = tpu.memref_squeeze %dma_start3A_124 : memref<1x1x1x80xi32, #tpu.memory_space<hbm>> -> memref<1x80xi32, #tpu.memory_space<hbm>>
    %dma_start3A_126 = arith.constant 0 : i32
    %dma_start3A_127 = arith.constant 0 : i32
    %dma_start3A_128 = tpu.memref_slice %arg3[%dma_start3A_121, %add3A, %dma_start3A_126, %dma_start3A_127] : memref<125x32x1x80xi32, #tpu.memory_space<hbm>> -> memref<1x1x1x80xi32, #tpu.memory_space<hbm>>
    %dma_start3A_129 = tpu.memref_squeeze %dma_start3A_128 : memref<1x1x1x80xi32, #tpu.memory_space<hbm>> -> memref<1x80xi32, #tpu.memory_space<hbm>>
    tpu.enqueue_dma source(%dma_start3A_129 : memref<1x80xi32, #tpu.memory_space<hbm>>) target(%arg10 : memref<1x80xi32, #tpu.memory_space<vmem>>) target_semaphore(%arg22 : memref<!tpu.dma_semaphore, #tpu.memory_space<semaphore_mem>>)
    %dma_wait3A_130 = arith.constant 0 : i32
    %dma_wait3A_131 = arith.constant 0 : i32
    %dma_wait3A_132 = arith.constant 0 : i32
    %dma_wait3A_133 = tpu.memref_slice %arg3[%dma_wait3A_130, %add3A, %dma_wait3A_131, %dma_wait3A_132] : memref<125x32x1x80xi32, #tpu.memory_space<hbm>> -> memref<1x1x1x80xi32, #tpu.memory_space<hbm>>
    %dma_wait3A_134 = tpu.memref_squeeze %dma_wait3A_133 : memref<1x1x1x80xi32, #tpu.memory_space<hbm>> -> memref<1x80xi32, #tpu.memory_space<hbm>>
    %dma_wait3A_135 = arith.constant 0 : i32
    %dma_wait3A_136 = arith.constant 0 : i32
    %dma_wait3A_137 = tpu.memref_slice %arg3[%dma_wait3A_130, %add3A, %dma_wait3A_135, %dma_wait3A_136] : memref<125x32x1x80xi32, #tpu.memory_space<hbm>> -> memref<1x1x1x80xi32, #tpu.memory_space<hbm>>
    %dma_wait3A_138 = tpu.memref_squeeze %dma_wait3A_137 : memref<1x1x1x80xi32, #tpu.memory_space<hbm>> -> memref<1x80xi32, #tpu.memory_space<hbm>>
    tpu.wait_dma2 semaphore(%arg21 : memref<!tpu.dma_semaphore, #tpu.memory_space<semaphore_mem>>) src(%dma_wait3A_138 : memref<1x80xi32, #tpu.memory_space<hbm>>) dst(%arg9 : memref<1x80xi32, #tpu.memory_space<vmem>>)
    %dma_wait3A_139 = arith.constant 120 : i32
    %dma_wait3A_140 = arith.constant 0 : i32
    %dma_wait3A_141 = tpu.memref_slice %arg8[%dma_wait3A_139, %dma_wait3A_140] : memref<125x80xi32, #tpu.memory_space<vmem>> -> memref<1x80xi32, #tpu.memory_space<vmem>>
    %dma_wait3A_142 = tpu.memref_squeeze %dma_wait3A_141 : memref<1x80xi32, #tpu.memory_space<vmem>> -> memref<80xi32, #tpu.memory_space<vmem>>
    %dma_wait3A_143 = arith.constant 0 : i32
    %dma_wait3A_144 = arith.constant 0 : i32
    %dma_wait3A_145 = tpu.memref_slice %arg7[%dma_wait3A_143, %dma_wait3A_144] : memref<10000x128xf32, #tpu.memory_space<vmem_shared>> -> memref<10000x128xf32, #tpu.memory_space<vmem_shared>>
    tpu.wait_indirect_dma semaphore(%arg18 : memref<!tpu.dma_semaphore, #tpu.memory_space<semaphore_mem>>) src(%arg12 : memref<80x128xf32, #tpu.memory_space<vmem>>) dst(%dma_wait3A_145 : memref<10000x128xf32, #tpu.memory_space<vmem_shared>>)
    %dma_start3A_146 = arith.constant 0 : i32
    %dma_start3A_147 = arith.constant 0 : i32
    %dma_start3A_148 = tpu.memref_slice %arg9[%dma_start3A_146, %dma_start3A_147] : memref<1x80xi32, #tpu.memory_space<vmem>> -> memref<1x80xi32, #tpu.memory_space<vmem>>
    %dma_start3A_149 = tpu.memref_squeeze %dma_start3A_148 : memref<1x80xi32, #tpu.memory_space<vmem>> -> memref<80xi32, #tpu.memory_space<vmem>>
    %dma_start3A_150 = arith.constant 0 : i32
    %dma_start3A_151 = arith.constant 0 : i32
    %dma_start3A_152 = tpu.memref_slice %arg2[%dma_start3A_150, %dma_start3A_151] : memref<10000x128xf32, #tpu.memory_space<hbm>> -> memref<10000x128xf32, #tpu.memory_space<hbm>>
    tpu.enqueue_indirect_dma source(%dma_start3A_152 : memref<10000x128xf32, #tpu.memory_space<hbm>>) target(%arg12 : memref<80x128xf32, #tpu.memory_space<vmem>>) offsets(%dma_start3A_149 : memref<80xi32, #tpu.memory_space<vmem>>) semaphore(%arg15 : memref<!tpu.dma_semaphore, #tpu.memory_space<semaphore_mem>>)
    %dma_wait3A_153 = arith.constant 0 : i32
    %dma_wait3A_154 = arith.constant 0 : i32
    %dma_wait3A_155 = tpu.memref_slice %arg11[%dma_wait3A_153, %dma_wait3A_154] : memref<1x80xi32, #tpu.memory_space<vmem>> -> memref<1x80xi32, #tpu.memory_space<vmem>>
    %dma_wait3A_156 = tpu.memref_squeeze %dma_wait3A_155 : memref<1x80xi32, #tpu.memory_space<vmem>> -> memref<80xi32, #tpu.memory_space<vmem>>
    %dma_wait3A_157 = arith.constant 0 : i32
    %dma_wait3A_158 = arith.constant 0 : i32
    %dma_wait3A_159 = tpu.memref_slice %arg2[%dma_wait3A_157, %dma_wait3A_158] : memref<10000x128xf32, #tpu.memory_space<hbm>> -> memref<10000x128xf32, #tpu.memory_space<hbm>>
    tpu.wait_indirect_dma semaphore(%arg17 : memref<!tpu.dma_semaphore, #tpu.memory_space<semaphore_mem>>) src(%dma_wait3A_159 : memref<10000x128xf32, #tpu.memory_space<hbm>>) dst(%arg14 : memref<80x128xf32, #tpu.memory_space<vmem>>)
    %dma_start3A_160 = arith.constant 122 : i32
    %dma_start3A_161 = arith.constant 0 : i32
    %dma_start3A_162 = tpu.memref_slice %arg8[%dma_start3A_160, %dma_start3A_161] : memref<125x80xi32, #tpu.memory_space<vmem>> -> memref<1x80xi32, #tpu.memory_space<vmem>>
    %dma_start3A_163 = tpu.memref_squeeze %dma_start3A_162 : memref<1x80xi32, #tpu.memory_space<vmem>> -> memref<80xi32, #tpu.memory_space<vmem>>
    %dma_start3A_164 = arith.constant 0 : i32
    %dma_start3A_165 = arith.constant 0 : i32
    %dma_start3A_166 = tpu.memref_slice %arg7[%dma_start3A_164, %dma_start3A_165] : memref<10000x128xf32, #tpu.memory_space<vmem_shared>> -> memref<10000x128xf32, #tpu.memory_space<vmem_shared>>
    tpu.enqueue_indirect_dma source(%arg14 : memref<80x128xf32, #tpu.memory_space<vmem>>) target(%dma_start3A_166 : memref<10000x128xf32, #tpu.memory_space<vmem_shared>>) offsets(%dma_start3A_163 : memref<80xi32, #tpu.memory_space<vmem>>) semaphore(%arg20 : memref<!tpu.dma_semaphore, #tpu.memory_space<semaphore_mem>>) {add = true}
    %dma_wait3A_167 = arith.constant 0 : i32
    %dma_wait3A_168 = arith.constant 0 : i32
    %dma_wait3A_169 = arith.constant 0 : i32
    %dma_wait3A_170 = tpu.memref_slice %arg3[%dma_wait3A_167, %add3A, %dma_wait3A_168, %dma_wait3A_169] : memref<125x32x1x80xi32, #tpu.memory_space<hbm>> -> memref<1x1x1x80xi32, #tpu.memory_space<hbm>>
    %dma_wait3A_171 = tpu.memref_squeeze %dma_wait3A_170 : memref<1x1x1x80xi32, #tpu.memory_space<hbm>> -> memref<1x80xi32, #tpu.memory_space<hbm>>
    %dma_wait3A_172 = arith.constant 0 : i32
    %dma_wait3A_173 = arith.constant 0 : i32
    %dma_wait3A_174 = tpu.memref_slice %arg3[%dma_wait3A_167, %add3A, %dma_wait3A_172, %dma_wait3A_173] : memref<125x32x1x80xi32, #tpu.memory_space<hbm>> -> memref<1x1x1x80xi32, #tpu.memory_space<hbm>>
    %dma_wait3A_175 = tpu.memref_squeeze %dma_wait3A_174 : memref<1x1x1x80xi32, #tpu.memory_space<hbm>> -> memref<1x80xi32, #tpu.memory_space<hbm>>
    tpu.wait_dma2 semaphore(%arg22 : memref<!tpu.dma_semaphore, #tpu.memory_space<semaphore_mem>>) src(%dma_wait3A_175 : memref<1x80xi32, #tpu.memory_space<hbm>>) dst(%arg10 : memref<1x80xi32, #tpu.memory_space<vmem>>)
    %dma_wait3A_176 = arith.constant 121 : i32
    %dma_wait3A_177 = arith.constant 0 : i32
    %dma_wait3A_178 = tpu.memref_slice %arg8[%dma_wait3A_176, %dma_wait3A_177] : memref<125x80xi32, #tpu.memory_space<vmem>> -> memref<1x80xi32, #tpu.memory_space<vmem>>
    %dma_wait3A_179 = tpu.memref_squeeze %dma_wait3A_178 : memref<1x80xi32, #tpu.memory_space<vmem>> -> memref<80xi32, #tpu.memory_space<vmem>>
    %dma_wait3A_180 = arith.constant 0 : i32
    %dma_wait3A_181 = arith.constant 0 : i32
    %dma_wait3A_182 = tpu.memref_slice %arg7[%dma_wait3A_180, %dma_wait3A_181] : memref<10000x128xf32, #tpu.memory_space<vmem_shared>> -> memref<10000x128xf32, #tpu.memory_space<vmem_shared>>
    tpu.wait_indirect_dma semaphore(%arg19 : memref<!tpu.dma_semaphore, #tpu.memory_space<semaphore_mem>>) src(%arg13 : memref<80x128xf32, #tpu.memory_space<vmem>>) dst(%dma_wait3A_182 : memref<10000x128xf32, #tpu.memory_space<vmem_shared>>)
    %dma_start3A_183 = arith.constant 0 : i32
    %dma_start3A_184 = arith.constant 0 : i32
    %dma_start3A_185 = tpu.memref_slice %arg10[%dma_start3A_183, %dma_start3A_184] : memref<1x80xi32, #tpu.memory_space<vmem>> -> memref<1x80xi32, #tpu.memory_space<vmem>>
    %dma_start3A_186 = tpu.memref_squeeze %dma_start3A_185 : memref<1x80xi32, #tpu.memory_space<vmem>> -> memref<80xi32, #tpu.memory_space<vmem>>
    %dma_start3A_187 = arith.constant 0 : i32
    %dma_start3A_188 = arith.constant 0 : i32
    %dma_start3A_189 = tpu.memref_slice %arg2[%dma_start3A_187, %dma_start3A_188] : memref<10000x128xf32, #tpu.memory_space<hbm>> -> memref<10000x128xf32, #tpu.memory_space<hbm>>
    tpu.enqueue_indirect_dma source(%dma_start3A_189 : memref<10000x128xf32, #tpu.memory_space<hbm>>) target(%arg13 : memref<80x128xf32, #tpu.memory_space<vmem>>) offsets(%dma_start3A_186 : memref<80xi32, #tpu.memory_space<vmem>>) semaphore(%arg16 : memref<!tpu.dma_semaphore, #tpu.memory_space<semaphore_mem>>)
    %dma_wait3A_190 = arith.constant 0 : i32
    %dma_wait3A_191 = arith.constant 0 : i32
    %dma_wait3A_192 = tpu.memref_slice %arg9[%dma_wait3A_190, %dma_wait3A_191] : memref<1x80xi32, #tpu.memory_space<vmem>> -> memref<1x80xi32, #tpu.memory_space<vmem>>
    %dma_wait3A_193 = tpu.memref_squeeze %dma_wait3A_192 : memref<1x80xi32, #tpu.memory_space<vmem>> -> memref<80xi32, #tpu.memory_space<vmem>>
    %dma_wait3A_194 = arith.constant 0 : i32
    %dma_wait3A_195 = arith.constant 0 : i32
    %dma_wait3A_196 = tpu.memref_slice %arg2[%dma_wait3A_194, %dma_wait3A_195] : memref<10000x128xf32, #tpu.memory_space<hbm>> -> memref<10000x128xf32, #tpu.memory_space<hbm>>
    tpu.wait_indirect_dma semaphore(%arg15 : memref<!tpu.dma_semaphore, #tpu.memory_space<semaphore_mem>>) src(%dma_wait3A_196 : memref<10000x128xf32, #tpu.memory_space<hbm>>) dst(%arg12 : memref<80x128xf32, #tpu.memory_space<vmem>>)
    %dma_start3A_197 = arith.constant 123 : i32
    %dma_start3A_198 = arith.constant 0 : i32
    %dma_start3A_199 = tpu.memref_slice %arg8[%dma_start3A_197, %dma_start3A_198] : memref<125x80xi32, #tpu.memory_space<vmem>> -> memref<1x80xi32, #tpu.memory_space<vmem>>
    %dma_start3A_200 = tpu.memref_squeeze %dma_start3A_199 : memref<1x80xi32, #tpu.memory_space<vmem>> -> memref<80xi32, #tpu.memory_space<vmem>>
    %dma_start3A_201 = arith.constant 0 : i32
    %dma_start3A_202 = arith.constant 0 : i32
    %dma_start3A_203 = tpu.memref_slice %arg7[%dma_start3A_201, %dma_start3A_202] : memref<10000x128xf32, #tpu.memory_space<vmem_shared>> -> memref<10000x128xf32, #tpu.memory_space<vmem_shared>>
    tpu.enqueue_indirect_dma source(%arg12 : memref<80x128xf32, #tpu.memory_space<vmem>>) target(%dma_start3A_203 : memref<10000x128xf32, #tpu.memory_space<vmem_shared>>) offsets(%dma_start3A_200 : memref<80xi32, #tpu.memory_space<vmem>>) semaphore(%arg18 : memref<!tpu.dma_semaphore, #tpu.memory_space<semaphore_mem>>) {add = true}
    %dma_wait3A_204 = arith.constant 0 : i32
    %dma_wait3A_205 = arith.constant 0 : i32
    %dma_wait3A_206 = tpu.memref_slice %arg10[%dma_wait3A_204, %dma_wait3A_205] : memref<1x80xi32, #tpu.memory_space<vmem>> -> memref<1x80xi32, #tpu.memory_space<vmem>>
    %dma_wait3A_207 = tpu.memref_squeeze %dma_wait3A_206 : memref<1x80xi32, #tpu.memory_space<vmem>> -> memref<80xi32, #tpu.memory_space<vmem>>
    %dma_wait3A_208 = arith.constant 0 : i32
    %dma_wait3A_209 = arith.constant 0 : i32
    %dma_wait3A_210 = tpu.memref_slice %arg2[%dma_wait3A_208, %dma_wait3A_209] : memref<10000x128xf32, #tpu.memory_space<hbm>> -> memref<10000x128xf32, #tpu.memory_space<hbm>>
    tpu.wait_indirect_dma semaphore(%arg16 : memref<!tpu.dma_semaphore, #tpu.memory_space<semaphore_mem>>) src(%dma_wait3A_210 : memref<10000x128xf32, #tpu.memory_space<hbm>>) dst(%arg13 : memref<80x128xf32, #tpu.memory_space<vmem>>)
    %dma_start3A_211 = arith.constant 124 : i32
    %dma_start3A_212 = arith.constant 0 : i32
    %dma_start3A_213 = tpu.memref_slice %arg8[%dma_start3A_211, %dma_start3A_212] : memref<125x80xi32, #tpu.memory_space<vmem>> -> memref<1x80xi32, #tpu.memory_space<vmem>>
    %dma_start3A_214 = tpu.memref_squeeze %dma_start3A_213 : memref<1x80xi32, #tpu.memory_space<vmem>> -> memref<80xi32, #tpu.memory_space<vmem>>
    %dma_start3A_215 = arith.constant 0 : i32
    %dma_start3A_216 = arith.constant 0 : i32
    %dma_start3A_217 = tpu.memref_slice %arg7[%dma_start3A_215, %dma_start3A_216] : memref<10000x128xf32, #tpu.memory_space<vmem_shared>> -> memref<10000x128xf32, #tpu.memory_space<vmem_shared>>
    tpu.enqueue_indirect_dma source(%arg13 : memref<80x128xf32, #tpu.memory_space<vmem>>) target(%dma_start3A_217 : memref<10000x128xf32, #tpu.memory_space<vmem_shared>>) offsets(%dma_start3A_214 : memref<80xi32, #tpu.memory_space<vmem>>) semaphore(%arg19 : memref<!tpu.dma_semaphore, #tpu.memory_space<semaphore_mem>>) {add = true}
    %dma_wait3A_218 = arith.constant 122 : i32
    %dma_wait3A_219 = arith.constant 0 : i32
    %dma_wait3A_220 = tpu.memref_slice %arg8[%dma_wait3A_218, %dma_wait3A_219] : memref<125x80xi32, #tpu.memory_space<vmem>> -> memref<1x80xi32, #tpu.memory_space<vmem>>
    %dma_wait3A_221 = tpu.memref_squeeze %dma_wait3A_220 : memref<1x80xi32, #tpu.memory_space<vmem>> -> memref<80xi32, #tpu.memory_space<vmem>>
    %dma_wait3A_222 = arith.constant 0 : i32
    %dma_wait3A_223 = arith.constant 0 : i32
    %dma_wait3A_224 = tpu.memref_slice %arg7[%dma_wait3A_222, %dma_wait3A_223] : memref<10000x128xf32, #tpu.memory_space<vmem_shared>> -> memref<10000x128xf32, #tpu.memory_space<vmem_shared>>
    tpu.wait_indirect_dma semaphore(%arg20 : memref<!tpu.dma_semaphore, #tpu.memory_space<semaphore_mem>>) src(%arg14 : memref<80x128xf32, #tpu.memory_space<vmem>>) dst(%dma_wait3A_224 : memref<10000x128xf32, #tpu.memory_space<vmem_shared>>)
    %dma_wait3A_225 = arith.constant 123 : i32
    %dma_wait3A_226 = arith.constant 0 : i32
    %dma_wait3A_227 = tpu.memref_slice %arg8[%dma_wait3A_225, %dma_wait3A_226] : memref<125x80xi32, #tpu.memory_space<vmem>> -> memref<1x80xi32, #tpu.memory_space<vmem>>
    %dma_wait3A_228 = tpu.memref_squeeze %dma_wait3A_227 : memref<1x80xi32, #tpu.memory_space<vmem>> -> memref<80xi32, #tpu.memory_space<vmem>>
    %dma_wait3A_229 = arith.constant 0 : i32
    %dma_wait3A_230 = arith.constant 0 : i32
    %dma_wait3A_231 = tpu.memref_slice %arg7[%dma_wait3A_229, %dma_wait3A_230] : memref<10000x128xf32, #tpu.memory_space<vmem_shared>> -> memref<10000x128xf32, #tpu.memory_space<vmem_shared>>
    tpu.wait_indirect_dma semaphore(%arg18 : memref<!tpu.dma_semaphore, #tpu.memory_space<semaphore_mem>>) src(%arg12 : memref<80x128xf32, #tpu.memory_space<vmem>>) dst(%dma_wait3A_231 : memref<10000x128xf32, #tpu.memory_space<vmem_shared>>)
    %dma_wait3A_232 = arith.constant 124 : i32
    %dma_wait3A_233 = arith.constant 0 : i32
    %dma_wait3A_234 = tpu.memref_slice %arg8[%dma_wait3A_232, %dma_wait3A_233] : memref<125x80xi32, #tpu.memory_space<vmem>> -> memref<1x80xi32, #tpu.memory_space<vmem>>
    %dma_wait3A_235 = tpu.memref_squeeze %dma_wait3A_234 : memref<1x80xi32, #tpu.memory_space<vmem>> -> memref<80xi32, #tpu.memory_space<vmem>>
    %dma_wait3A_236 = arith.constant 0 : i32
    %dma_wait3A_237 = arith.constant 0 : i32
    %dma_wait3A_238 = tpu.memref_slice %arg7[%dma_wait3A_236, %dma_wait3A_237] : memref<10000x128xf32, #tpu.memory_space<vmem_shared>> -> memref<10000x128xf32, #tpu.memory_space<vmem_shared>>
    tpu.wait_indirect_dma semaphore(%arg19 : memref<!tpu.dma_semaphore, #tpu.memory_space<semaphore_mem>>) src(%arg13 : memref<80x128xf32, #tpu.memory_space<vmem>>) dst(%dma_wait3A_238 : memref<10000x128xf32, #tpu.memory_space<vmem_shared>>)
    %barrier3A_239 = arith.constant 0 : index
    tpu.barrier barrier_id(%barrier3A_239)
    %lt3A_240 = arith.constant 15 : i32
    %lt3A_241 = arith.cmpi slt, %arg1, %lt3A_240 : i32
    %convert_element_type3A_242 = arith.extui %lt3A_241 : i1 to i32
    %cond3A_243 = arith.constant 0 : i32
    %cond3A_244 = arith.cmpi ne, %convert_element_type3A_242, %cond3A_243 : i32
    scf.if %cond3A_244 {
      %mul3A_250 = arith.constant 632 : i32
      %mul3A_251 = arith.muli %arg1, %mul3A_250 : i32
      "tpu.region"() ({
        %run_scoped3A = tpu.sem_alloc : memref<!tpu.dma_semaphore, #tpu.memory_space<semaphore_mem>>
        %dma_start3A_252 = arith.constant 0 : i32
        %dma_start3A_253 = tpu.memref_slice %arg6[%arg0, %mul3A_251, %dma_start3A_252] : memref<2x10000x128xf32, #tpu.memory_space<hbm>> -> memref<1x632x128xf32, #tpu.memory_space<hbm>>
        %dma_start3A_254 = tpu.memref_squeeze %dma_start3A_253 : memref<1x632x128xf32, #tpu.memory_space<hbm>> -> memref<632x128xf32, #tpu.memory_space<hbm>>
        %dma_start3A_255 = arith.constant 0 : i32
        %dma_start3A_256 = tpu.memref_slice %arg7[%mul3A_251, %dma_start3A_255] : memref<10000x128xf32, #tpu.memory_space<vmem_shared>> -> memref<632x128xf32, #tpu.memory_space<vmem_shared>>
        tpu.enqueue_dma source(%dma_start3A_256 : memref<632x128xf32, #tpu.memory_space<vmem_shared>>) target(%dma_start3A_254 : memref<632x128xf32, #tpu.memory_space<hbm>>) target_semaphore(%run_scoped3A : memref<!tpu.dma_semaphore, #tpu.memory_space<semaphore_mem>>)
        %dma_wait3A_257 = arith.constant 0 : i32
        %dma_wait3A_258 = tpu.memref_slice %arg6[%arg0, %mul3A_251, %dma_wait3A_257] : memref<2x10000x128xf32, #tpu.memory_space<hbm>> -> memref<1x632x128xf32, #tpu.memory_space<hbm>>
        %dma_wait3A_259 = tpu.memref_squeeze %dma_wait3A_258 : memref<1x632x128xf32, #tpu.memory_space<hbm>> -> memref<632x128xf32, #tpu.memory_space<hbm>>
        %dma_wait3A_260 = arith.constant 0 : i32
        %dma_wait3A_261 = tpu.memref_slice %arg7[%mul3A_251, %dma_wait3A_260] : memref<10000x128xf32, #tpu.memory_space<vmem_shared>> -> memref<632x128xf32, #tpu.memory_space<vmem_shared>>
        tpu.wait_dma2 semaphore(%run_scoped3A : memref<!tpu.dma_semaphore, #tpu.memory_space<semaphore_mem>>) src(%dma_wait3A_261 : memref<632x128xf32, #tpu.memory_space<vmem_shared>>) dst(%dma_wait3A_259 : memref<632x128xf32, #tpu.memory_space<hbm>>)
        tpu.yield
      }) : () -> ()
    } else {
    }
    %eq3A_245 = arith.constant 15 : i32
    %eq3A_246 = arith.cmpi eq, %arg1, %eq3A_245 : i32
    %convert_element_type3A_247 = arith.extui %eq3A_246 : i1 to i32
    %cond3A_248 = arith.constant 0 : i32
    %cond3A_249 = arith.cmpi ne, %convert_element_type3A_247, %cond3A_248 : i32
    scf.if %cond3A_249 {
      "tpu.region"() ({
        %run_scoped3A = tpu.sem_alloc : memref<!tpu.dma_semaphore, #tpu.memory_space<semaphore_mem>>
        %dma_start3A_250 = arith.constant 9480 : i32
        %dma_start3A_251 = arith.constant 0 : i32
        %dma_start3A_252 = tpu.memref_slice %arg6[%arg0, %dma_start3A_250, %dma_start3A_251] : memref<2x10000x128xf32, #tpu.memory_space<hbm>> -> memref<1x520x128xf32, #tpu.memory_space<hbm>>
        %dma_start3A_253 = tpu.memref_squeeze %dma_start3A_252 : memref<1x520x128xf32, #tpu.memory_space<hbm>> -> memref<520x128xf32, #tpu.memory_space<hbm>>
        %dma_start3A_254 = arith.constant 9480 : i32
        %dma_start3A_255 = arith.constant 0 : i32
        %dma_start3A_256 = tpu.memref_slice %arg7[%dma_start3A_254, %dma_start3A_255] : memref<10000x128xf32, #tpu.memory_space<vmem_shared>> -> memref<520x128xf32, #tpu.memory_space<vmem_shared>>
        tpu.enqueue_dma source(%dma_start3A_256 : memref<520x128xf32, #tpu.memory_space<vmem_shared>>) target(%dma_start3A_253 : memref<520x128xf32, #tpu.memory_space<hbm>>) target_semaphore(%run_scoped3A : memref<!tpu.dma_semaphore, #tpu.memory_space<semaphore_mem>>)
        %dma_wait3A_257 = arith.constant 9480 : i32
        %dma_wait3A_258 = arith.constant 0 : i32
        %dma_wait3A_259 = tpu.memref_slice %arg6[%arg0, %dma_wait3A_257, %dma_wait3A_258] : memref<2x10000x128xf32, #tpu.memory_space<hbm>> -> memref<1x520x128xf32, #tpu.memory_space<hbm>>
        %dma_wait3A_260 = tpu.memref_squeeze %dma_wait3A_259 : memref<1x520x128xf32, #tpu.memory_space<hbm>> -> memref<520x128xf32, #tpu.memory_space<hbm>>
        %dma_wait3A_261 = arith.constant 9480 : i32
        %dma_wait3A_262 = arith.constant 0 : i32
        %dma_wait3A_263 = tpu.memref_slice %arg7[%dma_wait3A_261, %dma_wait3A_262] : memref<10000x128xf32, #tpu.memory_space<vmem_shared>> -> memref<520x128xf32, #tpu.memory_space<vmem_shared>>
        tpu.wait_dma2 semaphore(%run_scoped3A : memref<!tpu.dma_semaphore, #tpu.memory_space<semaphore_mem>>) src(%dma_wait3A_263 : memref<520x128xf32, #tpu.memory_space<vmem_shared>>) dst(%dma_wait3A_260 : memref<520x128xf32, #tpu.memory_space<hbm>>)
        tpu.yield
      }) : () -> ()
    } else {
    }
    return
  }
}

#map = affine_map<(d0, d1) -> (0, 0)>
#map1 = affine_map<(d0, d1) -> (0, 0, 0, 0)>
#map2 = affine_map<(d0, d1) -> (0, 0, 0)>
module attributes {stable_mosaic.version = 14 : i64} {
  func.func @_agg_body(%arg0: i32, %arg1: i32, %arg2: memref<10000x128xf32, #tpu.memory_space<hbm>>, %arg3: memref<125x32x1x80xi32, #tpu.memory_space<hbm>>, %arg4: memref<32x125x80xi32, #tpu.memory_space<hbm>>, %arg5: memref<10000x128xf32, #tpu.memory_space<hbm>>, %arg6: memref<2x10000x128xf32, #tpu.memory_space<hbm>>, %arg7: memref<10000x128xf32, #tpu.memory_space<vmem_shared>>, %arg8: memref<125x80xi32, #tpu.memory_space<vmem>>, %arg9: memref<1x80xi32, #tpu.memory_space<vmem>>, %arg10: memref<1x80xi32, #tpu.memory_space<vmem>>, %arg11: memref<1x80xi32, #tpu.memory_space<vmem>>, %arg12: memref<80x128xf32, #tpu.memory_space<vmem>>, %arg13: memref<80x128xf32, #tpu.memory_space<vmem>>, %arg14: memref<80x128xf32, #tpu.memory_space<vmem>>, %arg15: memref<!tpu.dma_semaphore, #tpu.memory_space<semaphore_mem>>, %arg16: memref<!tpu.dma_semaphore, #tpu.memory_space<semaphore_mem>>, %arg17: memref<!tpu.dma_semaphore, #tpu.memory_space<semaphore_mem>>, %arg18: memref<!tpu.dma_semaphore, #tpu.memory_space<semaphore_mem>>, %arg19: memref<!tpu.dma_semaphore, #tpu.memory_space<semaphore_mem>>, %arg20: memref<!tpu.dma_semaphore, #tpu.memory_space<semaphore_mem>>, %arg21: memref<!tpu.dma_semaphore, #tpu.memory_space<semaphore_mem>>, %arg22: memref<!tpu.dma_semaphore, #tpu.memory_space<semaphore_mem>>, %arg23: memref<!tpu.dma_semaphore, #tpu.memory_space<semaphore_mem>>) attributes {dimension_semantics = [#tpu.dimension_semantics<core_parallel>, #tpu.dimension_semantics<subcore_parallel>], iteration_bounds = array<i64: 2, 16>, scalar_prefetch = 0 : i64, scratch_operands = 17 : i64, tpu.core_type = #tpu.core_type<sc_vector_subcore>, window_params = [{transform_indices = #map}, {transform_indices = #map1}, {transform_indices = #map2}, {transform_indices = #map}, {transform_indices = #map2}]} {
    %mul3A = arith.constant 16 : i32
    %mul3A_0 = arith.muli %arg0, %mul3A : i32
    %add3A = arith.addi %mul3A_0, %arg1 : i32
    %dma_start3A = arith.constant 0 : i32
    %dma_start3A_1 = arith.constant 0 : i32
    %dma_start3A_2 = arith.constant 0 : i32
    %dma_start3A_3 = tpu.memref_slice %arg3[%dma_start3A, %add3A, %dma_start3A_1, %dma_start3A_2] : memref<125x32x1x80xi32, #tpu.memory_space<hbm>> -> memref<1x1x1x80xi32, #tpu.memory_space<hbm>>
    %dma_start3A_4 = tpu.memref_squeeze %dma_start3A_3 : memref<1x1x1x80xi32, #tpu.memory_space<hbm>> -> memref<1x80xi32, #tpu.memory_space<hbm>>
    %dma_start3A_5 = arith.constant 0 : i32
    %dma_start3A_6 = arith.constant 0 : i32
    %dma_start3A_7 = tpu.memref_slice %arg3[%dma_start3A, %add3A, %dma_start3A_5, %dma_start3A_6] : memref<125x32x1x80xi32, #tpu.memory_space<hbm>> -> memref<1x1x1x80xi32, #tpu.memory_space<hbm>>
    %dma_start3A_8 = tpu.memref_squeeze %dma_start3A_7 : memref<1x1x1x80xi32, #tpu.memory_space<hbm>> -> memref<1x80xi32, #tpu.memory_space<hbm>>
    tpu.enqueue_dma source(%dma_start3A_8 : memref<1x80xi32, #tpu.memory_space<hbm>>) target(%arg9 : memref<1x80xi32, #tpu.memory_space<vmem>>) target_semaphore(%arg21 : memref<!tpu.dma_semaphore, #tpu.memory_space<semaphore_mem>>)
    %dma_start3A_9 = arith.constant 1 : i32
    %dma_start3A_10 = arith.constant 0 : i32
    %dma_start3A_11 = arith.constant 0 : i32
    %dma_start3A_12 = tpu.memref_slice %arg3[%dma_start3A_9, %add3A, %dma_start3A_10, %dma_start3A_11] : memref<125x32x1x80xi32, #tpu.memory_space<hbm>> -> memref<1x1x1x80xi32, #tpu.memory_space<hbm>>
    %dma_start3A_13 = tpu.memref_squeeze %dma_start3A_12 : memref<1x1x1x80xi32, #tpu.memory_space<hbm>> -> memref<1x80xi32, #tpu.memory_space<hbm>>
    %dma_start3A_14 = arith.constant 0 : i32
    %dma_start3A_15 = arith.constant 0 : i32
    %dma_start3A_16 = tpu.memref_slice %arg3[%dma_start3A_9, %add3A, %dma_start3A_14, %dma_start3A_15] : memref<125x32x1x80xi32, #tpu.memory_space<hbm>> -> memref<1x1x1x80xi32, #tpu.memory_space<hbm>>
    %dma_start3A_17 = tpu.memref_squeeze %dma_start3A_16 : memref<1x1x1x80xi32, #tpu.memory_space<hbm>> -> memref<1x80xi32, #tpu.memory_space<hbm>>
    tpu.enqueue_dma source(%dma_start3A_17 : memref<1x80xi32, #tpu.memory_space<hbm>>) target(%arg10 : memref<1x80xi32, #tpu.memory_space<vmem>>) target_semaphore(%arg22 : memref<!tpu.dma_semaphore, #tpu.memory_space<semaphore_mem>>)
    %dma_start3A_18 = arith.constant 2 : i32
    %dma_start3A_19 = arith.constant 0 : i32
    %dma_start3A_20 = arith.constant 0 : i32
    %dma_start3A_21 = tpu.memref_slice %arg3[%dma_start3A_18, %add3A, %dma_start3A_19, %dma_start3A_20] : memref<125x32x1x80xi32, #tpu.memory_space<hbm>> -> memref<1x1x1x80xi32, #tpu.memory_space<hbm>>
    %dma_start3A_22 = tpu.memref_squeeze %dma_start3A_21 : memref<1x1x1x80xi32, #tpu.memory_space<hbm>> -> memref<1x80xi32, #tpu.memory_space<hbm>>
    %dma_start3A_23 = arith.constant 0 : i32
    %dma_start3A_24 = arith.constant 0 : i32
    %dma_start3A_25 = tpu.memref_slice %arg3[%dma_start3A_18, %add3A, %dma_start3A_23, %dma_start3A_24] : memref<125x32x1x80xi32, #tpu.memory_space<hbm>> -> memref<1x1x1x80xi32, #tpu.memory_space<hbm>>
    %dma_start3A_26 = tpu.memref_squeeze %dma_start3A_25 : memref<1x1x1x80xi32, #tpu.memory_space<hbm>> -> memref<1x80xi32, #tpu.memory_space<hbm>>
    tpu.enqueue_dma source(%dma_start3A_26 : memref<1x80xi32, #tpu.memory_space<hbm>>) target(%arg11 : memref<1x80xi32, #tpu.memory_space<vmem>>) target_semaphore(%arg23 : memref<!tpu.dma_semaphore, #tpu.memory_space<semaphore_mem>>)
    "tpu.region"() ({
      %run_scoped3A = tpu.sem_alloc : memref<!tpu.dma_semaphore, #tpu.memory_space<semaphore_mem>>
      %dma_start3A_250 = arith.constant 0 : i32
      %dma_start3A_251 = arith.constant 0 : i32
      %dma_start3A_252 = tpu.memref_slice %arg4[%add3A, %dma_start3A_250, %dma_start3A_251] : memref<32x125x80xi32, #tpu.memory_space<hbm>> -> memref<1x125x80xi32, #tpu.memory_space<hbm>>
      %dma_start3A_253 = tpu.memref_squeeze %dma_start3A_252 : memref<1x125x80xi32, #tpu.memory_space<hbm>> -> memref<125x80xi32, #tpu.memory_space<hbm>>
      %dma_start3A_254 = arith.constant 0 : i32
      %dma_start3A_255 = arith.constant 0 : i32
      %dma_start3A_256 = tpu.memref_slice %arg4[%add3A, %dma_start3A_254, %dma_start3A_255] : memref<32x125x80xi32, #tpu.memory_space<hbm>> -> memref<1x125x80xi32, #tpu.memory_space<hbm>>
      %dma_start3A_257 = tpu.memref_squeeze %dma_start3A_256 : memref<1x125x80xi32, #tpu.memory_space<hbm>> -> memref<125x80xi32, #tpu.memory_space<hbm>>
      tpu.enqueue_dma source(%dma_start3A_257 : memref<125x80xi32, #tpu.memory_space<hbm>>) target(%arg8 : memref<125x80xi32, #tpu.memory_space<vmem>>) target_semaphore(%run_scoped3A : memref<!tpu.dma_semaphore, #tpu.memory_space<semaphore_mem>>)
      %dma_wait3A_258 = arith.constant 0 : i32
      %dma_wait3A_259 = arith.constant 0 : i32
      %dma_wait3A_260 = tpu.memref_slice %arg4[%add3A, %dma_wait3A_258, %dma_wait3A_259] : memref<32x125x80xi32, #tpu.memory_space<hbm>> -> memref<1x125x80xi32, #tpu.memory_space<hbm>>
      %dma_wait3A_261 = tpu.memref_squeeze %dma_wait3A_260 : memref<1x125x80xi32, #tpu.memory_space<hbm>> -> memref<125x80xi32, #tpu.memory_space<hbm>>
      %dma_wait3A_262 = arith.constant 0 : i32
      %dma_wait3A_263 = arith.constant 0 : i32
      %dma_wait3A_264 = tpu.memref_slice %arg4[%add3A, %dma_wait3A_262, %dma_wait3A_263] : memref<32x125x80xi32, #tpu.memory_space<hbm>> -> memref<1x125x80xi32, #tpu.memory_space<hbm>>
      %dma_wait3A_265 = tpu.memref_squeeze %dma_wait3A_264 : memref<1x125x80xi32, #tpu.memory_space<hbm>> -> memref<125x80xi32, #tpu.memory_space<hbm>>
      tpu.wait_dma2 semaphore(%run_scoped3A : memref<!tpu.dma_semaphore, #tpu.memory_space<semaphore_mem>>) src(%dma_wait3A_265 : memref<125x80xi32, #tpu.memory_space<hbm>>) dst(%arg8 : memref<125x80xi32, #tpu.memory_space<vmem>>)
      tpu.yield
    }) : () -> ()
    %dma_wait3A = arith.constant 0 : i32
    %dma_wait3A_27 = arith.constant 0 : i32
    %dma_wait3A_28 = arith.constant 0 : i32
    %dma_wait3A_29 = tpu.memref_slice %arg3[%dma_wait3A, %add3A, %dma_wait3A_27, %dma_wait3A_28] : memref<125x32x1x80xi32, #tpu.memory_space<hbm>> -> memref<1x1x1x80xi32, #tpu.memory_space<hbm>>
    %dma_wait3A_30 = tpu.memref_squeeze %dma_wait3A_29 : memref<1x1x1x80xi32, #tpu.memory_space<hbm>> -> memref<1x80xi32, #tpu.memory_space<hbm>>
    %dma_wait3A_31 = arith.constant 0 : i32
    %dma_wait3A_32 = arith.constant 0 : i32
    %dma_wait3A_33 = tpu.memref_slice %arg3[%dma_wait3A, %add3A, %dma_wait3A_31, %dma_wait3A_32] : memref<125x32x1x80xi32, #tpu.memory_space<hbm>> -> memref<1x1x1x80xi32, #tpu.memory_space<hbm>>
    %dma_wait3A_34 = tpu.memref_squeeze %dma_wait3A_33 : memref<1x1x1x80xi32, #tpu.memory_space<hbm>> -> memref<1x80xi32, #tpu.memory_space<hbm>>
    tpu.wait_dma2 semaphore(%arg21 : memref<!tpu.dma_semaphore, #tpu.memory_space<semaphore_mem>>) src(%dma_wait3A_34 : memref<1x80xi32, #tpu.memory_space<hbm>>) dst(%arg9 : memref<1x80xi32, #tpu.memory_space<vmem>>)
    %dma_start3A_35 = arith.constant 0 : i32
    %dma_start3A_36 = arith.constant 0 : i32
    %dma_start3A_37 = tpu.memref_slice %arg9[%dma_start3A_35, %dma_start3A_36] : memref<1x80xi32, #tpu.memory_space<vmem>> -> memref<1x80xi32, #tpu.memory_space<vmem>>
    %dma_start3A_38 = tpu.memref_squeeze %dma_start3A_37 : memref<1x80xi32, #tpu.memory_space<vmem>> -> memref<80xi32, #tpu.memory_space<vmem>>
    %dma_start3A_39 = arith.constant 0 : i32
    %dma_start3A_40 = arith.constant 0 : i32
    %dma_start3A_41 = tpu.memref_slice %arg2[%dma_start3A_39, %dma_start3A_40] : memref<10000x128xf32, #tpu.memory_space<hbm>> -> memref<10000x128xf32, #tpu.memory_space<hbm>>
    tpu.enqueue_indirect_dma source(%dma_start3A_41 : memref<10000x128xf32, #tpu.memory_space<hbm>>) target(%arg12 : memref<80x128xf32, #tpu.memory_space<vmem>>) offsets(%dma_start3A_38 : memref<80xi32, #tpu.memory_space<vmem>>) semaphore(%arg15 : memref<!tpu.dma_semaphore, #tpu.memory_space<semaphore_mem>>)
    %dma_wait3A_42 = arith.constant 0 : i32
    %dma_wait3A_43 = arith.constant 0 : i32
    %dma_wait3A_44 = arith.constant 0 : i32
    %dma_wait3A_45 = tpu.memref_slice %arg3[%dma_wait3A_42, %add3A, %dma_wait3A_43, %dma_wait3A_44] : memref<125x32x1x80xi32, #tpu.memory_space<hbm>> -> memref<1x1x1x80xi32, #tpu.memory_space<hbm>>
    %dma_wait3A_46 = tpu.memref_squeeze %dma_wait3A_45 : memref<1x1x1x80xi32, #tpu.memory_space<hbm>> -> memref<1x80xi32, #tpu.memory_space<hbm>>
    %dma_wait3A_47 = arith.constant 0 : i32
    %dma_wait3A_48 = arith.constant 0 : i32
    %dma_wait3A_49 = tpu.memref_slice %arg3[%dma_wait3A_42, %add3A, %dma_wait3A_47, %dma_wait3A_48] : memref<125x32x1x80xi32, #tpu.memory_space<hbm>> -> memref<1x1x1x80xi32, #tpu.memory_space<hbm>>
    %dma_wait3A_50 = tpu.memref_squeeze %dma_wait3A_49 : memref<1x1x1x80xi32, #tpu.memory_space<hbm>> -> memref<1x80xi32, #tpu.memory_space<hbm>>
    tpu.wait_dma2 semaphore(%arg22 : memref<!tpu.dma_semaphore, #tpu.memory_space<semaphore_mem>>) src(%dma_wait3A_50 : memref<1x80xi32, #tpu.memory_space<hbm>>) dst(%arg10 : memref<1x80xi32, #tpu.memory_space<vmem>>)
    %dma_start3A_51 = arith.constant 0 : i32
    %dma_start3A_52 = arith.constant 0 : i32
    %dma_start3A_53 = tpu.memref_slice %arg10[%dma_start3A_51, %dma_start3A_52] : memref<1x80xi32, #tpu.memory_space<vmem>> -> memref<1x80xi32, #tpu.memory_space<vmem>>
    %dma_start3A_54 = tpu.memref_squeeze %dma_start3A_53 : memref<1x80xi32, #tpu.memory_space<vmem>> -> memref<80xi32, #tpu.memory_space<vmem>>
    %dma_start3A_55 = arith.constant 0 : i32
    %dma_start3A_56 = arith.constant 0 : i32
    %dma_start3A_57 = tpu.memref_slice %arg2[%dma_start3A_55, %dma_start3A_56] : memref<10000x128xf32, #tpu.memory_space<hbm>> -> memref<10000x128xf32, #tpu.memory_space<hbm>>
    tpu.enqueue_indirect_dma source(%dma_start3A_57 : memref<10000x128xf32, #tpu.memory_space<hbm>>) target(%arg13 : memref<80x128xf32, #tpu.memory_space<vmem>>) offsets(%dma_start3A_54 : memref<80xi32, #tpu.memory_space<vmem>>) semaphore(%arg16 : memref<!tpu.dma_semaphore, #tpu.memory_space<semaphore_mem>>)
    %lt3A = arith.constant 15 : i32
    %lt3A_58 = arith.cmpi slt, %arg1, %lt3A : i32
    %convert_element_type3A = arith.extui %lt3A_58 : i1 to i32
    %cond3A = arith.constant 0 : i32
    %cond3A_59 = arith.cmpi ne, %convert_element_type3A, %cond3A : i32
    scf.if %cond3A_59 {
      %mul3A_250 = arith.constant 632 : i32
      %mul3A_251 = arith.muli %arg1, %mul3A_250 : i32
      "tpu.region"() ({
        %run_scoped3A = tpu.sem_alloc : memref<!tpu.dma_semaphore, #tpu.memory_space<semaphore_mem>>
        %dma_start3A_252 = arith.constant 0 : i32
        %dma_start3A_253 = tpu.memref_slice %arg7[%mul3A_251, %dma_start3A_252] : memref<10000x128xf32, #tpu.memory_space<vmem_shared>> -> memref<632x128xf32, #tpu.memory_space<vmem_shared>>
        %dma_start3A_254 = arith.constant 0 : i32
        %dma_start3A_255 = tpu.memref_slice %arg5[%mul3A_251, %dma_start3A_254] : memref<10000x128xf32, #tpu.memory_space<hbm>> -> memref<632x128xf32, #tpu.memory_space<hbm>>
        tpu.enqueue_dma source(%dma_start3A_255 : memref<632x128xf32, #tpu.memory_space<hbm>>) target(%dma_start3A_253 : memref<632x128xf32, #tpu.memory_space<vmem_shared>>) target_semaphore(%run_scoped3A : memref<!tpu.dma_semaphore, #tpu.memory_space<semaphore_mem>>)
        %dma_wait3A_256 = arith.constant 0 : i32
        %dma_wait3A_257 = tpu.memref_slice %arg7[%mul3A_251, %dma_wait3A_256] : memref<10000x128xf32, #tpu.memory_space<vmem_shared>> -> memref<632x128xf32, #tpu.memory_space<vmem_shared>>
        %dma_wait3A_258 = arith.constant 0 : i32
        %dma_wait3A_259 = tpu.memref_slice %arg5[%mul3A_251, %dma_wait3A_258] : memref<10000x128xf32, #tpu.memory_space<hbm>> -> memref<632x128xf32, #tpu.memory_space<hbm>>
        tpu.wait_dma2 semaphore(%run_scoped3A : memref<!tpu.dma_semaphore, #tpu.memory_space<semaphore_mem>>) src(%dma_wait3A_259 : memref<632x128xf32, #tpu.memory_space<hbm>>) dst(%dma_wait3A_257 : memref<632x128xf32, #tpu.memory_space<vmem_shared>>)
        tpu.yield
      }) : () -> ()
    } else {
    }
    %eq3A = arith.constant 15 : i32
    %eq3A_60 = arith.cmpi eq, %arg1, %eq3A : i32
    %convert_element_type3A_61 = arith.extui %eq3A_60 : i1 to i32
    %cond3A_62 = arith.constant 0 : i32
    %cond3A_63 = arith.cmpi ne, %convert_element_type3A_61, %cond3A_62 : i32
    scf.if %cond3A_63 {
      "tpu.region"() ({
        %run_scoped3A = tpu.sem_alloc : memref<!tpu.dma_semaphore, #tpu.memory_space<semaphore_mem>>
        %dma_start3A_250 = arith.constant 9480 : i32
        %dma_start3A_251 = arith.constant 0 : i32
        %dma_start3A_252 = tpu.memref_slice %arg7[%dma_start3A_250, %dma_start3A_251] : memref<10000x128xf32, #tpu.memory_space<vmem_shared>> -> memref<520x128xf32, #tpu.memory_space<vmem_shared>>
        %dma_start3A_253 = arith.constant 9480 : i32
        %dma_start3A_254 = arith.constant 0 : i32
        %dma_start3A_255 = tpu.memref_slice %arg5[%dma_start3A_253, %dma_start3A_254] : memref<10000x128xf32, #tpu.memory_space<hbm>> -> memref<520x128xf32, #tpu.memory_space<hbm>>
        tpu.enqueue_dma source(%dma_start3A_255 : memref<520x128xf32, #tpu.memory_space<hbm>>) target(%dma_start3A_252 : memref<520x128xf32, #tpu.memory_space<vmem_shared>>) target_semaphore(%run_scoped3A : memref<!tpu.dma_semaphore, #tpu.memory_space<semaphore_mem>>)
        %dma_wait3A_256 = arith.constant 9480 : i32
        %dma_wait3A_257 = arith.constant 0 : i32
        %dma_wait3A_258 = tpu.memref_slice %arg7[%dma_wait3A_256, %dma_wait3A_257] : memref<10000x128xf32, #tpu.memory_space<vmem_shared>> -> memref<520x128xf32, #tpu.memory_space<vmem_shared>>
        %dma_wait3A_259 = arith.constant 9480 : i32
        %dma_wait3A_260 = arith.constant 0 : i32
        %dma_wait3A_261 = tpu.memref_slice %arg5[%dma_wait3A_259, %dma_wait3A_260] : memref<10000x128xf32, #tpu.memory_space<hbm>> -> memref<520x128xf32, #tpu.memory_space<hbm>>
        tpu.wait_dma2 semaphore(%run_scoped3A : memref<!tpu.dma_semaphore, #tpu.memory_space<semaphore_mem>>) src(%dma_wait3A_261 : memref<520x128xf32, #tpu.memory_space<hbm>>) dst(%dma_wait3A_258 : memref<520x128xf32, #tpu.memory_space<vmem_shared>>)
        tpu.yield
      }) : () -> ()
    } else {
    }
    %barrier3A = arith.constant 0 : index
    tpu.barrier barrier_id(%barrier3A)
    %dma_wait3A_64 = arith.constant 0 : i32
    %dma_wait3A_65 = arith.constant 0 : i32
    %dma_wait3A_66 = tpu.memref_slice %arg9[%dma_wait3A_64, %dma_wait3A_65] : memref<1x80xi32, #tpu.memory_space<vmem>> -> memref<1x80xi32, #tpu.memory_space<vmem>>
    %dma_wait3A_67 = tpu.memref_squeeze %dma_wait3A_66 : memref<1x80xi32, #tpu.memory_space<vmem>> -> memref<80xi32, #tpu.memory_space<vmem>>
    %dma_wait3A_68 = arith.constant 0 : i32
    %dma_wait3A_69 = arith.constant 0 : i32
    %dma_wait3A_70 = tpu.memref_slice %arg2[%dma_wait3A_68, %dma_wait3A_69] : memref<10000x128xf32, #tpu.memory_space<hbm>> -> memref<10000x128xf32, #tpu.memory_space<hbm>>
    tpu.wait_indirect_dma semaphore(%arg15 : memref<!tpu.dma_semaphore, #tpu.memory_space<semaphore_mem>>) src(%dma_wait3A_70 : memref<10000x128xf32, #tpu.memory_space<hbm>>) dst(%arg12 : memref<80x128xf32, #tpu.memory_space<vmem>>)
    %dma_start3A_71 = arith.constant 0 : i32
    %dma_start3A_72 = arith.constant 0 : i32
    %dma_start3A_73 = tpu.memref_slice %arg8[%dma_start3A_71, %dma_start3A_72] : memref<125x80xi32, #tpu.memory_space<vmem>> -> memref<1x80xi32, #tpu.memory_space<vmem>>
    %dma_start3A_74 = tpu.memref_squeeze %dma_start3A_73 : memref<1x80xi32, #tpu.memory_space<vmem>> -> memref<80xi32, #tpu.memory_space<vmem>>
    %dma_start3A_75 = arith.constant 0 : i32
    %dma_start3A_76 = arith.constant 0 : i32
    %dma_start3A_77 = tpu.memref_slice %arg7[%dma_start3A_75, %dma_start3A_76] : memref<10000x128xf32, #tpu.memory_space<vmem_shared>> -> memref<10000x128xf32, #tpu.memory_space<vmem_shared>>
    tpu.enqueue_indirect_dma source(%arg12 : memref<80x128xf32, #tpu.memory_space<vmem>>) target(%dma_start3A_77 : memref<10000x128xf32, #tpu.memory_space<vmem_shared>>) offsets(%dma_start3A_74 : memref<80xi32, #tpu.memory_space<vmem>>) semaphore(%arg18 : memref<!tpu.dma_semaphore, #tpu.memory_space<semaphore_mem>>) {add = true}
    %dma_start3A_78 = arith.constant 3 : i32
    %dma_start3A_79 = arith.constant 0 : i32
    %dma_start3A_80 = arith.constant 0 : i32
    %dma_start3A_81 = tpu.memref_slice %arg3[%dma_start3A_78, %add3A, %dma_start3A_79, %dma_start3A_80] : memref<125x32x1x80xi32, #tpu.memory_space<hbm>> -> memref<1x1x1x80xi32, #tpu.memory_space<hbm>>
    %dma_start3A_82 = tpu.memref_squeeze %dma_start3A_81 : memref<1x1x1x80xi32, #tpu.memory_space<hbm>> -> memref<1x80xi32, #tpu.memory_space<hbm>>
    %dma_start3A_83 = arith.constant 0 : i32
    %dma_start3A_84 = arith.constant 0 : i32
    %dma_start3A_85 = tpu.memref_slice %arg3[%dma_start3A_78, %add3A, %dma_start3A_83, %dma_start3A_84] : memref<125x32x1x80xi32, #tpu.memory_space<hbm>> -> memref<1x1x1x80xi32, #tpu.memory_space<hbm>>
    %dma_start3A_86 = tpu.memref_squeeze %dma_start3A_85 : memref<1x1x1x80xi32, #tpu.memory_space<hbm>> -> memref<1x80xi32, #tpu.memory_space<hbm>>
    tpu.enqueue_dma source(%dma_start3A_86 : memref<1x80xi32, #tpu.memory_space<hbm>>) target(%arg9 : memref<1x80xi32, #tpu.memory_space<vmem>>) target_semaphore(%arg21 : memref<!tpu.dma_semaphore, #tpu.memory_space<semaphore_mem>>)
    %dma_wait3A_87 = arith.constant 0 : i32
    %dma_wait3A_88 = arith.constant 0 : i32
    %dma_wait3A_89 = arith.constant 0 : i32
    %dma_wait3A_90 = tpu.memref_slice %arg3[%dma_wait3A_87, %add3A, %dma_wait3A_88, %dma_wait3A_89] : memref<125x32x1x80xi32, #tpu.memory_space<hbm>> -> memref<1x1x1x80xi32, #tpu.memory_space<hbm>>
    %dma_wait3A_91 = tpu.memref_squeeze %dma_wait3A_90 : memref<1x1x1x80xi32, #tpu.memory_space<hbm>> -> memref<1x80xi32, #tpu.memory_space<hbm>>
    %dma_wait3A_92 = arith.constant 0 : i32
    %dma_wait3A_93 = arith.constant 0 : i32
    %dma_wait3A_94 = tpu.memref_slice %arg3[%dma_wait3A_87, %add3A, %dma_wait3A_92, %dma_wait3A_93] : memref<125x32x1x80xi32, #tpu.memory_space<hbm>> -> memref<1x1x1x80xi32, #tpu.memory_space<hbm>>
    %dma_wait3A_95 = tpu.memref_squeeze %dma_wait3A_94 : memref<1x1x1x80xi32, #tpu.memory_space<hbm>> -> memref<1x80xi32, #tpu.memory_space<hbm>>
    tpu.wait_dma2 semaphore(%arg23 : memref<!tpu.dma_semaphore, #tpu.memory_space<semaphore_mem>>) src(%dma_wait3A_95 : memref<1x80xi32, #tpu.memory_space<hbm>>) dst(%arg11 : memref<1x80xi32, #tpu.memory_space<vmem>>)
    %dma_start3A_96 = arith.constant 0 : i32
    %dma_start3A_97 = arith.constant 0 : i32
    %dma_start3A_98 = tpu.memref_slice %arg11[%dma_start3A_96, %dma_start3A_97] : memref<1x80xi32, #tpu.memory_space<vmem>> -> memref<1x80xi32, #tpu.memory_space<vmem>>
    %dma_start3A_99 = tpu.memref_squeeze %dma_start3A_98 : memref<1x80xi32, #tpu.memory_space<vmem>> -> memref<80xi32, #tpu.memory_space<vmem>>
    %dma_start3A_100 = arith.constant 0 : i32
    %dma_start3A_101 = arith.constant 0 : i32
    %dma_start3A_102 = tpu.memref_slice %arg2[%dma_start3A_100, %dma_start3A_101] : memref<10000x128xf32, #tpu.memory_space<hbm>> -> memref<10000x128xf32, #tpu.memory_space<hbm>>
    tpu.enqueue_indirect_dma source(%dma_start3A_102 : memref<10000x128xf32, #tpu.memory_space<hbm>>) target(%arg14 : memref<80x128xf32, #tpu.memory_space<vmem>>) offsets(%dma_start3A_99 : memref<80xi32, #tpu.memory_space<vmem>>) semaphore(%arg17 : memref<!tpu.dma_semaphore, #tpu.memory_space<semaphore_mem>>)
    %scan3A = arith.constant 0 : i32
    %scan3A_103 = arith.constant 40 : i32
    %scan3A_104 = arith.addi %scan3A, %scan3A_103 : i32
    %scan3A_105 = arith.constant 1 : i32
    scf.for %scan3A_250 = %scan3A to %scan3A_104 step %scan3A_105  : i32 {
      %mul3A_251 = arith.constant 1 : i32
      %mul3A_252 = arith.muli %scan3A_250, %mul3A_251 : i32
      %add3A_253 = arith.constant 0 : i32
      %add3A_254 = arith.addi %add3A_253, %mul3A_252 : i32
      %mul3A_255 = arith.constant 3 : i32
      %mul3A_256 = arith.muli %mul3A_255, %add3A_254 : i32
      %add3A_257 = arith.constant 1 : i32
      %add3A_258 = arith.addi %mul3A_256, %add3A_257 : i32
      %dma_wait3A_259 = arith.constant 0 : i32
      %dma_wait3A_260 = arith.constant 0 : i32
      %dma_wait3A_261 = tpu.memref_slice %arg10[%dma_wait3A_259, %dma_wait3A_260] : memref<1x80xi32, #tpu.memory_space<vmem>> -> memref<1x80xi32, #tpu.memory_space<vmem>>
      %dma_wait3A_262 = tpu.memref_squeeze %dma_wait3A_261 : memref<1x80xi32, #tpu.memory_space<vmem>> -> memref<80xi32, #tpu.memory_space<vmem>>
      %dma_wait3A_263 = arith.constant 0 : i32
      %dma_wait3A_264 = arith.constant 0 : i32
      %dma_wait3A_265 = tpu.memref_slice %arg2[%dma_wait3A_263, %dma_wait3A_264] : memref<10000x128xf32, #tpu.memory_space<hbm>> -> memref<10000x128xf32, #tpu.memory_space<hbm>>
      tpu.wait_indirect_dma semaphore(%arg16 : memref<!tpu.dma_semaphore, #tpu.memory_space<semaphore_mem>>) src(%dma_wait3A_265 : memref<10000x128xf32, #tpu.memory_space<hbm>>) dst(%arg13 : memref<80x128xf32, #tpu.memory_space<vmem>>)
      %dma_start3A_266 = arith.constant 0 : i32
      %dma_start3A_267 = tpu.memref_slice %arg8[%add3A_258, %dma_start3A_266] : memref<125x80xi32, #tpu.memory_space<vmem>> -> memref<1x80xi32, #tpu.memory_space<vmem>>
      %dma_start3A_268 = tpu.memref_squeeze %dma_start3A_267 : memref<1x80xi32, #tpu.memory_space<vmem>> -> memref<80xi32, #tpu.memory_space<vmem>>
      %dma_start3A_269 = arith.constant 0 : i32
      %dma_start3A_270 = arith.constant 0 : i32
      %dma_start3A_271 = tpu.memref_slice %arg7[%dma_start3A_269, %dma_start3A_270] : memref<10000x128xf32, #tpu.memory_space<vmem_shared>> -> memref<10000x128xf32, #tpu.memory_space<vmem_shared>>
      tpu.enqueue_indirect_dma source(%arg13 : memref<80x128xf32, #tpu.memory_space<vmem>>) target(%dma_start3A_271 : memref<10000x128xf32, #tpu.memory_space<vmem_shared>>) offsets(%dma_start3A_268 : memref<80xi32, #tpu.memory_space<vmem>>) semaphore(%arg19 : memref<!tpu.dma_semaphore, #tpu.memory_space<semaphore_mem>>) {add = true}
      %add3A_272 = arith.constant 3 : i32
      %add3A_273 = arith.addi %add3A_258, %add3A_272 : i32
      %dma_start3A_274 = arith.constant 0 : i32
      %dma_start3A_275 = arith.constant 0 : i32
      %dma_start3A_276 = tpu.memref_slice %arg3[%add3A_273, %add3A, %dma_start3A_274, %dma_start3A_275] : memref<125x32x1x80xi32, #tpu.memory_space<hbm>> -> memref<1x1x1x80xi32, #tpu.memory_space<hbm>>
      %dma_start3A_277 = tpu.memref_squeeze %dma_start3A_276 : memref<1x1x1x80xi32, #tpu.memory_space<hbm>> -> memref<1x80xi32, #tpu.memory_space<hbm>>
      %dma_start3A_278 = arith.constant 0 : i32
      %dma_start3A_279 = arith.constant 0 : i32
      %dma_start3A_280 = tpu.memref_slice %arg3[%add3A_273, %add3A, %dma_start3A_278, %dma_start3A_279] : memref<125x32x1x80xi32, #tpu.memory_space<hbm>> -> memref<1x1x1x80xi32, #tpu.memory_space<hbm>>
      %dma_start3A_281 = tpu.memref_squeeze %dma_start3A_280 : memref<1x1x1x80xi32, #tpu.memory_space<hbm>> -> memref<1x80xi32, #tpu.memory_space<hbm>>
      tpu.enqueue_dma source(%dma_start3A_281 : memref<1x80xi32, #tpu.memory_space<hbm>>) target(%arg10 : memref<1x80xi32, #tpu.memory_space<vmem>>) target_semaphore(%arg22 : memref<!tpu.dma_semaphore, #tpu.memory_space<semaphore_mem>>)
      %dma_wait3A_282 = arith.constant 0 : i32
      %dma_wait3A_283 = arith.constant 0 : i32
      %dma_wait3A_284 = arith.constant 0 : i32
      %dma_wait3A_285 = tpu.memref_slice %arg3[%dma_wait3A_282, %add3A, %dma_wait3A_283, %dma_wait3A_284] : memref<125x32x1x80xi32, #tpu.memory_space<hbm>> -> memref<1x1x1x80xi32, #tpu.memory_space<hbm>>
      %dma_wait3A_286 = tpu.memref_squeeze %dma_wait3A_285 : memref<1x1x1x80xi32, #tpu.memory_space<hbm>> -> memref<1x80xi32, #tpu.memory_space<hbm>>
      %dma_wait3A_287 = arith.constant 0 : i32
      %dma_wait3A_288 = arith.constant 0 : i32
      %dma_wait3A_289 = tpu.memref_slice %arg3[%dma_wait3A_282, %add3A, %dma_wait3A_287, %dma_wait3A_288] : memref<125x32x1x80xi32, #tpu.memory_space<hbm>> -> memref<1x1x1x80xi32, #tpu.memory_space<hbm>>
      %dma_wait3A_290 = tpu.memref_squeeze %dma_wait3A_289 : memref<1x1x1x80xi32, #tpu.memory_space<hbm>> -> memref<1x80xi32, #tpu.memory_space<hbm>>
      tpu.wait_dma2 semaphore(%arg21 : memref<!tpu.dma_semaphore, #tpu.memory_space<semaphore_mem>>) src(%dma_wait3A_290 : memref<1x80xi32, #tpu.memory_space<hbm>>) dst(%arg9 : memref<1x80xi32, #tpu.memory_space<vmem>>)
      %sub3A = arith.constant 1 : i32
      %sub3A_291 = arith.subi %add3A_258, %sub3A : i32
      %dma_wait3A_292 = arith.constant 0 : i32
      %dma_wait3A_293 = tpu.memref_slice %arg8[%sub3A_291, %dma_wait3A_292] : memref<125x80xi32, #tpu.memory_space<vmem>> -> memref<1x80xi32, #tpu.memory_space<vmem>>
      %dma_wait3A_294 = tpu.memref_squeeze %dma_wait3A_293 : memref<1x80xi32, #tpu.memory_space<vmem>> -> memref<80xi32, #tpu.memory_space<vmem>>
      %dma_wait3A_295 = arith.constant 0 : i32
      %dma_wait3A_296 = arith.constant 0 : i32
      %dma_wait3A_297 = tpu.memref_slice %arg7[%dma_wait3A_295, %dma_wait3A_296] : memref<10000x128xf32, #tpu.memory_space<vmem_shared>> -> memref<10000x128xf32, #tpu.memory_space<vmem_shared>>
      tpu.wait_indirect_dma semaphore(%arg18 : memref<!tpu.dma_semaphore, #tpu.memory_space<semaphore_mem>>) src(%arg12 : memref<80x128xf32, #tpu.memory_space<vmem>>) dst(%dma_wait3A_297 : memref<10000x128xf32, #tpu.memory_space<vmem_shared>>)
      %dma_start3A_298 = arith.constant 0 : i32
      %dma_start3A_299 = arith.constant 0 : i32
      %dma_start3A_300 = tpu.memref_slice %arg9[%dma_start3A_298, %dma_start3A_299] : memref<1x80xi32, #tpu.memory_space<vmem>> -> memref<1x80xi32, #tpu.memory_space<vmem>>
      %dma_start3A_301 = tpu.memref_squeeze %dma_start3A_300 : memref<1x80xi32, #tpu.memory_space<vmem>> -> memref<80xi32, #tpu.memory_space<vmem>>
      %dma_start3A_302 = arith.constant 0 : i32
      %dma_start3A_303 = arith.constant 0 : i32
      %dma_start3A_304 = tpu.memref_slice %arg2[%dma_start3A_302, %dma_start3A_303] : memref<10000x128xf32, #tpu.memory_space<hbm>> -> memref<10000x128xf32, #tpu.memory_space<hbm>>
      tpu.enqueue_indirect_dma source(%dma_start3A_304 : memref<10000x128xf32, #tpu.memory_space<hbm>>) target(%arg12 : memref<80x128xf32, #tpu.memory_space<vmem>>) offsets(%dma_start3A_301 : memref<80xi32, #tpu.memory_space<vmem>>) semaphore(%arg15 : memref<!tpu.dma_semaphore, #tpu.memory_space<semaphore_mem>>)
      %add3A_305 = arith.constant 1 : i32
      %add3A_306 = arith.addi %add3A_258, %add3A_305 : i32
      %dma_wait3A_307 = arith.constant 0 : i32
      %dma_wait3A_308 = arith.constant 0 : i32
      %dma_wait3A_309 = tpu.memref_slice %arg11[%dma_wait3A_307, %dma_wait3A_308] : memref<1x80xi32, #tpu.memory_space<vmem>> -> memref<1x80xi32, #tpu.memory_space<vmem>>
      %dma_wait3A_310 = tpu.memref_squeeze %dma_wait3A_309 : memref<1x80xi32, #tpu.memory_space<vmem>> -> memref<80xi32, #tpu.memory_space<vmem>>
      %dma_wait3A_311 = arith.constant 0 : i32
      %dma_wait3A_312 = arith.constant 0 : i32
      %dma_wait3A_313 = tpu.memref_slice %arg2[%dma_wait3A_311, %dma_wait3A_312] : memref<10000x128xf32, #tpu.memory_space<hbm>> -> memref<10000x128xf32, #tpu.memory_space<hbm>>
      tpu.wait_indirect_dma semaphore(%arg17 : memref<!tpu.dma_semaphore, #tpu.memory_space<semaphore_mem>>) src(%dma_wait3A_313 : memref<10000x128xf32, #tpu.memory_space<hbm>>) dst(%arg14 : memref<80x128xf32, #tpu.memory_space<vmem>>)
      %dma_start3A_314 = arith.constant 0 : i32
      %dma_start3A_315 = tpu.memref_slice %arg8[%add3A_306, %dma_start3A_314] : memref<125x80xi32, #tpu.memory_space<vmem>> -> memref<1x80xi32, #tpu.memory_space<vmem>>
      %dma_start3A_316 = tpu.memref_squeeze %dma_start3A_315 : memref<1x80xi32, #tpu.memory_space<vmem>> -> memref<80xi32, #tpu.memory_space<vmem>>
      %dma_start3A_317 = arith.constant 0 : i32
      %dma_start3A_318 = arith.constant 0 : i32
      %dma_start3A_319 = tpu.memref_slice %arg7[%dma_start3A_317, %dma_start3A_318] : memref<10000x128xf32, #tpu.memory_space<vmem_shared>> -> memref<10000x128xf32, #tpu.memory_space<vmem_shared>>
      tpu.enqueue_indirect_dma source(%arg14 : memref<80x128xf32, #tpu.memory_space<vmem>>) target(%dma_start3A_319 : memref<10000x128xf32, #tpu.memory_space<vmem_shared>>) offsets(%dma_start3A_316 : memref<80xi32, #tpu.memory_space<vmem>>) semaphore(%arg20 : memref<!tpu.dma_semaphore, #tpu.memory_space<semaphore_mem>>) {add = true}
      %add3A_320 = arith.constant 3 : i32
      %add3A_321 = arith.addi %add3A_306, %add3A_320 : i32
      %dma_start3A_322 = arith.constant 0 : i32
      %dma_start3A_323 = arith.constant 0 : i32
      %dma_start3A_324 = tpu.memref_slice %arg3[%add3A_321, %add3A, %dma_start3A_322, %dma_start3A_323] : memref<125x32x1x80xi32, #tpu.memory_space<hbm>> -> memref<1x1x1x80xi32, #tpu.memory_space<hbm>>
      %dma_start3A_325 = tpu.memref_squeeze %dma_start3A_324 : memref<1x1x1x80xi32, #tpu.memory_space<hbm>> -> memref<1x80xi32, #tpu.memory_space<hbm>>
      %dma_start3A_326 = arith.constant 0 : i32
      %dma_start3A_327 = arith.constant 0 : i32
      %dma_start3A_328 = tpu.memref_slice %arg3[%add3A_321, %add3A, %dma_start3A_326, %dma_start3A_327] : memref<125x32x1x80xi32, #tpu.memory_space<hbm>> -> memref<1x1x1x80xi32, #tpu.memory_space<hbm>>
      %dma_start3A_329 = tpu.memref_squeeze %dma_start3A_328 : memref<1x1x1x80xi32, #tpu.memory_space<hbm>> -> memref<1x80xi32, #tpu.memory_space<hbm>>
      tpu.enqueue_dma source(%dma_start3A_329 : memref<1x80xi32, #tpu.memory_space<hbm>>) target(%arg11 : memref<1x80xi32, #tpu.memory_space<vmem>>) target_semaphore(%arg23 : memref<!tpu.dma_semaphore, #tpu.memory_space<semaphore_mem>>)
      %dma_wait3A_330 = arith.constant 0 : i32
      %dma_wait3A_331 = arith.constant 0 : i32
      %dma_wait3A_332 = arith.constant 0 : i32
      %dma_wait3A_333 = tpu.memref_slice %arg3[%dma_wait3A_330, %add3A, %dma_wait3A_331, %dma_wait3A_332] : memref<125x32x1x80xi32, #tpu.memory_space<hbm>> -> memref<1x1x1x80xi32, #tpu.memory_space<hbm>>
      %dma_wait3A_334 = tpu.memref_squeeze %dma_wait3A_333 : memref<1x1x1x80xi32, #tpu.memory_space<hbm>> -> memref<1x80xi32, #tpu.memory_space<hbm>>
      %dma_wait3A_335 = arith.constant 0 : i32
      %dma_wait3A_336 = arith.constant 0 : i32
      %dma_wait3A_337 = tpu.memref_slice %arg3[%dma_wait3A_330, %add3A, %dma_wait3A_335, %dma_wait3A_336] : memref<125x32x1x80xi32, #tpu.memory_space<hbm>> -> memref<1x1x1x80xi32, #tpu.memory_space<hbm>>
      %dma_wait3A_338 = tpu.memref_squeeze %dma_wait3A_337 : memref<1x1x1x80xi32, #tpu.memory_space<hbm>> -> memref<1x80xi32, #tpu.memory_space<hbm>>
      tpu.wait_dma2 semaphore(%arg22 : memref<!tpu.dma_semaphore, #tpu.memory_space<semaphore_mem>>) src(%dma_wait3A_338 : memref<1x80xi32, #tpu.memory_space<hbm>>) dst(%arg10 : memref<1x80xi32, #tpu.memory_space<vmem>>)
      %sub3A_339 = arith.constant 1 : i32
      %sub3A_340 = arith.subi %add3A_306, %sub3A_339 : i32
      %dma_wait3A_341 = arith.constant 0 : i32
      %dma_wait3A_342 = tpu.memref_slice %arg8[%sub3A_340, %dma_wait3A_341] : memref<125x80xi32, #tpu.memory_space<vmem>> -> memref<1x80xi32, #tpu.memory_space<vmem>>
      %dma_wait3A_343 = tpu.memref_squeeze %dma_wait3A_342 : memref<1x80xi32, #tpu.memory_space<vmem>> -> memref<80xi32, #tpu.memory_space<vmem>>
      %dma_wait3A_344 = arith.constant 0 : i32
      %dma_wait3A_345 = arith.constant 0 : i32
      %dma_wait3A_346 = tpu.memref_slice %arg7[%dma_wait3A_344, %dma_wait3A_345] : memref<10000x128xf32, #tpu.memory_space<vmem_shared>> -> memref<10000x128xf32, #tpu.memory_space<vmem_shared>>
      tpu.wait_indirect_dma semaphore(%arg19 : memref<!tpu.dma_semaphore, #tpu.memory_space<semaphore_mem>>) src(%arg13 : memref<80x128xf32, #tpu.memory_space<vmem>>) dst(%dma_wait3A_346 : memref<10000x128xf32, #tpu.memory_space<vmem_shared>>)
      %dma_start3A_347 = arith.constant 0 : i32
      %dma_start3A_348 = arith.constant 0 : i32
      %dma_start3A_349 = tpu.memref_slice %arg10[%dma_start3A_347, %dma_start3A_348] : memref<1x80xi32, #tpu.memory_space<vmem>> -> memref<1x80xi32, #tpu.memory_space<vmem>>
      %dma_start3A_350 = tpu.memref_squeeze %dma_start3A_349 : memref<1x80xi32, #tpu.memory_space<vmem>> -> memref<80xi32, #tpu.memory_space<vmem>>
      %dma_start3A_351 = arith.constant 0 : i32
      %dma_start3A_352 = arith.constant 0 : i32
      %dma_start3A_353 = tpu.memref_slice %arg2[%dma_start3A_351, %dma_start3A_352] : memref<10000x128xf32, #tpu.memory_space<hbm>> -> memref<10000x128xf32, #tpu.memory_space<hbm>>
      tpu.enqueue_indirect_dma source(%dma_start3A_353 : memref<10000x128xf32, #tpu.memory_space<hbm>>) target(%arg13 : memref<80x128xf32, #tpu.memory_space<vmem>>) offsets(%dma_start3A_350 : memref<80xi32, #tpu.memory_space<vmem>>) semaphore(%arg16 : memref<!tpu.dma_semaphore, #tpu.memory_space<semaphore_mem>>)
      %add3A_354 = arith.constant 2 : i32
      %add3A_355 = arith.addi %add3A_258, %add3A_354 : i32
      %dma_wait3A_356 = arith.constant 0 : i32
      %dma_wait3A_357 = arith.constant 0 : i32
      %dma_wait3A_358 = tpu.memref_slice %arg9[%dma_wait3A_356, %dma_wait3A_357] : memref<1x80xi32, #tpu.memory_space<vmem>> -> memref<1x80xi32, #tpu.memory_space<vmem>>
      %dma_wait3A_359 = tpu.memref_squeeze %dma_wait3A_358 : memref<1x80xi32, #tpu.memory_space<vmem>> -> memref<80xi32, #tpu.memory_space<vmem>>
      %dma_wait3A_360 = arith.constant 0 : i32
      %dma_wait3A_361 = arith.constant 0 : i32
      %dma_wait3A_362 = tpu.memref_slice %arg2[%dma_wait3A_360, %dma_wait3A_361] : memref<10000x128xf32, #tpu.memory_space<hbm>> -> memref<10000x128xf32, #tpu.memory_space<hbm>>
      tpu.wait_indirect_dma semaphore(%arg15 : memref<!tpu.dma_semaphore, #tpu.memory_space<semaphore_mem>>) src(%dma_wait3A_362 : memref<10000x128xf32, #tpu.memory_space<hbm>>) dst(%arg12 : memref<80x128xf32, #tpu.memory_space<vmem>>)
      %dma_start3A_363 = arith.constant 0 : i32
      %dma_start3A_364 = tpu.memref_slice %arg8[%add3A_355, %dma_start3A_363] : memref<125x80xi32, #tpu.memory_space<vmem>> -> memref<1x80xi32, #tpu.memory_space<vmem>>
      %dma_start3A_365 = tpu.memref_squeeze %dma_start3A_364 : memref<1x80xi32, #tpu.memory_space<vmem>> -> memref<80xi32, #tpu.memory_space<vmem>>
      %dma_start3A_366 = arith.constant 0 : i32
      %dma_start3A_367 = arith.constant 0 : i32
      %dma_start3A_368 = tpu.memref_slice %arg7[%dma_start3A_366, %dma_start3A_367] : memref<10000x128xf32, #tpu.memory_space<vmem_shared>> -> memref<10000x128xf32, #tpu.memory_space<vmem_shared>>
      tpu.enqueue_indirect_dma source(%arg12 : memref<80x128xf32, #tpu.memory_space<vmem>>) target(%dma_start3A_368 : memref<10000x128xf32, #tpu.memory_space<vmem_shared>>) offsets(%dma_start3A_365 : memref<80xi32, #tpu.memory_space<vmem>>) semaphore(%arg18 : memref<!tpu.dma_semaphore, #tpu.memory_space<semaphore_mem>>) {add = true}
      %add3A_369 = arith.constant 3 : i32
      %add3A_370 = arith.addi %add3A_355, %add3A_369 : i32
      %dma_start3A_371 = arith.constant 0 : i32
      %dma_start3A_372 = arith.constant 0 : i32
      %dma_start3A_373 = tpu.memref_slice %arg3[%add3A_370, %add3A, %dma_start3A_371, %dma_start3A_372] : memref<125x32x1x80xi32, #tpu.memory_space<hbm>> -> memref<1x1x1x80xi32, #tpu.memory_space<hbm>>
      %dma_start3A_374 = tpu.memref_squeeze %dma_start3A_373 : memref<1x1x1x80xi32, #tpu.memory_space<hbm>> -> memref<1x80xi32, #tpu.memory_space<hbm>>
      %dma_start3A_375 = arith.constant 0 : i32
      %dma_start3A_376 = arith.constant 0 : i32
      %dma_start3A_377 = tpu.memref_slice %arg3[%add3A_370, %add3A, %dma_start3A_375, %dma_start3A_376] : memref<125x32x1x80xi32, #tpu.memory_space<hbm>> -> memref<1x1x1x80xi32, #tpu.memory_space<hbm>>
      %dma_start3A_378 = tpu.memref_squeeze %dma_start3A_377 : memref<1x1x1x80xi32, #tpu.memory_space<hbm>> -> memref<1x80xi32, #tpu.memory_space<hbm>>
      tpu.enqueue_dma source(%dma_start3A_378 : memref<1x80xi32, #tpu.memory_space<hbm>>) target(%arg9 : memref<1x80xi32, #tpu.memory_space<vmem>>) target_semaphore(%arg21 : memref<!tpu.dma_semaphore, #tpu.memory_space<semaphore_mem>>)
      %dma_wait3A_379 = arith.constant 0 : i32
      %dma_wait3A_380 = arith.constant 0 : i32
      %dma_wait3A_381 = arith.constant 0 : i32
      %dma_wait3A_382 = tpu.memref_slice %arg3[%dma_wait3A_379, %add3A, %dma_wait3A_380, %dma_wait3A_381] : memref<125x32x1x80xi32, #tpu.memory_space<hbm>> -> memref<1x1x1x80xi32, #tpu.memory_space<hbm>>
      %dma_wait3A_383 = tpu.memref_squeeze %dma_wait3A_382 : memref<1x1x1x80xi32, #tpu.memory_space<hbm>> -> memref<1x80xi32, #tpu.memory_space<hbm>>
      %dma_wait3A_384 = arith.constant 0 : i32
      %dma_wait3A_385 = arith.constant 0 : i32
      %dma_wait3A_386 = tpu.memref_slice %arg3[%dma_wait3A_379, %add3A, %dma_wait3A_384, %dma_wait3A_385] : memref<125x32x1x80xi32, #tpu.memory_space<hbm>> -> memref<1x1x1x80xi32, #tpu.memory_space<hbm>>
      %dma_wait3A_387 = tpu.memref_squeeze %dma_wait3A_386 : memref<1x1x1x80xi32, #tpu.memory_space<hbm>> -> memref<1x80xi32, #tpu.memory_space<hbm>>
      tpu.wait_dma2 semaphore(%arg23 : memref<!tpu.dma_semaphore, #tpu.memory_space<semaphore_mem>>) src(%dma_wait3A_387 : memref<1x80xi32, #tpu.memory_space<hbm>>) dst(%arg11 : memref<1x80xi32, #tpu.memory_space<vmem>>)
      %sub3A_388 = arith.constant 1 : i32
      %sub3A_389 = arith.subi %add3A_355, %sub3A_388 : i32
      %dma_wait3A_390 = arith.constant 0 : i32
      %dma_wait3A_391 = tpu.memref_slice %arg8[%sub3A_389, %dma_wait3A_390] : memref<125x80xi32, #tpu.memory_space<vmem>> -> memref<1x80xi32, #tpu.memory_space<vmem>>
      %dma_wait3A_392 = tpu.memref_squeeze %dma_wait3A_391 : memref<1x80xi32, #tpu.memory_space<vmem>> -> memref<80xi32, #tpu.memory_space<vmem>>
      %dma_wait3A_393 = arith.constant 0 : i32
      %dma_wait3A_394 = arith.constant 0 : i32
      %dma_wait3A_395 = tpu.memref_slice %arg7[%dma_wait3A_393, %dma_wait3A_394] : memref<10000x128xf32, #tpu.memory_space<vmem_shared>> -> memref<10000x128xf32, #tpu.memory_space<vmem_shared>>
      tpu.wait_indirect_dma semaphore(%arg20 : memref<!tpu.dma_semaphore, #tpu.memory_space<semaphore_mem>>) src(%arg14 : memref<80x128xf32, #tpu.memory_space<vmem>>) dst(%dma_wait3A_395 : memref<10000x128xf32, #tpu.memory_space<vmem_shared>>)
      %dma_start3A_396 = arith.constant 0 : i32
      %dma_start3A_397 = arith.constant 0 : i32
      %dma_start3A_398 = tpu.memref_slice %arg11[%dma_start3A_396, %dma_start3A_397] : memref<1x80xi32, #tpu.memory_space<vmem>> -> memref<1x80xi32, #tpu.memory_space<vmem>>
      %dma_start3A_399 = tpu.memref_squeeze %dma_start3A_398 : memref<1x80xi32, #tpu.memory_space<vmem>> -> memref<80xi32, #tpu.memory_space<vmem>>
      %dma_start3A_400 = arith.constant 0 : i32
      %dma_start3A_401 = arith.constant 0 : i32
      %dma_start3A_402 = tpu.memref_slice %arg2[%dma_start3A_400, %dma_start3A_401] : memref<10000x128xf32, #tpu.memory_space<hbm>> -> memref<10000x128xf32, #tpu.memory_space<hbm>>
      tpu.enqueue_indirect_dma source(%dma_start3A_402 : memref<10000x128xf32, #tpu.memory_space<hbm>>) target(%arg14 : memref<80x128xf32, #tpu.memory_space<vmem>>) offsets(%dma_start3A_399 : memref<80xi32, #tpu.memory_space<vmem>>) semaphore(%arg17 : memref<!tpu.dma_semaphore, #tpu.memory_space<semaphore_mem>>)
    }
    %scan3A_106 = arith.constant 40 : i32
    %dma_wait3A_107 = arith.constant 0 : i32
    %dma_wait3A_108 = arith.constant 0 : i32
    %dma_wait3A_109 = tpu.memref_slice %arg10[%dma_wait3A_107, %dma_wait3A_108] : memref<1x80xi32, #tpu.memory_space<vmem>> -> memref<1x80xi32, #tpu.memory_space<vmem>>
    %dma_wait3A_110 = tpu.memref_squeeze %dma_wait3A_109 : memref<1x80xi32, #tpu.memory_space<vmem>> -> memref<80xi32, #tpu.memory_space<vmem>>
    %dma_wait3A_111 = arith.constant 0 : i32
    %dma_wait3A_112 = arith.constant 0 : i32
    %dma_wait3A_113 = tpu.memref_slice %arg2[%dma_wait3A_111, %dma_wait3A_112] : memref<10000x128xf32, #tpu.memory_space<hbm>> -> memref<10000x128xf32, #tpu.memory_space<hbm>>
    tpu.wait_indirect_dma semaphore(%arg16 : memref<!tpu.dma_semaphore, #tpu.memory_space<semaphore_mem>>) src(%dma_wait3A_113 : memref<10000x128xf32, #tpu.memory_space<hbm>>) dst(%arg13 : memref<80x128xf32, #tpu.memory_space<vmem>>)
    %dma_start3A_114 = arith.constant 121 : i32
    %dma_start3A_115 = arith.constant 0 : i32
    %dma_start3A_116 = tpu.memref_slice %arg8[%dma_start3A_114, %dma_start3A_115] : memref<125x80xi32, #tpu.memory_space<vmem>> -> memref<1x80xi32, #tpu.memory_space<vmem>>
    %dma_start3A_117 = tpu.memref_squeeze %dma_start3A_116 : memref<1x80xi32, #tpu.memory_space<vmem>> -> memref<80xi32, #tpu.memory_space<vmem>>
    %dma_start3A_118 = arith.constant 0 : i32
    %dma_start3A_119 = arith.constant 0 : i32
    %dma_start3A_120 = tpu.memref_slice %arg7[%dma_start3A_118, %dma_start3A_119] : memref<10000x128xf32, #tpu.memory_space<vmem_shared>> -> memref<10000x128xf32, #tpu.memory_space<vmem_shared>>
    tpu.enqueue_indirect_dma source(%arg13 : memref<80x128xf32, #tpu.memory_space<vmem>>) target(%dma_start3A_120 : memref<10000x128xf32, #tpu.memory_space<vmem_shared>>) offsets(%dma_start3A_117 : memref<80xi32, #tpu.memory_space<vmem>>) semaphore(%arg19 : memref<!tpu.dma_semaphore, #tpu.memory_space<semaphore_mem>>) {add = true}
    %dma_start3A_121 = arith.constant 124 : i32
    %dma_start3A_122 = arith.constant 0 : i32
    %dma_start3A_123 = arith.constant 0 : i32
    %dma_start3A_124 = tpu.memref_slice %arg3[%dma_start3A_121, %add3A, %dma_start3A_122, %dma_start3A_123] : memref<125x32x1x80xi32, #tpu.memory_space<hbm>> -> memref<1x1x1x80xi32, #tpu.memory_space<hbm>>
    %dma_start3A_125 = tpu.memref_squeeze %dma_start3A_124 : memref<1x1x1x80xi32, #tpu.memory_space<hbm>> -> memref<1x80xi32, #tpu.memory_space<hbm>>
    %dma_start3A_126 = arith.constant 0 : i32
    %dma_start3A_127 = arith.constant 0 : i32
    %dma_start3A_128 = tpu.memref_slice %arg3[%dma_start3A_121, %add3A, %dma_start3A_126, %dma_start3A_127] : memref<125x32x1x80xi32, #tpu.memory_space<hbm>> -> memref<1x1x1x80xi32, #tpu.memory_space<hbm>>
    %dma_start3A_129 = tpu.memref_squeeze %dma_start3A_128 : memref<1x1x1x80xi32, #tpu.memory_space<hbm>> -> memref<1x80xi32, #tpu.memory_space<hbm>>
    tpu.enqueue_dma source(%dma_start3A_129 : memref<1x80xi32, #tpu.memory_space<hbm>>) target(%arg10 : memref<1x80xi32, #tpu.memory_space<vmem>>) target_semaphore(%arg22 : memref<!tpu.dma_semaphore, #tpu.memory_space<semaphore_mem>>)
    %dma_wait3A_130 = arith.constant 0 : i32
    %dma_wait3A_131 = arith.constant 0 : i32
    %dma_wait3A_132 = arith.constant 0 : i32
    %dma_wait3A_133 = tpu.memref_slice %arg3[%dma_wait3A_130, %add3A, %dma_wait3A_131, %dma_wait3A_132] : memref<125x32x1x80xi32, #tpu.memory_space<hbm>> -> memref<1x1x1x80xi32, #tpu.memory_space<hbm>>
    %dma_wait3A_134 = tpu.memref_squeeze %dma_wait3A_133 : memref<1x1x1x80xi32, #tpu.memory_space<hbm>> -> memref<1x80xi32, #tpu.memory_space<hbm>>
    %dma_wait3A_135 = arith.constant 0 : i32
    %dma_wait3A_136 = arith.constant 0 : i32
    %dma_wait3A_137 = tpu.memref_slice %arg3[%dma_wait3A_130, %add3A, %dma_wait3A_135, %dma_wait3A_136] : memref<125x32x1x80xi32, #tpu.memory_space<hbm>> -> memref<1x1x1x80xi32, #tpu.memory_space<hbm>>
    %dma_wait3A_138 = tpu.memref_squeeze %dma_wait3A_137 : memref<1x1x1x80xi32, #tpu.memory_space<hbm>> -> memref<1x80xi32, #tpu.memory_space<hbm>>
    tpu.wait_dma2 semaphore(%arg21 : memref<!tpu.dma_semaphore, #tpu.memory_space<semaphore_mem>>) src(%dma_wait3A_138 : memref<1x80xi32, #tpu.memory_space<hbm>>) dst(%arg9 : memref<1x80xi32, #tpu.memory_space<vmem>>)
    %dma_wait3A_139 = arith.constant 120 : i32
    %dma_wait3A_140 = arith.constant 0 : i32
    %dma_wait3A_141 = tpu.memref_slice %arg8[%dma_wait3A_139, %dma_wait3A_140] : memref<125x80xi32, #tpu.memory_space<vmem>> -> memref<1x80xi32, #tpu.memory_space<vmem>>
    %dma_wait3A_142 = tpu.memref_squeeze %dma_wait3A_141 : memref<1x80xi32, #tpu.memory_space<vmem>> -> memref<80xi32, #tpu.memory_space<vmem>>
    %dma_wait3A_143 = arith.constant 0 : i32
    %dma_wait3A_144 = arith.constant 0 : i32
    %dma_wait3A_145 = tpu.memref_slice %arg7[%dma_wait3A_143, %dma_wait3A_144] : memref<10000x128xf32, #tpu.memory_space<vmem_shared>> -> memref<10000x128xf32, #tpu.memory_space<vmem_shared>>
    tpu.wait_indirect_dma semaphore(%arg18 : memref<!tpu.dma_semaphore, #tpu.memory_space<semaphore_mem>>) src(%arg12 : memref<80x128xf32, #tpu.memory_space<vmem>>) dst(%dma_wait3A_145 : memref<10000x128xf32, #tpu.memory_space<vmem_shared>>)
    %dma_start3A_146 = arith.constant 0 : i32
    %dma_start3A_147 = arith.constant 0 : i32
    %dma_start3A_148 = tpu.memref_slice %arg9[%dma_start3A_146, %dma_start3A_147] : memref<1x80xi32, #tpu.memory_space<vmem>> -> memref<1x80xi32, #tpu.memory_space<vmem>>
    %dma_start3A_149 = tpu.memref_squeeze %dma_start3A_148 : memref<1x80xi32, #tpu.memory_space<vmem>> -> memref<80xi32, #tpu.memory_space<vmem>>
    %dma_start3A_150 = arith.constant 0 : i32
    %dma_start3A_151 = arith.constant 0 : i32
    %dma_start3A_152 = tpu.memref_slice %arg2[%dma_start3A_150, %dma_start3A_151] : memref<10000x128xf32, #tpu.memory_space<hbm>> -> memref<10000x128xf32, #tpu.memory_space<hbm>>
    tpu.enqueue_indirect_dma source(%dma_start3A_152 : memref<10000x128xf32, #tpu.memory_space<hbm>>) target(%arg12 : memref<80x128xf32, #tpu.memory_space<vmem>>) offsets(%dma_start3A_149 : memref<80xi32, #tpu.memory_space<vmem>>) semaphore(%arg15 : memref<!tpu.dma_semaphore, #tpu.memory_space<semaphore_mem>>)
    %dma_wait3A_153 = arith.constant 0 : i32
    %dma_wait3A_154 = arith.constant 0 : i32
    %dma_wait3A_155 = tpu.memref_slice %arg11[%dma_wait3A_153, %dma_wait3A_154] : memref<1x80xi32, #tpu.memory_space<vmem>> -> memref<1x80xi32, #tpu.memory_space<vmem>>
    %dma_wait3A_156 = tpu.memref_squeeze %dma_wait3A_155 : memref<1x80xi32, #tpu.memory_space<vmem>> -> memref<80xi32, #tpu.memory_space<vmem>>
    %dma_wait3A_157 = arith.constant 0 : i32
    %dma_wait3A_158 = arith.constant 0 : i32
    %dma_wait3A_159 = tpu.memref_slice %arg2[%dma_wait3A_157, %dma_wait3A_158] : memref<10000x128xf32, #tpu.memory_space<hbm>> -> memref<10000x128xf32, #tpu.memory_space<hbm>>
    tpu.wait_indirect_dma semaphore(%arg17 : memref<!tpu.dma_semaphore, #tpu.memory_space<semaphore_mem>>) src(%dma_wait3A_159 : memref<10000x128xf32, #tpu.memory_space<hbm>>) dst(%arg14 : memref<80x128xf32, #tpu.memory_space<vmem>>)
    %dma_start3A_160 = arith.constant 122 : i32
    %dma_start3A_161 = arith.constant 0 : i32
    %dma_start3A_162 = tpu.memref_slice %arg8[%dma_start3A_160, %dma_start3A_161] : memref<125x80xi32, #tpu.memory_space<vmem>> -> memref<1x80xi32, #tpu.memory_space<vmem>>
    %dma_start3A_163 = tpu.memref_squeeze %dma_start3A_162 : memref<1x80xi32, #tpu.memory_space<vmem>> -> memref<80xi32, #tpu.memory_space<vmem>>
    %dma_start3A_164 = arith.constant 0 : i32
    %dma_start3A_165 = arith.constant 0 : i32
    %dma_start3A_166 = tpu.memref_slice %arg7[%dma_start3A_164, %dma_start3A_165] : memref<10000x128xf32, #tpu.memory_space<vmem_shared>> -> memref<10000x128xf32, #tpu.memory_space<vmem_shared>>
    tpu.enqueue_indirect_dma source(%arg14 : memref<80x128xf32, #tpu.memory_space<vmem>>) target(%dma_start3A_166 : memref<10000x128xf32, #tpu.memory_space<vmem_shared>>) offsets(%dma_start3A_163 : memref<80xi32, #tpu.memory_space<vmem>>) semaphore(%arg20 : memref<!tpu.dma_semaphore, #tpu.memory_space<semaphore_mem>>) {add = true}
    %dma_wait3A_167 = arith.constant 0 : i32
    %dma_wait3A_168 = arith.constant 0 : i32
    %dma_wait3A_169 = arith.constant 0 : i32
    %dma_wait3A_170 = tpu.memref_slice %arg3[%dma_wait3A_167, %add3A, %dma_wait3A_168, %dma_wait3A_169] : memref<125x32x1x80xi32, #tpu.memory_space<hbm>> -> memref<1x1x1x80xi32, #tpu.memory_space<hbm>>
    %dma_wait3A_171 = tpu.memref_squeeze %dma_wait3A_170 : memref<1x1x1x80xi32, #tpu.memory_space<hbm>> -> memref<1x80xi32, #tpu.memory_space<hbm>>
    %dma_wait3A_172 = arith.constant 0 : i32
    %dma_wait3A_173 = arith.constant 0 : i32
    %dma_wait3A_174 = tpu.memref_slice %arg3[%dma_wait3A_167, %add3A, %dma_wait3A_172, %dma_wait3A_173] : memref<125x32x1x80xi32, #tpu.memory_space<hbm>> -> memref<1x1x1x80xi32, #tpu.memory_space<hbm>>
    %dma_wait3A_175 = tpu.memref_squeeze %dma_wait3A_174 : memref<1x1x1x80xi32, #tpu.memory_space<hbm>> -> memref<1x80xi32, #tpu.memory_space<hbm>>
    tpu.wait_dma2 semaphore(%arg22 : memref<!tpu.dma_semaphore, #tpu.memory_space<semaphore_mem>>) src(%dma_wait3A_175 : memref<1x80xi32, #tpu.memory_space<hbm>>) dst(%arg10 : memref<1x80xi32, #tpu.memory_space<vmem>>)
    %dma_wait3A_176 = arith.constant 121 : i32
    %dma_wait3A_177 = arith.constant 0 : i32
    %dma_wait3A_178 = tpu.memref_slice %arg8[%dma_wait3A_176, %dma_wait3A_177] : memref<125x80xi32, #tpu.memory_space<vmem>> -> memref<1x80xi32, #tpu.memory_space<vmem>>
    %dma_wait3A_179 = tpu.memref_squeeze %dma_wait3A_178 : memref<1x80xi32, #tpu.memory_space<vmem>> -> memref<80xi32, #tpu.memory_space<vmem>>
    %dma_wait3A_180 = arith.constant 0 : i32
    %dma_wait3A_181 = arith.constant 0 : i32
    %dma_wait3A_182 = tpu.memref_slice %arg7[%dma_wait3A_180, %dma_wait3A_181] : memref<10000x128xf32, #tpu.memory_space<vmem_shared>> -> memref<10000x128xf32, #tpu.memory_space<vmem_shared>>
    tpu.wait_indirect_dma semaphore(%arg19 : memref<!tpu.dma_semaphore, #tpu.memory_space<semaphore_mem>>) src(%arg13 : memref<80x128xf32, #tpu.memory_space<vmem>>) dst(%dma_wait3A_182 : memref<10000x128xf32, #tpu.memory_space<vmem_shared>>)
    %dma_start3A_183 = arith.constant 0 : i32
    %dma_start3A_184 = arith.constant 0 : i32
    %dma_start3A_185 = tpu.memref_slice %arg10[%dma_start3A_183, %dma_start3A_184] : memref<1x80xi32, #tpu.memory_space<vmem>> -> memref<1x80xi32, #tpu.memory_space<vmem>>
    %dma_start3A_186 = tpu.memref_squeeze %dma_start3A_185 : memref<1x80xi32, #tpu.memory_space<vmem>> -> memref<80xi32, #tpu.memory_space<vmem>>
    %dma_start3A_187 = arith.constant 0 : i32
    %dma_start3A_188 = arith.constant 0 : i32
    %dma_start3A_189 = tpu.memref_slice %arg2[%dma_start3A_187, %dma_start3A_188] : memref<10000x128xf32, #tpu.memory_space<hbm>> -> memref<10000x128xf32, #tpu.memory_space<hbm>>
    tpu.enqueue_indirect_dma source(%dma_start3A_189 : memref<10000x128xf32, #tpu.memory_space<hbm>>) target(%arg13 : memref<80x128xf32, #tpu.memory_space<vmem>>) offsets(%dma_start3A_186 : memref<80xi32, #tpu.memory_space<vmem>>) semaphore(%arg16 : memref<!tpu.dma_semaphore, #tpu.memory_space<semaphore_mem>>)
    %dma_wait3A_190 = arith.constant 0 : i32
    %dma_wait3A_191 = arith.constant 0 : i32
    %dma_wait3A_192 = tpu.memref_slice %arg9[%dma_wait3A_190, %dma_wait3A_191] : memref<1x80xi32, #tpu.memory_space<vmem>> -> memref<1x80xi32, #tpu.memory_space<vmem>>
    %dma_wait3A_193 = tpu.memref_squeeze %dma_wait3A_192 : memref<1x80xi32, #tpu.memory_space<vmem>> -> memref<80xi32, #tpu.memory_space<vmem>>
    %dma_wait3A_194 = arith.constant 0 : i32
    %dma_wait3A_195 = arith.constant 0 : i32
    %dma_wait3A_196 = tpu.memref_slice %arg2[%dma_wait3A_194, %dma_wait3A_195] : memref<10000x128xf32, #tpu.memory_space<hbm>> -> memref<10000x128xf32, #tpu.memory_space<hbm>>
    tpu.wait_indirect_dma semaphore(%arg15 : memref<!tpu.dma_semaphore, #tpu.memory_space<semaphore_mem>>) src(%dma_wait3A_196 : memref<10000x128xf32, #tpu.memory_space<hbm>>) dst(%arg12 : memref<80x128xf32, #tpu.memory_space<vmem>>)
    %dma_start3A_197 = arith.constant 123 : i32
    %dma_start3A_198 = arith.constant 0 : i32
    %dma_start3A_199 = tpu.memref_slice %arg8[%dma_start3A_197, %dma_start3A_198] : memref<125x80xi32, #tpu.memory_space<vmem>> -> memref<1x80xi32, #tpu.memory_space<vmem>>
    %dma_start3A_200 = tpu.memref_squeeze %dma_start3A_199 : memref<1x80xi32, #tpu.memory_space<vmem>> -> memref<80xi32, #tpu.memory_space<vmem>>
    %dma_start3A_201 = arith.constant 0 : i32
    %dma_start3A_202 = arith.constant 0 : i32
    %dma_start3A_203 = tpu.memref_slice %arg7[%dma_start3A_201, %dma_start3A_202] : memref<10000x128xf32, #tpu.memory_space<vmem_shared>> -> memref<10000x128xf32, #tpu.memory_space<vmem_shared>>
    tpu.enqueue_indirect_dma source(%arg12 : memref<80x128xf32, #tpu.memory_space<vmem>>) target(%dma_start3A_203 : memref<10000x128xf32, #tpu.memory_space<vmem_shared>>) offsets(%dma_start3A_200 : memref<80xi32, #tpu.memory_space<vmem>>) semaphore(%arg18 : memref<!tpu.dma_semaphore, #tpu.memory_space<semaphore_mem>>) {add = true}
    %dma_wait3A_204 = arith.constant 0 : i32
    %dma_wait3A_205 = arith.constant 0 : i32
    %dma_wait3A_206 = tpu.memref_slice %arg10[%dma_wait3A_204, %dma_wait3A_205] : memref<1x80xi32, #tpu.memory_space<vmem>> -> memref<1x80xi32, #tpu.memory_space<vmem>>
    %dma_wait3A_207 = tpu.memref_squeeze %dma_wait3A_206 : memref<1x80xi32, #tpu.memory_space<vmem>> -> memref<80xi32, #tpu.memory_space<vmem>>
    %dma_wait3A_208 = arith.constant 0 : i32
    %dma_wait3A_209 = arith.constant 0 : i32
    %dma_wait3A_210 = tpu.memref_slice %arg2[%dma_wait3A_208, %dma_wait3A_209] : memref<10000x128xf32, #tpu.memory_space<hbm>> -> memref<10000x128xf32, #tpu.memory_space<hbm>>
    tpu.wait_indirect_dma semaphore(%arg16 : memref<!tpu.dma_semaphore, #tpu.memory_space<semaphore_mem>>) src(%dma_wait3A_210 : memref<10000x128xf32, #tpu.memory_space<hbm>>) dst(%arg13 : memref<80x128xf32, #tpu.memory_space<vmem>>)
    %dma_start3A_211 = arith.constant 124 : i32
    %dma_start3A_212 = arith.constant 0 : i32
    %dma_start3A_213 = tpu.memref_slice %arg8[%dma_start3A_211, %dma_start3A_212] : memref<125x80xi32, #tpu.memory_space<vmem>> -> memref<1x80xi32, #tpu.memory_space<vmem>>
    %dma_start3A_214 = tpu.memref_squeeze %dma_start3A_213 : memref<1x80xi32, #tpu.memory_space<vmem>> -> memref<80xi32, #tpu.memory_space<vmem>>
    %dma_start3A_215 = arith.constant 0 : i32
    %dma_start3A_216 = arith.constant 0 : i32
    %dma_start3A_217 = tpu.memref_slice %arg7[%dma_start3A_215, %dma_start3A_216] : memref<10000x128xf32, #tpu.memory_space<vmem_shared>> -> memref<10000x128xf32, #tpu.memory_space<vmem_shared>>
    tpu.enqueue_indirect_dma source(%arg13 : memref<80x128xf32, #tpu.memory_space<vmem>>) target(%dma_start3A_217 : memref<10000x128xf32, #tpu.memory_space<vmem_shared>>) offsets(%dma_start3A_214 : memref<80xi32, #tpu.memory_space<vmem>>) semaphore(%arg19 : memref<!tpu.dma_semaphore, #tpu.memory_space<semaphore_mem>>) {add = true}
    %dma_wait3A_218 = arith.constant 122 : i32
    %dma_wait3A_219 = arith.constant 0 : i32
    %dma_wait3A_220 = tpu.memref_slice %arg8[%dma_wait3A_218, %dma_wait3A_219] : memref<125x80xi32, #tpu.memory_space<vmem>> -> memref<1x80xi32, #tpu.memory_space<vmem>>
    %dma_wait3A_221 = tpu.memref_squeeze %dma_wait3A_220 : memref<1x80xi32, #tpu.memory_space<vmem>> -> memref<80xi32, #tpu.memory_space<vmem>>
    %dma_wait3A_222 = arith.constant 0 : i32
    %dma_wait3A_223 = arith.constant 0 : i32
    %dma_wait3A_224 = tpu.memref_slice %arg7[%dma_wait3A_222, %dma_wait3A_223] : memref<10000x128xf32, #tpu.memory_space<vmem_shared>> -> memref<10000x128xf32, #tpu.memory_space<vmem_shared>>
    tpu.wait_indirect_dma semaphore(%arg20 : memref<!tpu.dma_semaphore, #tpu.memory_space<semaphore_mem>>) src(%arg14 : memref<80x128xf32, #tpu.memory_space<vmem>>) dst(%dma_wait3A_224 : memref<10000x128xf32, #tpu.memory_space<vmem_shared>>)
    %dma_wait3A_225 = arith.constant 123 : i32
    %dma_wait3A_226 = arith.constant 0 : i32
    %dma_wait3A_227 = tpu.memref_slice %arg8[%dma_wait3A_225, %dma_wait3A_226] : memref<125x80xi32, #tpu.memory_space<vmem>> -> memref<1x80xi32, #tpu.memory_space<vmem>>
    %dma_wait3A_228 = tpu.memref_squeeze %dma_wait3A_227 : memref<1x80xi32, #tpu.memory_space<vmem>> -> memref<80xi32, #tpu.memory_space<vmem>>
    %dma_wait3A_229 = arith.constant 0 : i32
    %dma_wait3A_230 = arith.constant 0 : i32
    %dma_wait3A_231 = tpu.memref_slice %arg7[%dma_wait3A_229, %dma_wait3A_230] : memref<10000x128xf32, #tpu.memory_space<vmem_shared>> -> memref<10000x128xf32, #tpu.memory_space<vmem_shared>>
    tpu.wait_indirect_dma semaphore(%arg18 : memref<!tpu.dma_semaphore, #tpu.memory_space<semaphore_mem>>) src(%arg12 : memref<80x128xf32, #tpu.memory_space<vmem>>) dst(%dma_wait3A_231 : memref<10000x128xf32, #tpu.memory_space<vmem_shared>>)
    %dma_wait3A_232 = arith.constant 124 : i32
    %dma_wait3A_233 = arith.constant 0 : i32
    %dma_wait3A_234 = tpu.memref_slice %arg8[%dma_wait3A_232, %dma_wait3A_233] : memref<125x80xi32, #tpu.memory_space<vmem>> -> memref<1x80xi32, #tpu.memory_space<vmem>>
    %dma_wait3A_235 = tpu.memref_squeeze %dma_wait3A_234 : memref<1x80xi32, #tpu.memory_space<vmem>> -> memref<80xi32, #tpu.memory_space<vmem>>
    %dma_wait3A_236 = arith.constant 0 : i32
    %dma_wait3A_237 = arith.constant 0 : i32
    %dma_wait3A_238 = tpu.memref_slice %arg7[%dma_wait3A_236, %dma_wait3A_237] : memref<10000x128xf32, #tpu.memory_space<vmem_shared>> -> memref<10000x128xf32, #tpu.memory_space<vmem_shared>>
    tpu.wait_indirect_dma semaphore(%arg19 : memref<!tpu.dma_semaphore, #tpu.memory_space<semaphore_mem>>) src(%arg13 : memref<80x128xf32, #tpu.memory_space<vmem>>) dst(%dma_wait3A_238 : memref<10000x128xf32, #tpu.memory_space<vmem_shared>>)
    %barrier3A_239 = arith.constant 0 : index
    tpu.barrier barrier_id(%barrier3A_239)
    %lt3A_240 = arith.constant 15 : i32
    %lt3A_241 = arith.cmpi slt, %arg1, %lt3A_240 : i32
    %convert_element_type3A_242 = arith.extui %lt3A_241 : i1 to i32
    %cond3A_243 = arith.constant 0 : i32
    %cond3A_244 = arith.cmpi ne, %convert_element_type3A_242, %cond3A_243 : i32
    scf.if %cond3A_244 {
      %mul3A_250 = arith.constant 632 : i32
      %mul3A_251 = arith.muli %arg1, %mul3A_250 : i32
      "tpu.region"() ({
        %run_scoped3A = tpu.sem_alloc : memref<!tpu.dma_semaphore, #tpu.memory_space<semaphore_mem>>
        %dma_start3A_252 = arith.constant 0 : i32
        %dma_start3A_253 = tpu.memref_slice %arg6[%arg0, %mul3A_251, %dma_start3A_252] : memref<2x10000x128xf32, #tpu.memory_space<hbm>> -> memref<1x632x128xf32, #tpu.memory_space<hbm>>
        %dma_start3A_254 = tpu.memref_squeeze %dma_start3A_253 : memref<1x632x128xf32, #tpu.memory_space<hbm>> -> memref<632x128xf32, #tpu.memory_space<hbm>>
        %dma_start3A_255 = arith.constant 0 : i32
        %dma_start3A_256 = tpu.memref_slice %arg7[%mul3A_251, %dma_start3A_255] : memref<10000x128xf32, #tpu.memory_space<vmem_shared>> -> memref<632x128xf32, #tpu.memory_space<vmem_shared>>
        tpu.enqueue_dma source(%dma_start3A_256 : memref<632x128xf32, #tpu.memory_space<vmem_shared>>) target(%dma_start3A_254 : memref<632x128xf32, #tpu.memory_space<hbm>>) target_semaphore(%run_scoped3A : memref<!tpu.dma_semaphore, #tpu.memory_space<semaphore_mem>>)
        %dma_wait3A_257 = arith.constant 0 : i32
        %dma_wait3A_258 = tpu.memref_slice %arg6[%arg0, %mul3A_251, %dma_wait3A_257] : memref<2x10000x128xf32, #tpu.memory_space<hbm>> -> memref<1x632x128xf32, #tpu.memory_space<hbm>>
        %dma_wait3A_259 = tpu.memref_squeeze %dma_wait3A_258 : memref<1x632x128xf32, #tpu.memory_space<hbm>> -> memref<632x128xf32, #tpu.memory_space<hbm>>
        %dma_wait3A_260 = arith.constant 0 : i32
        %dma_wait3A_261 = tpu.memref_slice %arg7[%mul3A_251, %dma_wait3A_260] : memref<10000x128xf32, #tpu.memory_space<vmem_shared>> -> memref<632x128xf32, #tpu.memory_space<vmem_shared>>
        tpu.wait_dma2 semaphore(%run_scoped3A : memref<!tpu.dma_semaphore, #tpu.memory_space<semaphore_mem>>) src(%dma_wait3A_261 : memref<632x128xf32, #tpu.memory_space<vmem_shared>>) dst(%dma_wait3A_259 : memref<632x128xf32, #tpu.memory_space<hbm>>)
        tpu.yield
      }) : () -> ()
    } else {
    }
    %eq3A_245 = arith.constant 15 : i32
    %eq3A_246 = arith.cmpi eq, %arg1, %eq3A_245 : i32
    %convert_element_type3A_247 = arith.extui %eq3A_246 : i1 to i32
    %cond3A_248 = arith.constant 0 : i32
    %cond3A_249 = arith.cmpi ne, %convert_element_type3A_247, %cond3A_248 : i32
    scf.if %cond3A_249 {
      "tpu.region"() ({
        %run_scoped3A = tpu.sem_alloc : memref<!tpu.dma_semaphore, #tpu.memory_space<semaphore_mem>>
        %dma_start3A_250 = arith.constant 9480 : i32
        %dma_start3A_251 = arith.constant 0 : i32
        %dma_start3A_252 = tpu.memref_slice %arg6[%arg0, %dma_start3A_250, %dma_start3A_251] : memref<2x10000x128xf32, #tpu.memory_space<hbm>> -> memref<1x520x128xf32, #tpu.memory_space<hbm>>
        %dma_start3A_253 = tpu.memref_squeeze %dma_start3A_252 : memref<1x520x128xf32, #tpu.memory_space<hbm>> -> memref<520x128xf32, #tpu.memory_space<hbm>>
        %dma_start3A_254 = arith.constant 9480 : i32
        %dma_start3A_255 = arith.constant 0 : i32
        %dma_start3A_256 = tpu.memref_slice %arg7[%dma_start3A_254, %dma_start3A_255] : memref<10000x128xf32, #tpu.memory_space<vmem_shared>> -> memref<520x128xf32, #tpu.memory_space<vmem_shared>>
        tpu.enqueue_dma source(%dma_start3A_256 : memref<520x128xf32, #tpu.memory_space<vmem_shared>>) target(%dma_start3A_253 : memref<520x128xf32, #tpu.memory_space<hbm>>) target_semaphore(%run_scoped3A : memref<!tpu.dma_semaphore, #tpu.memory_space<semaphore_mem>>)
        %dma_wait3A_257 = arith.constant 9480 : i32
        %dma_wait3A_258 = arith.constant 0 : i32
        %dma_wait3A_259 = tpu.memref_slice %arg6[%arg0, %dma_wait3A_257, %dma_wait3A_258] : memref<2x10000x128xf32, #tpu.memory_space<hbm>> -> memref<1x520x128xf32, #tpu.memory_space<hbm>>
        %dma_wait3A_260 = tpu.memref_squeeze %dma_wait3A_259 : memref<1x520x128xf32, #tpu.memory_space<hbm>> -> memref<520x128xf32, #tpu.memory_space<hbm>>
        %dma_wait3A_261 = arith.constant 9480 : i32
        %dma_wait3A_262 = arith.constant 0 : i32
        %dma_wait3A_263 = tpu.memref_slice %arg7[%dma_wait3A_261, %dma_wait3A_262] : memref<10000x128xf32, #tpu.memory_space<vmem_shared>> -> memref<520x128xf32, #tpu.memory_space<vmem_shared>>
        tpu.wait_dma2 semaphore(%run_scoped3A : memref<!tpu.dma_semaphore, #tpu.memory_space<semaphore_mem>>) src(%dma_wait3A_263 : memref<520x128xf32, #tpu.memory_space<vmem_shared>>) dst(%dma_wait3A_260 : memref<520x128xf32, #tpu.memory_space<hbm>>)
        tpu.yield
      }) : () -> ()
    } else {
    }
    return
  }
}

#map = affine_map<(d0, d1) -> (0, 0)>
#map1 = affine_map<(d0, d1) -> (0, 0, 0, 0)>
#map2 = affine_map<(d0, d1) -> (0, 0, 0)>
module attributes {stable_mosaic.version = 14 : i64} {
  func.func @_agg_body(%arg0: i32, %arg1: i32, %arg2: memref<10000x128xf32, #tpu.memory_space<hbm>>, %arg3: memref<125x32x1x80xi32, #tpu.memory_space<hbm>>, %arg4: memref<32x125x80xi32, #tpu.memory_space<hbm>>, %arg5: memref<10000x128xf32, #tpu.memory_space<hbm>>, %arg6: memref<2x10000x128xf32, #tpu.memory_space<hbm>>, %arg7: memref<10000x128xf32, #tpu.memory_space<vmem_shared>>, %arg8: memref<125x80xi32, #tpu.memory_space<vmem>>, %arg9: memref<1x80xi32, #tpu.memory_space<vmem>>, %arg10: memref<1x80xi32, #tpu.memory_space<vmem>>, %arg11: memref<1x80xi32, #tpu.memory_space<vmem>>, %arg12: memref<80x128xf32, #tpu.memory_space<vmem>>, %arg13: memref<80x128xf32, #tpu.memory_space<vmem>>, %arg14: memref<80x128xf32, #tpu.memory_space<vmem>>, %arg15: memref<!tpu.dma_semaphore, #tpu.memory_space<semaphore_mem>>, %arg16: memref<!tpu.dma_semaphore, #tpu.memory_space<semaphore_mem>>, %arg17: memref<!tpu.dma_semaphore, #tpu.memory_space<semaphore_mem>>, %arg18: memref<!tpu.dma_semaphore, #tpu.memory_space<semaphore_mem>>, %arg19: memref<!tpu.dma_semaphore, #tpu.memory_space<semaphore_mem>>, %arg20: memref<!tpu.dma_semaphore, #tpu.memory_space<semaphore_mem>>, %arg21: memref<!tpu.dma_semaphore, #tpu.memory_space<semaphore_mem>>, %arg22: memref<!tpu.dma_semaphore, #tpu.memory_space<semaphore_mem>>, %arg23: memref<!tpu.dma_semaphore, #tpu.memory_space<semaphore_mem>>) attributes {dimension_semantics = [#tpu.dimension_semantics<core_parallel>, #tpu.dimension_semantics<subcore_parallel>], iteration_bounds = array<i64: 2, 16>, scalar_prefetch = 0 : i64, scratch_operands = 17 : i64, tpu.core_type = #tpu.core_type<sc_vector_subcore>, window_params = [{transform_indices = #map}, {transform_indices = #map1}, {transform_indices = #map2}, {transform_indices = #map}, {transform_indices = #map2}]} {
    %mul3A = arith.constant 16 : i32
    %mul3A_0 = arith.muli %arg0, %mul3A : i32
    %add3A = arith.addi %mul3A_0, %arg1 : i32
    %dma_start3A = arith.constant 0 : i32
    %dma_start3A_1 = arith.constant 0 : i32
    %dma_start3A_2 = arith.constant 0 : i32
    %dma_start3A_3 = tpu.memref_slice %arg3[%dma_start3A, %add3A, %dma_start3A_1, %dma_start3A_2] : memref<125x32x1x80xi32, #tpu.memory_space<hbm>> -> memref<1x1x1x80xi32, #tpu.memory_space<hbm>>
    %dma_start3A_4 = tpu.memref_squeeze %dma_start3A_3 : memref<1x1x1x80xi32, #tpu.memory_space<hbm>> -> memref<1x80xi32, #tpu.memory_space<hbm>>
    %dma_start3A_5 = arith.constant 0 : i32
    %dma_start3A_6 = arith.constant 0 : i32
    %dma_start3A_7 = tpu.memref_slice %arg3[%dma_start3A, %add3A, %dma_start3A_5, %dma_start3A_6] : memref<125x32x1x80xi32, #tpu.memory_space<hbm>> -> memref<1x1x1x80xi32, #tpu.memory_space<hbm>>
    %dma_start3A_8 = tpu.memref_squeeze %dma_start3A_7 : memref<1x1x1x80xi32, #tpu.memory_space<hbm>> -> memref<1x80xi32, #tpu.memory_space<hbm>>
    tpu.enqueue_dma source(%dma_start3A_8 : memref<1x80xi32, #tpu.memory_space<hbm>>) target(%arg9 : memref<1x80xi32, #tpu.memory_space<vmem>>) target_semaphore(%arg21 : memref<!tpu.dma_semaphore, #tpu.memory_space<semaphore_mem>>)
    %dma_start3A_9 = arith.constant 1 : i32
    %dma_start3A_10 = arith.constant 0 : i32
    %dma_start3A_11 = arith.constant 0 : i32
    %dma_start3A_12 = tpu.memref_slice %arg3[%dma_start3A_9, %add3A, %dma_start3A_10, %dma_start3A_11] : memref<125x32x1x80xi32, #tpu.memory_space<hbm>> -> memref<1x1x1x80xi32, #tpu.memory_space<hbm>>
    %dma_start3A_13 = tpu.memref_squeeze %dma_start3A_12 : memref<1x1x1x80xi32, #tpu.memory_space<hbm>> -> memref<1x80xi32, #tpu.memory_space<hbm>>
    %dma_start3A_14 = arith.constant 0 : i32
    %dma_start3A_15 = arith.constant 0 : i32
    %dma_start3A_16 = tpu.memref_slice %arg3[%dma_start3A_9, %add3A, %dma_start3A_14, %dma_start3A_15] : memref<125x32x1x80xi32, #tpu.memory_space<hbm>> -> memref<1x1x1x80xi32, #tpu.memory_space<hbm>>
    %dma_start3A_17 = tpu.memref_squeeze %dma_start3A_16 : memref<1x1x1x80xi32, #tpu.memory_space<hbm>> -> memref<1x80xi32, #tpu.memory_space<hbm>>
    tpu.enqueue_dma source(%dma_start3A_17 : memref<1x80xi32, #tpu.memory_space<hbm>>) target(%arg10 : memref<1x80xi32, #tpu.memory_space<vmem>>) target_semaphore(%arg22 : memref<!tpu.dma_semaphore, #tpu.memory_space<semaphore_mem>>)
    %dma_start3A_18 = arith.constant 2 : i32
    %dma_start3A_19 = arith.constant 0 : i32
    %dma_start3A_20 = arith.constant 0 : i32
    %dma_start3A_21 = tpu.memref_slice %arg3[%dma_start3A_18, %add3A, %dma_start3A_19, %dma_start3A_20] : memref<125x32x1x80xi32, #tpu.memory_space<hbm>> -> memref<1x1x1x80xi32, #tpu.memory_space<hbm>>
    %dma_start3A_22 = tpu.memref_squeeze %dma_start3A_21 : memref<1x1x1x80xi32, #tpu.memory_space<hbm>> -> memref<1x80xi32, #tpu.memory_space<hbm>>
    %dma_start3A_23 = arith.constant 0 : i32
    %dma_start3A_24 = arith.constant 0 : i32
    %dma_start3A_25 = tpu.memref_slice %arg3[%dma_start3A_18, %add3A, %dma_start3A_23, %dma_start3A_24] : memref<125x32x1x80xi32, #tpu.memory_space<hbm>> -> memref<1x1x1x80xi32, #tpu.memory_space<hbm>>
    %dma_start3A_26 = tpu.memref_squeeze %dma_start3A_25 : memref<1x1x1x80xi32, #tpu.memory_space<hbm>> -> memref<1x80xi32, #tpu.memory_space<hbm>>
    tpu.enqueue_dma source(%dma_start3A_26 : memref<1x80xi32, #tpu.memory_space<hbm>>) target(%arg11 : memref<1x80xi32, #tpu.memory_space<vmem>>) target_semaphore(%arg23 : memref<!tpu.dma_semaphore, #tpu.memory_space<semaphore_mem>>)
    "tpu.region"() ({
      %run_scoped3A = tpu.sem_alloc : memref<!tpu.dma_semaphore, #tpu.memory_space<semaphore_mem>>
      %dma_start3A_250 = arith.constant 0 : i32
      %dma_start3A_251 = arith.constant 0 : i32
      %dma_start3A_252 = tpu.memref_slice %arg4[%add3A, %dma_start3A_250, %dma_start3A_251] : memref<32x125x80xi32, #tpu.memory_space<hbm>> -> memref<1x125x80xi32, #tpu.memory_space<hbm>>
      %dma_start3A_253 = tpu.memref_squeeze %dma_start3A_252 : memref<1x125x80xi32, #tpu.memory_space<hbm>> -> memref<125x80xi32, #tpu.memory_space<hbm>>
      %dma_start3A_254 = arith.constant 0 : i32
      %dma_start3A_255 = arith.constant 0 : i32
      %dma_start3A_256 = tpu.memref_slice %arg4[%add3A, %dma_start3A_254, %dma_start3A_255] : memref<32x125x80xi32, #tpu.memory_space<hbm>> -> memref<1x125x80xi32, #tpu.memory_space<hbm>>
      %dma_start3A_257 = tpu.memref_squeeze %dma_start3A_256 : memref<1x125x80xi32, #tpu.memory_space<hbm>> -> memref<125x80xi32, #tpu.memory_space<hbm>>
      tpu.enqueue_dma source(%dma_start3A_257 : memref<125x80xi32, #tpu.memory_space<hbm>>) target(%arg8 : memref<125x80xi32, #tpu.memory_space<vmem>>) target_semaphore(%run_scoped3A : memref<!tpu.dma_semaphore, #tpu.memory_space<semaphore_mem>>)
      %dma_wait3A_258 = arith.constant 0 : i32
      %dma_wait3A_259 = arith.constant 0 : i32
      %dma_wait3A_260 = tpu.memref_slice %arg4[%add3A, %dma_wait3A_258, %dma_wait3A_259] : memref<32x125x80xi32, #tpu.memory_space<hbm>> -> memref<1x125x80xi32, #tpu.memory_space<hbm>>
      %dma_wait3A_261 = tpu.memref_squeeze %dma_wait3A_260 : memref<1x125x80xi32, #tpu.memory_space<hbm>> -> memref<125x80xi32, #tpu.memory_space<hbm>>
      %dma_wait3A_262 = arith.constant 0 : i32
      %dma_wait3A_263 = arith.constant 0 : i32
      %dma_wait3A_264 = tpu.memref_slice %arg4[%add3A, %dma_wait3A_262, %dma_wait3A_263] : memref<32x125x80xi32, #tpu.memory_space<hbm>> -> memref<1x125x80xi32, #tpu.memory_space<hbm>>
      %dma_wait3A_265 = tpu.memref_squeeze %dma_wait3A_264 : memref<1x125x80xi32, #tpu.memory_space<hbm>> -> memref<125x80xi32, #tpu.memory_space<hbm>>
      tpu.wait_dma2 semaphore(%run_scoped3A : memref<!tpu.dma_semaphore, #tpu.memory_space<semaphore_mem>>) src(%dma_wait3A_265 : memref<125x80xi32, #tpu.memory_space<hbm>>) dst(%arg8 : memref<125x80xi32, #tpu.memory_space<vmem>>)
      tpu.yield
    }) : () -> ()
    %dma_wait3A = arith.constant 0 : i32
    %dma_wait3A_27 = arith.constant 0 : i32
    %dma_wait3A_28 = arith.constant 0 : i32
    %dma_wait3A_29 = tpu.memref_slice %arg3[%dma_wait3A, %add3A, %dma_wait3A_27, %dma_wait3A_28] : memref<125x32x1x80xi32, #tpu.memory_space<hbm>> -> memref<1x1x1x80xi32, #tpu.memory_space<hbm>>
    %dma_wait3A_30 = tpu.memref_squeeze %dma_wait3A_29 : memref<1x1x1x80xi32, #tpu.memory_space<hbm>> -> memref<1x80xi32, #tpu.memory_space<hbm>>
    %dma_wait3A_31 = arith.constant 0 : i32
    %dma_wait3A_32 = arith.constant 0 : i32
    %dma_wait3A_33 = tpu.memref_slice %arg3[%dma_wait3A, %add3A, %dma_wait3A_31, %dma_wait3A_32] : memref<125x32x1x80xi32, #tpu.memory_space<hbm>> -> memref<1x1x1x80xi32, #tpu.memory_space<hbm>>
    %dma_wait3A_34 = tpu.memref_squeeze %dma_wait3A_33 : memref<1x1x1x80xi32, #tpu.memory_space<hbm>> -> memref<1x80xi32, #tpu.memory_space<hbm>>
    tpu.wait_dma2 semaphore(%arg21 : memref<!tpu.dma_semaphore, #tpu.memory_space<semaphore_mem>>) src(%dma_wait3A_34 : memref<1x80xi32, #tpu.memory_space<hbm>>) dst(%arg9 : memref<1x80xi32, #tpu.memory_space<vmem>>)
    %dma_start3A_35 = arith.constant 0 : i32
    %dma_start3A_36 = arith.constant 0 : i32
    %dma_start3A_37 = tpu.memref_slice %arg9[%dma_start3A_35, %dma_start3A_36] : memref<1x80xi32, #tpu.memory_space<vmem>> -> memref<1x80xi32, #tpu.memory_space<vmem>>
    %dma_start3A_38 = tpu.memref_squeeze %dma_start3A_37 : memref<1x80xi32, #tpu.memory_space<vmem>> -> memref<80xi32, #tpu.memory_space<vmem>>
    %dma_start3A_39 = arith.constant 0 : i32
    %dma_start3A_40 = arith.constant 0 : i32
    %dma_start3A_41 = tpu.memref_slice %arg2[%dma_start3A_39, %dma_start3A_40] : memref<10000x128xf32, #tpu.memory_space<hbm>> -> memref<10000x128xf32, #tpu.memory_space<hbm>>
    tpu.enqueue_indirect_dma source(%dma_start3A_41 : memref<10000x128xf32, #tpu.memory_space<hbm>>) target(%arg12 : memref<80x128xf32, #tpu.memory_space<vmem>>) offsets(%dma_start3A_38 : memref<80xi32, #tpu.memory_space<vmem>>) semaphore(%arg15 : memref<!tpu.dma_semaphore, #tpu.memory_space<semaphore_mem>>)
    %dma_wait3A_42 = arith.constant 0 : i32
    %dma_wait3A_43 = arith.constant 0 : i32
    %dma_wait3A_44 = arith.constant 0 : i32
    %dma_wait3A_45 = tpu.memref_slice %arg3[%dma_wait3A_42, %add3A, %dma_wait3A_43, %dma_wait3A_44] : memref<125x32x1x80xi32, #tpu.memory_space<hbm>> -> memref<1x1x1x80xi32, #tpu.memory_space<hbm>>
    %dma_wait3A_46 = tpu.memref_squeeze %dma_wait3A_45 : memref<1x1x1x80xi32, #tpu.memory_space<hbm>> -> memref<1x80xi32, #tpu.memory_space<hbm>>
    %dma_wait3A_47 = arith.constant 0 : i32
    %dma_wait3A_48 = arith.constant 0 : i32
    %dma_wait3A_49 = tpu.memref_slice %arg3[%dma_wait3A_42, %add3A, %dma_wait3A_47, %dma_wait3A_48] : memref<125x32x1x80xi32, #tpu.memory_space<hbm>> -> memref<1x1x1x80xi32, #tpu.memory_space<hbm>>
    %dma_wait3A_50 = tpu.memref_squeeze %dma_wait3A_49 : memref<1x1x1x80xi32, #tpu.memory_space<hbm>> -> memref<1x80xi32, #tpu.memory_space<hbm>>
    tpu.wait_dma2 semaphore(%arg22 : memref<!tpu.dma_semaphore, #tpu.memory_space<semaphore_mem>>) src(%dma_wait3A_50 : memref<1x80xi32, #tpu.memory_space<hbm>>) dst(%arg10 : memref<1x80xi32, #tpu.memory_space<vmem>>)
    %dma_start3A_51 = arith.constant 0 : i32
    %dma_start3A_52 = arith.constant 0 : i32
    %dma_start3A_53 = tpu.memref_slice %arg10[%dma_start3A_51, %dma_start3A_52] : memref<1x80xi32, #tpu.memory_space<vmem>> -> memref<1x80xi32, #tpu.memory_space<vmem>>
    %dma_start3A_54 = tpu.memref_squeeze %dma_start3A_53 : memref<1x80xi32, #tpu.memory_space<vmem>> -> memref<80xi32, #tpu.memory_space<vmem>>
    %dma_start3A_55 = arith.constant 0 : i32
    %dma_start3A_56 = arith.constant 0 : i32
    %dma_start3A_57 = tpu.memref_slice %arg2[%dma_start3A_55, %dma_start3A_56] : memref<10000x128xf32, #tpu.memory_space<hbm>> -> memref<10000x128xf32, #tpu.memory_space<hbm>>
    tpu.enqueue_indirect_dma source(%dma_start3A_57 : memref<10000x128xf32, #tpu.memory_space<hbm>>) target(%arg13 : memref<80x128xf32, #tpu.memory_space<vmem>>) offsets(%dma_start3A_54 : memref<80xi32, #tpu.memory_space<vmem>>) semaphore(%arg16 : memref<!tpu.dma_semaphore, #tpu.memory_space<semaphore_mem>>)
    %lt3A = arith.constant 15 : i32
    %lt3A_58 = arith.cmpi slt, %arg1, %lt3A : i32
    %convert_element_type3A = arith.extui %lt3A_58 : i1 to i32
    %cond3A = arith.constant 0 : i32
    %cond3A_59 = arith.cmpi ne, %convert_element_type3A, %cond3A : i32
    scf.if %cond3A_59 {
      %mul3A_250 = arith.constant 632 : i32
      %mul3A_251 = arith.muli %arg1, %mul3A_250 : i32
      "tpu.region"() ({
        %run_scoped3A = tpu.sem_alloc : memref<!tpu.dma_semaphore, #tpu.memory_space<semaphore_mem>>
        %dma_start3A_252 = arith.constant 0 : i32
        %dma_start3A_253 = tpu.memref_slice %arg7[%mul3A_251, %dma_start3A_252] : memref<10000x128xf32, #tpu.memory_space<vmem_shared>> -> memref<632x128xf32, #tpu.memory_space<vmem_shared>>
        %dma_start3A_254 = arith.constant 0 : i32
        %dma_start3A_255 = tpu.memref_slice %arg5[%mul3A_251, %dma_start3A_254] : memref<10000x128xf32, #tpu.memory_space<hbm>> -> memref<632x128xf32, #tpu.memory_space<hbm>>
        tpu.enqueue_dma source(%dma_start3A_255 : memref<632x128xf32, #tpu.memory_space<hbm>>) target(%dma_start3A_253 : memref<632x128xf32, #tpu.memory_space<vmem_shared>>) target_semaphore(%run_scoped3A : memref<!tpu.dma_semaphore, #tpu.memory_space<semaphore_mem>>)
        %dma_wait3A_256 = arith.constant 0 : i32
        %dma_wait3A_257 = tpu.memref_slice %arg7[%mul3A_251, %dma_wait3A_256] : memref<10000x128xf32, #tpu.memory_space<vmem_shared>> -> memref<632x128xf32, #tpu.memory_space<vmem_shared>>
        %dma_wait3A_258 = arith.constant 0 : i32
        %dma_wait3A_259 = tpu.memref_slice %arg5[%mul3A_251, %dma_wait3A_258] : memref<10000x128xf32, #tpu.memory_space<hbm>> -> memref<632x128xf32, #tpu.memory_space<hbm>>
        tpu.wait_dma2 semaphore(%run_scoped3A : memref<!tpu.dma_semaphore, #tpu.memory_space<semaphore_mem>>) src(%dma_wait3A_259 : memref<632x128xf32, #tpu.memory_space<hbm>>) dst(%dma_wait3A_257 : memref<632x128xf32, #tpu.memory_space<vmem_shared>>)
        tpu.yield
      }) : () -> ()
    } else {
    }
    %eq3A = arith.constant 15 : i32
    %eq3A_60 = arith.cmpi eq, %arg1, %eq3A : i32
    %convert_element_type3A_61 = arith.extui %eq3A_60 : i1 to i32
    %cond3A_62 = arith.constant 0 : i32
    %cond3A_63 = arith.cmpi ne, %convert_element_type3A_61, %cond3A_62 : i32
    scf.if %cond3A_63 {
      "tpu.region"() ({
        %run_scoped3A = tpu.sem_alloc : memref<!tpu.dma_semaphore, #tpu.memory_space<semaphore_mem>>
        %dma_start3A_250 = arith.constant 9480 : i32
        %dma_start3A_251 = arith.constant 0 : i32
        %dma_start3A_252 = tpu.memref_slice %arg7[%dma_start3A_250, %dma_start3A_251] : memref<10000x128xf32, #tpu.memory_space<vmem_shared>> -> memref<520x128xf32, #tpu.memory_space<vmem_shared>>
        %dma_start3A_253 = arith.constant 9480 : i32
        %dma_start3A_254 = arith.constant 0 : i32
        %dma_start3A_255 = tpu.memref_slice %arg5[%dma_start3A_253, %dma_start3A_254] : memref<10000x128xf32, #tpu.memory_space<hbm>> -> memref<520x128xf32, #tpu.memory_space<hbm>>
        tpu.enqueue_dma source(%dma_start3A_255 : memref<520x128xf32, #tpu.memory_space<hbm>>) target(%dma_start3A_252 : memref<520x128xf32, #tpu.memory_space<vmem_shared>>) target_semaphore(%run_scoped3A : memref<!tpu.dma_semaphore, #tpu.memory_space<semaphore_mem>>)
        %dma_wait3A_256 = arith.constant 9480 : i32
        %dma_wait3A_257 = arith.constant 0 : i32
        %dma_wait3A_258 = tpu.memref_slice %arg7[%dma_wait3A_256, %dma_wait3A_257] : memref<10000x128xf32, #tpu.memory_space<vmem_shared>> -> memref<520x128xf32, #tpu.memory_space<vmem_shared>>
        %dma_wait3A_259 = arith.constant 9480 : i32
        %dma_wait3A_260 = arith.constant 0 : i32
        %dma_wait3A_261 = tpu.memref_slice %arg5[%dma_wait3A_259, %dma_wait3A_260] : memref<10000x128xf32, #tpu.memory_space<hbm>> -> memref<520x128xf32, #tpu.memory_space<hbm>>
        tpu.wait_dma2 semaphore(%run_scoped3A : memref<!tpu.dma_semaphore, #tpu.memory_space<semaphore_mem>>) src(%dma_wait3A_261 : memref<520x128xf32, #tpu.memory_space<hbm>>) dst(%dma_wait3A_258 : memref<520x128xf32, #tpu.memory_space<vmem_shared>>)
        tpu.yield
      }) : () -> ()
    } else {
    }
    %barrier3A = arith.constant 0 : index
    tpu.barrier barrier_id(%barrier3A)
    %dma_wait3A_64 = arith.constant 0 : i32
    %dma_wait3A_65 = arith.constant 0 : i32
    %dma_wait3A_66 = tpu.memref_slice %arg9[%dma_wait3A_64, %dma_wait3A_65] : memref<1x80xi32, #tpu.memory_space<vmem>> -> memref<1x80xi32, #tpu.memory_space<vmem>>
    %dma_wait3A_67 = tpu.memref_squeeze %dma_wait3A_66 : memref<1x80xi32, #tpu.memory_space<vmem>> -> memref<80xi32, #tpu.memory_space<vmem>>
    %dma_wait3A_68 = arith.constant 0 : i32
    %dma_wait3A_69 = arith.constant 0 : i32
    %dma_wait3A_70 = tpu.memref_slice %arg2[%dma_wait3A_68, %dma_wait3A_69] : memref<10000x128xf32, #tpu.memory_space<hbm>> -> memref<10000x128xf32, #tpu.memory_space<hbm>>
    tpu.wait_indirect_dma semaphore(%arg15 : memref<!tpu.dma_semaphore, #tpu.memory_space<semaphore_mem>>) src(%dma_wait3A_70 : memref<10000x128xf32, #tpu.memory_space<hbm>>) dst(%arg12 : memref<80x128xf32, #tpu.memory_space<vmem>>)
    %dma_start3A_71 = arith.constant 0 : i32
    %dma_start3A_72 = arith.constant 0 : i32
    %dma_start3A_73 = tpu.memref_slice %arg8[%dma_start3A_71, %dma_start3A_72] : memref<125x80xi32, #tpu.memory_space<vmem>> -> memref<1x80xi32, #tpu.memory_space<vmem>>
    %dma_start3A_74 = tpu.memref_squeeze %dma_start3A_73 : memref<1x80xi32, #tpu.memory_space<vmem>> -> memref<80xi32, #tpu.memory_space<vmem>>
    %dma_start3A_75 = arith.constant 0 : i32
    %dma_start3A_76 = arith.constant 0 : i32
    %dma_start3A_77 = tpu.memref_slice %arg7[%dma_start3A_75, %dma_start3A_76] : memref<10000x128xf32, #tpu.memory_space<vmem_shared>> -> memref<10000x128xf32, #tpu.memory_space<vmem_shared>>
    tpu.enqueue_indirect_dma source(%arg12 : memref<80x128xf32, #tpu.memory_space<vmem>>) target(%dma_start3A_77 : memref<10000x128xf32, #tpu.memory_space<vmem_shared>>) offsets(%dma_start3A_74 : memref<80xi32, #tpu.memory_space<vmem>>) semaphore(%arg18 : memref<!tpu.dma_semaphore, #tpu.memory_space<semaphore_mem>>) {add = true}
    %dma_start3A_78 = arith.constant 3 : i32
    %dma_start3A_79 = arith.constant 0 : i32
    %dma_start3A_80 = arith.constant 0 : i32
    %dma_start3A_81 = tpu.memref_slice %arg3[%dma_start3A_78, %add3A, %dma_start3A_79, %dma_start3A_80] : memref<125x32x1x80xi32, #tpu.memory_space<hbm>> -> memref<1x1x1x80xi32, #tpu.memory_space<hbm>>
    %dma_start3A_82 = tpu.memref_squeeze %dma_start3A_81 : memref<1x1x1x80xi32, #tpu.memory_space<hbm>> -> memref<1x80xi32, #tpu.memory_space<hbm>>
    %dma_start3A_83 = arith.constant 0 : i32
    %dma_start3A_84 = arith.constant 0 : i32
    %dma_start3A_85 = tpu.memref_slice %arg3[%dma_start3A_78, %add3A, %dma_start3A_83, %dma_start3A_84] : memref<125x32x1x80xi32, #tpu.memory_space<hbm>> -> memref<1x1x1x80xi32, #tpu.memory_space<hbm>>
    %dma_start3A_86 = tpu.memref_squeeze %dma_start3A_85 : memref<1x1x1x80xi32, #tpu.memory_space<hbm>> -> memref<1x80xi32, #tpu.memory_space<hbm>>
    tpu.enqueue_dma source(%dma_start3A_86 : memref<1x80xi32, #tpu.memory_space<hbm>>) target(%arg9 : memref<1x80xi32, #tpu.memory_space<vmem>>) target_semaphore(%arg21 : memref<!tpu.dma_semaphore, #tpu.memory_space<semaphore_mem>>)
    %dma_wait3A_87 = arith.constant 0 : i32
    %dma_wait3A_88 = arith.constant 0 : i32
    %dma_wait3A_89 = arith.constant 0 : i32
    %dma_wait3A_90 = tpu.memref_slice %arg3[%dma_wait3A_87, %add3A, %dma_wait3A_88, %dma_wait3A_89] : memref<125x32x1x80xi32, #tpu.memory_space<hbm>> -> memref<1x1x1x80xi32, #tpu.memory_space<hbm>>
    %dma_wait3A_91 = tpu.memref_squeeze %dma_wait3A_90 : memref<1x1x1x80xi32, #tpu.memory_space<hbm>> -> memref<1x80xi32, #tpu.memory_space<hbm>>
    %dma_wait3A_92 = arith.constant 0 : i32
    %dma_wait3A_93 = arith.constant 0 : i32
    %dma_wait3A_94 = tpu.memref_slice %arg3[%dma_wait3A_87, %add3A, %dma_wait3A_92, %dma_wait3A_93] : memref<125x32x1x80xi32, #tpu.memory_space<hbm>> -> memref<1x1x1x80xi32, #tpu.memory_space<hbm>>
    %dma_wait3A_95 = tpu.memref_squeeze %dma_wait3A_94 : memref<1x1x1x80xi32, #tpu.memory_space<hbm>> -> memref<1x80xi32, #tpu.memory_space<hbm>>
    tpu.wait_dma2 semaphore(%arg23 : memref<!tpu.dma_semaphore, #tpu.memory_space<semaphore_mem>>) src(%dma_wait3A_95 : memref<1x80xi32, #tpu.memory_space<hbm>>) dst(%arg11 : memref<1x80xi32, #tpu.memory_space<vmem>>)
    %dma_start3A_96 = arith.constant 0 : i32
    %dma_start3A_97 = arith.constant 0 : i32
    %dma_start3A_98 = tpu.memref_slice %arg11[%dma_start3A_96, %dma_start3A_97] : memref<1x80xi32, #tpu.memory_space<vmem>> -> memref<1x80xi32, #tpu.memory_space<vmem>>
    %dma_start3A_99 = tpu.memref_squeeze %dma_start3A_98 : memref<1x80xi32, #tpu.memory_space<vmem>> -> memref<80xi32, #tpu.memory_space<vmem>>
    %dma_start3A_100 = arith.constant 0 : i32
    %dma_start3A_101 = arith.constant 0 : i32
    %dma_start3A_102 = tpu.memref_slice %arg2[%dma_start3A_100, %dma_start3A_101] : memref<10000x128xf32, #tpu.memory_space<hbm>> -> memref<10000x128xf32, #tpu.memory_space<hbm>>
    tpu.enqueue_indirect_dma source(%dma_start3A_102 : memref<10000x128xf32, #tpu.memory_space<hbm>>) target(%arg14 : memref<80x128xf32, #tpu.memory_space<vmem>>) offsets(%dma_start3A_99 : memref<80xi32, #tpu.memory_space<vmem>>) semaphore(%arg17 : memref<!tpu.dma_semaphore, #tpu.memory_space<semaphore_mem>>)
    %scan3A = arith.constant 0 : i32
    %scan3A_103 = arith.constant 40 : i32
    %scan3A_104 = arith.addi %scan3A, %scan3A_103 : i32
    %scan3A_105 = arith.constant 1 : i32
    scf.for %scan3A_250 = %scan3A to %scan3A_104 step %scan3A_105  : i32 {
      %mul3A_251 = arith.constant 1 : i32
      %mul3A_252 = arith.muli %scan3A_250, %mul3A_251 : i32
      %add3A_253 = arith.constant 0 : i32
      %add3A_254 = arith.addi %add3A_253, %mul3A_252 : i32
      %mul3A_255 = arith.constant 3 : i32
      %mul3A_256 = arith.muli %mul3A_255, %add3A_254 : i32
      %add3A_257 = arith.constant 1 : i32
      %add3A_258 = arith.addi %mul3A_256, %add3A_257 : i32
      %dma_wait3A_259 = arith.constant 0 : i32
      %dma_wait3A_260 = arith.constant 0 : i32
      %dma_wait3A_261 = tpu.memref_slice %arg10[%dma_wait3A_259, %dma_wait3A_260] : memref<1x80xi32, #tpu.memory_space<vmem>> -> memref<1x80xi32, #tpu.memory_space<vmem>>
      %dma_wait3A_262 = tpu.memref_squeeze %dma_wait3A_261 : memref<1x80xi32, #tpu.memory_space<vmem>> -> memref<80xi32, #tpu.memory_space<vmem>>
      %dma_wait3A_263 = arith.constant 0 : i32
      %dma_wait3A_264 = arith.constant 0 : i32
      %dma_wait3A_265 = tpu.memref_slice %arg2[%dma_wait3A_263, %dma_wait3A_264] : memref<10000x128xf32, #tpu.memory_space<hbm>> -> memref<10000x128xf32, #tpu.memory_space<hbm>>
      tpu.wait_indirect_dma semaphore(%arg16 : memref<!tpu.dma_semaphore, #tpu.memory_space<semaphore_mem>>) src(%dma_wait3A_265 : memref<10000x128xf32, #tpu.memory_space<hbm>>) dst(%arg13 : memref<80x128xf32, #tpu.memory_space<vmem>>)
      %dma_start3A_266 = arith.constant 0 : i32
      %dma_start3A_267 = tpu.memref_slice %arg8[%add3A_258, %dma_start3A_266] : memref<125x80xi32, #tpu.memory_space<vmem>> -> memref<1x80xi32, #tpu.memory_space<vmem>>
      %dma_start3A_268 = tpu.memref_squeeze %dma_start3A_267 : memref<1x80xi32, #tpu.memory_space<vmem>> -> memref<80xi32, #tpu.memory_space<vmem>>
      %dma_start3A_269 = arith.constant 0 : i32
      %dma_start3A_270 = arith.constant 0 : i32
      %dma_start3A_271 = tpu.memref_slice %arg7[%dma_start3A_269, %dma_start3A_270] : memref<10000x128xf32, #tpu.memory_space<vmem_shared>> -> memref<10000x128xf32, #tpu.memory_space<vmem_shared>>
      tpu.enqueue_indirect_dma source(%arg13 : memref<80x128xf32, #tpu.memory_space<vmem>>) target(%dma_start3A_271 : memref<10000x128xf32, #tpu.memory_space<vmem_shared>>) offsets(%dma_start3A_268 : memref<80xi32, #tpu.memory_space<vmem>>) semaphore(%arg19 : memref<!tpu.dma_semaphore, #tpu.memory_space<semaphore_mem>>) {add = true}
      %add3A_272 = arith.constant 3 : i32
      %add3A_273 = arith.addi %add3A_258, %add3A_272 : i32
      %dma_start3A_274 = arith.constant 0 : i32
      %dma_start3A_275 = arith.constant 0 : i32
      %dma_start3A_276 = tpu.memref_slice %arg3[%add3A_273, %add3A, %dma_start3A_274, %dma_start3A_275] : memref<125x32x1x80xi32, #tpu.memory_space<hbm>> -> memref<1x1x1x80xi32, #tpu.memory_space<hbm>>
      %dma_start3A_277 = tpu.memref_squeeze %dma_start3A_276 : memref<1x1x1x80xi32, #tpu.memory_space<hbm>> -> memref<1x80xi32, #tpu.memory_space<hbm>>
      %dma_start3A_278 = arith.constant 0 : i32
      %dma_start3A_279 = arith.constant 0 : i32
      %dma_start3A_280 = tpu.memref_slice %arg3[%add3A_273, %add3A, %dma_start3A_278, %dma_start3A_279] : memref<125x32x1x80xi32, #tpu.memory_space<hbm>> -> memref<1x1x1x80xi32, #tpu.memory_space<hbm>>
      %dma_start3A_281 = tpu.memref_squeeze %dma_start3A_280 : memref<1x1x1x80xi32, #tpu.memory_space<hbm>> -> memref<1x80xi32, #tpu.memory_space<hbm>>
      tpu.enqueue_dma source(%dma_start3A_281 : memref<1x80xi32, #tpu.memory_space<hbm>>) target(%arg10 : memref<1x80xi32, #tpu.memory_space<vmem>>) target_semaphore(%arg22 : memref<!tpu.dma_semaphore, #tpu.memory_space<semaphore_mem>>)
      %dma_wait3A_282 = arith.constant 0 : i32
      %dma_wait3A_283 = arith.constant 0 : i32
      %dma_wait3A_284 = arith.constant 0 : i32
      %dma_wait3A_285 = tpu.memref_slice %arg3[%dma_wait3A_282, %add3A, %dma_wait3A_283, %dma_wait3A_284] : memref<125x32x1x80xi32, #tpu.memory_space<hbm>> -> memref<1x1x1x80xi32, #tpu.memory_space<hbm>>
      %dma_wait3A_286 = tpu.memref_squeeze %dma_wait3A_285 : memref<1x1x1x80xi32, #tpu.memory_space<hbm>> -> memref<1x80xi32, #tpu.memory_space<hbm>>
      %dma_wait3A_287 = arith.constant 0 : i32
      %dma_wait3A_288 = arith.constant 0 : i32
      %dma_wait3A_289 = tpu.memref_slice %arg3[%dma_wait3A_282, %add3A, %dma_wait3A_287, %dma_wait3A_288] : memref<125x32x1x80xi32, #tpu.memory_space<hbm>> -> memref<1x1x1x80xi32, #tpu.memory_space<hbm>>
      %dma_wait3A_290 = tpu.memref_squeeze %dma_wait3A_289 : memref<1x1x1x80xi32, #tpu.memory_space<hbm>> -> memref<1x80xi32, #tpu.memory_space<hbm>>
      tpu.wait_dma2 semaphore(%arg21 : memref<!tpu.dma_semaphore, #tpu.memory_space<semaphore_mem>>) src(%dma_wait3A_290 : memref<1x80xi32, #tpu.memory_space<hbm>>) dst(%arg9 : memref<1x80xi32, #tpu.memory_space<vmem>>)
      %sub3A = arith.constant 1 : i32
      %sub3A_291 = arith.subi %add3A_258, %sub3A : i32
      %dma_wait3A_292 = arith.constant 0 : i32
      %dma_wait3A_293 = tpu.memref_slice %arg8[%sub3A_291, %dma_wait3A_292] : memref<125x80xi32, #tpu.memory_space<vmem>> -> memref<1x80xi32, #tpu.memory_space<vmem>>
      %dma_wait3A_294 = tpu.memref_squeeze %dma_wait3A_293 : memref<1x80xi32, #tpu.memory_space<vmem>> -> memref<80xi32, #tpu.memory_space<vmem>>
      %dma_wait3A_295 = arith.constant 0 : i32
      %dma_wait3A_296 = arith.constant 0 : i32
      %dma_wait3A_297 = tpu.memref_slice %arg7[%dma_wait3A_295, %dma_wait3A_296] : memref<10000x128xf32, #tpu.memory_space<vmem_shared>> -> memref<10000x128xf32, #tpu.memory_space<vmem_shared>>
      tpu.wait_indirect_dma semaphore(%arg18 : memref<!tpu.dma_semaphore, #tpu.memory_space<semaphore_mem>>) src(%arg12 : memref<80x128xf32, #tpu.memory_space<vmem>>) dst(%dma_wait3A_297 : memref<10000x128xf32, #tpu.memory_space<vmem_shared>>)
      %dma_start3A_298 = arith.constant 0 : i32
      %dma_start3A_299 = arith.constant 0 : i32
      %dma_start3A_300 = tpu.memref_slice %arg9[%dma_start3A_298, %dma_start3A_299] : memref<1x80xi32, #tpu.memory_space<vmem>> -> memref<1x80xi32, #tpu.memory_space<vmem>>
      %dma_start3A_301 = tpu.memref_squeeze %dma_start3A_300 : memref<1x80xi32, #tpu.memory_space<vmem>> -> memref<80xi32, #tpu.memory_space<vmem>>
      %dma_start3A_302 = arith.constant 0 : i32
      %dma_start3A_303 = arith.constant 0 : i32
      %dma_start3A_304 = tpu.memref_slice %arg2[%dma_start3A_302, %dma_start3A_303] : memref<10000x128xf32, #tpu.memory_space<hbm>> -> memref<10000x128xf32, #tpu.memory_space<hbm>>
      tpu.enqueue_indirect_dma source(%dma_start3A_304 : memref<10000x128xf32, #tpu.memory_space<hbm>>) target(%arg12 : memref<80x128xf32, #tpu.memory_space<vmem>>) offsets(%dma_start3A_301 : memref<80xi32, #tpu.memory_space<vmem>>) semaphore(%arg15 : memref<!tpu.dma_semaphore, #tpu.memory_space<semaphore_mem>>)
      %add3A_305 = arith.constant 1 : i32
      %add3A_306 = arith.addi %add3A_258, %add3A_305 : i32
      %dma_wait3A_307 = arith.constant 0 : i32
      %dma_wait3A_308 = arith.constant 0 : i32
      %dma_wait3A_309 = tpu.memref_slice %arg11[%dma_wait3A_307, %dma_wait3A_308] : memref<1x80xi32, #tpu.memory_space<vmem>> -> memref<1x80xi32, #tpu.memory_space<vmem>>
      %dma_wait3A_310 = tpu.memref_squeeze %dma_wait3A_309 : memref<1x80xi32, #tpu.memory_space<vmem>> -> memref<80xi32, #tpu.memory_space<vmem>>
      %dma_wait3A_311 = arith.constant 0 : i32
      %dma_wait3A_312 = arith.constant 0 : i32
      %dma_wait3A_313 = tpu.memref_slice %arg2[%dma_wait3A_311, %dma_wait3A_312] : memref<10000x128xf32, #tpu.memory_space<hbm>> -> memref<10000x128xf32, #tpu.memory_space<hbm>>
      tpu.wait_indirect_dma semaphore(%arg17 : memref<!tpu.dma_semaphore, #tpu.memory_space<semaphore_mem>>) src(%dma_wait3A_313 : memref<10000x128xf32, #tpu.memory_space<hbm>>) dst(%arg14 : memref<80x128xf32, #tpu.memory_space<vmem>>)
      %dma_start3A_314 = arith.constant 0 : i32
      %dma_start3A_315 = tpu.memref_slice %arg8[%add3A_306, %dma_start3A_314] : memref<125x80xi32, #tpu.memory_space<vmem>> -> memref<1x80xi32, #tpu.memory_space<vmem>>
      %dma_start3A_316 = tpu.memref_squeeze %dma_start3A_315 : memref<1x80xi32, #tpu.memory_space<vmem>> -> memref<80xi32, #tpu.memory_space<vmem>>
      %dma_start3A_317 = arith.constant 0 : i32
      %dma_start3A_318 = arith.constant 0 : i32
      %dma_start3A_319 = tpu.memref_slice %arg7[%dma_start3A_317, %dma_start3A_318] : memref<10000x128xf32, #tpu.memory_space<vmem_shared>> -> memref<10000x128xf32, #tpu.memory_space<vmem_shared>>
      tpu.enqueue_indirect_dma source(%arg14 : memref<80x128xf32, #tpu.memory_space<vmem>>) target(%dma_start3A_319 : memref<10000x128xf32, #tpu.memory_space<vmem_shared>>) offsets(%dma_start3A_316 : memref<80xi32, #tpu.memory_space<vmem>>) semaphore(%arg20 : memref<!tpu.dma_semaphore, #tpu.memory_space<semaphore_mem>>) {add = true}
      %add3A_320 = arith.constant 3 : i32
      %add3A_321 = arith.addi %add3A_306, %add3A_320 : i32
      %dma_start3A_322 = arith.constant 0 : i32
      %dma_start3A_323 = arith.constant 0 : i32
      %dma_start3A_324 = tpu.memref_slice %arg3[%add3A_321, %add3A, %dma_start3A_322, %dma_start3A_323] : memref<125x32x1x80xi32, #tpu.memory_space<hbm>> -> memref<1x1x1x80xi32, #tpu.memory_space<hbm>>
      %dma_start3A_325 = tpu.memref_squeeze %dma_start3A_324 : memref<1x1x1x80xi32, #tpu.memory_space<hbm>> -> memref<1x80xi32, #tpu.memory_space<hbm>>
      %dma_start3A_326 = arith.constant 0 : i32
      %dma_start3A_327 = arith.constant 0 : i32
      %dma_start3A_328 = tpu.memref_slice %arg3[%add3A_321, %add3A, %dma_start3A_326, %dma_start3A_327] : memref<125x32x1x80xi32, #tpu.memory_space<hbm>> -> memref<1x1x1x80xi32, #tpu.memory_space<hbm>>
      %dma_start3A_329 = tpu.memref_squeeze %dma_start3A_328 : memref<1x1x1x80xi32, #tpu.memory_space<hbm>> -> memref<1x80xi32, #tpu.memory_space<hbm>>
      tpu.enqueue_dma source(%dma_start3A_329 : memref<1x80xi32, #tpu.memory_space<hbm>>) target(%arg11 : memref<1x80xi32, #tpu.memory_space<vmem>>) target_semaphore(%arg23 : memref<!tpu.dma_semaphore, #tpu.memory_space<semaphore_mem>>)
      %dma_wait3A_330 = arith.constant 0 : i32
      %dma_wait3A_331 = arith.constant 0 : i32
      %dma_wait3A_332 = arith.constant 0 : i32
      %dma_wait3A_333 = tpu.memref_slice %arg3[%dma_wait3A_330, %add3A, %dma_wait3A_331, %dma_wait3A_332] : memref<125x32x1x80xi32, #tpu.memory_space<hbm>> -> memref<1x1x1x80xi32, #tpu.memory_space<hbm>>
      %dma_wait3A_334 = tpu.memref_squeeze %dma_wait3A_333 : memref<1x1x1x80xi32, #tpu.memory_space<hbm>> -> memref<1x80xi32, #tpu.memory_space<hbm>>
      %dma_wait3A_335 = arith.constant 0 : i32
      %dma_wait3A_336 = arith.constant 0 : i32
      %dma_wait3A_337 = tpu.memref_slice %arg3[%dma_wait3A_330, %add3A, %dma_wait3A_335, %dma_wait3A_336] : memref<125x32x1x80xi32, #tpu.memory_space<hbm>> -> memref<1x1x1x80xi32, #tpu.memory_space<hbm>>
      %dma_wait3A_338 = tpu.memref_squeeze %dma_wait3A_337 : memref<1x1x1x80xi32, #tpu.memory_space<hbm>> -> memref<1x80xi32, #tpu.memory_space<hbm>>
      tpu.wait_dma2 semaphore(%arg22 : memref<!tpu.dma_semaphore, #tpu.memory_space<semaphore_mem>>) src(%dma_wait3A_338 : memref<1x80xi32, #tpu.memory_space<hbm>>) dst(%arg10 : memref<1x80xi32, #tpu.memory_space<vmem>>)
      %sub3A_339 = arith.constant 1 : i32
      %sub3A_340 = arith.subi %add3A_306, %sub3A_339 : i32
      %dma_wait3A_341 = arith.constant 0 : i32
      %dma_wait3A_342 = tpu.memref_slice %arg8[%sub3A_340, %dma_wait3A_341] : memref<125x80xi32, #tpu.memory_space<vmem>> -> memref<1x80xi32, #tpu.memory_space<vmem>>
      %dma_wait3A_343 = tpu.memref_squeeze %dma_wait3A_342 : memref<1x80xi32, #tpu.memory_space<vmem>> -> memref<80xi32, #tpu.memory_space<vmem>>
      %dma_wait3A_344 = arith.constant 0 : i32
      %dma_wait3A_345 = arith.constant 0 : i32
      %dma_wait3A_346 = tpu.memref_slice %arg7[%dma_wait3A_344, %dma_wait3A_345] : memref<10000x128xf32, #tpu.memory_space<vmem_shared>> -> memref<10000x128xf32, #tpu.memory_space<vmem_shared>>
      tpu.wait_indirect_dma semaphore(%arg19 : memref<!tpu.dma_semaphore, #tpu.memory_space<semaphore_mem>>) src(%arg13 : memref<80x128xf32, #tpu.memory_space<vmem>>) dst(%dma_wait3A_346 : memref<10000x128xf32, #tpu.memory_space<vmem_shared>>)
      %dma_start3A_347 = arith.constant 0 : i32
      %dma_start3A_348 = arith.constant 0 : i32
      %dma_start3A_349 = tpu.memref_slice %arg10[%dma_start3A_347, %dma_start3A_348] : memref<1x80xi32, #tpu.memory_space<vmem>> -> memref<1x80xi32, #tpu.memory_space<vmem>>
      %dma_start3A_350 = tpu.memref_squeeze %dma_start3A_349 : memref<1x80xi32, #tpu.memory_space<vmem>> -> memref<80xi32, #tpu.memory_space<vmem>>
      %dma_start3A_351 = arith.constant 0 : i32
      %dma_start3A_352 = arith.constant 0 : i32
      %dma_start3A_353 = tpu.memref_slice %arg2[%dma_start3A_351, %dma_start3A_352] : memref<10000x128xf32, #tpu.memory_space<hbm>> -> memref<10000x128xf32, #tpu.memory_space<hbm>>
      tpu.enqueue_indirect_dma source(%dma_start3A_353 : memref<10000x128xf32, #tpu.memory_space<hbm>>) target(%arg13 : memref<80x128xf32, #tpu.memory_space<vmem>>) offsets(%dma_start3A_350 : memref<80xi32, #tpu.memory_space<vmem>>) semaphore(%arg16 : memref<!tpu.dma_semaphore, #tpu.memory_space<semaphore_mem>>)
      %add3A_354 = arith.constant 2 : i32
      %add3A_355 = arith.addi %add3A_258, %add3A_354 : i32
      %dma_wait3A_356 = arith.constant 0 : i32
      %dma_wait3A_357 = arith.constant 0 : i32
      %dma_wait3A_358 = tpu.memref_slice %arg9[%dma_wait3A_356, %dma_wait3A_357] : memref<1x80xi32, #tpu.memory_space<vmem>> -> memref<1x80xi32, #tpu.memory_space<vmem>>
      %dma_wait3A_359 = tpu.memref_squeeze %dma_wait3A_358 : memref<1x80xi32, #tpu.memory_space<vmem>> -> memref<80xi32, #tpu.memory_space<vmem>>
      %dma_wait3A_360 = arith.constant 0 : i32
      %dma_wait3A_361 = arith.constant 0 : i32
      %dma_wait3A_362 = tpu.memref_slice %arg2[%dma_wait3A_360, %dma_wait3A_361] : memref<10000x128xf32, #tpu.memory_space<hbm>> -> memref<10000x128xf32, #tpu.memory_space<hbm>>
      tpu.wait_indirect_dma semaphore(%arg15 : memref<!tpu.dma_semaphore, #tpu.memory_space<semaphore_mem>>) src(%dma_wait3A_362 : memref<10000x128xf32, #tpu.memory_space<hbm>>) dst(%arg12 : memref<80x128xf32, #tpu.memory_space<vmem>>)
      %dma_start3A_363 = arith.constant 0 : i32
      %dma_start3A_364 = tpu.memref_slice %arg8[%add3A_355, %dma_start3A_363] : memref<125x80xi32, #tpu.memory_space<vmem>> -> memref<1x80xi32, #tpu.memory_space<vmem>>
      %dma_start3A_365 = tpu.memref_squeeze %dma_start3A_364 : memref<1x80xi32, #tpu.memory_space<vmem>> -> memref<80xi32, #tpu.memory_space<vmem>>
      %dma_start3A_366 = arith.constant 0 : i32
      %dma_start3A_367 = arith.constant 0 : i32
      %dma_start3A_368 = tpu.memref_slice %arg7[%dma_start3A_366, %dma_start3A_367] : memref<10000x128xf32, #tpu.memory_space<vmem_shared>> -> memref<10000x128xf32, #tpu.memory_space<vmem_shared>>
      tpu.enqueue_indirect_dma source(%arg12 : memref<80x128xf32, #tpu.memory_space<vmem>>) target(%dma_start3A_368 : memref<10000x128xf32, #tpu.memory_space<vmem_shared>>) offsets(%dma_start3A_365 : memref<80xi32, #tpu.memory_space<vmem>>) semaphore(%arg18 : memref<!tpu.dma_semaphore, #tpu.memory_space<semaphore_mem>>) {add = true}
      %add3A_369 = arith.constant 3 : i32
      %add3A_370 = arith.addi %add3A_355, %add3A_369 : i32
      %dma_start3A_371 = arith.constant 0 : i32
      %dma_start3A_372 = arith.constant 0 : i32
      %dma_start3A_373 = tpu.memref_slice %arg3[%add3A_370, %add3A, %dma_start3A_371, %dma_start3A_372] : memref<125x32x1x80xi32, #tpu.memory_space<hbm>> -> memref<1x1x1x80xi32, #tpu.memory_space<hbm>>
      %dma_start3A_374 = tpu.memref_squeeze %dma_start3A_373 : memref<1x1x1x80xi32, #tpu.memory_space<hbm>> -> memref<1x80xi32, #tpu.memory_space<hbm>>
      %dma_start3A_375 = arith.constant 0 : i32
      %dma_start3A_376 = arith.constant 0 : i32
      %dma_start3A_377 = tpu.memref_slice %arg3[%add3A_370, %add3A, %dma_start3A_375, %dma_start3A_376] : memref<125x32x1x80xi32, #tpu.memory_space<hbm>> -> memref<1x1x1x80xi32, #tpu.memory_space<hbm>>
      %dma_start3A_378 = tpu.memref_squeeze %dma_start3A_377 : memref<1x1x1x80xi32, #tpu.memory_space<hbm>> -> memref<1x80xi32, #tpu.memory_space<hbm>>
      tpu.enqueue_dma source(%dma_start3A_378 : memref<1x80xi32, #tpu.memory_space<hbm>>) target(%arg9 : memref<1x80xi32, #tpu.memory_space<vmem>>) target_semaphore(%arg21 : memref<!tpu.dma_semaphore, #tpu.memory_space<semaphore_mem>>)
      %dma_wait3A_379 = arith.constant 0 : i32
      %dma_wait3A_380 = arith.constant 0 : i32
      %dma_wait3A_381 = arith.constant 0 : i32
      %dma_wait3A_382 = tpu.memref_slice %arg3[%dma_wait3A_379, %add3A, %dma_wait3A_380, %dma_wait3A_381] : memref<125x32x1x80xi32, #tpu.memory_space<hbm>> -> memref<1x1x1x80xi32, #tpu.memory_space<hbm>>
      %dma_wait3A_383 = tpu.memref_squeeze %dma_wait3A_382 : memref<1x1x1x80xi32, #tpu.memory_space<hbm>> -> memref<1x80xi32, #tpu.memory_space<hbm>>
      %dma_wait3A_384 = arith.constant 0 : i32
      %dma_wait3A_385 = arith.constant 0 : i32
      %dma_wait3A_386 = tpu.memref_slice %arg3[%dma_wait3A_379, %add3A, %dma_wait3A_384, %dma_wait3A_385] : memref<125x32x1x80xi32, #tpu.memory_space<hbm>> -> memref<1x1x1x80xi32, #tpu.memory_space<hbm>>
      %dma_wait3A_387 = tpu.memref_squeeze %dma_wait3A_386 : memref<1x1x1x80xi32, #tpu.memory_space<hbm>> -> memref<1x80xi32, #tpu.memory_space<hbm>>
      tpu.wait_dma2 semaphore(%arg23 : memref<!tpu.dma_semaphore, #tpu.memory_space<semaphore_mem>>) src(%dma_wait3A_387 : memref<1x80xi32, #tpu.memory_space<hbm>>) dst(%arg11 : memref<1x80xi32, #tpu.memory_space<vmem>>)
      %sub3A_388 = arith.constant 1 : i32
      %sub3A_389 = arith.subi %add3A_355, %sub3A_388 : i32
      %dma_wait3A_390 = arith.constant 0 : i32
      %dma_wait3A_391 = tpu.memref_slice %arg8[%sub3A_389, %dma_wait3A_390] : memref<125x80xi32, #tpu.memory_space<vmem>> -> memref<1x80xi32, #tpu.memory_space<vmem>>
      %dma_wait3A_392 = tpu.memref_squeeze %dma_wait3A_391 : memref<1x80xi32, #tpu.memory_space<vmem>> -> memref<80xi32, #tpu.memory_space<vmem>>
      %dma_wait3A_393 = arith.constant 0 : i32
      %dma_wait3A_394 = arith.constant 0 : i32
      %dma_wait3A_395 = tpu.memref_slice %arg7[%dma_wait3A_393, %dma_wait3A_394] : memref<10000x128xf32, #tpu.memory_space<vmem_shared>> -> memref<10000x128xf32, #tpu.memory_space<vmem_shared>>
      tpu.wait_indirect_dma semaphore(%arg20 : memref<!tpu.dma_semaphore, #tpu.memory_space<semaphore_mem>>) src(%arg14 : memref<80x128xf32, #tpu.memory_space<vmem>>) dst(%dma_wait3A_395 : memref<10000x128xf32, #tpu.memory_space<vmem_shared>>)
      %dma_start3A_396 = arith.constant 0 : i32
      %dma_start3A_397 = arith.constant 0 : i32
      %dma_start3A_398 = tpu.memref_slice %arg11[%dma_start3A_396, %dma_start3A_397] : memref<1x80xi32, #tpu.memory_space<vmem>> -> memref<1x80xi32, #tpu.memory_space<vmem>>
      %dma_start3A_399 = tpu.memref_squeeze %dma_start3A_398 : memref<1x80xi32, #tpu.memory_space<vmem>> -> memref<80xi32, #tpu.memory_space<vmem>>
      %dma_start3A_400 = arith.constant 0 : i32
      %dma_start3A_401 = arith.constant 0 : i32
      %dma_start3A_402 = tpu.memref_slice %arg2[%dma_start3A_400, %dma_start3A_401] : memref<10000x128xf32, #tpu.memory_space<hbm>> -> memref<10000x128xf32, #tpu.memory_space<hbm>>
      tpu.enqueue_indirect_dma source(%dma_start3A_402 : memref<10000x128xf32, #tpu.memory_space<hbm>>) target(%arg14 : memref<80x128xf32, #tpu.memory_space<vmem>>) offsets(%dma_start3A_399 : memref<80xi32, #tpu.memory_space<vmem>>) semaphore(%arg17 : memref<!tpu.dma_semaphore, #tpu.memory_space<semaphore_mem>>)
    }
    %scan3A_106 = arith.constant 40 : i32
    %dma_wait3A_107 = arith.constant 0 : i32
    %dma_wait3A_108 = arith.constant 0 : i32
    %dma_wait3A_109 = tpu.memref_slice %arg10[%dma_wait3A_107, %dma_wait3A_108] : memref<1x80xi32, #tpu.memory_space<vmem>> -> memref<1x80xi32, #tpu.memory_space<vmem>>
    %dma_wait3A_110 = tpu.memref_squeeze %dma_wait3A_109 : memref<1x80xi32, #tpu.memory_space<vmem>> -> memref<80xi32, #tpu.memory_space<vmem>>
    %dma_wait3A_111 = arith.constant 0 : i32
    %dma_wait3A_112 = arith.constant 0 : i32
    %dma_wait3A_113 = tpu.memref_slice %arg2[%dma_wait3A_111, %dma_wait3A_112] : memref<10000x128xf32, #tpu.memory_space<hbm>> -> memref<10000x128xf32, #tpu.memory_space<hbm>>
    tpu.wait_indirect_dma semaphore(%arg16 : memref<!tpu.dma_semaphore, #tpu.memory_space<semaphore_mem>>) src(%dma_wait3A_113 : memref<10000x128xf32, #tpu.memory_space<hbm>>) dst(%arg13 : memref<80x128xf32, #tpu.memory_space<vmem>>)
    %dma_start3A_114 = arith.constant 121 : i32
    %dma_start3A_115 = arith.constant 0 : i32
    %dma_start3A_116 = tpu.memref_slice %arg8[%dma_start3A_114, %dma_start3A_115] : memref<125x80xi32, #tpu.memory_space<vmem>> -> memref<1x80xi32, #tpu.memory_space<vmem>>
    %dma_start3A_117 = tpu.memref_squeeze %dma_start3A_116 : memref<1x80xi32, #tpu.memory_space<vmem>> -> memref<80xi32, #tpu.memory_space<vmem>>
    %dma_start3A_118 = arith.constant 0 : i32
    %dma_start3A_119 = arith.constant 0 : i32
    %dma_start3A_120 = tpu.memref_slice %arg7[%dma_start3A_118, %dma_start3A_119] : memref<10000x128xf32, #tpu.memory_space<vmem_shared>> -> memref<10000x128xf32, #tpu.memory_space<vmem_shared>>
    tpu.enqueue_indirect_dma source(%arg13 : memref<80x128xf32, #tpu.memory_space<vmem>>) target(%dma_start3A_120 : memref<10000x128xf32, #tpu.memory_space<vmem_shared>>) offsets(%dma_start3A_117 : memref<80xi32, #tpu.memory_space<vmem>>) semaphore(%arg19 : memref<!tpu.dma_semaphore, #tpu.memory_space<semaphore_mem>>) {add = true}
    %dma_start3A_121 = arith.constant 124 : i32
    %dma_start3A_122 = arith.constant 0 : i32
    %dma_start3A_123 = arith.constant 0 : i32
    %dma_start3A_124 = tpu.memref_slice %arg3[%dma_start3A_121, %add3A, %dma_start3A_122, %dma_start3A_123] : memref<125x32x1x80xi32, #tpu.memory_space<hbm>> -> memref<1x1x1x80xi32, #tpu.memory_space<hbm>>
    %dma_start3A_125 = tpu.memref_squeeze %dma_start3A_124 : memref<1x1x1x80xi32, #tpu.memory_space<hbm>> -> memref<1x80xi32, #tpu.memory_space<hbm>>
    %dma_start3A_126 = arith.constant 0 : i32
    %dma_start3A_127 = arith.constant 0 : i32
    %dma_start3A_128 = tpu.memref_slice %arg3[%dma_start3A_121, %add3A, %dma_start3A_126, %dma_start3A_127] : memref<125x32x1x80xi32, #tpu.memory_space<hbm>> -> memref<1x1x1x80xi32, #tpu.memory_space<hbm>>
    %dma_start3A_129 = tpu.memref_squeeze %dma_start3A_128 : memref<1x1x1x80xi32, #tpu.memory_space<hbm>> -> memref<1x80xi32, #tpu.memory_space<hbm>>
    tpu.enqueue_dma source(%dma_start3A_129 : memref<1x80xi32, #tpu.memory_space<hbm>>) target(%arg10 : memref<1x80xi32, #tpu.memory_space<vmem>>) target_semaphore(%arg22 : memref<!tpu.dma_semaphore, #tpu.memory_space<semaphore_mem>>)
    %dma_wait3A_130 = arith.constant 0 : i32
    %dma_wait3A_131 = arith.constant 0 : i32
    %dma_wait3A_132 = arith.constant 0 : i32
    %dma_wait3A_133 = tpu.memref_slice %arg3[%dma_wait3A_130, %add3A, %dma_wait3A_131, %dma_wait3A_132] : memref<125x32x1x80xi32, #tpu.memory_space<hbm>> -> memref<1x1x1x80xi32, #tpu.memory_space<hbm>>
    %dma_wait3A_134 = tpu.memref_squeeze %dma_wait3A_133 : memref<1x1x1x80xi32, #tpu.memory_space<hbm>> -> memref<1x80xi32, #tpu.memory_space<hbm>>
    %dma_wait3A_135 = arith.constant 0 : i32
    %dma_wait3A_136 = arith.constant 0 : i32
    %dma_wait3A_137 = tpu.memref_slice %arg3[%dma_wait3A_130, %add3A, %dma_wait3A_135, %dma_wait3A_136] : memref<125x32x1x80xi32, #tpu.memory_space<hbm>> -> memref<1x1x1x80xi32, #tpu.memory_space<hbm>>
    %dma_wait3A_138 = tpu.memref_squeeze %dma_wait3A_137 : memref<1x1x1x80xi32, #tpu.memory_space<hbm>> -> memref<1x80xi32, #tpu.memory_space<hbm>>
    tpu.wait_dma2 semaphore(%arg21 : memref<!tpu.dma_semaphore, #tpu.memory_space<semaphore_mem>>) src(%dma_wait3A_138 : memref<1x80xi32, #tpu.memory_space<hbm>>) dst(%arg9 : memref<1x80xi32, #tpu.memory_space<vmem>>)
    %dma_wait3A_139 = arith.constant 120 : i32
    %dma_wait3A_140 = arith.constant 0 : i32
    %dma_wait3A_141 = tpu.memref_slice %arg8[%dma_wait3A_139, %dma_wait3A_140] : memref<125x80xi32, #tpu.memory_space<vmem>> -> memref<1x80xi32, #tpu.memory_space<vmem>>
    %dma_wait3A_142 = tpu.memref_squeeze %dma_wait3A_141 : memref<1x80xi32, #tpu.memory_space<vmem>> -> memref<80xi32, #tpu.memory_space<vmem>>
    %dma_wait3A_143 = arith.constant 0 : i32
    %dma_wait3A_144 = arith.constant 0 : i32
    %dma_wait3A_145 = tpu.memref_slice %arg7[%dma_wait3A_143, %dma_wait3A_144] : memref<10000x128xf32, #tpu.memory_space<vmem_shared>> -> memref<10000x128xf32, #tpu.memory_space<vmem_shared>>
    tpu.wait_indirect_dma semaphore(%arg18 : memref<!tpu.dma_semaphore, #tpu.memory_space<semaphore_mem>>) src(%arg12 : memref<80x128xf32, #tpu.memory_space<vmem>>) dst(%dma_wait3A_145 : memref<10000x128xf32, #tpu.memory_space<vmem_shared>>)
    %dma_start3A_146 = arith.constant 0 : i32
    %dma_start3A_147 = arith.constant 0 : i32
    %dma_start3A_148 = tpu.memref_slice %arg9[%dma_start3A_146, %dma_start3A_147] : memref<1x80xi32, #tpu.memory_space<vmem>> -> memref<1x80xi32, #tpu.memory_space<vmem>>
    %dma_start3A_149 = tpu.memref_squeeze %dma_start3A_148 : memref<1x80xi32, #tpu.memory_space<vmem>> -> memref<80xi32, #tpu.memory_space<vmem>>
    %dma_start3A_150 = arith.constant 0 : i32
    %dma_start3A_151 = arith.constant 0 : i32
    %dma_start3A_152 = tpu.memref_slice %arg2[%dma_start3A_150, %dma_start3A_151] : memref<10000x128xf32, #tpu.memory_space<hbm>> -> memref<10000x128xf32, #tpu.memory_space<hbm>>
    tpu.enqueue_indirect_dma source(%dma_start3A_152 : memref<10000x128xf32, #tpu.memory_space<hbm>>) target(%arg12 : memref<80x128xf32, #tpu.memory_space<vmem>>) offsets(%dma_start3A_149 : memref<80xi32, #tpu.memory_space<vmem>>) semaphore(%arg15 : memref<!tpu.dma_semaphore, #tpu.memory_space<semaphore_mem>>)
    %dma_wait3A_153 = arith.constant 0 : i32
    %dma_wait3A_154 = arith.constant 0 : i32
    %dma_wait3A_155 = tpu.memref_slice %arg11[%dma_wait3A_153, %dma_wait3A_154] : memref<1x80xi32, #tpu.memory_space<vmem>> -> memref<1x80xi32, #tpu.memory_space<vmem>>
    %dma_wait3A_156 = tpu.memref_squeeze %dma_wait3A_155 : memref<1x80xi32, #tpu.memory_space<vmem>> -> memref<80xi32, #tpu.memory_space<vmem>>
    %dma_wait3A_157 = arith.constant 0 : i32
    %dma_wait3A_158 = arith.constant 0 : i32
    %dma_wait3A_159 = tpu.memref_slice %arg2[%dma_wait3A_157, %dma_wait3A_158] : memref<10000x128xf32, #tpu.memory_space<hbm>> -> memref<10000x128xf32, #tpu.memory_space<hbm>>
    tpu.wait_indirect_dma semaphore(%arg17 : memref<!tpu.dma_semaphore, #tpu.memory_space<semaphore_mem>>) src(%dma_wait3A_159 : memref<10000x128xf32, #tpu.memory_space<hbm>>) dst(%arg14 : memref<80x128xf32, #tpu.memory_space<vmem>>)
    %dma_start3A_160 = arith.constant 122 : i32
    %dma_start3A_161 = arith.constant 0 : i32
    %dma_start3A_162 = tpu.memref_slice %arg8[%dma_start3A_160, %dma_start3A_161] : memref<125x80xi32, #tpu.memory_space<vmem>> -> memref<1x80xi32, #tpu.memory_space<vmem>>
    %dma_start3A_163 = tpu.memref_squeeze %dma_start3A_162 : memref<1x80xi32, #tpu.memory_space<vmem>> -> memref<80xi32, #tpu.memory_space<vmem>>
    %dma_start3A_164 = arith.constant 0 : i32
    %dma_start3A_165 = arith.constant 0 : i32
    %dma_start3A_166 = tpu.memref_slice %arg7[%dma_start3A_164, %dma_start3A_165] : memref<10000x128xf32, #tpu.memory_space<vmem_shared>> -> memref<10000x128xf32, #tpu.memory_space<vmem_shared>>
    tpu.enqueue_indirect_dma source(%arg14 : memref<80x128xf32, #tpu.memory_space<vmem>>) target(%dma_start3A_166 : memref<10000x128xf32, #tpu.memory_space<vmem_shared>>) offsets(%dma_start3A_163 : memref<80xi32, #tpu.memory_space<vmem>>) semaphore(%arg20 : memref<!tpu.dma_semaphore, #tpu.memory_space<semaphore_mem>>) {add = true}
    %dma_wait3A_167 = arith.constant 0 : i32
    %dma_wait3A_168 = arith.constant 0 : i32
    %dma_wait3A_169 = arith.constant 0 : i32
    %dma_wait3A_170 = tpu.memref_slice %arg3[%dma_wait3A_167, %add3A, %dma_wait3A_168, %dma_wait3A_169] : memref<125x32x1x80xi32, #tpu.memory_space<hbm>> -> memref<1x1x1x80xi32, #tpu.memory_space<hbm>>
    %dma_wait3A_171 = tpu.memref_squeeze %dma_wait3A_170 : memref<1x1x1x80xi32, #tpu.memory_space<hbm>> -> memref<1x80xi32, #tpu.memory_space<hbm>>
    %dma_wait3A_172 = arith.constant 0 : i32
    %dma_wait3A_173 = arith.constant 0 : i32
    %dma_wait3A_174 = tpu.memref_slice %arg3[%dma_wait3A_167, %add3A, %dma_wait3A_172, %dma_wait3A_173] : memref<125x32x1x80xi32, #tpu.memory_space<hbm>> -> memref<1x1x1x80xi32, #tpu.memory_space<hbm>>
    %dma_wait3A_175 = tpu.memref_squeeze %dma_wait3A_174 : memref<1x1x1x80xi32, #tpu.memory_space<hbm>> -> memref<1x80xi32, #tpu.memory_space<hbm>>
    tpu.wait_dma2 semaphore(%arg22 : memref<!tpu.dma_semaphore, #tpu.memory_space<semaphore_mem>>) src(%dma_wait3A_175 : memref<1x80xi32, #tpu.memory_space<hbm>>) dst(%arg10 : memref<1x80xi32, #tpu.memory_space<vmem>>)
    %dma_wait3A_176 = arith.constant 121 : i32
    %dma_wait3A_177 = arith.constant 0 : i32
    %dma_wait3A_178 = tpu.memref_slice %arg8[%dma_wait3A_176, %dma_wait3A_177] : memref<125x80xi32, #tpu.memory_space<vmem>> -> memref<1x80xi32, #tpu.memory_space<vmem>>
    %dma_wait3A_179 = tpu.memref_squeeze %dma_wait3A_178 : memref<1x80xi32, #tpu.memory_space<vmem>> -> memref<80xi32, #tpu.memory_space<vmem>>
    %dma_wait3A_180 = arith.constant 0 : i32
    %dma_wait3A_181 = arith.constant 0 : i32
    %dma_wait3A_182 = tpu.memref_slice %arg7[%dma_wait3A_180, %dma_wait3A_181] : memref<10000x128xf32, #tpu.memory_space<vmem_shared>> -> memref<10000x128xf32, #tpu.memory_space<vmem_shared>>
    tpu.wait_indirect_dma semaphore(%arg19 : memref<!tpu.dma_semaphore, #tpu.memory_space<semaphore_mem>>) src(%arg13 : memref<80x128xf32, #tpu.memory_space<vmem>>) dst(%dma_wait3A_182 : memref<10000x128xf32, #tpu.memory_space<vmem_shared>>)
    %dma_start3A_183 = arith.constant 0 : i32
    %dma_start3A_184 = arith.constant 0 : i32
    %dma_start3A_185 = tpu.memref_slice %arg10[%dma_start3A_183, %dma_start3A_184] : memref<1x80xi32, #tpu.memory_space<vmem>> -> memref<1x80xi32, #tpu.memory_space<vmem>>
    %dma_start3A_186 = tpu.memref_squeeze %dma_start3A_185 : memref<1x80xi32, #tpu.memory_space<vmem>> -> memref<80xi32, #tpu.memory_space<vmem>>
    %dma_start3A_187 = arith.constant 0 : i32
    %dma_start3A_188 = arith.constant 0 : i32
    %dma_start3A_189 = tpu.memref_slice %arg2[%dma_start3A_187, %dma_start3A_188] : memref<10000x128xf32, #tpu.memory_space<hbm>> -> memref<10000x128xf32, #tpu.memory_space<hbm>>
    tpu.enqueue_indirect_dma source(%dma_start3A_189 : memref<10000x128xf32, #tpu.memory_space<hbm>>) target(%arg13 : memref<80x128xf32, #tpu.memory_space<vmem>>) offsets(%dma_start3A_186 : memref<80xi32, #tpu.memory_space<vmem>>) semaphore(%arg16 : memref<!tpu.dma_semaphore, #tpu.memory_space<semaphore_mem>>)
    %dma_wait3A_190 = arith.constant 0 : i32
    %dma_wait3A_191 = arith.constant 0 : i32
    %dma_wait3A_192 = tpu.memref_slice %arg9[%dma_wait3A_190, %dma_wait3A_191] : memref<1x80xi32, #tpu.memory_space<vmem>> -> memref<1x80xi32, #tpu.memory_space<vmem>>
    %dma_wait3A_193 = tpu.memref_squeeze %dma_wait3A_192 : memref<1x80xi32, #tpu.memory_space<vmem>> -> memref<80xi32, #tpu.memory_space<vmem>>
    %dma_wait3A_194 = arith.constant 0 : i32
    %dma_wait3A_195 = arith.constant 0 : i32
    %dma_wait3A_196 = tpu.memref_slice %arg2[%dma_wait3A_194, %dma_wait3A_195] : memref<10000x128xf32, #tpu.memory_space<hbm>> -> memref<10000x128xf32, #tpu.memory_space<hbm>>
    tpu.wait_indirect_dma semaphore(%arg15 : memref<!tpu.dma_semaphore, #tpu.memory_space<semaphore_mem>>) src(%dma_wait3A_196 : memref<10000x128xf32, #tpu.memory_space<hbm>>) dst(%arg12 : memref<80x128xf32, #tpu.memory_space<vmem>>)
    %dma_start3A_197 = arith.constant 123 : i32
    %dma_start3A_198 = arith.constant 0 : i32
    %dma_start3A_199 = tpu.memref_slice %arg8[%dma_start3A_197, %dma_start3A_198] : memref<125x80xi32, #tpu.memory_space<vmem>> -> memref<1x80xi32, #tpu.memory_space<vmem>>
    %dma_start3A_200 = tpu.memref_squeeze %dma_start3A_199 : memref<1x80xi32, #tpu.memory_space<vmem>> -> memref<80xi32, #tpu.memory_space<vmem>>
    %dma_start3A_201 = arith.constant 0 : i32
    %dma_start3A_202 = arith.constant 0 : i32
    %dma_start3A_203 = tpu.memref_slice %arg7[%dma_start3A_201, %dma_start3A_202] : memref<10000x128xf32, #tpu.memory_space<vmem_shared>> -> memref<10000x128xf32, #tpu.memory_space<vmem_shared>>
    tpu.enqueue_indirect_dma source(%arg12 : memref<80x128xf32, #tpu.memory_space<vmem>>) target(%dma_start3A_203 : memref<10000x128xf32, #tpu.memory_space<vmem_shared>>) offsets(%dma_start3A_200 : memref<80xi32, #tpu.memory_space<vmem>>) semaphore(%arg18 : memref<!tpu.dma_semaphore, #tpu.memory_space<semaphore_mem>>) {add = true}
    %dma_wait3A_204 = arith.constant 0 : i32
    %dma_wait3A_205 = arith.constant 0 : i32
    %dma_wait3A_206 = tpu.memref_slice %arg10[%dma_wait3A_204, %dma_wait3A_205] : memref<1x80xi32, #tpu.memory_space<vmem>> -> memref<1x80xi32, #tpu.memory_space<vmem>>
    %dma_wait3A_207 = tpu.memref_squeeze %dma_wait3A_206 : memref<1x80xi32, #tpu.memory_space<vmem>> -> memref<80xi32, #tpu.memory_space<vmem>>
    %dma_wait3A_208 = arith.constant 0 : i32
    %dma_wait3A_209 = arith.constant 0 : i32
    %dma_wait3A_210 = tpu.memref_slice %arg2[%dma_wait3A_208, %dma_wait3A_209] : memref<10000x128xf32, #tpu.memory_space<hbm>> -> memref<10000x128xf32, #tpu.memory_space<hbm>>
    tpu.wait_indirect_dma semaphore(%arg16 : memref<!tpu.dma_semaphore, #tpu.memory_space<semaphore_mem>>) src(%dma_wait3A_210 : memref<10000x128xf32, #tpu.memory_space<hbm>>) dst(%arg13 : memref<80x128xf32, #tpu.memory_space<vmem>>)
    %dma_start3A_211 = arith.constant 124 : i32
    %dma_start3A_212 = arith.constant 0 : i32
    %dma_start3A_213 = tpu.memref_slice %arg8[%dma_start3A_211, %dma_start3A_212] : memref<125x80xi32, #tpu.memory_space<vmem>> -> memref<1x80xi32, #tpu.memory_space<vmem>>
    %dma_start3A_214 = tpu.memref_squeeze %dma_start3A_213 : memref<1x80xi32, #tpu.memory_space<vmem>> -> memref<80xi32, #tpu.memory_space<vmem>>
    %dma_start3A_215 = arith.constant 0 : i32
    %dma_start3A_216 = arith.constant 0 : i32
    %dma_start3A_217 = tpu.memref_slice %arg7[%dma_start3A_215, %dma_start3A_216] : memref<10000x128xf32, #tpu.memory_space<vmem_shared>> -> memref<10000x128xf32, #tpu.memory_space<vmem_shared>>
    tpu.enqueue_indirect_dma source(%arg13 : memref<80x128xf32, #tpu.memory_space<vmem>>) target(%dma_start3A_217 : memref<10000x128xf32, #tpu.memory_space<vmem_shared>>) offsets(%dma_start3A_214 : memref<80xi32, #tpu.memory_space<vmem>>) semaphore(%arg19 : memref<!tpu.dma_semaphore, #tpu.memory_space<semaphore_mem>>) {add = true}
    %dma_wait3A_218 = arith.constant 122 : i32
    %dma_wait3A_219 = arith.constant 0 : i32
    %dma_wait3A_220 = tpu.memref_slice %arg8[%dma_wait3A_218, %dma_wait3A_219] : memref<125x80xi32, #tpu.memory_space<vmem>> -> memref<1x80xi32, #tpu.memory_space<vmem>>
    %dma_wait3A_221 = tpu.memref_squeeze %dma_wait3A_220 : memref<1x80xi32, #tpu.memory_space<vmem>> -> memref<80xi32, #tpu.memory_space<vmem>>
    %dma_wait3A_222 = arith.constant 0 : i32
    %dma_wait3A_223 = arith.constant 0 : i32
    %dma_wait3A_224 = tpu.memref_slice %arg7[%dma_wait3A_222, %dma_wait3A_223] : memref<10000x128xf32, #tpu.memory_space<vmem_shared>> -> memref<10000x128xf32, #tpu.memory_space<vmem_shared>>
    tpu.wait_indirect_dma semaphore(%arg20 : memref<!tpu.dma_semaphore, #tpu.memory_space<semaphore_mem>>) src(%arg14 : memref<80x128xf32, #tpu.memory_space<vmem>>) dst(%dma_wait3A_224 : memref<10000x128xf32, #tpu.memory_space<vmem_shared>>)
    %dma_wait3A_225 = arith.constant 123 : i32
    %dma_wait3A_226 = arith.constant 0 : i32
    %dma_wait3A_227 = tpu.memref_slice %arg8[%dma_wait3A_225, %dma_wait3A_226] : memref<125x80xi32, #tpu.memory_space<vmem>> -> memref<1x80xi32, #tpu.memory_space<vmem>>
    %dma_wait3A_228 = tpu.memref_squeeze %dma_wait3A_227 : memref<1x80xi32, #tpu.memory_space<vmem>> -> memref<80xi32, #tpu.memory_space<vmem>>
    %dma_wait3A_229 = arith.constant 0 : i32
    %dma_wait3A_230 = arith.constant 0 : i32
    %dma_wait3A_231 = tpu.memref_slice %arg7[%dma_wait3A_229, %dma_wait3A_230] : memref<10000x128xf32, #tpu.memory_space<vmem_shared>> -> memref<10000x128xf32, #tpu.memory_space<vmem_shared>>
    tpu.wait_indirect_dma semaphore(%arg18 : memref<!tpu.dma_semaphore, #tpu.memory_space<semaphore_mem>>) src(%arg12 : memref<80x128xf32, #tpu.memory_space<vmem>>) dst(%dma_wait3A_231 : memref<10000x128xf32, #tpu.memory_space<vmem_shared>>)
    %dma_wait3A_232 = arith.constant 124 : i32
    %dma_wait3A_233 = arith.constant 0 : i32
    %dma_wait3A_234 = tpu.memref_slice %arg8[%dma_wait3A_232, %dma_wait3A_233] : memref<125x80xi32, #tpu.memory_space<vmem>> -> memref<1x80xi32, #tpu.memory_space<vmem>>
    %dma_wait3A_235 = tpu.memref_squeeze %dma_wait3A_234 : memref<1x80xi32, #tpu.memory_space<vmem>> -> memref<80xi32, #tpu.memory_space<vmem>>
    %dma_wait3A_236 = arith.constant 0 : i32
    %dma_wait3A_237 = arith.constant 0 : i32
    %dma_wait3A_238 = tpu.memref_slice %arg7[%dma_wait3A_236, %dma_wait3A_237] : memref<10000x128xf32, #tpu.memory_space<vmem_shared>> -> memref<10000x128xf32, #tpu.memory_space<vmem_shared>>
    tpu.wait_indirect_dma semaphore(%arg19 : memref<!tpu.dma_semaphore, #tpu.memory_space<semaphore_mem>>) src(%arg13 : memref<80x128xf32, #tpu.memory_space<vmem>>) dst(%dma_wait3A_238 : memref<10000x128xf32, #tpu.memory_space<vmem_shared>>)
    %barrier3A_239 = arith.constant 0 : index
    tpu.barrier barrier_id(%barrier3A_239)
    %lt3A_240 = arith.constant 15 : i32
    %lt3A_241 = arith.cmpi slt, %arg1, %lt3A_240 : i32
    %convert_element_type3A_242 = arith.extui %lt3A_241 : i1 to i32
    %cond3A_243 = arith.constant 0 : i32
    %cond3A_244 = arith.cmpi ne, %convert_element_type3A_242, %cond3A_243 : i32
    scf.if %cond3A_244 {
      %mul3A_250 = arith.constant 632 : i32
      %mul3A_251 = arith.muli %arg1, %mul3A_250 : i32
      "tpu.region"() ({
        %run_scoped3A = tpu.sem_alloc : memref<!tpu.dma_semaphore, #tpu.memory_space<semaphore_mem>>
        %dma_start3A_252 = arith.constant 0 : i32
        %dma_start3A_253 = tpu.memref_slice %arg6[%arg0, %mul3A_251, %dma_start3A_252] : memref<2x10000x128xf32, #tpu.memory_space<hbm>> -> memref<1x632x128xf32, #tpu.memory_space<hbm>>
        %dma_start3A_254 = tpu.memref_squeeze %dma_start3A_253 : memref<1x632x128xf32, #tpu.memory_space<hbm>> -> memref<632x128xf32, #tpu.memory_space<hbm>>
        %dma_start3A_255 = arith.constant 0 : i32
        %dma_start3A_256 = tpu.memref_slice %arg7[%mul3A_251, %dma_start3A_255] : memref<10000x128xf32, #tpu.memory_space<vmem_shared>> -> memref<632x128xf32, #tpu.memory_space<vmem_shared>>
        tpu.enqueue_dma source(%dma_start3A_256 : memref<632x128xf32, #tpu.memory_space<vmem_shared>>) target(%dma_start3A_254 : memref<632x128xf32, #tpu.memory_space<hbm>>) target_semaphore(%run_scoped3A : memref<!tpu.dma_semaphore, #tpu.memory_space<semaphore_mem>>)
        %dma_wait3A_257 = arith.constant 0 : i32
        %dma_wait3A_258 = tpu.memref_slice %arg6[%arg0, %mul3A_251, %dma_wait3A_257] : memref<2x10000x128xf32, #tpu.memory_space<hbm>> -> memref<1x632x128xf32, #tpu.memory_space<hbm>>
        %dma_wait3A_259 = tpu.memref_squeeze %dma_wait3A_258 : memref<1x632x128xf32, #tpu.memory_space<hbm>> -> memref<632x128xf32, #tpu.memory_space<hbm>>
        %dma_wait3A_260 = arith.constant 0 : i32
        %dma_wait3A_261 = tpu.memref_slice %arg7[%mul3A_251, %dma_wait3A_260] : memref<10000x128xf32, #tpu.memory_space<vmem_shared>> -> memref<632x128xf32, #tpu.memory_space<vmem_shared>>
        tpu.wait_dma2 semaphore(%run_scoped3A : memref<!tpu.dma_semaphore, #tpu.memory_space<semaphore_mem>>) src(%dma_wait3A_261 : memref<632x128xf32, #tpu.memory_space<vmem_shared>>) dst(%dma_wait3A_259 : memref<632x128xf32, #tpu.memory_space<hbm>>)
        tpu.yield
      }) : () -> ()
    } else {
    }
    %eq3A_245 = arith.constant 15 : i32
    %eq3A_246 = arith.cmpi eq, %arg1, %eq3A_245 : i32
    %convert_element_type3A_247 = arith.extui %eq3A_246 : i1 to i32
    %cond3A_248 = arith.constant 0 : i32
    %cond3A_249 = arith.cmpi ne, %convert_element_type3A_247, %cond3A_248 : i32
    scf.if %cond3A_249 {
      "tpu.region"() ({
        %run_scoped3A = tpu.sem_alloc : memref<!tpu.dma_semaphore, #tpu.memory_space<semaphore_mem>>
        %dma_start3A_250 = arith.constant 9480 : i32
        %dma_start3A_251 = arith.constant 0 : i32
        %dma_start3A_252 = tpu.memref_slice %arg6[%arg0, %dma_start3A_250, %dma_start3A_251] : memref<2x10000x128xf32, #tpu.memory_space<hbm>> -> memref<1x520x128xf32, #tpu.memory_space<hbm>>
        %dma_start3A_253 = tpu.memref_squeeze %dma_start3A_252 : memref<1x520x128xf32, #tpu.memory_space<hbm>> -> memref<520x128xf32, #tpu.memory_space<hbm>>
        %dma_start3A_254 = arith.constant 9480 : i32
        %dma_start3A_255 = arith.constant 0 : i32
        %dma_start3A_256 = tpu.memref_slice %arg7[%dma_start3A_254, %dma_start3A_255] : memref<10000x128xf32, #tpu.memory_space<vmem_shared>> -> memref<520x128xf32, #tpu.memory_space<vmem_shared>>
        tpu.enqueue_dma source(%dma_start3A_256 : memref<520x128xf32, #tpu.memory_space<vmem_shared>>) target(%dma_start3A_253 : memref<520x128xf32, #tpu.memory_space<hbm>>) target_semaphore(%run_scoped3A : memref<!tpu.dma_semaphore, #tpu.memory_space<semaphore_mem>>)
        %dma_wait3A_257 = arith.constant 9480 : i32
        %dma_wait3A_258 = arith.constant 0 : i32
        %dma_wait3A_259 = tpu.memref_slice %arg6[%arg0, %dma_wait3A_257, %dma_wait3A_258] : memref<2x10000x128xf32, #tpu.memory_space<hbm>> -> memref<1x520x128xf32, #tpu.memory_space<hbm>>
        %dma_wait3A_260 = tpu.memref_squeeze %dma_wait3A_259 : memref<1x520x128xf32, #tpu.memory_space<hbm>> -> memref<520x128xf32, #tpu.memory_space<hbm>>
        %dma_wait3A_261 = arith.constant 9480 : i32
        %dma_wait3A_262 = arith.constant 0 : i32
        %dma_wait3A_263 = tpu.memref_slice %arg7[%dma_wait3A_261, %dma_wait3A_262] : memref<10000x128xf32, #tpu.memory_space<vmem_shared>> -> memref<520x128xf32, #tpu.memory_space<vmem_shared>>
        tpu.wait_dma2 semaphore(%run_scoped3A : memref<!tpu.dma_semaphore, #tpu.memory_space<semaphore_mem>>) src(%dma_wait3A_263 : memref<520x128xf32, #tpu.memory_space<vmem_shared>>) dst(%dma_wait3A_260 : memref<520x128xf32, #tpu.memory_space<hbm>>)
        tpu.yield
      }) : () -> ()
    } else {
    }
    return
  }
}

module attributes {stable_mosaic.version = 14 : i64} {
  func.func @_tc_layer_body(%arg0: i32, %arg1: memref<2x1000x128xf32, #tpu.memory_space<vmem>>, %arg2: memref<2x1000x16xf32, #tpu.memory_space<vmem>>, %arg3: memref<128x128xf32, #tpu.memory_space<vmem>>, %arg4: memref<1x128xf32, #tpu.memory_space<vmem>>, %arg5: memref<1000x128xf32, #tpu.memory_space<vmem>>) attributes {dimension_semantics = [#tpu.dimension_semantics<arbitrary>], iteration_bounds = array<i64: 10>, scalar_prefetch = 0 : i64, scratch_operands = 0 : i64, tpu.core_type = #tpu.core_type<tc>, window_params = [{transform_indices = @transform_0, window_bounds = array<i64: 2, 1000, 128>}, {transform_indices = @transform_1, window_bounds = array<i64: 2, 1000, 16>}, {pipeline_mode = #tpu.pipeline_mode<synchronous>, transform_indices = @transform_2, window_bounds = array<i64: 128, 128>}, {pipeline_mode = #tpu.pipeline_mode<synchronous>, transform_indices = @transform_3, window_bounds = array<i64: 1, 128>}, {transform_indices = @transform_4, window_bounds = array<i64: 1000, 128>}]} {
    %get3A = arith.constant 0 : index
    %get3A_0 = arith.constant 0 : index
    %get3A_1 = arith.constant 0 : index
    %get3A_2 = vector.load %arg2[%get3A, %get3A_0, %get3A_1] : memref<2x1000x16xf32, #tpu.memory_space<vmem>>, vector<1x1000x1xf32>
    %get3A_3 = vector.shape_cast %get3A_2 : vector<1x1000x1xf32> to vector<1000x1xf32>
    %get3A_4 = arith.constant 1 : index
    %get3A_5 = arith.constant 0 : index
    %get3A_6 = arith.constant 0 : index
    %get3A_7 = vector.load %arg2[%get3A_4, %get3A_5, %get3A_6] : memref<2x1000x16xf32, #tpu.memory_space<vmem>>, vector<1x1000x1xf32>
    %get3A_8 = vector.shape_cast %get3A_7 : vector<1x1000x1xf32> to vector<1000x1xf32>
    %add3A = arith.addf %get3A_3, %get3A_8 : vector<1000x1xf32>
    %max3A = arith.constant 1.000000e+00 : f32
    %max3A_9 = vector.broadcast %max3A : f32 to vector<1000x1xf32>
    %max3A_10 = arith.maximumf %add3A, %max3A_9 : vector<1000x1xf32>
    %gt3A = arith.constant 0.000000e+00 : f32
    %gt3A_11 = vector.broadcast %gt3A : f32 to vector<1000x1xf32>
    %gt3A_12 = arith.cmpf ogt, %add3A, %gt3A_11 : vector<1000x1xf32>
    %convert_element_type3A = arith.extui %gt3A_12 : vector<1000x1xi1> to vector<1000x1xi32>
    %convert_element_type3A_13 = arith.sitofp %convert_element_type3A : vector<1000x1xi32> to vector<1000x1xf32>
    %get3A_14 = arith.constant 0 : index
    %get3A_15 = arith.constant 0 : index
    %get3A_16 = arith.constant 0 : index
    %get3A_17 = vector.load %arg1[%get3A_14, %get3A_15, %get3A_16] : memref<2x1000x128xf32, #tpu.memory_space<vmem>>, vector<1x1000x128xf32>
    %get3A_18 = vector.shape_cast %get3A_17 : vector<1x1000x128xf32> to vector<1000x128xf32>
    %get3A_19 = arith.constant 1 : index
    %get3A_20 = arith.constant 0 : index
    %get3A_21 = arith.constant 0 : index
    %get3A_22 = vector.load %arg1[%get3A_19, %get3A_20, %get3A_21] : memref<2x1000x128xf32, #tpu.memory_space<vmem>>, vector<1x1000x128xf32>
    %get3A_23 = vector.shape_cast %get3A_22 : vector<1x1000x128xf32> to vector<1000x128xf32>
    %add3A_24 = arith.addf %get3A_18, %get3A_23 : vector<1000x128xf32>
    %div3A = vector.broadcast %max3A_10 : vector<1000x1xf32> to vector<1000x128xf32>
    %div3A_25 = arith.divf %add3A_24, %div3A : vector<1000x128xf32>
    %get3A_26 = arith.constant 0 : index
    %get3A_27 = arith.constant 0 : index
    %get3A_28 = vector.load %arg3[%get3A_26, %get3A_27] : memref<128x128xf32, #tpu.memory_space<vmem>>, vector<128x128xf32>
    %dot_general3A = arith.constant dense<0.000000e+00> : vector<1000x128xf32>
    %dot_general3A_29 = tpu.matmul %div3A_25, %get3A_28, %dot_general3A {dimension_numbers = #tpu.dot_dimension_numbers<[1], [0], [0], [1], [0, 0, 1, 1], [], []>, transpose_lhs_hint = false} : vector<1000x128xf32>, vector<128x128xf32>, vector<1000x128xf32> -> vector<1000x128xf32>
    %get3A_30 = arith.constant 0 : index
    %get3A_31 = arith.constant 0 : index
    %get3A_32 = vector.load %arg4[%get3A_30, %get3A_31] : memref<1x128xf32, #tpu.memory_space<vmem>>, vector<1x128xf32>
    %mul3A = vector.broadcast %convert_element_type3A_13 : vector<1000x1xf32> to vector<1000x128xf32>
    %mul3A_33 = vector.broadcast %get3A_32 : vector<1x128xf32> to vector<1000x128xf32>
    %mul3A_34 = arith.mulf %mul3A, %mul3A_33 : vector<1000x128xf32>
    %add3A_35 = arith.addf %dot_general3A_29, %mul3A_34 : vector<1000x128xf32>
    %max3A_36 = arith.constant 0.000000e+00 : f32
    %max3A_37 = vector.broadcast %max3A_36 : f32 to vector<1000x128xf32>
    %max3A_38 = arith.maximumf %add3A_35, %max3A_37 : vector<1000x128xf32>
    %swap3A = arith.constant 0 : index
    %swap3A_39 = arith.constant 0 : index
    %swap3A_40 = vector.load %arg5[%swap3A, %swap3A_39] : memref<1000x128xf32, #tpu.memory_space<vmem>>, vector<1000x128xf32>
    tpu.vector_store %arg5[%swap3A, %swap3A_39], %max3A_38 {strides = array<i32>} : memref<1000x128xf32, #tpu.memory_space<vmem>>, vector<1000x128xf32>,
    return
  }
  func.func @transform_0(%arg0: i32) -> (i32, i32, i32) {
    %c0_i32 = arith.constant 0 : i32
    %c0_i32_0 = arith.constant 0 : i32
    %c0_i32_1 = arith.constant 0 : i32
    return %c0_i32, %arg0, %c0_i32_0 : i32, i32, i32
  }
  func.func @transform_1(%arg0: i32) -> (i32, i32, i32) {
    %c0_i32 = arith.constant 0 : i32
    %c0_i32_0 = arith.constant 0 : i32
    %c0_i32_1 = arith.constant 0 : i32
    return %c0_i32, %arg0, %c0_i32_0 : i32, i32, i32
  }
  func.func @transform_2(%arg0: i32) -> (i32, i32) {
    %c0_i32 = arith.constant 0 : i32
    %c0_i32_0 = arith.constant 0 : i32
    %c0_i32_1 = arith.constant 0 : i32
    return %c0_i32, %c0_i32_0 : i32, i32
  }
  func.func @transform_3(%arg0: i32) -> (i32, i32) {
    %c0_i32 = arith.constant 0 : i32
    %c0_i32_0 = arith.constant 0 : i32
    %c0_i32_1 = arith.constant 0 : i32
    return %c0_i32, %c0_i32_0 : i32, i32
  }
  func.func @transform_4(%arg0: i32) -> (i32, i32) {
    %c0_i32 = arith.constant 0 : i32
    %c0_i32_0 = arith.constant 0 : i32
    return %arg0, %c0_i32 : i32, i32
  }
}

module attributes {stable_mosaic.version = 14 : i64} {
  func.func @_tc_layer_proj_body(%arg0: i32, %arg1: memref<2x1000x128xf32, #tpu.memory_space<vmem>>, %arg2: memref<2x1000x16xf32, #tpu.memory_space<vmem>>, %arg3: memref<128x128xf32, #tpu.memory_space<vmem>>, %arg4: memref<1x128xf32, #tpu.memory_space<vmem>>, %arg5: memref<128x128xf32, #tpu.memory_space<vmem>>, %arg6: memref<1x128xf32, #tpu.memory_space<vmem>>, %arg7: memref<1000x128xf32, #tpu.memory_space<vmem>>) attributes {dimension_semantics = [#tpu.dimension_semantics<arbitrary>], iteration_bounds = array<i64: 10>, scalar_prefetch = 0 : i64, scratch_operands = 0 : i64, tpu.core_type = #tpu.core_type<tc>, window_params = [{transform_indices = @transform_0, window_bounds = array<i64: 2, 1000, 128>}, {transform_indices = @transform_1, window_bounds = array<i64: 2, 1000, 16>}, {pipeline_mode = #tpu.pipeline_mode<synchronous>, transform_indices = @transform_2, window_bounds = array<i64: 128, 128>}, {pipeline_mode = #tpu.pipeline_mode<synchronous>, transform_indices = @transform_3, window_bounds = array<i64: 1, 128>}, {pipeline_mode = #tpu.pipeline_mode<synchronous>, transform_indices = @transform_4, window_bounds = array<i64: 128, 128>}, {pipeline_mode = #tpu.pipeline_mode<synchronous>, transform_indices = @transform_5, window_bounds = array<i64: 1, 128>}, {transform_indices = @transform_6, window_bounds = array<i64: 1000, 128>}]} {
    %get3A = arith.constant 0 : index
    %get3A_0 = arith.constant 0 : index
    %get3A_1 = arith.constant 0 : index
    %get3A_2 = vector.load %arg2[%get3A, %get3A_0, %get3A_1] : memref<2x1000x16xf32, #tpu.memory_space<vmem>>, vector<1x1000x1xf32>
    %get3A_3 = vector.shape_cast %get3A_2 : vector<1x1000x1xf32> to vector<1000x1xf32>
    %get3A_4 = arith.constant 1 : index
    %get3A_5 = arith.constant 0 : index
    %get3A_6 = arith.constant 0 : index
    %get3A_7 = vector.load %arg2[%get3A_4, %get3A_5, %get3A_6] : memref<2x1000x16xf32, #tpu.memory_space<vmem>>, vector<1x1000x1xf32>
    %get3A_8 = vector.shape_cast %get3A_7 : vector<1x1000x1xf32> to vector<1000x1xf32>
    %add3A = arith.addf %get3A_3, %get3A_8 : vector<1000x1xf32>
    %max3A = arith.constant 1.000000e+00 : f32
    %max3A_9 = vector.broadcast %max3A : f32 to vector<1000x1xf32>
    %max3A_10 = arith.maximumf %add3A, %max3A_9 : vector<1000x1xf32>
    %gt3A = arith.constant 0.000000e+00 : f32
    %gt3A_11 = vector.broadcast %gt3A : f32 to vector<1000x1xf32>
    %gt3A_12 = arith.cmpf ogt, %add3A, %gt3A_11 : vector<1000x1xf32>
    %convert_element_type3A = arith.extui %gt3A_12 : vector<1000x1xi1> to vector<1000x1xi32>
    %convert_element_type3A_13 = arith.sitofp %convert_element_type3A : vector<1000x1xi32> to vector<1000x1xf32>
    %get3A_14 = arith.constant 0 : index
    %get3A_15 = arith.constant 0 : index
    %get3A_16 = arith.constant 0 : index
    %get3A_17 = vector.load %arg1[%get3A_14, %get3A_15, %get3A_16] : memref<2x1000x128xf32, #tpu.memory_space<vmem>>, vector<1x1000x128xf32>
    %get3A_18 = vector.shape_cast %get3A_17 : vector<1x1000x128xf32> to vector<1000x128xf32>
    %get3A_19 = arith.constant 1 : index
    %get3A_20 = arith.constant 0 : index
    %get3A_21 = arith.constant 0 : index
    %get3A_22 = vector.load %arg1[%get3A_19, %get3A_20, %get3A_21] : memref<2x1000x128xf32, #tpu.memory_space<vmem>>, vector<1x1000x128xf32>
    %get3A_23 = vector.shape_cast %get3A_22 : vector<1x1000x128xf32> to vector<1000x128xf32>
    %add3A_24 = arith.addf %get3A_18, %get3A_23 : vector<1000x128xf32>
    %div3A = vector.broadcast %max3A_10 : vector<1000x1xf32> to vector<1000x128xf32>
    %div3A_25 = arith.divf %add3A_24, %div3A : vector<1000x128xf32>
    %get3A_26 = arith.constant 0 : index
    %get3A_27 = arith.constant 0 : index
    %get3A_28 = vector.load %arg3[%get3A_26, %get3A_27] : memref<128x128xf32, #tpu.memory_space<vmem>>, vector<128x128xf32>
    %dot_general3A = arith.constant dense<0.000000e+00> : vector<1000x128xf32>
    %dot_general3A_29 = tpu.matmul %div3A_25, %get3A_28, %dot_general3A {dimension_numbers = #tpu.dot_dimension_numbers<[1], [0], [0], [1], [0, 0, 1, 1], [], []>, transpose_lhs_hint = false} : vector<1000x128xf32>, vector<128x128xf32>, vector<1000x128xf32> -> vector<1000x128xf32>
    %get3A_30 = arith.constant 0 : index
    %get3A_31 = arith.constant 0 : index
    %get3A_32 = vector.load %arg4[%get3A_30, %get3A_31] : memref<1x128xf32, #tpu.memory_space<vmem>>, vector<1x128xf32>
    %mul3A = vector.broadcast %convert_element_type3A_13 : vector<1000x1xf32> to vector<1000x128xf32>
    %mul3A_33 = vector.broadcast %get3A_32 : vector<1x128xf32> to vector<1000x128xf32>
    %mul3A_34 = arith.mulf %mul3A, %mul3A_33 : vector<1000x128xf32>
    %add3A_35 = arith.addf %dot_general3A_29, %mul3A_34 : vector<1000x128xf32>
    %max3A_36 = arith.constant 0.000000e+00 : f32
    %max3A_37 = vector.broadcast %max3A_36 : f32 to vector<1000x128xf32>
    %max3A_38 = arith.maximumf %add3A_35, %max3A_37 : vector<1000x128xf32>
    %get3A_39 = arith.constant 0 : index
    %get3A_40 = arith.constant 0 : index
    %get3A_41 = vector.load %arg5[%get3A_39, %get3A_40] : memref<128x128xf32, #tpu.memory_space<vmem>>, vector<128x128xf32>
    %dot_general3A_42 = arith.constant dense<0.000000e+00> : vector<1000x128xf32>
    %dot_general3A_43 = tpu.matmul %max3A_38, %get3A_41, %dot_general3A_42 {dimension_numbers = #tpu.dot_dimension_numbers<[1], [0], [0], [1], [0, 0, 1, 1], [], []>, transpose_lhs_hint = false} : vector<1000x128xf32>, vector<128x128xf32>, vector<1000x128xf32> -> vector<1000x128xf32>
    %get3A_44 = arith.constant 0 : index
    %get3A_45 = arith.constant 0 : index
    %get3A_46 = vector.load %arg6[%get3A_44, %get3A_45] : memref<1x128xf32, #tpu.memory_space<vmem>>, vector<1x128xf32>
    %add3A_47 = vector.broadcast %get3A_46 : vector<1x128xf32> to vector<1000x128xf32>
    %add3A_48 = arith.addf %dot_general3A_43, %add3A_47 : vector<1000x128xf32>
    %swap3A = arith.constant 0 : index
    %swap3A_49 = arith.constant 0 : index
    %swap3A_50 = vector.load %arg7[%swap3A, %swap3A_49] : memref<1000x128xf32, #tpu.memory_space<vmem>>, vector<1000x128xf32>
    tpu.vector_store %arg7[%swap3A, %swap3A_49], %add3A_48 {strides = array<i32>} : memref<1000x128xf32, #tpu.memory_space<vmem>>, vector<1000x128xf32>,
    return
  }
  func.func @transform_0(%arg0: i32) -> (i32, i32, i32) {
    %c0_i32 = arith.constant 0 : i32
    %c0_i32_0 = arith.constant 0 : i32
    %c0_i32_1 = arith.constant 0 : i32
    return %c0_i32, %arg0, %c0_i32_0 : i32, i32, i32
  }
  func.func @transform_1(%arg0: i32) -> (i32, i32, i32) {
    %c0_i32 = arith.constant 0 : i32
    %c0_i32_0 = arith.constant 0 : i32
    %c0_i32_1 = arith.constant 0 : i32
    return %c0_i32, %arg0, %c0_i32_0 : i32, i32, i32
  }
  func.func @transform_2(%arg0: i32) -> (i32, i32) {
    %c0_i32 = arith.constant 0 : i32
    %c0_i32_0 = arith.constant 0 : i32
    %c0_i32_1 = arith.constant 0 : i32
    return %c0_i32, %c0_i32_0 : i32, i32
  }
  func.func @transform_3(%arg0: i32) -> (i32, i32) {
    %c0_i32 = arith.constant 0 : i32
    %c0_i32_0 = arith.constant 0 : i32
    %c0_i32_1 = arith.constant 0 : i32
    return %c0_i32, %c0_i32_0 : i32, i32
  }
  func.func @transform_4(%arg0: i32) -> (i32, i32) {
    %c0_i32 = arith.constant 0 : i32
    %c0_i32_0 = arith.constant 0 : i32
    %c0_i32_1 = arith.constant 0 : i32
    return %c0_i32, %c0_i32_0 : i32, i32
  }
  func.func @transform_5(%arg0: i32) -> (i32, i32) {
    %c0_i32 = arith.constant 0 : i32
    %c0_i32_0 = arith.constant 0 : i32
    %c0_i32_1 = arith.constant 0 : i32
    return %c0_i32, %c0_i32_0 : i32, i32
  }
  func.func @transform_6(%arg0: i32) -> (i32, i32) {
    %c0_i32 = arith.constant 0 : i32
    %c0_i32_0 = arith.constant 0 : i32
    return %arg0, %c0_i32 : i32, i32
  }
}

</mosaic_0001>

<sc_bundles>
// kernel: kernel.12.cloned.1.call-start
scs
__scs_entry_jumppad:
0x0: {  	(pc) =	sbr.rel $0x88, $3  }
0x1: {  	(tag) =	ssettag $0x0;
	lr =	simm.s32 $0x1  }
0x2: {  	[smem:$0x3F97] =	sst lr;
	_ =	strace $0xD0000000  }
0x3: {  	_ = 	snop  }
0x4: {  	_ = 	snop  }
0x5: {  	_ = 	snop  }
0x6: {  	_ = 	snop  }
0x7: {  	_ = 	snop  }
__scs_overlays_trampoline_lowered:
0x8: {  	[smem:$0x3FA6] =	sst s0  }
0x9: {  	[smem:$0x3FA7] =	sst s1  }
0xa: {  	[smem:$0x3FA8] =	sst s2  }
0xb: {  	[smem:$0x3FA9] =	sst s3  }
0xc: {  	[smem:$0x3FAA] =	sst s4  }
0xd: {  	[smem:$0x3FAB] =	sst s5  }
0xe: {  	[smem:$0x3FAC] =	sst s6  }
0xf: {  	[smem:$0x3FAD] =	sst s7  }
0x10: {  	[smem:$0x3FAE] =	sst s8  }
0x11: {  	[smem:$0x3FAF] =	sst s9;
	s0 =	simm.s32 @!p0 $0x0  }
0x12: {  	s1 =	sld [smem:$0x3F95];
	s0 =	simm.s32 @p0 $0x1  }
0x13: {  	[smem:$0x3FB0] =	sst s0;
	s0 =	simm.s32 @!p1 $0x0  }
0x14: {  	s2 =	sld [smem:$0x3F94];
	s0 =	simm.s32 @p1 $0x1  }
0x15: {  	[smem:$0x3FB1] =	sst s0;
	s0 =	simm.s32 @!p2 $0x0  }
0x16: {  	s3 =	sld [smem:$0x3FDB];
	s0 =	simm.s32 @p2 $0x1  }
0x17: {  	s4 =	simm.s32 $0x1BF5;
	[smem:$0x3FB3] =	sst s0  }
0x18: {  	s0 =	sld [smem:$0x3F96];
	_ =	swait.ge [sflag:s4], $0x0  }
0x19: {  	s7 =	sld [smem:$0x3F97]  }
0x1a: {  	s8 =	sadd.s32 $0xFFFFE003, lr  }
0x1b: {  	s9 =	sadd.s32 $0xFFFFFEF7, lr;
	s5 =	simm.s32 $0xFFFFFFFF;
	p2 =	slt.u32 s8, $0xFFFFF086  }
0x1c: {  	p1 =	slt.u32 s9, $0xF7A;
	s5 =	simm.s32 @!p2 $0x0  }
0x1d: {  	s5 =	simm.s32 @p1 $0x1;
	p0 =	seq.s32 s7, s2  }
0x1e: {  	s7 =	smul.u32 @!p0 $0xF7A, s2;
	p2 =	seq.s32 @!p0 s5, $0x0  }
0x1f: {  	s9 =	smul.u32 $0xF7A, s1;
	s8 =	simm.s32 @!p0 $0x1BF5;
	p2 =	por !p2, p0  }
0x20: {  	[sflag:s8] =	ssyncset.s32 @!p0 $0xFFFFF086;
	s6 =	sadd.s32 @!p0 s3, s7;
	s7 =	simm.s32 @!p0 $0x108  }
0x21: {  	s3 =	sadd.s32 s3, s9;
	s6 =	sadd.s32 @!p0 $0x88, s6;
	s7 =	simm.s32 @p2 $0x1082  }
0x22: {  	[simem:s7], [sflag:s8] =	dma.local @!p0 [hbm:s6], $0xF7A  }
0x23: {  	s9 =	sor.u32 $0xD0000000, s2;
	s6 =	simm.s32 $0x108;
	_ =	swait.ge @!p0 [sflag:s8], $0x0  }
0x24: {  	s3 =	sadd.s32 $0x88, s3;
	s6 =	simm.s32 @!p1 $0x1082;
	[sflag:s4] =	ssyncset.s32 $0xFFFFF086  }
0x25: {  	[simem:s6], [sflag:s4] =	dma.local [hbm:s3], $0xF7A  }
0x26: {  	[smem:$0x3F97] =	sst s1;
	(tag) =	ssettag s2;
	_ =	strace s9  }
0x27: {  	s1 =	sld [smem:$0x3FA7]  }
0x28: {  	s2 =	sld [smem:$0x3FA8]  }
0x29: {  	s4 =	sld [smem:$0x3FAA]  }
0x2a: {  	p0 =	seq.s32 s5, $0x0;
	s5 =	sld [smem:$0x3FAB]  }
0x2b: {  	s6 =	sld [smem:$0x3FAC]  }
0x2c: {  	s7 =	sld [smem:$0x3FAD]  }
0x2d: {  	s3 =	simm.s32 $0x108;
	s8 =	sld [smem:$0x3FAE]  }
0x2e: {  	s3 =	simm.s32 @!p0 $0x1082;
	s9 =	sld [smem:$0x3FAF]  }
0x2f: {  	lr =	sadd.s32 s0, s3;
	s0 =	sld [smem:$0x3FA6]  }
0x30: {  	s3 =	sld [smem:$0x3FA9]  }
0x31: {  	[smem:$0x3FB2] =	sst s10  }
0x32: {  	s10 =	sld [smem:$0x3FB0];
	_ =	sdelay $0x3  }
0x33: {  	p0 =	seq.s32 s10, $0x1;
	s10 =	sld [smem:$0x3FB2];
	_ =	sdelay $0x3  }
0x34: {  	[smem:$0x3FB2] =	sst s10  }
0x35: {  	s10 =	sld [smem:$0x3FB1];
	_ =	sdelay $0x3  }
0x36: {  	p1 =	seq.s32 s10, $0x1;
	s10 =	sld [smem:$0x3FB2];
	_ =	sdelay $0x3  }
0x37: {  	[smem:$0x3FB2] =	sst s10  }
0x38: {  	s10 =	sld [smem:$0x3FB3]  }
0x39: {  	_ = 	snop;
	(pc) =	sbr.ind lr, $3  }
0x3a: {  	_ = 	snop  }
0x3b: {  	_ = 	snop  }
0x3c: {  	p2 =	seq.s32 s10, $0x1;
	s10 =	sld [smem:$0x3FB2]  }
0x3d: {  	_ =	shalt  }
0x3e: {  	_ =	shalt  }
0x3f: {  	_ =	shalt  }
0x40: {  	_ =	shalt  }
0x41: {  	_ =	shalt  }
0x42: {  	_ =	shalt  }
0x43: {  	_ =	shalt  }
0x44: {  	_ =	shalt  }
0x45: {  	_ =	shalt  }
0x46: {  	_ =	shalt  }
0x47: {  	_ =	shalt  }
0x48: {  	_ =	shalt  }
0x49: {  	_ =	shalt  }
0x4a: {  	_ =	shalt  }
0x4b: {  	_ =	shalt  }
0x4c: {  	_ =	shalt  }
0x4d: {  	_ =	shalt  }
0x4e: {  	_ =	shalt  }
0x4f: {  	_ =	shalt  }
0x50: {  	_ =	shalt  }
0x51: {  	_ =	shalt  }
0x52: {  	_ =	shalt  }
0x53: {  	_ =	shalt  }
0x54: {  	_ =	shalt  }
0x55: {  	_ =	shalt  }
0x56: {  	_ =	shalt  }
0x57: {  	_ =	shalt  }
0x58: {  	_ =	shalt  }
0x59: {  	_ =	shalt  }
0x5a: {  	_ =	shalt  }
0x5b: {  	_ =	shalt  }
0x5c: {  	_ =	shalt  }
0x5d: {  	_ =	shalt  }
0x5e: {  	_ =	shalt  }
0x5f: {  	_ =	shalt  }
0x60: {  	_ =	shalt  }
0x61: {  	_ =	shalt  }
0x62: {  	_ =	shalt  }
0x63: {  	_ =	shalt  }
0x64: {  	_ =	shalt  }
0x65: {  	_ =	shalt  }
0x66: {  	_ =	shalt  }
0x67: {  	_ =	shalt  }
0x68: {  	_ =	shalt  }
0x69: {  	_ =	shalt  }
0x6a: {  	_ =	shalt  }
0x6b: {  	_ =	shalt  }
0x6c: {  	_ =	shalt  }
0x6d: {  	_ =	shalt  }
0x6e: {  	_ =	shalt  }
0x6f: {  	_ =	shalt  }
0x70: {  	_ =	shalt  }
0x71: {  	_ =	shalt  }
0x72: {  	_ =	shalt  }
0x73: {  	_ =	shalt  }
0x74: {  	_ =	shalt  }
0x75: {  	_ =	shalt  }
0x76: {  	_ =	shalt  }
0x77: {  	_ =	shalt  }
0x78: {  	_ =	shalt  }
0x79: {  	_ =	shalt  }
0x7a: {  	_ =	shalt  }
0x7b: {  	_ =	shalt  }
0x7c: {  	_ =	shalt  }
0x7d: {  	_ =	shalt  }
0x7e: {  	_ =	shalt  }
0x7f: {  	_ =	shalt  }
0x80: {  	_ =	shalt  }
0x81: {  	_ =	shalt  }
0x82: {  	_ =	shalt  }
0x83: {  	_ =	shalt  }
0x84: {  	_ =	shalt  }
0x85: {  	_ =	shalt  }
0x86: {  	_ =	shalt  }
0x87: {  	_ =	shalt  }
.Lfunc_end0:
.L_simem_size_0:
called_computation.1_lowered:
.L_overlay_start_0:
0x88: {  	s2 =	sld [smem:$0x3FD9]  }
0x89: {  	s3 =	sld [smem:$0x3FFE];
	_ =	sdelay $0x1  }
0x8a: {  	s1 =	srdreg.scid  }
0x8b: {  	s0 =	sand.u32 $0x1, s1  }
0x8c: {  	s17 =	sshll.u32 s0, $0xA;
	s2 =	sadd.s32 s3, s2  }
0x8d: {  	s2 =	sadd.s32 s2, s17  }
0x8e: {  	[smem:$0x3FBE] =	sst s2  }
0x8f: {  	_ = 	snop  }
0x90: {  	s4 =	sld [smem:$0x3FC8]  }
0x91: {  	s18 =	sld [smem:$0x3FD0];
	(tm) =	ssettm $0x1  }
0x92: {  	s19 =	sld [smem:$0x3FFB];
	_ =	sdelay $0x3  }
0x93: {  	_ =	strace s19  }
0x94: {  	s2 =	sld [smem:$0x3FFC];
	_ =	sdelay $0x3  }
0x95: {  	_ =	strace s2  }
0x96: {  	s2 =	sld [smem:$0x3FFD];
	_ =	sdelay $0x3  }
0x97: {  	_ =	strace s2  }
0x98: {  	_ =	strace $0x8FFFFFFF  }
0x99: {  	s20 =	sld [smem:$0x3FDB];
	_ =	sdelay $0x1  }
0x9a: {  	s5 =	simm.s32 $_scs_section_size  }
0x9b: {  	s6 =	simm.s32 $_size__tile_overlayer_lowered;
	s7 =	simm.s32 $_tile_overlayer_lowered  }
0x9c: {  	s8 =	simm.s32 $0x1BFF;
	s21 =	sshll.u32 s7, $0x1;
	s5 =	sadd.s32 s5, s20  }
0x9d: {  	s22 =	simm.s32 $0x0;
	s6 =	sshll.u32 s6, $0x1;
	s7 =	sadd.s32 s21, s5  }
0x9e: {  	[timem:s22], [sflag:s8] =	dma.local [hbm:s7], s6  }
0x9f: {  	_ =	swait.ge [sflag:s8], s6  }
0xa0: {  	s6 =	ssub.s32 $0x0, s6;
	[sflag:s8] =	ssyncset.done $0x0  }
0xa1: {  	[sflag:s8] =	ssyncadd.s32 s6;
	_ =	sdelay $0x1  }
0xa2: {  	s23 =	simm.s32 $0x1B8B  }
0xa3: {  	_ =	swait.ge [sflag:s23], $0x1  }
0xa4: {  	[sflag:s23] =	ssyncset.done $0x0  }
0xa5: {  	[sflag:s23] =	ssyncadd.s32 $0xFFFFFFFF  }
0xa6: {  	s6 =	sld [smem:$0x0]  }
0xa7: {  	s7 =	sand.u32 $0xFFFFFFFE, s1  }
0xa8: {  	p0 =	sne.s32 s1, s7  }
0xa9: {  	s7 =	sshll.u32 @p0 s7, $0xE  }
0xaa: {  	s7 =	sadd.s32 @p0 $0x11B8D, s7;
	s8 =	sshll.u32 @p0 s6, $0x11  }
0xab: {  	s7 =	sor.u32 @p0 s8, s7  }
0xac: {  	[sflag:s7] =	ssyncadd.remote.s32 @p0 $0x1;
	_ =	sdelay $0x1  }
0xad: {  	s7 =	simm.s32 @p0 $0x1B8D  }
0xae: {  	_ =	swait.eq @p0 [sflag:s7], $0x1  }
0xaf: {  	[sflag:s7] =	ssyncadd.s32 @p0 $0xFFFFFFFF  }
0xb0: {  	s8 =	sshll.u32 @!p0 s1, $0xE  }
0xb1: {  	s8 =	sor.u32 @!p0 $0x4000, s8;
	s7 =	simm.s32 @!p0 $0x1B8D  }
0xb2: {  	s6 =	sshll.u32 @!p0 s6, $0x11;
	s8 =	sadd.s32 @!p0 $0x11B8D, s8;
	_ =	swait.eq @!p0 [sflag:s7], $0x1  }
0xb3: {  	s6 =	sor.u32 @!p0 s6, s8;
	[sflag:s7] =	ssyncadd.s32 @!p0 $0xFFFFFFFF  }
0xb4: {  	s25 =	simm.s32 $0x1B8E;
	s24 =	sld [smem:$0x3FFE];
	[sflag:s6] =	ssyncadd.remote.s32 @!p0 $0x1  }
0xb5: {  	s26 =	simm.s32 $execute0_lowered;
	[smem:$0x3FD2] =	sst s25  }
0xb6: {  	s7 =	sshll.u32 s26, $0x1;
	_ =	strace $0x80000049;
	[dreg:$0x1] =	wrdreg $0xFFFFFFFF  }
0xb7: {  	s28 =	simm.s32 $_size_execute0_lowered;
	s5 =	sadd.s32 s5, s7;
	[dreg:$0x0] =	wrdreg $0x0  }
0xb8: {  	s7 =	sshll.u32 s28, $0x1;
	[dreg:$0x2] =	wrdreg s5  }
0xb9: {  	[dreg:$0x3] =	wrdreg s7  }
0xba: {  	[dreg:$0x4] =	wrdreg $0xC0  }
0xbb: {  	_ =	task [dreg:s22], $0x5FFFF  }
0xbc: {  	[dreg:$0x1] =	wrdreg $0xFFFFFFFF  }
0xbd: {  	[dreg:$0x0] =	wrdreg $0x60  }
0xbe: {  	[dreg:$0x2] =	wrdreg s4  }
0xbf: {  	[dreg:$0x3] =	wrdreg s24  }
0xc0: {  	[dreg:$0x4] =	wrdreg s18  }
0xc1: {  	[dreg:$0x5] =	wrdreg $0x0  }
0xc2: {  	[dreg:$0x6] =	wrdreg $0xA  }
0xc3: {  	_ =	task.clear_ibuf [dreg:s22], $0x7FFFF;
	_ =	strace $0x90000049  }
0xc4: {  	s29 =	simm.s32 $0xA;
	_ =	strace $0x8000004B  }
0xc5: {  	_ =	swait.ge [sflag:s29], $0x1  }
0xc6: {  	[sflag:s29] =	ssyncadd.s32 $0xFFFFFFFF  }
0xc7: {  	_ =	strace $0x9000004B  }
0xc8: {  	_ =	sfence  }
0xc9: {  	s30 =	sld [smem:$0x0];
	_ =	sdelay $0x2  }
0xca: {  	s31 =	sshll.u32 s1, $0xD;
	s1 =	sshrl.u32 s1, $0x2  }
0xcb: {  	s4 =	sand.u32 $0x4000, s31;
	s1 =	sadd.s32 s1, s30  }
0xcc: {  	s0 =	sor.u32 s4, s0;
	s1 =	sshll.u32 s1, $0x11  }
0xcd: {  	s0 =	sor.u32 s1, s0  }
0xce: {  	s0 =	sadd.s32 $0x8F2B, s0  }
0xcf: {  	[sflag:s0] =	ssyncadd.remote.s32 $0x1  }
0xd0: {  	_ =	sfence.sel $0xFFFF  }
0xd1: {  	[dreg:$0x0] =	wrdreg $0xFFFFFFFF;
	(pc) =	sbr.abs _section_cstart, $3  }
0xd2: {  	[dreg:$0x1] =	wrdreg $0xFFFFFFFF  }
0xd3: {  	_ =	task.clear_ibuf [dreg:s22], $0x2FFFF;
	_ =	strace $0x9FFFFFFF  }
0xd4: {  	(tm) =	ssettm $0x7FFFFFFF  }
0xd5: {  	_ =	shalt  }
tec
execute0_lowered:
.L_overlay_start_1:
0x0: {  	(tag) =	ssettag $0x1  }
0x1: {  	s0 =	rddreg [dreg:$0x0]  }
0x2: {  	s1 =	rddreg [dreg:$0x1]  }
0x3: {  	s6 =	rddreg [dreg:$0x2]  }
0x4: {  	s2 =	srdreg.scid;
	s3 =	rddreg [dreg:$0x3]  }
0x5: {  	s14 =	stileid.u32;
	s4 =	simm.s32 $0x0;
	s28 =	simm.s32 $0x50  }
0x6: {  	s29 =	simm.s32 $0x17A00;
	s30 =	simm.s32 $0x8;
	s10 =	smul.u32 $0x4F000, s14  }
0x7: {  	s31 =	simm.s32 $0x1A200;
	s2 =	sand.u32 $0x1, s2;
	s12 =	smul.u32 $0x2780, s14  }
0x8: {  	[smem:$0x7FF] =	sst s4;
	s8 =	sadd.s32 $0x61600, s1;
	s26 =	smul.u32 $0x13C00, s14  }
0x9: {  	s18 =	sadd.s32 $0x128400, s3;
	s24 =	sshll.u32 s14, $0x7;
	p0 =	seq.s32 s14, $0xF  }
0xa: {  	s5 =	sshll.u32 s2, $0x4;
	_ =	strace $0x8000004A;
	s9 =	ssub.s32 $0x2, s2  }
0xb: {  	s25 =	smul.u32 $0x138800, s2;
	[dreg:$0xb] =	wrdreg s18;
	s2 =	sshll.u32 s2, $0xB  }
0xc: {  	s5 =	sor.u32 s14, s5;
	s11 =	sshrl.u32 s9, $0x1;
	s10 =	sshrl.u32 s10, $0x2  }
0xd: {  	s17 =	sadd.s32 s6, s12;
	s6 =	sadd.s32 $0x25080, s6;
	s12 =	simm.s32 $0x0  }
0xe: {  	s7 =	sshll.u32 s5, $0xB;
	s5 =	sshll.u32 s5, $0x4;
	s9 =	ssub.s32 s9, s11  }
0xf: {  	s16 =	sadd.s32 s10, s3;
	[dreg:$0xa] =	wrdreg s17;
	s19 =	sadd.s32 s26, s25  }
0x10: {  	[dreg:$0xc] =	wrdreg s6;
	s23 =	sshrl.u32 s25, $0x3;
	s26 =	sor.u32 s24, s2  }
0x11: {  	s10 =	simm.s32 $0x5;
	s11 =	simm.s32 $0x6;
	s7 =	sadd.s32 s7, s1  }
0x12: {  	s1 =	sadd.s32 $0x71000, s1;
	s5 =	sadd.s32 s8, s5;
	[dreg:$0x9] =	wrdreg s16  }
0x13: {  	s21 =	sshrl.u32 s19, $0x3;
	s25 =	smax.u32 s9, $0x1;
	s2 =	sor.u32 $0x6000, s26  }
0x14: {  	s6 =	sor.u32 $0x5000, s26;
	s9 =	simm.s32 $0x3;
	[dreg:$0x5] =	wrdreg s5  }
0x15: {  	s13 =	sadd.s32 $0x200, s5;
	s15 =	sadd.s32 $0x400, s5;
	[dreg:$0x11] =	wrdreg s25  }
0x16: {  	s7 =	sadd.s32 $0x2E00, s7;
	s20 =	sadd.s32 $0x600, s5;
	[dreg:$0x6] =	wrdreg s13  }
0x17: {  	s5 =	sadd.s32 $0xF800, s5;
	s22 =	sadd.s32 s1, s21;
	[dreg:$0x7] =	wrdreg s15  }
0x18: {  	s1 =	sadd.s32 s1, s23;
	s2 =	sshrl.u32 s2, $0x3;
	[dreg:$0x8] =	wrdreg s7  }
0x19: {  	s6 =	sshrl.u32 s6, $0x3;
	s21 =	simm.s32 $0x17880;
	[dreg:$0xd] =	wrdreg s20  }
0x1a: {  	s23 =	simm.s32 $0x17980;
	s25 =	simm.s32 $0xA;
	[dreg:$0xe] =	wrdreg s5  }
0x1b: {  	[dreg:$0xf] =	wrdreg s22;
	s1 =	sadd.s32 $0x25080, s1;
	s18 =	sadd.s32 s2, s8  }
0x1c: {  	s19 =	sadd.s32 s6, s8;
	s22 =	simm.s32 $0x17900;
	s2 =	simm.s32 $0x9  }
0x1d: {  	s6 =	simm.s32 $0x1CA00;
	[dreg:$0x10] =	wrdreg s1;
	s1 =	sor.u32 $0x4000, s26  }
0x1e: {  	s7 =	simm.s32 $0x2;
	s26 =	simm.s32 $0x7;
	s1 =	sshrl.u32 s1, $0x3  }
0x1f: {  	s20 =	sadd.s32 s1, s8;
	s1 =	simm.s32 $0x1;
	s8 =	simm.s32 $0x4  }
.LBB2_1:
0x20: {  	s5 =	rddreg [dreg:$0x5]  }
0x21: {  	[tilespmem:s21], [sflag:$0x7] =	stream.linear.gather [hbm4b:s5+s4], $0x80, $0x38;
	[tilespmem:$0x1F200] =	vst v63  }
0x22: {  	s14 =	rddreg [dreg:$0x6]  }
0x23: {  	[tilespmem:s22], [sflag:$0x8] =	stream.linear.gather [hbm4b:s14+s4], $0x80, $0x38;
	[tilespmem:$0x1F200] =	vst v63  }
0x24: {  	s15 =	rddreg [dreg:$0x7]  }
0x25: {  	[tilespmem:s23], [sflag:$0x9] =	stream.linear.gather [hbm4b:s15+s4], $0x80, $0x38;
	[tilespmem:$0x1F200] =	vst v63  }
0x26: {  	s16 =	rddreg [dreg:$0x8];
	s17 =	simm.s32 $0x13880  }
0x27: {  	[tilespmem:s17], [sflag:$0xA] =	stream.linear.gather [hbm4b:s16+s4], $0x3E80, $0x38;
	[tilespmem:$0x1F200] =	vst v63  }
0x28: {  	_ =	swait.ge [sflag:s25], $0x3E80  }
0x29: {  	[sflag:s25] =	ssyncset.done $0x0  }
0x2a: {  	[sflag:s25] =	ssyncadd.s32 $0xFFFFC180  }
0x2b: {  	_ =	swait.ge [sflag:s26], $0x80  }
0x2c: {  	[sflag:s26] =	ssyncset.done $0x0  }
0x2d: {  	[sflag:s26] =	ssyncadd.s32 $0xFFFFFF80  }
0x2e: {  	[tilespmem:s29], [sflag:$0x1] =	stream.indirect.gather [hbm4b:s0+s28], $0x80, s21, s28, $0xb8;
	[tilespmem:$0x1F200] =	vst v63  }
0x2f: {  	_ =	swait.ge [sflag:s30], $0x80  }
0x30: {  	s14 =	simm.s32 @p0 $0x1FCA;
	[sflag:s30] =	ssyncset.done $0x0;
	s5 =	rddreg [dreg:$0xb]  }
0x31: {  	[sflag:s30] =	ssyncadd.s32 $0xFFFFFF80;
	s13 =	sshrl.u32 @p0 s5, $0x3;
	s5 =	rddreg [dreg:$0xc]  }
0x32: {  	[tilespmem:s31], [sflag:$0x2] =	stream.indirect.gather [hbm4b:s0+s28], $0x80, s22, s28, $0xb8;
	[tilespmem:$0x1F200] =	vst v63  }
0x33: {  	[spmem:s13], [sflag:s14] =	dma.local @p0 [hbm:s5], $0x2080  }
0x34: {  	s14 =	simm.s32 @p0 $0xA  }
0x35: {  	_ =	swait.ge @p0 [sflag:s14], $0x2080  }
0x36: {  	s16 =	simm.s32 @!p0 $0xA;
	s5 =	stileid.u32;
	[sflag:s14] =	ssyncset.done @p0 $0x0  }
0x37: {  	s15 =	sshll.u32 @!p0 s5, $0x6;
	s5 =	rddreg [dreg:$0x9];
	[sflag:s14] =	ssyncadd.s32 @p0 $0xFFFFDF80  }
0x38: {  	s14 =	sor.u32 @!p0 $0x1C0A, s15;
	s15 =	sshrl.u32 @!p0 s5, $0x3;
	s5 =	rddreg [dreg:$0xa]  }
0x39: {  	[spmem:s15], [sflag:s14] =	dma.local @!p0 [hbm:s5], $0x2780  }
0x3a: {  	_ =	swait.ge @!p0 [sflag:s16], $0x2780  }
0x3b: {  	[sflag:s16] =	ssyncset.done @!p0 $0x0  }
0x3c: {  	[sflag:s16] =	ssyncadd.s32 @!p0 $0xFFFFD880  }
0x3d: {  	[bflag:$0x0] =	sbarrier.arrive $0xFFFF  }
0x3e: {  	_ =	swait.ge [sflag:s1], $0x2800  }
0x3f: {  	[sflag:s1] =	ssyncset.done $0x0  }
0x40: {  	[sflag:s1] =	ssyncadd.s32 $0xFFFFD800  }
0x41: {  	[spmem:s3] =	stream.indirect.scatter.add.f32 [tilespmem:s29], [sflag:$0x4], $0x80, s17, s28, $0xb8;
	[tilespmem:$0x1F200] =	vst v63  }
0x42: {  	s24 =	rddreg [dreg:$0xd]  }
0x43: {  	[tilespmem:s21], [sflag:$0x7] =	stream.linear.gather [hbm4b:s24+s4], $0x80, $0x38;
	[tilespmem:$0x1F200] =	vst v63  }
0x44: {  	_ =	swait.ge [sflag:s2], $0x80  }
0x45: {  	[sflag:s2] =	ssyncset.done $0x0  }
0x46: {  	[sflag:s2] =	ssyncadd.s32 $0xFFFFFF80  }
0x47: {  	[tilespmem:s6], [sflag:$0x3] =	stream.indirect.gather [hbm4b:s0+s28], $0x80, s23, s28, $0xb8;
	[tilespmem:$0x1F200] =	vst v63  }
0x48: {  	_ =	swait.ge [sflag:s7], $0x2800  }
0x49: {  	[sflag:s7] =	ssyncset.done $0x0  }
0x4a: {  	s5 =	simm.s32 $0x13900;
	[sflag:s7] =	ssyncadd.s32 $0xFFFFD800  }
0x4b: {  	[spmem:s3] =	stream.indirect.scatter.add.f32 [tilespmem:s31], [sflag:$0x5], $0x80, s5, s28, $0xb8;
	[tilespmem:$0x1F200] =	vst v63  }
0x4c: {  	s17 =	sadd.s32 $0x0, s20  }
0x4d: {  	[tilespmem:s22], [sflag:$0x8] =	stream.linear.gather [hbm4b:s17+s4], $0x80, $0x38;
	[tilespmem:$0x1F200] =	vst v63  }
0x4e: {  	_ =	swait.ge [sflag:s26], $0x80  }
0x4f: {  	[sflag:s26] =	ssyncset.done $0x0  }
0x50: {  	[sflag:s26] =	ssyncadd.s32 $0xFFFFFF80  }
0x51: {  	_ =	swait.ge [sflag:s8], $0x2800  }
0x52: {  	[sflag:s8] =	ssyncset.done $0x0  }
0x53: {  	[sflag:s8] =	ssyncadd.s32 $0xFFFFD800  }
0x54: {  	[tilespmem:s29], [sflag:$0x1] =	stream.indirect.gather [hbm4b:s0+s28], $0x80, s21, s28, $0xb8;
	[tilespmem:$0x1F200] =	vst v63  }
0x55: {  	_ =	swait.ge [sflag:s9], $0x2800  }
0x56: {  	[sflag:s9] =	ssyncset.done $0x0  }
0x57: {  	s24 =	simm.s32 $0x13980;
	[sflag:s9] =	ssyncadd.s32 $0xFFFFD800  }
0x58: {  	[spmem:s3] =	stream.indirect.scatter.add.f32 [tilespmem:s6], [sflag:$0x6], $0x80, s24, s28, $0xb8;
	[tilespmem:$0x1F200] =	vst v63  }
0x59: {  	s5 =	sadd.s32 $0x0, s19  }
0x5a: {  	[tilespmem:s23], [sflag:$0x9] =	stream.linear.gather [hbm4b:s5+s4], $0x80, $0x38;
	[tilespmem:$0x1F200] =	vst v63  }
0x5b: {  	_ =	swait.ge [sflag:s30], $0x80  }
0x5c: {  	[sflag:s30] =	ssyncset.done $0x0  }
0x5d: {  	[sflag:s30] =	ssyncadd.s32 $0xFFFFFF80  }
0x5e: {  	_ =	swait.ge [sflag:s10], $0x2800  }
0x5f: {  	[sflag:s10] =	ssyncset.done $0x0  }
0x60: {  	[sflag:s10] =	ssyncadd.s32 $0xFFFFD800  }
0x61: {  	[tilespmem:s31], [sflag:$0x2] =	stream.indirect.gather [hbm4b:s0+s28], $0x80, s22, s28, $0xb8;
	[tilespmem:$0x1F200] =	vst v63  }
0x62: {  	_ =	swait.ge [sflag:s1], $0x2800  }
0x63: {  	[sflag:s1] =	ssyncset.done $0x0  }
0x64: {  	s17 =	simm.s32 $0x13A00;
	[sflag:s1] =	ssyncadd.s32 $0xFFFFD800  }
0x65: {  	[spmem:s3] =	stream.indirect.scatter.add.f32 [tilespmem:s29], [sflag:$0x4], $0x80, s17, s28, $0xb8;
	[tilespmem:$0x1F200] =	vst v63  }
0x66: {  	s24 =	sadd.s32 $0x0, s18  }
0x67: {  	[tilespmem:s21], [sflag:$0x7] =	stream.linear.gather [hbm4b:s24+s4], $0x80, $0x38;
	[tilespmem:$0x1F200] =	vst v63  }
0x68: {  	_ =	swait.ge [sflag:s2], $0x80  }
0x69: {  	[sflag:s2] =	ssyncset.done $0x0  }
0x6a: {  	[sflag:s2] =	ssyncadd.s32 $0xFFFFFF80  }
0x6b: {  	_ =	swait.ge [sflag:s11], $0x2800  }
0x6c: {  	[sflag:s11] =	ssyncset.done $0x0  }
0x6d: {  	s16 =	simm.s32 $0x600;
	[sflag:s11] =	ssyncadd.s32 $0xFFFFD800  }
.LBB2_2:
0x6e: {  	[tilespmem:s6], [sflag:$0x3] =	stream.indirect.gather [hbm4b:s0+s28], $0x80, s23, s28, $0xb8;
	[tilespmem:$0x1F200] =	vst v63  }
0x6f: {  	s17 =	smov.u32 s16  }
0x70: {  	p1 =	sne.s32 s16, $0xEA00;
	s16 =	sadd.s32 $0x600, s16;
	_ =	swait.ge [sflag:s7], $0x2800  }
0x71: {  	s24 =	sshra.s32 s17, $0x2;
	[sflag:s7] =	ssyncset.done $0x0  }
0x72: {  	s5 =	sadd.s32 $0x13900, s24;
	[sflag:s7] =	ssyncadd.s32 $0xFFFFD800  }
0x73: {  	[spmem:s3] =	stream.indirect.scatter.add.f32 [tilespmem:s31], [sflag:$0x5], $0x80, s5, s28, $0xb8;
	[tilespmem:$0x1F200] =	vst v63  }
0x74: {  	s5 =	sadd.s32 s17, s20  }
0x75: {  	[tilespmem:s22], [sflag:$0x8] =	stream.linear.gather [hbm4b:s5+s4], $0x80, $0x38;
	[tilespmem:$0x1F200] =	vst v63  }
0x76: {  	_ =	swait.ge [sflag:s26], $0x80  }
0x77: {  	[sflag:s26] =	ssyncset.done $0x0  }
0x78: {  	[sflag:s26] =	ssyncadd.s32 $0xFFFFFF80  }
0x79: {  	_ =	swait.ge [sflag:s8], $0x2800  }
0x7a: {  	[sflag:s8] =	ssyncset.done $0x0  }
0x7b: {  	[sflag:s8] =	ssyncadd.s32 $0xFFFFD800  }
0x7c: {  	[tilespmem:s29], [sflag:$0x1] =	stream.indirect.gather [hbm4b:s0+s28], $0x80, s21, s28, $0xb8;
	[tilespmem:$0x1F200] =	vst v63  }
0x7d: {  	_ =	swait.ge [sflag:s9], $0x2800  }
0x7e: {  	[sflag:s9] =	ssyncset.done $0x0  }
0x7f: {  	s5 =	sadd.s32 $0x13980, s24;
	[sflag:s9] =	ssyncadd.s32 $0xFFFFD800  }
0x80: {  	[spmem:s3] =	stream.indirect.scatter.add.f32 [tilespmem:s6], [sflag:$0x6], $0x80, s5, s28, $0xb8;
	[tilespmem:$0x1F200] =	vst v63  }
0x81: {  	s5 =	sadd.s32 s17, s19  }
0x82: {  	[tilespmem:s23], [sflag:$0x9] =	stream.linear.gather [hbm4b:s5+s4], $0x80, $0x38;
	[tilespmem:$0x1F200] =	vst v63  }
0x83: {  	_ =	swait.ge [sflag:s30], $0x80  }
0x84: {  	[sflag:s30] =	ssyncset.done $0x0  }
0x85: {  	[sflag:s30] =	ssyncadd.s32 $0xFFFFFF80  }
0x86: {  	_ =	swait.ge [sflag:s10], $0x2800  }
0x87: {  	[sflag:s10] =	ssyncset.done $0x0  }
0x88: {  	[sflag:s10] =	ssyncadd.s32 $0xFFFFD800  }
0x89: {  	[tilespmem:s31], [sflag:$0x2] =	stream.indirect.gather [hbm4b:s0+s28], $0x80, s22, s28, $0xb8;
	[tilespmem:$0x1F200] =	vst v63  }
0x8a: {  	_ =	swait.ge [sflag:s1], $0x2800  }
0x8b: {  	[sflag:s1] =	ssyncset.done $0x0  }
0x8c: {  	s5 =	sadd.s32 $0x13A00, s24;
	[sflag:s1] =	ssyncadd.s32 $0xFFFFD800  }
0x8d: {  	[spmem:s3] =	stream.indirect.scatter.add.f32 [tilespmem:s29], [sflag:$0x4], $0x80, s5, s28, $0xb8;
	[tilespmem:$0x1F200] =	vst v63  }
0x8e: {  	s5 =	sadd.s32 s17, s18  }
0x8f: {  	[tilespmem:s21], [sflag:$0x7] =	stream.linear.gather [hbm4b:s5+s4], $0x80, $0x38;
	[tilespmem:$0x1F200] =	vst v63  }
0x90: {  	_ =	swait.ge [sflag:s2], $0x80  }
.Ltmp0:
0x91: {  	[sflag:s2] =	ssyncset.done $0x0;
	(pc) =	sbr.rel @p1 .LBB2_2-.Ltmp0, $4  }
0x92: {  	[sflag:s2] =	ssyncadd.s32 $0xFFFFFF80  }
0x93: {  	_ =	swait.ge [sflag:s11], $0x2800  }
0x94: {  	[sflag:s11] =	ssyncset.done $0x0  }
0x95: {  	[sflag:s11] =	ssyncadd.s32 $0xFFFFD800  }
0x96: {  	[tilespmem:s6], [sflag:$0x3] =	stream.indirect.gather [hbm4b:s0+s28], $0x80, s23, s28, $0xb8;
	[tilespmem:$0x1F200] =	vst v63  }
0x97: {  	_ =	swait.ge [sflag:s7], $0x2800  }
0x98: {  	[sflag:s7] =	ssyncset.done $0x0  }
0x99: {  	s5 =	simm.s32 $0x17500;
	[sflag:s7] =	ssyncadd.s32 $0xFFFFD800  }
0x9a: {  	[spmem:s3] =	stream.indirect.scatter.add.f32 [tilespmem:s31], [sflag:$0x5], $0x80, s5, s28, $0xb8;
	[tilespmem:$0x1F200] =	vst v63  }
0x9b: {  	s17 =	rddreg [dreg:$0xe]  }
0x9c: {  	[tilespmem:s22], [sflag:$0x8] =	stream.linear.gather [hbm4b:s17+s4], $0x80, $0x38;
	[tilespmem:$0x1F200] =	vst v63  }
0x9d: {  	_ =	swait.ge [sflag:s26], $0x80  }
0x9e: {  	[sflag:s26] =	ssyncset.done $0x0  }
0x9f: {  	[sflag:s26] =	ssyncadd.s32 $0xFFFFFF80  }
0xa0: {  	_ =	swait.ge [sflag:s8], $0x2800  }
0xa1: {  	[sflag:s8] =	ssyncset.done $0x0  }
0xa2: {  	[sflag:s8] =	ssyncadd.s32 $0xFFFFD800  }
0xa3: {  	[tilespmem:s29], [sflag:$0x1] =	stream.indirect.gather [hbm4b:s0+s28], $0x80, s21, s28, $0xb8;
	[tilespmem:$0x1F200] =	vst v63  }
0xa4: {  	_ =	swait.ge [sflag:s9], $0x2800  }
0xa5: {  	[sflag:s9] =	ssyncset.done $0x0  }
0xa6: {  	s24 =	simm.s32 $0x17580;
	[sflag:s9] =	ssyncadd.s32 $0xFFFFD800  }
0xa7: {  	[spmem:s3] =	stream.indirect.scatter.add.f32 [tilespmem:s6], [sflag:$0x6], $0x80, s24, s28, $0xb8;
	[tilespmem:$0x1F200] =	vst v63  }
0xa8: {  	_ =	swait.ge [sflag:s30], $0x80  }
0xa9: {  	[sflag:s30] =	ssyncset.done $0x0  }
0xaa: {  	[sflag:s30] =	ssyncadd.s32 $0xFFFFFF80  }
0xab: {  	_ =	swait.ge [sflag:s10], $0x2800  }
0xac: {  	[sflag:s10] =	ssyncset.done $0x0  }
0xad: {  	[sflag:s10] =	ssyncadd.s32 $0xFFFFD800  }
0xae: {  	[tilespmem:s31], [sflag:$0x2] =	stream.indirect.gather [hbm4b:s0+s28], $0x80, s22, s28, $0xb8;
	[tilespmem:$0x1F200] =	vst v63  }
0xaf: {  	_ =	swait.ge [sflag:s1], $0x2800  }
0xb0: {  	[sflag:s1] =	ssyncset.done $0x0  }
0xb1: {  	s16 =	simm.s32 $0x17600;
	[sflag:s1] =	ssyncadd.s32 $0xFFFFD800  }
0xb2: {  	[spmem:s3] =	stream.indirect.scatter.add.f32 [tilespmem:s29], [sflag:$0x4], $0x80, s16, s28, $0xb8;
	[tilespmem:$0x1F200] =	vst v63  }
0xb3: {  	_ =	swait.ge [sflag:s7], $0x2800  }
0xb4: {  	[sflag:s7] =	ssyncset.done $0x0  }
0xb5: {  	s17 =	simm.s32 $0x17680;
	[sflag:s7] =	ssyncadd.s32 $0xFFFFD800  }
0xb6: {  	[spmem:s3] =	stream.indirect.scatter.add.f32 [tilespmem:s31], [sflag:$0x5], $0x80, s17, s28, $0xb8;
	[tilespmem:$0x1F200] =	vst v63  }
0xb7: {  	_ =	swait.ge [sflag:s11], $0x2800  }
0xb8: {  	[sflag:s11] =	ssyncset.done $0x0  }
0xb9: {  	[sflag:s11] =	ssyncadd.s32 $0xFFFFD800  }
0xba: {  	_ =	swait.ge [sflag:s8], $0x2800  }
0xbb: {  	[sflag:s8] =	ssyncset.done $0x0  }
0xbc: {  	[sflag:s8] =	ssyncadd.s32 $0xFFFFD800  }
0xbd: {  	_ =	swait.ge [sflag:s10], $0x2800  }
0xbe: {  	[sflag:s10] =	ssyncset.done $0x0  }
0xbf: {  	[sflag:s10] =	ssyncadd.s32 $0xFFFFD800  }
0xc0: {  	[bflag:$0x0] =	sbarrier.arrive $0xFFFF  }
0xc1: {  	s5 =	simm.s32 @p0 $0x1FCA;
	s16 =	rddreg [dreg:$0x10]  }
0xc2: {  	[hbm:s16], [sflag:s5] =	dma.local @p0 [spmem:s13], $0x2080  }
0xc3: {  	s5 =	simm.s32 @p0 $0xA  }
0xc4: {  	_ =	swait.ge @p0 [sflag:s5], $0x2080  }
0xc5: {  	[sflag:s5] =	ssyncset.done @p0 $0x0  }
0xc6: {  	[sflag:s5] =	ssyncadd.s32 @p0 $0xFFFFDF80;
	s5 =	rddreg [dreg:$0xf]  }
0xc7: {  	[hbm:s5], [sflag:s14] =	dma.local @!p0 [spmem:s15], $0x2780  }
0xc8: {  	s5 =	simm.s32 @!p0 $0xA  }
0xc9: {  	_ =	swait.ge @!p0 [sflag:s5], $0x2780  }
0xca: {  	s12 =	sadd.s32 $0x1, s12;
	s24 =	rddreg [dreg:$0x11]  }
0xcb: {  	p1 =	sne.s32 s12, s24  }
.Ltmp1:
0xcc: {  	_ = 	snop;
	(pc) =	sbr.rel @p1 .LBB2_1-.Ltmp1, $3  }
0xcd: {  	_ =	sdelay $0x1  }
0xce: {  	[sflag:s5] =	ssyncset.done @!p0 $0x0  }
0xcf: {  	[sflag:s5] =	ssyncadd.s32 @!p0 $0xFFFFD880  }
0xd0: {  	_ =	sfence.sel $0x180000  }
0xd1: {  	[bflag:$0x0] =	sbarrier.arrive $0xFFFF  }
0xd2: {  	_ =	strace $0x9000004A  }
0xd3: {  	s0 =	stileid.u32;
	[bflag:$0x2] =	sbarrier.arrive $0xFFFF  }
0xd4: {  	p0 =	sne.s32 s0, $0x0;
	s0 =	rddreg [dreg:$0x4]  }
0xd5: {  	s0 =	sadd.s32 @!p0 $0x100000, s0  }
0xd6: {  	[sflag:s0] =	ssyncadd.tile.s32 @!p0 $0x1;
	_ =	shalt  }
.Lfunc_end2:
_tile_overlayer_lowered:
.L_overlay_start_2:
0xd7: {  	(tag) =	ssettag $0x2  }
0xd8: {  	s0 =	rddreg [dreg:$0x0];
	s2 =	stileid.u32  }
0xd9: {  	s1 =	rddreg [dreg:$0x1];
	p0 =	sne.s32 s2, $0x0  }
0xda: {  	s3 =	rddreg [dreg:$0x2];
	[bflag:$0x3] =	sbarrier.arrive $0xFFFF;
	s2 =	simm.s32 @!p0 $0x1C0A  }
0xdb: {  	[timem:s3], [sflag:s2] =	dma.local @!p0 [hbm:s0], s1  }
0xdc: {  	s0 =	simm.s32 @!p0 $0xA  }
0xdd: {  	_ =	swait.ge @!p0 [sflag:s0], s1  }
0xde: {  	s1 =	ssub.s32 @!p0 $0x0, s1;
	[sflag:s0] =	ssyncset.done @!p0 $0x0  }
0xdf: {  	[sflag:s0] =	ssyncadd.s32 @!p0 s1  }
0xe0: {  	[bflag:$0x3] =	sbarrier.arrive $0xFFFF  }
0xe1: {  	_ =	shalt  }

// kernel: kernel.15.cloned.1.call-start
scs
__scs_entry_jumppad:
0x0: {  	(pc) =	sbr.rel $0x88, $3  }
0x1: {  	(tag) =	ssettag $0x0;
	lr =	simm.s32 $0x1  }
0x2: {  	[smem:$0x3F97] =	sst lr;
	_ =	strace $0xD0000000  }
0x3: {  	_ = 	snop  }
0x4: {  	_ = 	snop  }
0x5: {  	_ = 	snop  }
0x6: {  	_ = 	snop  }
0x7: {  	_ = 	snop  }
__scs_overlays_trampoline_lowered:
0x8: {  	[smem:$0x3FA6] =	sst s0  }
0x9: {  	[smem:$0x3FA7] =	sst s1  }
0xa: {  	[smem:$0x3FA8] =	sst s2  }
0xb: {  	[smem:$0x3FA9] =	sst s3  }
0xc: {  	[smem:$0x3FAA] =	sst s4  }
0xd: {  	[smem:$0x3FAB] =	sst s5  }
0xe: {  	[smem:$0x3FAC] =	sst s6  }
0xf: {  	[smem:$0x3FAD] =	sst s7  }
0x10: {  	[smem:$0x3FAE] =	sst s8  }
0x11: {  	[smem:$0x3FAF] =	sst s9;
	s0 =	simm.s32 @!p0 $0x0  }
0x12: {  	s1 =	sld [smem:$0x3F95];
	s0 =	simm.s32 @p0 $0x1  }
0x13: {  	[smem:$0x3FB0] =	sst s0;
	s0 =	simm.s32 @!p1 $0x0  }
0x14: {  	s2 =	sld [smem:$0x3F94];
	s0 =	simm.s32 @p1 $0x1  }
0x15: {  	[smem:$0x3FB1] =	sst s0;
	s0 =	simm.s32 @!p2 $0x0  }
0x16: {  	s3 =	sld [smem:$0x3FDB];
	s0 =	simm.s32 @p2 $0x1  }
0x17: {  	s4 =	simm.s32 $0x1BF5;
	[smem:$0x3FB3] =	sst s0  }
0x18: {  	s0 =	sld [smem:$0x3F96];
	_ =	swait.ge [sflag:s4], $0x0  }
0x19: {  	s7 =	sld [smem:$0x3F97]  }
0x1a: {  	s8 =	sadd.s32 $0xFFFFE003, lr  }
0x1b: {  	s9 =	sadd.s32 $0xFFFFFEF7, lr;
	s5 =	simm.s32 $0xFFFFFFFF;
	p2 =	slt.u32 s8, $0xFFFFF086  }
0x1c: {  	p1 =	slt.u32 s9, $0xF7A;
	s5 =	simm.s32 @!p2 $0x0  }
0x1d: {  	s5 =	simm.s32 @p1 $0x1;
	p0 =	seq.s32 s7, s2  }
0x1e: {  	s7 =	smul.u32 @!p0 $0xF7A, s2;
	p2 =	seq.s32 @!p0 s5, $0x0  }
0x1f: {  	s9 =	smul.u32 $0xF7A, s1;
	s8 =	simm.s32 @!p0 $0x1BF5;
	p2 =	por !p2, p0  }
0x20: {  	[sflag:s8] =	ssyncset.s32 @!p0 $0xFFFFF086;
	s6 =	sadd.s32 @!p0 s3, s7;
	s7 =	simm.s32 @!p0 $0x108  }
0x21: {  	s3 =	sadd.s32 s3, s9;
	s6 =	sadd.s32 @!p0 $0x88, s6;
	s7 =	simm.s32 @p2 $0x1082  }
0x22: {  	[simem:s7], [sflag:s8] =	dma.local @!p0 [hbm:s6], $0xF7A  }
0x23: {  	s9 =	sor.u32 $0xD0000000, s2;
	s6 =	simm.s32 $0x108;
	_ =	swait.ge @!p0 [sflag:s8], $0x0  }
0x24: {  	s3 =	sadd.s32 $0x88, s3;
	s6 =	simm.s32 @!p1 $0x1082;
	[sflag:s4] =	ssyncset.s32 $0xFFFFF086  }
0x25: {  	[simem:s6], [sflag:s4] =	dma.local [hbm:s3], $0xF7A  }
0x26: {  	[smem:$0x3F97] =	sst s1;
	(tag) =	ssettag s2;
	_ =	strace s9  }
0x27: {  	s1 =	sld [smem:$0x3FA7]  }
0x28: {  	s2 =	sld [smem:$0x3FA8]  }
0x29: {  	s4 =	sld [smem:$0x3FAA]  }
0x2a: {  	p0 =	seq.s32 s5, $0x0;
	s5 =	sld [smem:$0x3FAB]  }
0x2b: {  	s6 =	sld [smem:$0x3FAC]  }
0x2c: {  	s7 =	sld [smem:$0x3FAD]  }
0x2d: {  	s3 =	simm.s32 $0x108;
	s8 =	sld [smem:$0x3FAE]  }
0x2e: {  	s3 =	simm.s32 @!p0 $0x1082;
	s9 =	sld [smem:$0x3FAF]  }
0x2f: {  	lr =	sadd.s32 s0, s3;
	s0 =	sld [smem:$0x3FA6]  }
0x30: {  	s3 =	sld [smem:$0x3FA9]  }
0x31: {  	[smem:$0x3FB2] =	sst s10  }
0x32: {  	s10 =	sld [smem:$0x3FB0];
	_ =	sdelay $0x3  }
0x33: {  	p0 =	seq.s32 s10, $0x1;
	s10 =	sld [smem:$0x3FB2];
	_ =	sdelay $0x3  }
0x34: {  	[smem:$0x3FB2] =	sst s10  }
0x35: {  	s10 =	sld [smem:$0x3FB1];
	_ =	sdelay $0x3  }
0x36: {  	p1 =	seq.s32 s10, $0x1;
	s10 =	sld [smem:$0x3FB2];
	_ =	sdelay $0x3  }
0x37: {  	[smem:$0x3FB2] =	sst s10  }
0x38: {  	s10 =	sld [smem:$0x3FB3]  }
0x39: {  	_ = 	snop;
	(pc) =	sbr.ind lr, $3  }
0x3a: {  	_ = 	snop  }
0x3b: {  	_ = 	snop  }
0x3c: {  	p2 =	seq.s32 s10, $0x1;
	s10 =	sld [smem:$0x3FB2]  }
0x3d: {  	_ =	shalt  }
0x3e: {  	_ =	shalt  }
0x3f: {  	_ =	shalt  }
0x40: {  	_ =	shalt  }
0x41: {  	_ =	shalt  }
0x42: {  	_ =	shalt  }
0x43: {  	_ =	shalt  }
0x44: {  	_ =	shalt  }
0x45: {  	_ =	shalt  }
0x46: {  	_ =	shalt  }
0x47: {  	_ =	shalt  }
0x48: {  	_ =	shalt  }
0x49: {  	_ =	shalt  }
0x4a: {  	_ =	shalt  }
0x4b: {  	_ =	shalt  }
0x4c: {  	_ =	shalt  }
0x4d: {  	_ =	shalt  }
0x4e: {  	_ =	shalt  }
0x4f: {  	_ =	shalt  }
0x50: {  	_ =	shalt  }
0x51: {  	_ =	shalt  }
0x52: {  	_ =	shalt  }
0x53: {  	_ =	shalt  }
0x54: {  	_ =	shalt  }
0x55: {  	_ =	shalt  }
0x56: {  	_ =	shalt  }
0x57: {  	_ =	shalt  }
0x58: {  	_ =	shalt  }
0x59: {  	_ =	shalt  }
0x5a: {  	_ =	shalt  }
0x5b: {  	_ =	shalt  }
0x5c: {  	_ =	shalt  }
0x5d: {  	_ =	shalt  }
0x5e: {  	_ =	shalt  }
0x5f: {  	_ =	shalt  }
0x60: {  	_ =	shalt  }
0x61: {  	_ =	shalt  }
0x62: {  	_ =	shalt  }
0x63: {  	_ =	shalt  }
0x64: {  	_ =	shalt  }
0x65: {  	_ =	shalt  }
0x66: {  	_ =	shalt  }
0x67: {  	_ =	shalt  }
0x68: {  	_ =	shalt  }
0x69: {  	_ =	shalt  }
0x6a: {  	_ =	shalt  }
0x6b: {  	_ =	shalt  }
0x6c: {  	_ =	shalt  }
0x6d: {  	_ =	shalt  }
0x6e: {  	_ =	shalt  }
0x6f: {  	_ =	shalt  }
0x70: {  	_ =	shalt  }
0x71: {  	_ =	shalt  }
0x72: {  	_ =	shalt  }
0x73: {  	_ =	shalt  }
0x74: {  	_ =	shalt  }
0x75: {  	_ =	shalt  }
0x76: {  	_ =	shalt  }
0x77: {  	_ =	shalt  }
0x78: {  	_ =	shalt  }
0x79: {  	_ =	shalt  }
0x7a: {  	_ =	shalt  }
0x7b: {  	_ =	shalt  }
0x7c: {  	_ =	shalt  }
0x7d: {  	_ =	shalt  }
0x7e: {  	_ =	shalt  }
0x7f: {  	_ =	shalt  }
0x80: {  	_ =	shalt  }
0x81: {  	_ =	shalt  }
0x82: {  	_ =	shalt  }
0x83: {  	_ =	shalt  }
0x84: {  	_ =	shalt  }
0x85: {  	_ =	shalt  }
0x86: {  	_ =	shalt  }
0x87: {  	_ =	shalt  }
.Lfunc_end0:
.L_simem_size_0:
called_computation.2_lowered:
.L_overlay_start_0:
0x88: {  	s2 =	sld [smem:$0x3FD9]  }
0x89: {  	s3 =	sld [smem:$0x3FFE];
	_ =	sdelay $0x1  }
0x8a: {  	s1 =	srdreg.scid  }
0x8b: {  	s0 =	sand.u32 $0x1, s1  }
0x8c: {  	s17 =	sshll.u32 s0, $0xA;
	s2 =	sadd.s32 s3, s2  }
0x8d: {  	s2 =	sadd.s32 s2, s17  }
0x8e: {  	[smem:$0x3FBE] =	sst s2  }
0x8f: {  	_ = 	snop  }
0x90: {  	s2 =	sld [smem:$0x3FD0];
	(tm) =	ssettm $0x1  }
0x91: {  	s18 =	sld [smem:$0x3FFB];
	_ =	sdelay $0x3  }
0x92: {  	_ =	strace s18  }
0x93: {  	s3 =	sld [smem:$0x3FFC];
	_ =	sdelay $0x3  }
0x94: {  	_ =	strace s3  }
0x95: {  	s3 =	sld [smem:$0x3FFD];
	_ =	sdelay $0x3  }
0x96: {  	_ =	strace s3  }
0x97: {  	_ =	strace $0x8FFFFFFF  }
0x98: {  	s19 =	sld [smem:$0x3FDB];
	_ =	sdelay $0x1  }
0x99: {  	s4 =	simm.s32 $_scs_section_size  }
0x9a: {  	s5 =	simm.s32 $_size__tile_overlayer_lowered;
	s6 =	simm.s32 $_tile_overlayer_lowered  }
0x9b: {  	s22 =	simm.s32 $0x1BFF;
	s21 =	sshll.u32 s6, $0x1;
	s3 =	sadd.s32 s4, s19  }
0x9c: {  	s7 =	simm.s32 $0x0;
	s20 =	sshll.u32 s5, $0x1;
	s5 =	sadd.s32 s21, s3  }
0x9d: {  	[timem:s7], [sflag:s22] =	dma.local [hbm:s5], s20  }
0x9e: {  	_ =	swait.ge [sflag:s22], s20  }
0x9f: {  	s4 =	ssub.s32 $0x0, s20;
	[sflag:s22] =	ssyncset.done $0x0  }
0xa0: {  	[sflag:s22] =	ssyncadd.s32 s4;
	_ =	sdelay $0x1  }
0xa1: {  	s23 =	simm.s32 $0x1B8B  }
0xa2: {  	_ =	swait.ge [sflag:s23], $0x1  }
0xa3: {  	[sflag:s23] =	ssyncset.done $0x0  }
0xa4: {  	s25 =	simm.s32 $0x1B8E;
	s24 =	sld [smem:$0x3FFE];
	[sflag:s23] =	ssyncadd.s32 $0xFFFFFFFF  }
0xa5: {  	s26 =	simm.s32 $execute0_lowered;
	[smem:$0x3FD2] =	sst s25  }
0xa6: {  	s5 =	sshll.u32 s26, $0x1;
	_ =	strace $0x8000004C;
	[dreg:$0x1] =	wrdreg $0xFFFFFFFF  }
0xa7: {  	s28 =	simm.s32 $_size_execute0_lowered;
	s3 =	sadd.s32 s3, s5;
	[dreg:$0x0] =	wrdreg $0x0  }
0xa8: {  	s5 =	sshll.u32 s28, $0x1;
	[dreg:$0x2] =	wrdreg s3  }
0xa9: {  	[dreg:$0x3] =	wrdreg s5  }
0xaa: {  	[dreg:$0x4] =	wrdreg $0xC0  }
0xab: {  	_ =	task [dreg:s7], $0x5FFFF  }
0xac: {  	[dreg:$0x1] =	wrdreg $0xFFFFFFFF  }
0xad: {  	[dreg:$0x0] =	wrdreg $0x60  }
0xae: {  	[dreg:$0x2] =	wrdreg s24  }
0xaf: {  	[dreg:$0x3] =	wrdreg s2  }
0xb0: {  	[dreg:$0x4] =	wrdreg $0x0  }
0xb1: {  	[dreg:$0x5] =	wrdreg $0x9  }
0xb2: {  	_ =	task.clear_ibuf [dreg:s7], $0x6FFFF;
	_ =	strace $0x9000004C  }
0xb3: {  	s29 =	simm.s32 $0x9;
	_ =	strace $0x8000004E  }
0xb4: {  	_ =	swait.ge [sflag:s29], $0x1  }
0xb5: {  	[sflag:s29] =	ssyncadd.s32 $0xFFFFFFFF  }
0xb6: {  	_ =	strace $0x9000004E  }
0xb7: {  	_ =	sfence  }
0xb8: {  	s30 =	sld [smem:$0x0];
	_ =	sdelay $0x2  }
0xb9: {  	s31 =	sshll.u32 s1, $0xD;
	s1 =	sshrl.u32 s1, $0x2  }
0xba: {  	s3 =	sand.u32 $0x4000, s31;
	s1 =	sadd.s32 s1, s30  }
0xbb: {  	s0 =	sor.u32 s3, s0;
	s1 =	sshll.u32 s1, $0x11  }
0xbc: {  	s0 =	sor.u32 s1, s0  }
0xbd: {  	s0 =	sadd.s32 $0x8F2B, s0  }
0xbe: {  	[sflag:s0] =	ssyncadd.remote.s32 $0x1  }
0xbf: {  	_ =	sfence.sel $0xFFFF  }
0xc0: {  	[dreg:$0x0] =	wrdreg $0xFFFFFFFF;
	(pc) =	sbr.abs _section_cstart, $3  }
0xc1: {  	[dreg:$0x1] =	wrdreg $0xFFFFFFFF  }
0xc2: {  	_ =	task.clear_ibuf [dreg:s7], $0x2FFFF;
	_ =	strace $0x9FFFFFFF  }
0xc3: {  	(tm) =	ssettm $0x7FFFFFFF  }
tec
execute0_lowered:
.L_overlay_start_1:
0x0: {  	(tag) =	ssettag $0x1  }
0x1: {  	s0 =	rddreg [dreg:$0x0]  }
0x2: {  	s2 =	rddreg [dreg:$0x1]  }
0x3: {  	s1 =	rddreg [dreg:$0x2]  }
0x4: {  	s3 =	srdreg.scid;
	s14 =	stileid.u32  }
0x5: {  	s28 =	simm.s32 $0x50;
	s29 =	simm.s32 $0x17A00;
	s30 =	simm.s32 $0x8  }
0x6: {  	s31 =	simm.s32 $0x1A200;
	s6 =	sand.u32 $0x1, s3;
	s10 =	smul.u32 $0x4F000, s14  }
0x7: {  	s3 =	simm.s32 $0x0;
	s8 =	sadd.s32 $0x61600, s0;
	s12 =	smul.u32 $0x2780, s14  }
0x8: {  	s26 =	smul.u32 $0x13C00, s14;
	s18 =	sadd.s32 $0x128400, s1;
	s24 =	sshll.u32 s14, $0x7  }
0x9: {  	p0 =	seq.s32 s14, $0xF;
	s4 =	sshll.u32 s6, $0x4;
	[smem:$0x7FF] =	sst s3  }
0xa: {  	s9 =	ssub.s32 $0x2, s6;
	s25 =	smul.u32 $0x138800, s6;
	s23 =	sshll.u32 s6, $0xB  }
0xb: {  	s5 =	sor.u32 s14, s4;
	_ =	strace $0x8000004D;
	s4 =	sadd.s32 $0x71000, s0  }
0xc: {  	s11 =	sshrl.u32 s9, $0x1;
	s10 =	sshrl.u32 s10, $0x2;
	s17 =	sadd.s32 s2, s12  }
0xd: {  	[dreg:$0xa] =	wrdreg s18;
	s2 =	sadd.s32 $0x25080, s2;
	s12 =	simm.s32 $0x0  }
0xe: {  	s7 =	sshll.u32 s5, $0xB;
	s5 =	sshll.u32 s5, $0x4;
	s9 =	ssub.s32 s9, s11  }
0xf: {  	s16 =	sadd.s32 s10, s1;
	[dreg:$0x9] =	wrdreg s17;
	s19 =	sadd.s32 s26, s25  }
0x10: {  	[dreg:$0xb] =	wrdreg s2;
	s22 =	sshrl.u32 s25, $0x3;
	s26 =	sor.u32 s24, s23  }
0x11: {  	s23 =	simm.s32 $0x17980;
	s10 =	simm.s32 $0x5;
	s11 =	simm.s32 $0x6  }
0x12: {  	s7 =	sadd.s32 s7, s0;
	s5 =	sadd.s32 s8, s5;
	[dreg:$0x8] =	wrdreg s16  }
0x13: {  	s0 =	sadd.s32 $0x98200, s0;
	s25 =	smax.u32 s9, $0x1;
	[dreg:$0x4] =	wrdreg s5  }
0x14: {  	s21 =	sshrl.u32 s19, $0x3;
	s13 =	sadd.s32 $0x200, s5;
	[dreg:$0x10] =	wrdreg s25  }
0x15: {  	s6 =	sor.u32 $0x5000, s26;
	s15 =	sadd.s32 $0x400, s5;
	[dreg:$0x5] =	wrdreg s13  }
0x16: {  	s9 =	simm.s32 $0x3;
	s7 =	sadd.s32 $0x2E00, s7;
	[dreg:$0x6] =	wrdreg s15  }
0x17: {  	s20 =	sadd.s32 $0x600, s5;
	s5 =	sadd.s32 $0xF800, s5;
	[dreg:$0x7] =	wrdreg s7  }
0x18: {  	s2 =	sadd.s32 s0, s21;
	s0 =	sadd.s32 s0, s22;
	[dreg:$0xc] =	wrdreg s20  }
0x19: {  	s6 =	sshrl.u32 s6, $0x3;
	s21 =	simm.s32 $0x17880;
	[dreg:$0xd] =	wrdreg s5  }
0x1a: {  	s22 =	simm.s32 $0x17900;
	s25 =	simm.s32 $0xA;
	[dreg:$0xe] =	wrdreg s2  }
0x1b: {  	s0 =	sadd.s32 $0x25080, s0;
	s2 =	sor.u32 $0x6000, s26;
	s19 =	sadd.s32 s6, s8  }
0x1c: {  	s6 =	simm.s32 $0x1CA00;
	s7 =	simm.s32 $0x2;
	[dreg:$0xf] =	wrdreg s0  }
0x1d: {  	s0 =	sor.u32 $0x4000, s26;
	s2 =	sshrl.u32 s2, $0x3;
	s26 =	simm.s32 $0x7  }
0x1e: {  	s0 =	sshrl.u32 s0, $0x3;
	s18 =	sadd.s32 s2, s8;
	s2 =	simm.s32 $0x9  }
0x1f: {  	s20 =	sadd.s32 s0, s8;
	s0 =	simm.s32 $0x1;
	s8 =	simm.s32 $0x4  }
.LBB2_1:
0x20: {  	s5 =	rddreg [dreg:$0x4]  }
0x21: {  	[tilespmem:s21], [sflag:$0x7] =	stream.linear.gather [hbm4b:s5+s3], $0x80, $0x38;
	[tilespmem:$0x1F200] =	vst v63  }
0x22: {  	s14 =	rddreg [dreg:$0x5]  }
0x23: {  	[tilespmem:s22], [sflag:$0x8] =	stream.linear.gather [hbm4b:s14+s3], $0x80, $0x38;
	[tilespmem:$0x1F200] =	vst v63  }
0x24: {  	s15 =	rddreg [dreg:$0x6]  }
0x25: {  	[tilespmem:s23], [sflag:$0x9] =	stream.linear.gather [hbm4b:s15+s3], $0x80, $0x38;
	[tilespmem:$0x1F200] =	vst v63  }
0x26: {  	s16 =	rddreg [dreg:$0x7];
	s17 =	simm.s32 $0x13880  }
0x27: {  	[tilespmem:s17], [sflag:$0xA] =	stream.linear.gather [hbm4b:s16+s3], $0x3E80, $0x38;
	[tilespmem:$0x1F200] =	vst v63  }
0x28: {  	_ =	swait.ge [sflag:s25], $0x3E80  }
0x29: {  	[sflag:s25] =	ssyncset.done $0x0  }
0x2a: {  	[sflag:s25] =	ssyncadd.s32 $0xFFFFC180  }
0x2b: {  	_ =	swait.ge [sflag:s26], $0x80  }
0x2c: {  	[sflag:s26] =	ssyncset.done $0x0  }
0x2d: {  	[sflag:s26] =	ssyncadd.s32 $0xFFFFFF80  }
0x2e: {  	[tilespmem:s29], [sflag:$0x1] =	stream.indirect.gather [hbm4b:s4+s28], $0x80, s21, s28, $0xb8;
	[tilespmem:$0x1F200] =	vst v63  }
0x2f: {  	_ =	swait.ge [sflag:s30], $0x80  }
0x30: {  	s14 =	simm.s32 @p0 $0x1FCA;
	[sflag:s30] =	ssyncset.done $0x0;
	s5 =	rddreg [dreg:$0xa]  }
0x31: {  	[sflag:s30] =	ssyncadd.s32 $0xFFFFFF80;
	s13 =	sshrl.u32 @p0 s5, $0x3;
	s5 =	rddreg [dreg:$0xb]  }
0x32: {  	[tilespmem:s31], [sflag:$0x2] =	stream.indirect.gather [hbm4b:s4+s28], $0x80, s22, s28, $0xb8;
	[tilespmem:$0x1F200] =	vst v63  }
0x33: {  	[spmem:s13], [sflag:s14] =	dma.local @p0 [hbm:s5], $0x2080  }
0x34: {  	s14 =	simm.s32 @p0 $0xA  }
0x35: {  	_ =	swait.ge @p0 [sflag:s14], $0x2080  }
0x36: {  	s16 =	simm.s32 @!p0 $0xA;
	s5 =	stileid.u32;
	[sflag:s14] =	ssyncset.done @p0 $0x0  }
0x37: {  	s15 =	sshll.u32 @!p0 s5, $0x6;
	s5 =	rddreg [dreg:$0x8];
	[sflag:s14] =	ssyncadd.s32 @p0 $0xFFFFDF80  }
0x38: {  	s14 =	sor.u32 @!p0 $0x1C0A, s15;
	s15 =	sshrl.u32 @!p0 s5, $0x3;
	s5 =	rddreg [dreg:$0x9]  }
0x39: {  	[spmem:s15], [sflag:s14] =	dma.local @!p0 [hbm:s5], $0x2780  }
0x3a: {  	_ =	swait.ge @!p0 [sflag:s16], $0x2780  }
0x3b: {  	[sflag:s16] =	ssyncset.done @!p0 $0x0  }
0x3c: {  	[sflag:s16] =	ssyncadd.s32 @!p0 $0xFFFFD880  }
0x3d: {  	[bflag:$0x0] =	sbarrier.arrive $0xFFFF  }
0x3e: {  	_ =	swait.ge [sflag:s0], $0x2800  }
0x3f: {  	[sflag:s0] =	ssyncset.done $0x0  }
0x40: {  	[sflag:s0] =	ssyncadd.s32 $0xFFFFD800  }
0x41: {  	[spmem:s1] =	stream.indirect.scatter.add.f32 [tilespmem:s29], [sflag:$0x4], $0x80, s17, s28, $0xb8;
	[tilespmem:$0x1F200] =	vst v63  }
0x42: {  	s24 =	rddreg [dreg:$0xc]  }
0x43: {  	[tilespmem:s21], [sflag:$0x7] =	stream.linear.gather [hbm4b:s24+s3], $0x80, $0x38;
	[tilespmem:$0x1F200] =	vst v63  }
0x44: {  	_ =	swait.ge [sflag:s2], $0x80  }
0x45: {  	[sflag:s2] =	ssyncset.done $0x0  }
0x46: {  	[sflag:s2] =	ssyncadd.s32 $0xFFFFFF80  }
0x47: {  	[tilespmem:s6], [sflag:$0x3] =	stream.indirect.gather [hbm4b:s4+s28], $0x80, s23, s28, $0xb8;
	[tilespmem:$0x1F200] =	vst v63  }
0x48: {  	_ =	swait.ge [sflag:s7], $0x2800  }
0x49: {  	[sflag:s7] =	ssyncset.done $0x0  }
0x4a: {  	s5 =	simm.s32 $0x13900;
	[sflag:s7] =	ssyncadd.s32 $0xFFFFD800  }
0x4b: {  	[spmem:s1] =	stream.indirect.scatter.add.f32 [tilespmem:s31], [sflag:$0x5], $0x80, s5, s28, $0xb8;
	[tilespmem:$0x1F200] =	vst v63  }
0x4c: {  	s17 =	sadd.s32 $0x0, s20  }
0x4d: {  	[tilespmem:s22], [sflag:$0x8] =	stream.linear.gather [hbm4b:s17+s3], $0x80, $0x38;
	[tilespmem:$0x1F200] =	vst v63  }
0x4e: {  	_ =	swait.ge [sflag:s26], $0x80  }
0x4f: {  	[sflag:s26] =	ssyncset.done $0x0  }
0x50: {  	[sflag:s26] =	ssyncadd.s32 $0xFFFFFF80  }
0x51: {  	_ =	swait.ge [sflag:s8], $0x2800  }
0x52: {  	[sflag:s8] =	ssyncset.done $0x0  }
0x53: {  	[sflag:s8] =	ssyncadd.s32 $0xFFFFD800  }
0x54: {  	[tilespmem:s29], [sflag:$0x1] =	stream.indirect.gather [hbm4b:s4+s28], $0x80, s21, s28, $0xb8;
	[tilespmem:$0x1F200] =	vst v63  }
0x55: {  	_ =	swait.ge [sflag:s9], $0x2800  }
0x56: {  	[sflag:s9] =	ssyncset.done $0x0  }
0x57: {  	s24 =	simm.s32 $0x13980;
	[sflag:s9] =	ssyncadd.s32 $0xFFFFD800  }
0x58: {  	[spmem:s1] =	stream.indirect.scatter.add.f32 [tilespmem:s6], [sflag:$0x6], $0x80, s24, s28, $0xb8;
	[tilespmem:$0x1F200] =	vst v63  }
0x59: {  	s5 =	sadd.s32 $0x0, s19  }
0x5a: {  	[tilespmem:s23], [sflag:$0x9] =	stream.linear.gather [hbm4b:s5+s3], $0x80, $0x38;
	[tilespmem:$0x1F200] =	vst v63  }
0x5b: {  	_ =	swait.ge [sflag:s30], $0x80  }
0x5c: {  	[sflag:s30] =	ssyncset.done $0x0  }
0x5d: {  	[sflag:s30] =	ssyncadd.s32 $0xFFFFFF80  }
0x5e: {  	_ =	swait.ge [sflag:s10], $0x2800  }
0x5f: {  	[sflag:s10] =	ssyncset.done $0x0  }
0x60: {  	[sflag:s10] =	ssyncadd.s32 $0xFFFFD800  }
0x61: {  	[tilespmem:s31], [sflag:$0x2] =	stream.indirect.gather [hbm4b:s4+s28], $0x80, s22, s28, $0xb8;
	[tilespmem:$0x1F200] =	vst v63  }
0x62: {  	_ =	swait.ge [sflag:s0], $0x2800  }
0x63: {  	[sflag:s0] =	ssyncset.done $0x0  }
0x64: {  	s17 =	simm.s32 $0x13A00;
	[sflag:s0] =	ssyncadd.s32 $0xFFFFD800  }
0x65: {  	[spmem:s1] =	stream.indirect.scatter.add.f32 [tilespmem:s29], [sflag:$0x4], $0x80, s17, s28, $0xb8;
	[tilespmem:$0x1F200] =	vst v63  }
0x66: {  	s24 =	sadd.s32 $0x0, s18  }
0x67: {  	[tilespmem:s21], [sflag:$0x7] =	stream.linear.gather [hbm4b:s24+s3], $0x80, $0x38;
	[tilespmem:$0x1F200] =	vst v63  }
0x68: {  	_ =	swait.ge [sflag:s2], $0x80  }
0x69: {  	[sflag:s2] =	ssyncset.done $0x0  }
0x6a: {  	[sflag:s2] =	ssyncadd.s32 $0xFFFFFF80  }
0x6b: {  	_ =	swait.ge [sflag:s11], $0x2800  }
0x6c: {  	[sflag:s11] =	ssyncset.done $0x0  }
0x6d: {  	s16 =	simm.s32 $0x600;
	[sflag:s11] =	ssyncadd.s32 $0xFFFFD800  }
.LBB2_2:
0x6e: {  	[tilespmem:s6], [sflag:$0x3] =	stream.indirect.gather [hbm4b:s4+s28], $0x80, s23, s28, $0xb8;
	[tilespmem:$0x1F200] =	vst v63  }
0x6f: {  	s17 =	smov.u32 s16  }
0x70: {  	p1 =	sne.s32 s16, $0xEA00;
	s16 =	sadd.s32 $0x600, s16;
	_ =	swait.ge [sflag:s7], $0x2800  }
0x71: {  	s24 =	sshra.s32 s17, $0x2;
	[sflag:s7] =	ssyncset.done $0x0  }
0x72: {  	s5 =	sadd.s32 $0x13900, s24;
	[sflag:s7] =	ssyncadd.s32 $0xFFFFD800  }
0x73: {  	[spmem:s1] =	stream.indirect.scatter.add.f32 [tilespmem:s31], [sflag:$0x5], $0x80, s5, s28, $0xb8;
	[tilespmem:$0x1F200] =	vst v63  }
0x74: {  	s5 =	sadd.s32 s17, s20  }
0x75: {  	[tilespmem:s22], [sflag:$0x8] =	stream.linear.gather [hbm4b:s5+s3], $0x80, $0x38;
	[tilespmem:$0x1F200] =	vst v63  }
0x76: {  	_ =	swait.ge [sflag:s26], $0x80  }
0x77: {  	[sflag:s26] =	ssyncset.done $0x0  }
0x78: {  	[sflag:s26] =	ssyncadd.s32 $0xFFFFFF80  }
0x79: {  	_ =	swait.ge [sflag:s8], $0x2800  }
0x7a: {  	[sflag:s8] =	ssyncset.done $0x0  }
0x7b: {  	[sflag:s8] =	ssyncadd.s32 $0xFFFFD800  }
0x7c: {  	[tilespmem:s29], [sflag:$0x1] =	stream.indirect.gather [hbm4b:s4+s28], $0x80, s21, s28, $0xb8;
	[tilespmem:$0x1F200] =	vst v63  }
0x7d: {  	_ =	swait.ge [sflag:s9], $0x2800  }
0x7e: {  	[sflag:s9] =	ssyncset.done $0x0  }
0x7f: {  	s5 =	sadd.s32 $0x13980, s24;
	[sflag:s9] =	ssyncadd.s32 $0xFFFFD800  }
0x80: {  	[spmem:s1] =	stream.indirect.scatter.add.f32 [tilespmem:s6], [sflag:$0x6], $0x80, s5, s28, $0xb8;
	[tilespmem:$0x1F200] =	vst v63  }
0x81: {  	s5 =	sadd.s32 s17, s19  }
0x82: {  	[tilespmem:s23], [sflag:$0x9] =	stream.linear.gather [hbm4b:s5+s3], $0x80, $0x38;
	[tilespmem:$0x1F200] =	vst v63  }
0x83: {  	_ =	swait.ge [sflag:s30], $0x80  }
0x84: {  	[sflag:s30] =	ssyncset.done $0x0  }
0x85: {  	[sflag:s30] =	ssyncadd.s32 $0xFFFFFF80  }
0x86: {  	_ =	swait.ge [sflag:s10], $0x2800  }
0x87: {  	[sflag:s10] =	ssyncset.done $0x0  }
0x88: {  	[sflag:s10] =	ssyncadd.s32 $0xFFFFD800  }
0x89: {  	[tilespmem:s31], [sflag:$0x2] =	stream.indirect.gather [hbm4b:s4+s28], $0x80, s22, s28, $0xb8;
	[tilespmem:$0x1F200] =	vst v63  }
0x8a: {  	_ =	swait.ge [sflag:s0], $0x2800  }
0x8b: {  	[sflag:s0] =	ssyncset.done $0x0  }
0x8c: {  	s5 =	sadd.s32 $0x13A00, s24;
	[sflag:s0] =	ssyncadd.s32 $0xFFFFD800  }
0x8d: {  	[spmem:s1] =	stream.indirect.scatter.add.f32 [tilespmem:s29], [sflag:$0x4], $0x80, s5, s28, $0xb8;
	[tilespmem:$0x1F200] =	vst v63  }
0x8e: {  	s5 =	sadd.s32 s17, s18  }
0x8f: {  	[tilespmem:s21], [sflag:$0x7] =	stream.linear.gather [hbm4b:s5+s3], $0x80, $0x38;
	[tilespmem:$0x1F200] =	vst v63  }
0x90: {  	_ =	swait.ge [sflag:s2], $0x80  }
.Ltmp0:
0x91: {  	[sflag:s2] =	ssyncset.done $0x0;
	(pc) =	sbr.rel @p1 .LBB2_2-.Ltmp0, $4  }
0x92: {  	[sflag:s2] =	ssyncadd.s32 $0xFFFFFF80  }
0x93: {  	_ =	swait.ge [sflag:s11], $0x2800  }
0x94: {  	[sflag:s11] =	ssyncset.done $0x0  }
0x95: {  	[sflag:s11] =	ssyncadd.s32 $0xFFFFD800  }
0x96: {  	[tilespmem:s6], [sflag:$0x3] =	stream.indirect.gather [hbm4b:s4+s28], $0x80, s23, s28, $0xb8;
	[tilespmem:$0x1F200] =	vst v63  }
0x97: {  	_ =	swait.ge [sflag:s7], $0x2800  }
0x98: {  	[sflag:s7] =	ssyncset.done $0x0  }
0x99: {  	s5 =	simm.s32 $0x17500;
	[sflag:s7] =	ssyncadd.s32 $0xFFFFD800  }
0x9a: {  	[spmem:s1] =	stream.indirect.scatter.add.f32 [tilespmem:s31], [sflag:$0x5], $0x80, s5, s28, $0xb8;
	[tilespmem:$0x1F200] =	vst v63  }
0x9b: {  	s17 =	rddreg [dreg:$0xd]  }
0x9c: {  	[tilespmem:s22], [sflag:$0x8] =	stream.linear.gather [hbm4b:s17+s3], $0x80, $0x38;
	[tilespmem:$0x1F200] =	vst v63  }
0x9d: {  	_ =	swait.ge [sflag:s26], $0x80  }
0x9e: {  	[sflag:s26] =	ssyncset.done $0x0  }
0x9f: {  	[sflag:s26] =	ssyncadd.s32 $0xFFFFFF80  }
0xa0: {  	_ =	swait.ge [sflag:s8], $0x2800  }
0xa1: {  	[sflag:s8] =	ssyncset.done $0x0  }
0xa2: {  	[sflag:s8] =	ssyncadd.s32 $0xFFFFD800  }
0xa3: {  	[tilespmem:s29], [sflag:$0x1] =	stream.indirect.gather [hbm4b:s4+s28], $0x80, s21, s28, $0xb8;
	[tilespmem:$0x1F200] =	vst v63  }
0xa4: {  	_ =	swait.ge [sflag:s9], $0x2800  }
0xa5: {  	[sflag:s9] =	ssyncset.done $0x0  }
0xa6: {  	s24 =	simm.s32 $0x17580;
	[sflag:s9] =	ssyncadd.s32 $0xFFFFD800  }
0xa7: {  	[spmem:s1] =	stream.indirect.scatter.add.f32 [tilespmem:s6], [sflag:$0x6], $0x80, s24, s28, $0xb8;
	[tilespmem:$0x1F200] =	vst v63  }
0xa8: {  	_ =	swait.ge [sflag:s30], $0x80  }
0xa9: {  	[sflag:s30] =	ssyncset.done $0x0  }
0xaa: {  	[sflag:s30] =	ssyncadd.s32 $0xFFFFFF80  }
0xab: {  	_ =	swait.ge [sflag:s10], $0x2800  }
0xac: {  	[sflag:s10] =	ssyncset.done $0x0  }
0xad: {  	[sflag:s10] =	ssyncadd.s32 $0xFFFFD800  }
0xae: {  	[tilespmem:s31], [sflag:$0x2] =	stream.indirect.gather [hbm4b:s4+s28], $0x80, s22, s28, $0xb8;
	[tilespmem:$0x1F200] =	vst v63  }
0xaf: {  	_ =	swait.ge [sflag:s0], $0x2800  }
0xb0: {  	[sflag:s0] =	ssyncset.done $0x0  }
0xb1: {  	s16 =	simm.s32 $0x17600;
	[sflag:s0] =	ssyncadd.s32 $0xFFFFD800  }
0xb2: {  	[spmem:s1] =	stream.indirect.scatter.add.f32 [tilespmem:s29], [sflag:$0x4], $0x80, s16, s28, $0xb8;
	[tilespmem:$0x1F200] =	vst v63  }
0xb3: {  	_ =	swait.ge [sflag:s7], $0x2800  }
0xb4: {  	[sflag:s7] =	ssyncset.done $0x0  }
0xb5: {  	s17 =	simm.s32 $0x17680;
	[sflag:s7] =	ssyncadd.s32 $0xFFFFD800  }
0xb6: {  	[spmem:s1] =	stream.indirect.scatter.add.f32 [tilespmem:s31], [sflag:$0x5], $0x80, s17, s28, $0xb8;
	[tilespmem:$0x1F200] =	vst v63  }
0xb7: {  	_ =	swait.ge [sflag:s11], $0x2800  }
0xb8: {  	[sflag:s11] =	ssyncset.done $0x0  }
0xb9: {  	[sflag:s11] =	ssyncadd.s32 $0xFFFFD800  }
0xba: {  	_ =	swait.ge [sflag:s8], $0x2800  }
0xbb: {  	[sflag:s8] =	ssyncset.done $0x0  }
0xbc: {  	[sflag:s8] =	ssyncadd.s32 $0xFFFFD800  }
0xbd: {  	_ =	swait.ge [sflag:s10], $0x2800  }
0xbe: {  	[sflag:s10] =	ssyncset.done $0x0  }
0xbf: {  	[sflag:s10] =	ssyncadd.s32 $0xFFFFD800  }
0xc0: {  	[bflag:$0x0] =	sbarrier.arrive $0xFFFF  }
0xc1: {  	s5 =	simm.s32 @p0 $0x1FCA;
	s16 =	rddreg [dreg:$0xf]  }
0xc2: {  	[hbm:s16], [sflag:s5] =	dma.local @p0 [spmem:s13], $0x2080  }
0xc3: {  	s5 =	simm.s32 @p0 $0xA  }
0xc4: {  	_ =	swait.ge @p0 [sflag:s5], $0x2080  }
0xc5: {  	[sflag:s5] =	ssyncset.done @p0 $0x0  }
0xc6: {  	[sflag:s5] =	ssyncadd.s32 @p0 $0xFFFFDF80;
	s5 =	rddreg [dreg:$0xe]  }
0xc7: {  	[hbm:s5], [sflag:s14] =	dma.local @!p0 [spmem:s15], $0x2780  }
0xc8: {  	s5 =	simm.s32 @!p0 $0xA  }
0xc9: {  	_ =	swait.ge @!p0 [sflag:s5], $0x2780  }
0xca: {  	s12 =	sadd.s32 $0x1, s12;
	s24 =	rddreg [dreg:$0x10]  }
0xcb: {  	p1 =	sne.s32 s12, s24  }
.Ltmp1:
0xcc: {  	_ = 	snop;
	(pc) =	sbr.rel @p1 .LBB2_1-.Ltmp1, $3  }
0xcd: {  	_ =	sdelay $0x1  }
0xce: {  	[sflag:s5] =	ssyncset.done @!p0 $0x0  }
0xcf: {  	[sflag:s5] =	ssyncadd.s32 @!p0 $0xFFFFD880  }
0xd0: {  	_ =	sfence.sel $0x180000  }
0xd1: {  	[bflag:$0x0] =	sbarrier.arrive $0xFFFF  }
0xd2: {  	_ =	strace $0x9000004D  }
0xd3: {  	s0 =	stileid.u32;
	[bflag:$0x2] =	sbarrier.arrive $0xFFFF  }
0xd4: {  	p0 =	sne.s32 s0, $0x0;
	s0 =	rddreg [dreg:$0x3]  }
0xd5: {  	s0 =	sadd.s32 @!p0 $0x100000, s0  }
0xd6: {  	[sflag:s0] =	ssyncadd.tile.s32 @!p0 $0x1;
	_ =	shalt  }
.Lfunc_end2:
_tile_overlayer_lowered:
.L_overlay_start_2:
0xd7: {  	(tag) =	ssettag $0x2  }
0xd8: {  	s0 =	rddreg [dreg:$0x0];
	s2 =	stileid.u32  }
0xd9: {  	s1 =	rddreg [dreg:$0x1];
	p0 =	sne.s32 s2, $0x0  }
0xda: {  	s3 =	rddreg [dreg:$0x2];
	[bflag:$0x3] =	sbarrier.arrive $0xFFFF;
	s2 =	simm.s32 @!p0 $0x1C0A  }
0xdb: {  	[timem:s3], [sflag:s2] =	dma.local @!p0 [hbm:s0], s1  }
0xdc: {  	s0 =	simm.s32 @!p0 $0xA  }
0xdd: {  	_ =	swait.ge @!p0 [sflag:s0], s1  }
0xde: {  	s1 =	ssub.s32 @!p0 $0x0, s1;
	[sflag:s0] =	ssyncset.done @!p0 $0x0  }
0xdf: {  	[sflag:s0] =	ssyncadd.s32 @!p0 s1  }
0xe0: {  	[bflag:$0x3] =	sbarrier.arrive $0xFFFF  }
0xe1: {  	_ =	shalt  }

// kernel: kernel.18.cloned.1.call-start
scs
__scs_entry_jumppad:
0x0: {  	(pc) =	sbr.rel $0x88, $3  }
0x1: {  	(tag) =	ssettag $0x0;
	lr =	simm.s32 $0x1  }
0x2: {  	[smem:$0x3F97] =	sst lr;
	_ =	strace $0xD0000000  }
0x3: {  	_ = 	snop  }
0x4: {  	_ = 	snop  }
0x5: {  	_ = 	snop  }
0x6: {  	_ = 	snop  }
0x7: {  	_ = 	snop  }
__scs_overlays_trampoline_lowered:
0x8: {  	[smem:$0x3FA6] =	sst s0  }
0x9: {  	[smem:$0x3FA7] =	sst s1  }
0xa: {  	[smem:$0x3FA8] =	sst s2  }
0xb: {  	[smem:$0x3FA9] =	sst s3  }
0xc: {  	[smem:$0x3FAA] =	sst s4  }
0xd: {  	[smem:$0x3FAB] =	sst s5  }
0xe: {  	[smem:$0x3FAC] =	sst s6  }
0xf: {  	[smem:$0x3FAD] =	sst s7  }
0x10: {  	[smem:$0x3FAE] =	sst s8  }
0x11: {  	[smem:$0x3FAF] =	sst s9;
	s0 =	simm.s32 @!p0 $0x0  }
0x12: {  	s1 =	sld [smem:$0x3F95];
	s0 =	simm.s32 @p0 $0x1  }
0x13: {  	[smem:$0x3FB0] =	sst s0;
	s0 =	simm.s32 @!p1 $0x0  }
0x14: {  	s2 =	sld [smem:$0x3F94];
	s0 =	simm.s32 @p1 $0x1  }
0x15: {  	[smem:$0x3FB1] =	sst s0;
	s0 =	simm.s32 @!p2 $0x0  }
0x16: {  	s3 =	sld [smem:$0x3FDB];
	s0 =	simm.s32 @p2 $0x1  }
0x17: {  	s4 =	simm.s32 $0x1BF5;
	[smem:$0x3FB3] =	sst s0  }
0x18: {  	s0 =	sld [smem:$0x3F96];
	_ =	swait.ge [sflag:s4], $0x0  }
0x19: {  	s7 =	sld [smem:$0x3F97]  }
0x1a: {  	s8 =	sadd.s32 $0xFFFFE003, lr  }
0x1b: {  	s9 =	sadd.s32 $0xFFFFFEF7, lr;
	s5 =	simm.s32 $0xFFFFFFFF;
	p2 =	slt.u32 s8, $0xFFFFF086  }
0x1c: {  	p1 =	slt.u32 s9, $0xF7A;
	s5 =	simm.s32 @!p2 $0x0  }
0x1d: {  	s5 =	simm.s32 @p1 $0x1;
	p0 =	seq.s32 s7, s2  }
0x1e: {  	s7 =	smul.u32 @!p0 $0xF7A, s2;
	p2 =	seq.s32 @!p0 s5, $0x0  }
0x1f: {  	s9 =	smul.u32 $0xF7A, s1;
	s8 =	simm.s32 @!p0 $0x1BF5;
	p2 =	por !p2, p0  }
0x20: {  	[sflag:s8] =	ssyncset.s32 @!p0 $0xFFFFF086;
	s6 =	sadd.s32 @!p0 s3, s7;
	s7 =	simm.s32 @!p0 $0x108  }
0x21: {  	s3 =	sadd.s32 s3, s9;
	s6 =	sadd.s32 @!p0 $0x88, s6;
	s7 =	simm.s32 @p2 $0x1082  }
0x22: {  	[simem:s7], [sflag:s8] =	dma.local @!p0 [hbm:s6], $0xF7A  }
0x23: {  	s9 =	sor.u32 $0xD0000000, s2;
	s6 =	simm.s32 $0x108;
	_ =	swait.ge @!p0 [sflag:s8], $0x0  }
0x24: {  	s3 =	sadd.s32 $0x88, s3;
	s6 =	simm.s32 @!p1 $0x1082;
	[sflag:s4] =	ssyncset.s32 $0xFFFFF086  }
0x25: {  	[simem:s6], [sflag:s4] =	dma.local [hbm:s3], $0xF7A  }
0x26: {  	[smem:$0x3F97] =	sst s1;
	(tag) =	ssettag s2;
	_ =	strace s9  }
0x27: {  	s1 =	sld [smem:$0x3FA7]  }
0x28: {  	s2 =	sld [smem:$0x3FA8]  }
0x29: {  	s4 =	sld [smem:$0x3FAA]  }
0x2a: {  	p0 =	seq.s32 s5, $0x0;
	s5 =	sld [smem:$0x3FAB]  }
0x2b: {  	s6 =	sld [smem:$0x3FAC]  }
0x2c: {  	s7 =	sld [smem:$0x3FAD]  }
0x2d: {  	s3 =	simm.s32 $0x108;
	s8 =	sld [smem:$0x3FAE]  }
0x2e: {  	s3 =	simm.s32 @!p0 $0x1082;
	s9 =	sld [smem:$0x3FAF]  }
0x2f: {  	lr =	sadd.s32 s0, s3;
	s0 =	sld [smem:$0x3FA6]  }
0x30: {  	s3 =	sld [smem:$0x3FA9]  }
0x31: {  	[smem:$0x3FB2] =	sst s10  }
0x32: {  	s10 =	sld [smem:$0x3FB0];
	_ =	sdelay $0x3  }
0x33: {  	p0 =	seq.s32 s10, $0x1;
	s10 =	sld [smem:$0x3FB2];
	_ =	sdelay $0x3  }
0x34: {  	[smem:$0x3FB2] =	sst s10  }
0x35: {  	s10 =	sld [smem:$0x3FB1];
	_ =	sdelay $0x3  }
0x36: {  	p1 =	seq.s32 s10, $0x1;
	s10 =	sld [smem:$0x3FB2];
	_ =	sdelay $0x3  }
0x37: {  	[smem:$0x3FB2] =	sst s10  }
0x38: {  	s10 =	sld [smem:$0x3FB3]  }
0x39: {  	_ = 	snop;
	(pc) =	sbr.ind lr, $3  }
0x3a: {  	_ = 	snop  }
0x3b: {  	_ = 	snop  }
0x3c: {  	p2 =	seq.s32 s10, $0x1;
	s10 =	sld [smem:$0x3FB2]  }
0x3d: {  	_ =	shalt  }
0x3e: {  	_ =	shalt  }
0x3f: {  	_ =	shalt  }
0x40: {  	_ =	shalt  }
0x41: {  	_ =	shalt  }
0x42: {  	_ =	shalt  }
0x43: {  	_ =	shalt  }
0x44: {  	_ =	shalt  }
0x45: {  	_ =	shalt  }
0x46: {  	_ =	shalt  }
0x47: {  	_ =	shalt  }
0x48: {  	_ =	shalt  }
0x49: {  	_ =	shalt  }
0x4a: {  	_ =	shalt  }
0x4b: {  	_ =	shalt  }
0x4c: {  	_ =	shalt  }
0x4d: {  	_ =	shalt  }
0x4e: {  	_ =	shalt  }
0x4f: {  	_ =	shalt  }
0x50: {  	_ =	shalt  }
0x51: {  	_ =	shalt  }
0x52: {  	_ =	shalt  }
0x53: {  	_ =	shalt  }
0x54: {  	_ =	shalt  }
0x55: {  	_ =	shalt  }
0x56: {  	_ =	shalt  }
0x57: {  	_ =	shalt  }
0x58: {  	_ =	shalt  }
0x59: {  	_ =	shalt  }
0x5a: {  	_ =	shalt  }
0x5b: {  	_ =	shalt  }
0x5c: {  	_ =	shalt  }
0x5d: {  	_ =	shalt  }
0x5e: {  	_ =	shalt  }
0x5f: {  	_ =	shalt  }
0x60: {  	_ =	shalt  }
0x61: {  	_ =	shalt  }
0x62: {  	_ =	shalt  }
0x63: {  	_ =	shalt  }
0x64: {  	_ =	shalt  }
0x65: {  	_ =	shalt  }
0x66: {  	_ =	shalt  }
0x67: {  	_ =	shalt  }
0x68: {  	_ =	shalt  }
0x69: {  	_ =	shalt  }
0x6a: {  	_ =	shalt  }
0x6b: {  	_ =	shalt  }
0x6c: {  	_ =	shalt  }
0x6d: {  	_ =	shalt  }
0x6e: {  	_ =	shalt  }
0x6f: {  	_ =	shalt  }
0x70: {  	_ =	shalt  }
0x71: {  	_ =	shalt  }
0x72: {  	_ =	shalt  }
0x73: {  	_ =	shalt  }
0x74: {  	_ =	shalt  }
0x75: {  	_ =	shalt  }
0x76: {  	_ =	shalt  }
0x77: {  	_ =	shalt  }
0x78: {  	_ =	shalt  }
0x79: {  	_ =	shalt  }
0x7a: {  	_ =	shalt  }
0x7b: {  	_ =	shalt  }
0x7c: {  	_ =	shalt  }
0x7d: {  	_ =	shalt  }
0x7e: {  	_ =	shalt  }
0x7f: {  	_ =	shalt  }
0x80: {  	_ =	shalt  }
0x81: {  	_ =	shalt  }
0x82: {  	_ =	shalt  }
0x83: {  	_ =	shalt  }
0x84: {  	_ =	shalt  }
0x85: {  	_ =	shalt  }
0x86: {  	_ =	shalt  }
0x87: {  	_ =	shalt  }
.Lfunc_end0:
.L_simem_size_0:
called_computation.3_lowered:
.L_overlay_start_0:
0x88: {  	s2 =	sld [smem:$0x3FD9]  }
0x89: {  	s3 =	sld [smem:$0x3FFE];
	_ =	sdelay $0x1  }
0x8a: {  	s1 =	srdreg.scid  }
0x8b: {  	s0 =	sand.u32 $0x1, s1  }
0x8c: {  	s17 =	sshll.u32 s0, $0xA;
	s2 =	sadd.s32 s3, s2  }
0x8d: {  	s2 =	sadd.s32 s2, s17  }
0x8e: {  	[smem:$0x3FBE] =	sst s2  }
0x8f: {  	_ = 	snop  }
0x90: {  	s2 =	sld [smem:$0x3FD0];
	(tm) =	ssettm $0x1  }
0x91: {  	s18 =	sld [smem:$0x3FFB];
	_ =	sdelay $0x3  }
0x92: {  	_ =	strace s18  }
0x93: {  	s3 =	sld [smem:$0x3FFC];
	_ =	sdelay $0x3  }
0x94: {  	_ =	strace s3  }
0x95: {  	s3 =	sld [smem:$0x3FFD];
	_ =	sdelay $0x3  }
0x96: {  	_ =	strace s3  }
0x97: {  	_ =	strace $0x8FFFFFFF  }
0x98: {  	s19 =	sld [smem:$0x3FDB];
	_ =	sdelay $0x1  }
0x99: {  	s4 =	simm.s32 $_scs_section_size  }
0x9a: {  	s5 =	simm.s32 $_size__tile_overlayer_lowered;
	s6 =	simm.s32 $_tile_overlayer_lowered  }
0x9b: {  	s22 =	simm.s32 $0x1BFF;
	s21 =	sshll.u32 s6, $0x1;
	s3 =	sadd.s32 s4, s19  }
0x9c: {  	s7 =	simm.s32 $0x0;
	s20 =	sshll.u32 s5, $0x1;
	s5 =	sadd.s32 s21, s3  }
0x9d: {  	[timem:s7], [sflag:s22] =	dma.local [hbm:s5], s20  }
0x9e: {  	_ =	swait.ge [sflag:s22], s20  }
0x9f: {  	s4 =	ssub.s32 $0x0, s20;
	[sflag:s22] =	ssyncset.done $0x0  }
0xa0: {  	[sflag:s22] =	ssyncadd.s32 s4;
	_ =	sdelay $0x1  }
0xa1: {  	s23 =	simm.s32 $0x1B8B  }
0xa2: {  	_ =	swait.ge [sflag:s23], $0x1  }
0xa3: {  	[sflag:s23] =	ssyncset.done $0x0  }
0xa4: {  	s25 =	simm.s32 $0x1B8E;
	s24 =	sld [smem:$0x3FFE];
	[sflag:s23] =	ssyncadd.s32 $0xFFFFFFFF  }
0xa5: {  	s26 =	simm.s32 $execute0_lowered;
	[smem:$0x3FD2] =	sst s25  }
0xa6: {  	s5 =	sshll.u32 s26, $0x1;
	_ =	strace $0x8000004F;
	[dreg:$0x1] =	wrdreg $0xFFFFFFFF  }
0xa7: {  	s28 =	simm.s32 $_size_execute0_lowered;
	s3 =	sadd.s32 s3, s5;
	[dreg:$0x0] =	wrdreg $0x0  }
0xa8: {  	s5 =	sshll.u32 s28, $0x1;
	[dreg:$0x2] =	wrdreg s3  }
0xa9: {  	[dreg:$0x3] =	wrdreg s5  }
0xaa: {  	[dreg:$0x4] =	wrdreg $0xC0  }
0xab: {  	_ =	task [dreg:s7], $0x5FFFF  }
0xac: {  	[dreg:$0x1] =	wrdreg $0xFFFFFFFF  }
0xad: {  	[dreg:$0x0] =	wrdreg $0x60  }
0xae: {  	[dreg:$0x2] =	wrdreg s24  }
0xaf: {  	[dreg:$0x3] =	wrdreg s2  }
0xb0: {  	[dreg:$0x4] =	wrdreg $0x0  }
0xb1: {  	[dreg:$0x5] =	wrdreg $0x9  }
0xb2: {  	_ =	task.clear_ibuf [dreg:s7], $0x6FFFF;
	_ =	strace $0x9000004F  }
0xb3: {  	s29 =	simm.s32 $0x9;
	_ =	strace $0x80000051  }
0xb4: {  	_ =	swait.ge [sflag:s29], $0x1  }
0xb5: {  	[sflag:s29] =	ssyncadd.s32 $0xFFFFFFFF  }
0xb6: {  	_ =	strace $0x90000051  }
0xb7: {  	_ =	sfence  }
0xb8: {  	s30 =	sld [smem:$0x0];
	_ =	sdelay $0x2  }
0xb9: {  	s31 =	sshll.u32 s1, $0xD;
	s1 =	sshrl.u32 s1, $0x2  }
0xba: {  	s3 =	sand.u32 $0x4000, s31;
	s1 =	sadd.s32 s1, s30  }
0xbb: {  	s0 =	sor.u32 s3, s0;
	s1 =	sshll.u32 s1, $0x11  }
0xbc: {  	s0 =	sor.u32 s1, s0  }
0xbd: {  	s0 =	sadd.s32 $0x8F2B, s0  }
0xbe: {  	[sflag:s0] =	ssyncadd.remote.s32 $0x1  }
0xbf: {  	_ =	sfence.sel $0xFFFF  }
0xc0: {  	[dreg:$0x0] =	wrdreg $0xFFFFFFFF;
	(pc) =	sbr.abs _section_cstart, $3  }
0xc1: {  	[dreg:$0x1] =	wrdreg $0xFFFFFFFF  }
0xc2: {  	_ =	task.clear_ibuf [dreg:s7], $0x2FFFF;
	_ =	strace $0x9FFFFFFF  }
0xc3: {  	(tm) =	ssettm $0x7FFFFFFF  }
tec
execute0_lowered:
.L_overlay_start_1:
0x0: {  	(tag) =	ssettag $0x1  }
0x1: {  	s0 =	rddreg [dreg:$0x0]  }
0x2: {  	s2 =	rddreg [dreg:$0x1]  }
0x3: {  	s1 =	rddreg [dreg:$0x2]  }
0x4: {  	s3 =	srdreg.scid;
	s14 =	stileid.u32  }
0x5: {  	s28 =	simm.s32 $0x50;
	s29 =	simm.s32 $0x17A00;
	s30 =	simm.s32 $0x8  }
0x6: {  	s31 =	simm.s32 $0x1A200;
	s6 =	sand.u32 $0x1, s3;
	s10 =	smul.u32 $0x4F000, s14  }
0x7: {  	s3 =	simm.s32 $0x0;
	s8 =	sadd.s32 $0x61600, s0;
	s12 =	smul.u32 $0x2780, s14  }
0x8: {  	s26 =	smul.u32 $0x13C00, s14;
	s18 =	sadd.s32 $0x128400, s1;
	s24 =	sshll.u32 s14, $0x7  }
0x9: {  	p0 =	seq.s32 s14, $0xF;
	s4 =	sshll.u32 s6, $0x4;
	[smem:$0x7FF] =	sst s3  }
0xa: {  	s9 =	ssub.s32 $0x2, s6;
	s25 =	smul.u32 $0x138800, s6;
	s23 =	sshll.u32 s6, $0xB  }
0xb: {  	s5 =	sor.u32 s14, s4;
	_ =	strace $0x80000050;
	s4 =	sadd.s32 $0x71000, s0  }
0xc: {  	s11 =	sshrl.u32 s9, $0x1;
	s10 =	sshrl.u32 s10, $0x2;
	s17 =	sadd.s32 s2, s12  }
0xd: {  	[dreg:$0xa] =	wrdreg s18;
	s2 =	sadd.s32 $0x25080, s2;
	s12 =	simm.s32 $0x0  }
0xe: {  	s7 =	sshll.u32 s5, $0xB;
	s5 =	sshll.u32 s5, $0x4;
	s9 =	ssub.s32 s9, s11  }
0xf: {  	s16 =	sadd.s32 s10, s1;
	[dreg:$0x9] =	wrdreg s17;
	s19 =	sadd.s32 s26, s25  }
0x10: {  	[dreg:$0xb] =	wrdreg s2;
	s22 =	sshrl.u32 s25, $0x3;
	s26 =	sor.u32 s24, s23  }
0x11: {  	s23 =	simm.s32 $0x17980;
	s10 =	simm.s32 $0x5;
	s11 =	simm.s32 $0x6  }
0x12: {  	s7 =	sadd.s32 s7, s0;
	s5 =	sadd.s32 s8, s5;
	[dreg:$0x8] =	wrdreg s16  }
0x13: {  	s0 =	sadd.s32 $0x98200, s0;
	s25 =	smax.u32 s9, $0x1;
	[dreg:$0x4] =	wrdreg s5  }
0x14: {  	s21 =	sshrl.u32 s19, $0x3;
	s13 =	sadd.s32 $0x200, s5;
	[dreg:$0x10] =	wrdreg s25  }
0x15: {  	s6 =	sor.u32 $0x5000, s26;
	s15 =	sadd.s32 $0x400, s5;
	[dreg:$0x5] =	wrdreg s13  }
0x16: {  	s9 =	simm.s32 $0x3;
	s7 =	sadd.s32 $0x2E00, s7;
	[dreg:$0x6] =	wrdreg s15  }
0x17: {  	s20 =	sadd.s32 $0x600, s5;
	s5 =	sadd.s32 $0xF800, s5;
	[dreg:$0x7] =	wrdreg s7  }
0x18: {  	s2 =	sadd.s32 s0, s21;
	s0 =	sadd.s32 s0, s22;
	[dreg:$0xc] =	wrdreg s20  }
0x19: {  	s6 =	sshrl.u32 s6, $0x3;
	s21 =	simm.s32 $0x17880;
	[dreg:$0xd] =	wrdreg s5  }
0x1a: {  	s22 =	simm.s32 $0x17900;
	s25 =	simm.s32 $0xA;
	[dreg:$0xe] =	wrdreg s2  }
0x1b: {  	s0 =	sadd.s32 $0x25080, s0;
	s2 =	sor.u32 $0x6000, s26;
	s19 =	sadd.s32 s6, s8  }
0x1c: {  	s6 =	simm.s32 $0x1CA00;
	s7 =	simm.s32 $0x2;
	[dreg:$0xf] =	wrdreg s0  }
0x1d: {  	s0 =	sor.u32 $0x4000, s26;
	s2 =	sshrl.u32 s2, $0x3;
	s26 =	simm.s32 $0x7  }
0x1e: {  	s0 =	sshrl.u32 s0, $0x3;
	s18 =	sadd.s32 s2, s8;
	s2 =	simm.s32 $0x9  }
0x1f: {  	s20 =	sadd.s32 s0, s8;
	s0 =	simm.s32 $0x1;
	s8 =	simm.s32 $0x4  }
.LBB2_1:
0x20: {  	s5 =	rddreg [dreg:$0x4]  }
0x21: {  	[tilespmem:s21], [sflag:$0x7] =	stream.linear.gather [hbm4b:s5+s3], $0x80, $0x38;
	[tilespmem:$0x1F200] =	vst v63  }
0x22: {  	s14 =	rddreg [dreg:$0x5]  }
0x23: {  	[tilespmem:s22], [sflag:$0x8] =	stream.linear.gather [hbm4b:s14+s3], $0x80, $0x38;
	[tilespmem:$0x1F200] =	vst v63  }
0x24: {  	s15 =	rddreg [dreg:$0x6]  }
0x25: {  	[tilespmem:s23], [sflag:$0x9] =	stream.linear.gather [hbm4b:s15+s3], $0x80, $0x38;
	[tilespmem:$0x1F200] =	vst v63  }
0x26: {  	s16 =	rddreg [dreg:$0x7];
	s17 =	simm.s32 $0x13880  }
0x27: {  	[tilespmem:s17], [sflag:$0xA] =	stream.linear.gather [hbm4b:s16+s3], $0x3E80, $0x38;
	[tilespmem:$0x1F200] =	vst v63  }
0x28: {  	_ =	swait.ge [sflag:s25], $0x3E80  }
0x29: {  	[sflag:s25] =	ssyncset.done $0x0  }
0x2a: {  	[sflag:s25] =	ssyncadd.s32 $0xFFFFC180  }
0x2b: {  	_ =	swait.ge [sflag:s26], $0x80  }
0x2c: {  	[sflag:s26] =	ssyncset.done $0x0  }
0x2d: {  	[sflag:s26] =	ssyncadd.s32 $0xFFFFFF80  }
0x2e: {  	[tilespmem:s29], [sflag:$0x1] =	stream.indirect.gather [hbm4b:s4+s28], $0x80, s21, s28, $0xb8;
	[tilespmem:$0x1F200] =	vst v63  }
0x2f: {  	_ =	swait.ge [sflag:s30], $0x80  }
0x30: {  	s14 =	simm.s32 @p0 $0x1FCA;
	[sflag:s30] =	ssyncset.done $0x0;
	s5 =	rddreg [dreg:$0xa]  }
0x31: {  	[sflag:s30] =	ssyncadd.s32 $0xFFFFFF80;
	s13 =	sshrl.u32 @p0 s5, $0x3;
	s5 =	rddreg [dreg:$0xb]  }
0x32: {  	[tilespmem:s31], [sflag:$0x2] =	stream.indirect.gather [hbm4b:s4+s28], $0x80, s22, s28, $0xb8;
	[tilespmem:$0x1F200] =	vst v63  }
0x33: {  	[spmem:s13], [sflag:s14] =	dma.local @p0 [hbm:s5], $0x2080  }
0x34: {  	s14 =	simm.s32 @p0 $0xA  }
0x35: {  	_ =	swait.ge @p0 [sflag:s14], $0x2080  }
0x36: {  	s16 =	simm.s32 @!p0 $0xA;
	s5 =	stileid.u32;
	[sflag:s14] =	ssyncset.done @p0 $0x0  }
0x37: {  	s15 =	sshll.u32 @!p0 s5, $0x6;
	s5 =	rddreg [dreg:$0x8];
	[sflag:s14] =	ssyncadd.s32 @p0 $0xFFFFDF80  }
0x38: {  	s14 =	sor.u32 @!p0 $0x1C0A, s15;
	s15 =	sshrl.u32 @!p0 s5, $0x3;
	s5 =	rddreg [dreg:$0x9]  }
0x39: {  	[spmem:s15], [sflag:s14] =	dma.local @!p0 [hbm:s5], $0x2780  }
0x3a: {  	_ =	swait.ge @!p0 [sflag:s16], $0x2780  }
0x3b: {  	[sflag:s16] =	ssyncset.done @!p0 $0x0  }
0x3c: {  	[sflag:s16] =	ssyncadd.s32 @!p0 $0xFFFFD880  }
0x3d: {  	[bflag:$0x0] =	sbarrier.arrive $0xFFFF  }
0x3e: {  	_ =	swait.ge [sflag:s0], $0x2800  }
0x3f: {  	[sflag:s0] =	ssyncset.done $0x0  }
0x40: {  	[sflag:s0] =	ssyncadd.s32 $0xFFFFD800  }
0x41: {  	[spmem:s1] =	stream.indirect.scatter.add.f32 [tilespmem:s29], [sflag:$0x4], $0x80, s17, s28, $0xb8;
	[tilespmem:$0x1F200] =	vst v63  }
0x42: {  	s24 =	rddreg [dreg:$0xc]  }
0x43: {  	[tilespmem:s21], [sflag:$0x7] =	stream.linear.gather [hbm4b:s24+s3], $0x80, $0x38;
	[tilespmem:$0x1F200] =	vst v63  }
0x44: {  	_ =	swait.ge [sflag:s2], $0x80  }
0x45: {  	[sflag:s2] =	ssyncset.done $0x0  }
0x46: {  	[sflag:s2] =	ssyncadd.s32 $0xFFFFFF80  }
0x47: {  	[tilespmem:s6], [sflag:$0x3] =	stream.indirect.gather [hbm4b:s4+s28], $0x80, s23, s28, $0xb8;
	[tilespmem:$0x1F200] =	vst v63  }
0x48: {  	_ =	swait.ge [sflag:s7], $0x2800  }
0x49: {  	[sflag:s7] =	ssyncset.done $0x0  }
0x4a: {  	s5 =	simm.s32 $0x13900;
	[sflag:s7] =	ssyncadd.s32 $0xFFFFD800  }
0x4b: {  	[spmem:s1] =	stream.indirect.scatter.add.f32 [tilespmem:s31], [sflag:$0x5], $0x80, s5, s28, $0xb8;
	[tilespmem:$0x1F200] =	vst v63  }
0x4c: {  	s17 =	sadd.s32 $0x0, s20  }
0x4d: {  	[tilespmem:s22], [sflag:$0x8] =	stream.linear.gather [hbm4b:s17+s3], $0x80, $0x38;
	[tilespmem:$0x1F200] =	vst v63  }
0x4e: {  	_ =	swait.ge [sflag:s26], $0x80  }
0x4f: {  	[sflag:s26] =	ssyncset.done $0x0  }
0x50: {  	[sflag:s26] =	ssyncadd.s32 $0xFFFFFF80  }
0x51: {  	_ =	swait.ge [sflag:s8], $0x2800  }
0x52: {  	[sflag:s8] =	ssyncset.done $0x0  }
0x53: {  	[sflag:s8] =	ssyncadd.s32 $0xFFFFD800  }
0x54: {  	[tilespmem:s29], [sflag:$0x1] =	stream.indirect.gather [hbm4b:s4+s28], $0x80, s21, s28, $0xb8;
	[tilespmem:$0x1F200] =	vst v63  }
0x55: {  	_ =	swait.ge [sflag:s9], $0x2800  }
0x56: {  	[sflag:s9] =	ssyncset.done $0x0  }
0x57: {  	s24 =	simm.s32 $0x13980;
	[sflag:s9] =	ssyncadd.s32 $0xFFFFD800  }
0x58: {  	[spmem:s1] =	stream.indirect.scatter.add.f32 [tilespmem:s6], [sflag:$0x6], $0x80, s24, s28, $0xb8;
	[tilespmem:$0x1F200] =	vst v63  }
0x59: {  	s5 =	sadd.s32 $0x0, s19  }
0x5a: {  	[tilespmem:s23], [sflag:$0x9] =	stream.linear.gather [hbm4b:s5+s3], $0x80, $0x38;
	[tilespmem:$0x1F200] =	vst v63  }
0x5b: {  	_ =	swait.ge [sflag:s30], $0x80  }
0x5c: {  	[sflag:s30] =	ssyncset.done $0x0  }
0x5d: {  	[sflag:s30] =	ssyncadd.s32 $0xFFFFFF80  }
0x5e: {  	_ =	swait.ge [sflag:s10], $0x2800  }
0x5f: {  	[sflag:s10] =	ssyncset.done $0x0  }
0x60: {  	[sflag:s10] =	ssyncadd.s32 $0xFFFFD800  }
0x61: {  	[tilespmem:s31], [sflag:$0x2] =	stream.indirect.gather [hbm4b:s4+s28], $0x80, s22, s28, $0xb8;
	[tilespmem:$0x1F200] =	vst v63  }
0x62: {  	_ =	swait.ge [sflag:s0], $0x2800  }
0x63: {  	[sflag:s0] =	ssyncset.done $0x0  }
0x64: {  	s17 =	simm.s32 $0x13A00;
	[sflag:s0] =	ssyncadd.s32 $0xFFFFD800  }
0x65: {  	[spmem:s1] =	stream.indirect.scatter.add.f32 [tilespmem:s29], [sflag:$0x4], $0x80, s17, s28, $0xb8;
	[tilespmem:$0x1F200] =	vst v63  }
0x66: {  	s24 =	sadd.s32 $0x0, s18  }
0x67: {  	[tilespmem:s21], [sflag:$0x7] =	stream.linear.gather [hbm4b:s24+s3], $0x80, $0x38;
	[tilespmem:$0x1F200] =	vst v63  }
0x68: {  	_ =	swait.ge [sflag:s2], $0x80  }
0x69: {  	[sflag:s2] =	ssyncset.done $0x0  }
0x6a: {  	[sflag:s2] =	ssyncadd.s32 $0xFFFFFF80  }
0x6b: {  	_ =	swait.ge [sflag:s11], $0x2800  }
0x6c: {  	[sflag:s11] =	ssyncset.done $0x0  }
0x6d: {  	s16 =	simm.s32 $0x600;
	[sflag:s11] =	ssyncadd.s32 $0xFFFFD800  }
.LBB2_2:
0x6e: {  	[tilespmem:s6], [sflag:$0x3] =	stream.indirect.gather [hbm4b:s4+s28], $0x80, s23, s28, $0xb8;
	[tilespmem:$0x1F200] =	vst v63  }
0x6f: {  	s17 =	smov.u32 s16  }
0x70: {  	p1 =	sne.s32 s16, $0xEA00;
	s16 =	sadd.s32 $0x600, s16;
	_ =	swait.ge [sflag:s7], $0x2800  }
0x71: {  	s24 =	sshra.s32 s17, $0x2;
	[sflag:s7] =	ssyncset.done $0x0  }
0x72: {  	s5 =	sadd.s32 $0x13900, s24;
	[sflag:s7] =	ssyncadd.s32 $0xFFFFD800  }
0x73: {  	[spmem:s1] =	stream.indirect.scatter.add.f32 [tilespmem:s31], [sflag:$0x5], $0x80, s5, s28, $0xb8;
	[tilespmem:$0x1F200] =	vst v63  }
0x74: {  	s5 =	sadd.s32 s17, s20  }
0x75: {  	[tilespmem:s22], [sflag:$0x8] =	stream.linear.gather [hbm4b:s5+s3], $0x80, $0x38;
	[tilespmem:$0x1F200] =	vst v63  }
0x76: {  	_ =	swait.ge [sflag:s26], $0x80  }
0x77: {  	[sflag:s26] =	ssyncset.done $0x0  }
0x78: {  	[sflag:s26] =	ssyncadd.s32 $0xFFFFFF80  }
0x79: {  	_ =	swait.ge [sflag:s8], $0x2800  }
0x7a: {  	[sflag:s8] =	ssyncset.done $0x0  }
0x7b: {  	[sflag:s8] =	ssyncadd.s32 $0xFFFFD800  }
0x7c: {  	[tilespmem:s29], [sflag:$0x1] =	stream.indirect.gather [hbm4b:s4+s28], $0x80, s21, s28, $0xb8;
	[tilespmem:$0x1F200] =	vst v63  }
0x7d: {  	_ =	swait.ge [sflag:s9], $0x2800  }
0x7e: {  	[sflag:s9] =	ssyncset.done $0x0  }
0x7f: {  	s5 =	sadd.s32 $0x13980, s24;
	[sflag:s9] =	ssyncadd.s32 $0xFFFFD800  }
0x80: {  	[spmem:s1] =	stream.indirect.scatter.add.f32 [tilespmem:s6], [sflag:$0x6], $0x80, s5, s28, $0xb8;
	[tilespmem:$0x1F200] =	vst v63  }
0x81: {  	s5 =	sadd.s32 s17, s19  }
0x82: {  	[tilespmem:s23], [sflag:$0x9] =	stream.linear.gather [hbm4b:s5+s3], $0x80, $0x38;
	[tilespmem:$0x1F200] =	vst v63  }
0x83: {  	_ =	swait.ge [sflag:s30], $0x80  }
0x84: {  	[sflag:s30] =	ssyncset.done $0x0  }
0x85: {  	[sflag:s30] =	ssyncadd.s32 $0xFFFFFF80  }
0x86: {  	_ =	swait.ge [sflag:s10], $0x2800  }
0x87: {  	[sflag:s10] =	ssyncset.done $0x0  }
0x88: {  	[sflag:s10] =	ssyncadd.s32 $0xFFFFD800  }
0x89: {  	[tilespmem:s31], [sflag:$0x2] =	stream.indirect.gather [hbm4b:s4+s28], $0x80, s22, s28, $0xb8;
	[tilespmem:$0x1F200] =	vst v63  }
0x8a: {  	_ =	swait.ge [sflag:s0], $0x2800  }
0x8b: {  	[sflag:s0] =	ssyncset.done $0x0  }
0x8c: {  	s5 =	sadd.s32 $0x13A00, s24;
	[sflag:s0] =	ssyncadd.s32 $0xFFFFD800  }
0x8d: {  	[spmem:s1] =	stream.indirect.scatter.add.f32 [tilespmem:s29], [sflag:$0x4], $0x80, s5, s28, $0xb8;
	[tilespmem:$0x1F200] =	vst v63  }
0x8e: {  	s5 =	sadd.s32 s17, s18  }
0x8f: {  	[tilespmem:s21], [sflag:$0x7] =	stream.linear.gather [hbm4b:s5+s3], $0x80, $0x38;
	[tilespmem:$0x1F200] =	vst v63  }
0x90: {  	_ =	swait.ge [sflag:s2], $0x80  }
.Ltmp0:
0x91: {  	[sflag:s2] =	ssyncset.done $0x0;
	(pc) =	sbr.rel @p1 .LBB2_2-.Ltmp0, $4  }
0x92: {  	[sflag:s2] =	ssyncadd.s32 $0xFFFFFF80  }
0x93: {  	_ =	swait.ge [sflag:s11], $0x2800  }
0x94: {  	[sflag:s11] =	ssyncset.done $0x0  }
0x95: {  	[sflag:s11] =	ssyncadd.s32 $0xFFFFD800  }
0x96: {  	[tilespmem:s6], [sflag:$0x3] =	stream.indirect.gather [hbm4b:s4+s28], $0x80, s23, s28, $0xb8;
	[tilespmem:$0x1F200] =	vst v63  }
0x97: {  	_ =	swait.ge [sflag:s7], $0x2800  }
0x98: {  	[sflag:s7] =	ssyncset.done $0x0  }
0x99: {  	s5 =	simm.s32 $0x17500;
	[sflag:s7] =	ssyncadd.s32 $0xFFFFD800  }
0x9a: {  	[spmem:s1] =	stream.indirect.scatter.add.f32 [tilespmem:s31], [sflag:$0x5], $0x80, s5, s28, $0xb8;
	[tilespmem:$0x1F200] =	vst v63  }
0x9b: {  	s17 =	rddreg [dreg:$0xd]  }
0x9c: {  	[tilespmem:s22], [sflag:$0x8] =	stream.linear.gather [hbm4b:s17+s3], $0x80, $0x38;
	[tilespmem:$0x1F200] =	vst v63  }
0x9d: {  	_ =	swait.ge [sflag:s26], $0x80  }
0x9e: {  	[sflag:s26] =	ssyncset.done $0x0  }
0x9f: {  	[sflag:s26] =	ssyncadd.s32 $0xFFFFFF80  }
0xa0: {  	_ =	swait.ge [sflag:s8], $0x2800  }
0xa1: {  	[sflag:s8] =	ssyncset.done $0x0  }
0xa2: {  	[sflag:s8] =	ssyncadd.s32 $0xFFFFD800  }
0xa3: {  	[tilespmem:s29], [sflag:$0x1] =	stream.indirect.gather [hbm4b:s4+s28], $0x80, s21, s28, $0xb8;
	[tilespmem:$0x1F200] =	vst v63  }
0xa4: {  	_ =	swait.ge [sflag:s9], $0x2800  }
0xa5: {  	[sflag:s9] =	ssyncset.done $0x0  }
0xa6: {  	s24 =	simm.s32 $0x17580;
	[sflag:s9] =	ssyncadd.s32 $0xFFFFD800  }
0xa7: {  	[spmem:s1] =	stream.indirect.scatter.add.f32 [tilespmem:s6], [sflag:$0x6], $0x80, s24, s28, $0xb8;
	[tilespmem:$0x1F200] =	vst v63  }
0xa8: {  	_ =	swait.ge [sflag:s30], $0x80  }
0xa9: {  	[sflag:s30] =	ssyncset.done $0x0  }
0xaa: {  	[sflag:s30] =	ssyncadd.s32 $0xFFFFFF80  }
0xab: {  	_ =	swait.ge [sflag:s10], $0x2800  }
0xac: {  	[sflag:s10] =	ssyncset.done $0x0  }
0xad: {  	[sflag:s10] =	ssyncadd.s32 $0xFFFFD800  }
0xae: {  	[tilespmem:s31], [sflag:$0x2] =	stream.indirect.gather [hbm4b:s4+s28], $0x80, s22, s28, $0xb8;
	[tilespmem:$0x1F200] =	vst v63  }
0xaf: {  	_ =	swait.ge [sflag:s0], $0x2800  }
0xb0: {  	[sflag:s0] =	ssyncset.done $0x0  }
0xb1: {  	s16 =	simm.s32 $0x17600;
	[sflag:s0] =	ssyncadd.s32 $0xFFFFD800  }
0xb2: {  	[spmem:s1] =	stream.indirect.scatter.add.f32 [tilespmem:s29], [sflag:$0x4], $0x80, s16, s28, $0xb8;
	[tilespmem:$0x1F200] =	vst v63  }
0xb3: {  	_ =	swait.ge [sflag:s7], $0x2800  }
0xb4: {  	[sflag:s7] =	ssyncset.done $0x0  }
0xb5: {  	s17 =	simm.s32 $0x17680;
	[sflag:s7] =	ssyncadd.s32 $0xFFFFD800  }
0xb6: {  	[spmem:s1] =	stream.indirect.scatter.add.f32 [tilespmem:s31], [sflag:$0x5], $0x80, s17, s28, $0xb8;
	[tilespmem:$0x1F200] =	vst v63  }
0xb7: {  	_ =	swait.ge [sflag:s11], $0x2800  }
0xb8: {  	[sflag:s11] =	ssyncset.done $0x0  }
0xb9: {  	[sflag:s11] =	ssyncadd.s32 $0xFFFFD800  }
0xba: {  	_ =	swait.ge [sflag:s8], $0x2800  }
0xbb: {  	[sflag:s8] =	ssyncset.done $0x0  }
0xbc: {  	[sflag:s8] =	ssyncadd.s32 $0xFFFFD800  }
0xbd: {  	_ =	swait.ge [sflag:s10], $0x2800  }
0xbe: {  	[sflag:s10] =	ssyncset.done $0x0  }
0xbf: {  	[sflag:s10] =	ssyncadd.s32 $0xFFFFD800  }
0xc0: {  	[bflag:$0x0] =	sbarrier.arrive $0xFFFF  }
0xc1: {  	s5 =	simm.s32 @p0 $0x1FCA;
	s16 =	rddreg [dreg:$0xf]  }
0xc2: {  	[hbm:s16], [sflag:s5] =	dma.local @p0 [spmem:s13], $0x2080  }
0xc3: {  	s5 =	simm.s32 @p0 $0xA  }
0xc4: {  	_ =	swait.ge @p0 [sflag:s5], $0x2080  }
0xc5: {  	[sflag:s5] =	ssyncset.done @p0 $0x0  }
0xc6: {  	[sflag:s5] =	ssyncadd.s32 @p0 $0xFFFFDF80;
	s5 =	rddreg [dreg:$0xe]  }
0xc7: {  	[hbm:s5], [sflag:s14] =	dma.local @!p0 [spmem:s15], $0x2780  }
0xc8: {  	s5 =	simm.s32 @!p0 $0xA  }
0xc9: {  	_ =	swait.ge @!p0 [sflag:s5], $0x2780  }
0xca: {  	s12 =	sadd.s32 $0x1, s12;
	s24 =	rddreg [dreg:$0x10]  }
0xcb: {  	p1 =	sne.s32 s12, s24  }
.Ltmp1:
0xcc: {  	_ = 	snop;
	(pc) =	sbr.rel @p1 .LBB2_1-.Ltmp1, $3  }
0xcd: {  	_ =	sdelay $0x1  }
0xce: {  	[sflag:s5] =	ssyncset.done @!p0 $0x0  }
0xcf: {  	[sflag:s5] =	ssyncadd.s32 @!p0 $0xFFFFD880  }
0xd0: {  	_ =	sfence.sel $0x180000  }
0xd1: {  	[bflag:$0x0] =	sbarrier.arrive $0xFFFF  }
0xd2: {  	_ =	strace $0x90000050  }
0xd3: {  	s0 =	stileid.u32;
	[bflag:$0x2] =	sbarrier.arrive $0xFFFF  }
0xd4: {  	p0 =	sne.s32 s0, $0x0;
	s0 =	rddreg [dreg:$0x3]  }
0xd5: {  	s0 =	sadd.s32 @!p0 $0x100000, s0  }
0xd6: {  	[sflag:s0] =	ssyncadd.tile.s32 @!p0 $0x1;
	_ =	shalt  }
.Lfunc_end2:
_tile_overlayer_lowered:
.L_overlay_start_2:
0xd7: {  	(tag) =	ssettag $0x2  }
0xd8: {  	s0 =	rddreg [dreg:$0x0];
	s2 =	stileid.u32  }
0xd9: {  	s1 =	rddreg [dreg:$0x1];
	p0 =	sne.s32 s2, $0x0  }
0xda: {  	s3 =	rddreg [dreg:$0x2];
	[bflag:$0x3] =	sbarrier.arrive $0xFFFF;
	s2 =	simm.s32 @!p0 $0x1C0A  }
0xdb: {  	[timem:s3], [sflag:s2] =	dma.local @!p0 [hbm:s0], s1  }
0xdc: {  	s0 =	simm.s32 @!p0 $0xA  }
0xdd: {  	_ =	swait.ge @!p0 [sflag:s0], s1  }
0xde: {  	s1 =	ssub.s32 @!p0 $0x0, s1;
	[sflag:s0] =	ssyncset.done @!p0 $0x0  }
0xdf: {  	[sflag:s0] =	ssyncadd.s32 @!p0 s1  }
0xe0: {  	[bflag:$0x3] =	sbarrier.arrive $0xFFFF  }
0xe1: {  	_ =	shalt  }

// kernel: kernel.9.cloned.1.call-start
scs
__scs_entry_jumppad:
0x0: {  	(pc) =	sbr.rel $0x88, $3  }
0x1: {  	(tag) =	ssettag $0x0;
	lr =	simm.s32 $0x1  }
0x2: {  	[smem:$0x3F97] =	sst lr;
	_ =	strace $0xD0000000  }
0x3: {  	_ = 	snop  }
0x4: {  	_ = 	snop  }
0x5: {  	_ = 	snop  }
0x6: {  	_ = 	snop  }
0x7: {  	_ = 	snop  }
__scs_overlays_trampoline_lowered:
0x8: {  	[smem:$0x3FA6] =	sst s0  }
0x9: {  	[smem:$0x3FA7] =	sst s1  }
0xa: {  	[smem:$0x3FA8] =	sst s2  }
0xb: {  	[smem:$0x3FA9] =	sst s3  }
0xc: {  	[smem:$0x3FAA] =	sst s4  }
0xd: {  	[smem:$0x3FAB] =	sst s5  }
0xe: {  	[smem:$0x3FAC] =	sst s6  }
0xf: {  	[smem:$0x3FAD] =	sst s7  }
0x10: {  	[smem:$0x3FAE] =	sst s8  }
0x11: {  	[smem:$0x3FAF] =	sst s9;
	s0 =	simm.s32 @!p0 $0x0  }
0x12: {  	s1 =	sld [smem:$0x3F95];
	s0 =	simm.s32 @p0 $0x1  }
0x13: {  	[smem:$0x3FB0] =	sst s0;
	s0 =	simm.s32 @!p1 $0x0  }
0x14: {  	s2 =	sld [smem:$0x3F94];
	s0 =	simm.s32 @p1 $0x1  }
0x15: {  	[smem:$0x3FB1] =	sst s0;
	s0 =	simm.s32 @!p2 $0x0  }
0x16: {  	s3 =	sld [smem:$0x3FDB];
	s0 =	simm.s32 @p2 $0x1  }
0x17: {  	s4 =	simm.s32 $0x1BF5;
	[smem:$0x3FB3] =	sst s0  }
0x18: {  	s0 =	sld [smem:$0x3F96];
	_ =	swait.ge [sflag:s4], $0x0  }
0x19: {  	s7 =	sld [smem:$0x3F97]  }
0x1a: {  	s8 =	sadd.s32 $0xFFFFE003, lr  }
0x1b: {  	s9 =	sadd.s32 $0xFFFFFEF7, lr;
	s5 =	simm.s32 $0xFFFFFFFF;
	p2 =	slt.u32 s8, $0xFFFFF086  }
0x1c: {  	p1 =	slt.u32 s9, $0xF7A;
	s5 =	simm.s32 @!p2 $0x0  }
0x1d: {  	s5 =	simm.s32 @p1 $0x1;
	p0 =	seq.s32 s7, s2  }
0x1e: {  	s7 =	smul.u32 @!p0 $0xF7A, s2;
	p2 =	seq.s32 @!p0 s5, $0x0  }
0x1f: {  	s9 =	smul.u32 $0xF7A, s1;
	s8 =	simm.s32 @!p0 $0x1BF5;
	p2 =	por !p2, p0  }
0x20: {  	[sflag:s8] =	ssyncset.s32 @!p0 $0xFFFFF086;
	s6 =	sadd.s32 @!p0 s3, s7;
	s7 =	simm.s32 @!p0 $0x108  }
0x21: {  	s3 =	sadd.s32 s3, s9;
	s6 =	sadd.s32 @!p0 $0x88, s6;
	s7 =	simm.s32 @p2 $0x1082  }
0x22: {  	[simem:s7], [sflag:s8] =	dma.local @!p0 [hbm:s6], $0xF7A  }
0x23: {  	s9 =	sor.u32 $0xD0000000, s2;
	s6 =	simm.s32 $0x108;
	_ =	swait.ge @!p0 [sflag:s8], $0x0  }
0x24: {  	s3 =	sadd.s32 $0x88, s3;
	s6 =	simm.s32 @!p1 $0x1082;
	[sflag:s4] =	ssyncset.s32 $0xFFFFF086  }
0x25: {  	[simem:s6], [sflag:s4] =	dma.local [hbm:s3], $0xF7A  }
0x26: {  	[smem:$0x3F97] =	sst s1;
	(tag) =	ssettag s2;
	_ =	strace s9  }
0x27: {  	s1 =	sld [smem:$0x3FA7]  }
0x28: {  	s2 =	sld [smem:$0x3FA8]  }
0x29: {  	s4 =	sld [smem:$0x3FAA]  }
0x2a: {  	p0 =	seq.s32 s5, $0x0;
	s5 =	sld [smem:$0x3FAB]  }
0x2b: {  	s6 =	sld [smem:$0x3FAC]  }
0x2c: {  	s7 =	sld [smem:$0x3FAD]  }
0x2d: {  	s3 =	simm.s32 $0x108;
	s8 =	sld [smem:$0x3FAE]  }
0x2e: {  	s3 =	simm.s32 @!p0 $0x1082;
	s9 =	sld [smem:$0x3FAF]  }
0x2f: {  	lr =	sadd.s32 s0, s3;
	s0 =	sld [smem:$0x3FA6]  }
0x30: {  	s3 =	sld [smem:$0x3FA9]  }
0x31: {  	[smem:$0x3FB2] =	sst s10  }
0x32: {  	s10 =	sld [smem:$0x3FB0];
	_ =	sdelay $0x3  }
0x33: {  	p0 =	seq.s32 s10, $0x1;
	s10 =	sld [smem:$0x3FB2];
	_ =	sdelay $0x3  }
0x34: {  	[smem:$0x3FB2] =	sst s10  }
0x35: {  	s10 =	sld [smem:$0x3FB1];
	_ =	sdelay $0x3  }
0x36: {  	p1 =	seq.s32 s10, $0x1;
	s10 =	sld [smem:$0x3FB2];
	_ =	sdelay $0x3  }
0x37: {  	[smem:$0x3FB2] =	sst s10  }
0x38: {  	s10 =	sld [smem:$0x3FB3]  }
0x39: {  	_ = 	snop;
	(pc) =	sbr.ind lr, $3  }
0x3a: {  	_ = 	snop  }
0x3b: {  	_ = 	snop  }
0x3c: {  	p2 =	seq.s32 s10, $0x1;
	s10 =	sld [smem:$0x3FB2]  }
0x3d: {  	_ =	shalt  }
0x3e: {  	_ =	shalt  }
0x3f: {  	_ =	shalt  }
0x40: {  	_ =	shalt  }
0x41: {  	_ =	shalt  }
0x42: {  	_ =	shalt  }
0x43: {  	_ =	shalt  }
0x44: {  	_ =	shalt  }
0x45: {  	_ =	shalt  }
0x46: {  	_ =	shalt  }
0x47: {  	_ =	shalt  }
0x48: {  	_ =	shalt  }
0x49: {  	_ =	shalt  }
0x4a: {  	_ =	shalt  }
0x4b: {  	_ =	shalt  }
0x4c: {  	_ =	shalt  }
0x4d: {  	_ =	shalt  }
0x4e: {  	_ =	shalt  }
0x4f: {  	_ =	shalt  }
0x50: {  	_ =	shalt  }
0x51: {  	_ =	shalt  }
0x52: {  	_ =	shalt  }
0x53: {  	_ =	shalt  }
0x54: {  	_ =	shalt  }
0x55: {  	_ =	shalt  }
0x56: {  	_ =	shalt  }
0x57: {  	_ =	shalt  }
0x58: {  	_ =	shalt  }
0x59: {  	_ =	shalt  }
0x5a: {  	_ =	shalt  }
0x5b: {  	_ =	shalt  }
0x5c: {  	_ =	shalt  }
0x5d: {  	_ =	shalt  }
0x5e: {  	_ =	shalt  }
0x5f: {  	_ =	shalt  }
0x60: {  	_ =	shalt  }
0x61: {  	_ =	shalt  }
0x62: {  	_ =	shalt  }
0x63: {  	_ =	shalt  }
0x64: {  	_ =	shalt  }
0x65: {  	_ =	shalt  }
0x66: {  	_ =	shalt  }
0x67: {  	_ =	shalt  }
0x68: {  	_ =	shalt  }
0x69: {  	_ =	shalt  }
0x6a: {  	_ =	shalt  }
0x6b: {  	_ =	shalt  }
0x6c: {  	_ =	shalt  }
0x6d: {  	_ =	shalt  }
0x6e: {  	_ =	shalt  }
0x6f: {  	_ =	shalt  }
0x70: {  	_ =	shalt  }
0x71: {  	_ =	shalt  }
0x72: {  	_ =	shalt  }
0x73: {  	_ =	shalt  }
0x74: {  	_ =	shalt  }
0x75: {  	_ =	shalt  }
0x76: {  	_ =	shalt  }
0x77: {  	_ =	shalt  }
0x78: {  	_ =	shalt  }
0x79: {  	_ =	shalt  }
0x7a: {  	_ =	shalt  }
0x7b: {  	_ =	shalt  }
0x7c: {  	_ =	shalt  }
0x7d: {  	_ =	shalt  }
0x7e: {  	_ =	shalt  }
0x7f: {  	_ =	shalt  }
0x80: {  	_ =	shalt  }
0x81: {  	_ =	shalt  }
0x82: {  	_ =	shalt  }
0x83: {  	_ =	shalt  }
0x84: {  	_ =	shalt  }
0x85: {  	_ =	shalt  }
0x86: {  	_ =	shalt  }
0x87: {  	_ =	shalt  }
.Lfunc_end0:
.L_simem_size_0:
called_computation_lowered:
.L_overlay_start_0:
0x88: {  	s2 =	sld [smem:$0x3FD9]  }
0x89: {  	s3 =	sld [smem:$0x3FFE];
	_ =	sdelay $0x1  }
0x8a: {  	s1 =	srdreg.scid  }
0x8b: {  	s0 =	sand.u32 $0x1, s1  }
0x8c: {  	s17 =	sshll.u32 s0, $0xA;
	s2 =	sadd.s32 s3, s2  }
0x8d: {  	s2 =	sadd.s32 s2, s17  }
0x8e: {  	[smem:$0x3FBE] =	sst s2  }
0x8f: {  	_ = 	snop  }
0x90: {  	s2 =	sld [smem:$0x3FD0];
	(tm) =	ssettm $0x1  }
0x91: {  	s18 =	sld [smem:$0x3FFB];
	_ =	sdelay $0x3  }
0x92: {  	_ =	strace s18  }
0x93: {  	s3 =	sld [smem:$0x3FFC];
	_ =	sdelay $0x3  }
0x94: {  	_ =	strace s3  }
0x95: {  	s3 =	sld [smem:$0x3FFD];
	_ =	sdelay $0x3  }
0x96: {  	_ =	strace s3  }
0x97: {  	_ =	strace $0x8FFFFFFF  }
0x98: {  	s19 =	sld [smem:$0x3FDB];
	_ =	sdelay $0x1  }
0x99: {  	s4 =	simm.s32 $_scs_section_size  }
0x9a: {  	s5 =	simm.s32 $_size__tile_overlayer_lowered;
	s6 =	simm.s32 $_tile_overlayer_lowered  }
0x9b: {  	s22 =	simm.s32 $0x1BFF;
	s21 =	sshll.u32 s6, $0x1;
	s3 =	sadd.s32 s4, s19  }
0x9c: {  	s7 =	simm.s32 $0x0;
	s20 =	sshll.u32 s5, $0x1;
	s5 =	sadd.s32 s21, s3  }
0x9d: {  	[timem:s7], [sflag:s22] =	dma.local [hbm:s5], s20  }
0x9e: {  	_ =	swait.ge [sflag:s22], s20  }
0x9f: {  	s4 =	ssub.s32 $0x0, s20;
	[sflag:s22] =	ssyncset.done $0x0  }
0xa0: {  	[sflag:s22] =	ssyncadd.s32 s4;
	_ =	sdelay $0x1  }
0xa1: {  	s23 =	simm.s32 $0x1B8B  }
0xa2: {  	_ =	swait.ge [sflag:s23], $0x1  }
0xa3: {  	[sflag:s23] =	ssyncset.done $0x0  }
0xa4: {  	s25 =	simm.s32 $0x1B8E;
	s24 =	sld [smem:$0x3FFE];
	[sflag:s23] =	ssyncadd.s32 $0xFFFFFFFF  }
0xa5: {  	s26 =	simm.s32 $execute0_lowered;
	[smem:$0x3FD2] =	sst s25  }
0xa6: {  	s5 =	sshll.u32 s26, $0x1;
	_ =	strace $0x80000046;
	[dreg:$0x1] =	wrdreg $0xFFFFFFFF  }
0xa7: {  	s28 =	simm.s32 $_size_execute0_lowered;
	s3 =	sadd.s32 s3, s5;
	[dreg:$0x0] =	wrdreg $0x0  }
0xa8: {  	s5 =	sshll.u32 s28, $0x1;
	[dreg:$0x2] =	wrdreg s3  }
0xa9: {  	[dreg:$0x3] =	wrdreg s5  }
0xaa: {  	[dreg:$0x4] =	wrdreg $0xC0  }
0xab: {  	_ =	task [dreg:s7], $0x5FFFF  }
0xac: {  	[dreg:$0x1] =	wrdreg $0xFFFFFFFF  }
0xad: {  	[dreg:$0x0] =	wrdreg $0x60  }
0xae: {  	[dreg:$0x2] =	wrdreg s24  }
0xaf: {  	[dreg:$0x3] =	wrdreg s2  }
0xb0: {  	[dreg:$0x4] =	wrdreg $0x0  }
0xb1: {  	[dreg:$0x5] =	wrdreg $0x9  }
0xb2: {  	_ =	task.clear_ibuf [dreg:s7], $0x6FFFF;
	_ =	strace $0x90000046  }
0xb3: {  	s29 =	simm.s32 $0x9;
	_ =	strace $0x80000048  }
0xb4: {  	_ =	swait.ge [sflag:s29], $0x1  }
0xb5: {  	[sflag:s29] =	ssyncadd.s32 $0xFFFFFFFF  }
0xb6: {  	_ =	strace $0x90000048  }
0xb7: {  	_ =	sfence  }
0xb8: {  	s30 =	sld [smem:$0x0];
	_ =	sdelay $0x2  }
0xb9: {  	s31 =	sshll.u32 s1, $0xD;
	s1 =	sshrl.u32 s1, $0x2  }
0xba: {  	s3 =	sand.u32 $0x4000, s31;
	s1 =	sadd.s32 s1, s30  }
0xbb: {  	s0 =	sor.u32 s3, s0;
	s1 =	sshll.u32 s1, $0x11  }
0xbc: {  	s0 =	sor.u32 s1, s0  }
0xbd: {  	s0 =	sadd.s32 $0x8F2B, s0  }
0xbe: {  	[sflag:s0] =	ssyncadd.remote.s32 $0x1  }
0xbf: {  	_ =	sfence.sel $0xFFFF  }
0xc0: {  	[dreg:$0x0] =	wrdreg $0xFFFFFFFF;
	(pc) =	sbr.abs _section_cstart, $3  }
0xc1: {  	[dreg:$0x1] =	wrdreg $0xFFFFFFFF  }
0xc2: {  	_ =	task.clear_ibuf [dreg:s7], $0x2FFFF;
	_ =	strace $0x9FFFFFFF  }
0xc3: {  	(tm) =	ssettm $0x7FFFFFFF  }
tec
execute0_lowered:
.L_overlay_start_1:
0x0: {  	(tag) =	ssettag $0x1  }
0x1: {  	s5 =	rddreg [dreg:$0x0]  }
0x2: {  	s6 =	rddreg [dreg:$0x1]  }
0x3: {  	s2 =	rddreg [dreg:$0x2]  }
0x4: {  	s0 =	rddreg [dreg:$0x3];
	s3 =	simm.s32 $0x0  }
0x5: {  	s1 =	stileid.u32;
	s8 =	srdreg.scid;
	s15 =	simm.s32 $0x3  }
0x6: {  	s16 =	simm.s32 $0x17880;
	s17 =	simm.s32 $0x50;
	s18 =	simm.s32 $0x13900  }
0x7: {  	s19 =	simm.s32 $0x1;
	s20 =	simm.s32 $0x2;
	s21 =	simm.s32 $0x17680  }
0x8: {  	s22 =	simm.s32 $0x0;
	[smem:$0x7FF] =	sst s3;
	s9 =	smul.u32 $0x4F000, s1  }
0x9: {  	s4 =	sshll.u32 s1, $0xB;
	s8 =	sand.u32 $0x1, s8;
	s11 =	smul.u32 $0x2780, s1  }
0xa: {  	s10 =	sadd.s32 $0x13400, s5;
	s29 =	smul.u32 $0x13C00, s1;
	p0 =	seq.s32 s1, $0xF  }
0xb: {  	_ =	strace $0x80000047;
	s7 =	sadd.s32 s4, s5;
	s4 =	sadd.s32 $0x12E00, s5  }
0xc: {  	s28 =	ssub.s32 $0x2, s8;
	s13 =	smul.u32 $0x138800, s8;
	s8 =	sshll.u32 s8, $0xF  }
0xd: {  	s12 =	sshrl.u32 s28, $0x1;
	s9 =	sshrl.u32 s9, $0x2;
	s5 =	sadd.s32 s6, s11  }
0xe: {  	s11 =	sadd.s32 $0x128400, s2;
	s6 =	sadd.s32 $0x25080, s6;
	s7 =	sadd.s32 s8, s7  }
0xf: {  	s12 =	ssub.s32 s28, s12;
	s14 =	sadd.s32 s9, s2;
	s30 =	sadd.s32 s29, s13  }
0x10: {  	s7 =	sadd.s32 $0x2E00, s7;
	s31 =	sshrl.u32 s13, $0x3;
	s11 =	sshrl.u32 @p0 s11, $0x3  }
0x11: {  	s8 =	sshrl.u32 s30, $0x3;
	s9 =	sadd.s32 s10, s31;
	s13 =	sshrl.u32 @!p0 s14, $0x3  }
0x12: {  	s8 =	sadd.s32 s10, s8;
	s10 =	smax.u32 s12, $0x1;
	s12 =	sshll.u32 @!p0 s1, $0x6  }
0x13: {  	s14 =	simm.s32 $0x13880;
	s9 =	sadd.s32 $0x25080, s9;
	s12 =	sor.u32 @!p0 $0x1C03, s12  }
.LBB2_1:
0x14: {  	s23 =	simm.s32 @p0 $0x1FC3  }
0x15: {  	[spmem:s11], [sflag:s23] =	dma.local @p0 [hbm:s6], $0x2080  }
0x16: {  	s23 =	simm.s32 @p0 $0x3  }
0x17: {  	_ =	swait.ge @p0 [sflag:s23], $0x2080  }
0x18: {  	[sflag:s23] =	ssyncset.done @p0 $0x0  }
0x19: {  	[sflag:s23] =	ssyncadd.s32 @p0 $0xFFFFDF80;
	s23 =	simm.s32 @!p0 $0x3  }
0x1a: {  	[spmem:s13], [sflag:s12] =	dma.local @!p0 [hbm:s5], $0x2780  }
0x1b: {  	_ =	swait.ge @!p0 [sflag:s23], $0x2780  }
0x1c: {  	[sflag:s23] =	ssyncset.done @!p0 $0x0  }
0x1d: {  	[sflag:s23] =	ssyncadd.s32 @!p0 $0xFFFFD880  }
0x1e: {  	[tilespmem:s14], [sflag:$0x3] =	stream.linear.gather [hbm4b:s7+s3], $0x3E80, $0x38;
	[tilespmem:$0x1A080] =	vst v63  }
0x1f: {  	_ =	swait.ge [sflag:s15], $0x3E80  }
0x20: {  	[sflag:s15] =	ssyncset.done $0x0  }
0x21: {  	[sflag:s15] =	ssyncadd.s32 $0xFFFFC180  }
0x22: {  	[tilespmem:s16], [sflag:$0x3] =	stream.linear.gather [hbm4b:s4+s3], $0x2800, $0x38;
	[tilespmem:$0x1A080] =	vst v63  }
0x23: {  	_ =	swait.ge [sflag:s15], $0x2800  }
0x24: {  	[sflag:s15] =	ssyncset.done $0x0  }
0x25: {  	[sflag:s15] =	ssyncadd.s32 $0xFFFFD800  }
0x26: {  	[bflag:$0x0] =	sbarrier.arrive $0xFFFF  }
0x27: {  	[spmem:s2] =	stream.indirect.scatter.add.f32 [tilespmem:s16], [sflag:$0x1], $0x80, s14, s17, $0xb8;
	[tilespmem:$0x1A080] =	vst v63  }
0x28: {  	_ = 	snop  }
0x29: {  	[spmem:s2] =	stream.indirect.scatter.add.f32 [tilespmem:s16], [sflag:$0x2], $0x80, s18, s17, $0xb8;
	[tilespmem:$0x1A080] =	vst v63  }
0x2a: {  	_ =	swait.ge [sflag:s19], $0x2800  }
0x2b: {  	[sflag:s19] =	ssyncset.done $0x0  }
0x2c: {  	s31 =	simm.s32 $0x13980;
	[sflag:s19] =	ssyncadd.s32 $0xFFFFD800  }
0x2d: {  	[spmem:s2] =	stream.indirect.scatter.add.f32 [tilespmem:s16], [sflag:$0x1], $0x80, s31, s17, $0xb8;
	[tilespmem:$0x1A080] =	vst v63  }
0x2e: {  	_ =	swait.ge [sflag:s20], $0x2800  }
0x2f: {  	[sflag:s20] =	ssyncset.done $0x0  }
0x30: {  	s24 =	simm.s32 $0x13A00;
	s23 =	simm.s32 $0xFFFF1000;
	[sflag:s20] =	ssyncadd.s32 $0xFFFFD800  }
.LBB2_2:
0x31: {  	[spmem:s2] =	stream.indirect.scatter.add.f32 [tilespmem:s16], [sflag:$0x2], $0x80, s24, s17, $0xb8;
	[tilespmem:$0x1A080] =	vst v63  }
0x32: {  	s24 =	smov.u32 s23  }
0x33: {  	p1 =	sne.s32 s23, $0xFFFFFC00;
	s23 =	sadd.s32 $0x400, s23;
	_ =	swait.ge [sflag:s19], $0x2800  }
0x34: {  	s24 =	sshra.s32 s24, $0x2;
	[sflag:s19] =	ssyncset.done $0x0  }
.Ltmp0:
0x35: {  	s25 =	sadd.s32 $0x17680, s24;
	[sflag:s19] =	ssyncadd.s32 $0xFFFFD800;
	(pc) =	sbr.rel @p1 .LBB2_2-.Ltmp0, $4  }
0x36: {  	[spmem:s2] =	stream.indirect.scatter.add.f32 [tilespmem:s16], [sflag:$0x1], $0x80, s25, s17, $0xb8;
	[tilespmem:$0x1A080] =	vst v63  }
0x37: {  	_ =	swait.ge [sflag:s20], $0x2800  }
0x38: {  	[sflag:s20] =	ssyncset.done $0x0  }
0x39: {  	s24 =	sadd.s32 $0x17700, s24;
	[sflag:s20] =	ssyncadd.s32 $0xFFFFD800  }
0x3a: {  	[spmem:s2] =	stream.indirect.scatter.add.f32 [tilespmem:s16], [sflag:$0x2], $0x80, s24, s17, $0xb8;
	[tilespmem:$0x1A080] =	vst v63  }
0x3b: {  	_ =	swait.ge [sflag:s19], $0x2800  }
0x3c: {  	[sflag:s19] =	ssyncset.done $0x0  }
0x3d: {  	[sflag:s19] =	ssyncadd.s32 $0xFFFFD800  }
0x3e: {  	[spmem:s2] =	stream.indirect.scatter.add.f32 [tilespmem:s16], [sflag:$0x1], $0x80, s21, s17, $0xb8;
	[tilespmem:$0x1A080] =	vst v63  }
0x3f: {  	_ =	swait.ge [sflag:s20], $0x2800  }
0x40: {  	[sflag:s20] =	ssyncset.done $0x0  }
0x41: {  	[sflag:s20] =	ssyncadd.s32 $0xFFFFD800  }
0x42: {  	_ =	swait.ge [sflag:s19], $0x2800  }
0x43: {  	[sflag:s19] =	ssyncset.done $0x0  }
0x44: {  	[sflag:s19] =	ssyncadd.s32 $0xFFFFD800  }
0x45: {  	s23 =	simm.s32 @p0 $0x1FC3;
	[bflag:$0x0] =	sbarrier.arrive $0xFFFF  }
0x46: {  	[hbm:s9], [sflag:s23] =	dma.local @p0 [spmem:s11], $0x2080  }
0x47: {  	s23 =	simm.s32 @p0 $0x3  }
0x48: {  	s22 =	sadd.s32 $0x1, s22;
	_ =	swait.ge @p0 [sflag:s23], $0x2080  }
0x49: {  	p1 =	sne.s32 s22, s10;
	[sflag:s23] =	ssyncset.done @p0 $0x0  }
.Ltmp1:
0x4a: {  	[sflag:s23] =	ssyncadd.s32 @p0 $0xFFFFDF80;
	s23 =	simm.s32 @!p0 $0x3;
	(pc) =	sbr.rel @p1 .LBB2_1-.Ltmp1, $4  }
0x4b: {  	[hbm:s8], [sflag:s12] =	dma.local @!p0 [spmem:s13], $0x2780  }
0x4c: {  	_ =	swait.ge @!p0 [sflag:s23], $0x2780  }
0x4d: {  	[sflag:s23] =	ssyncset.done @!p0 $0x0  }
0x4e: {  	[sflag:s23] =	ssyncadd.s32 @!p0 $0xFFFFD880  }
0x4f: {  	_ =	sfence.sel $0x180000  }
0x50: {  	[bflag:$0x0] =	sbarrier.arrive $0xFFFF  }
0x51: {  	p0 =	sne.s32 s1, $0x0;
	_ =	strace $0x90000047  }
0x52: {  	s0 =	sadd.s32 @!p0 $0x100000, s0;
	[bflag:$0x2] =	sbarrier.arrive $0xFFFF  }
0x53: {  	[sflag:s0] =	ssyncadd.tile.s32 @!p0 $0x1;
	_ =	shalt  }
.Lfunc_end2:
_tile_overlayer_lowered:
.L_overlay_start_2:
0x54: {  	(tag) =	ssettag $0x2  }
0x55: {  	s0 =	rddreg [dreg:$0x0];
	s2 =	stileid.u32  }
0x56: {  	s1 =	rddreg [dreg:$0x1];
	p0 =	sne.s32 s2, $0x0  }
0x57: {  	s3 =	rddreg [dreg:$0x2];
	[bflag:$0x3] =	sbarrier.arrive $0xFFFF;
	s2 =	simm.s32 @!p0 $0x1C03  }
0x58: {  	[timem:s3], [sflag:s2] =	dma.local @!p0 [hbm:s0], s1  }
0x59: {  	s0 =	simm.s32 @!p0 $0x3  }
0x5a: {  	_ =	swait.ge @!p0 [sflag:s0], s1  }
0x5b: {  	s1 =	ssub.s32 @!p0 $0x0, s1;
	[sflag:s0] =	ssyncset.done @!p0 $0x0  }
0x5c: {  	[sflag:s0] =	ssyncadd.s32 @!p0 s1  }
0x5d: {  	[bflag:$0x3] =	sbarrier.arrive $0xFFFF  }
0x5e: {  	_ =	shalt  }

</sc_bundles>
